<compile_context>
chip_gen: v7x
topology: tpu7x:2x2x1
jax: 0.10.2.dev20260603
libtpu: 0.0.44.dev20260713+nightly
codegen_flags: <defaults>
</compile_context>

<pallas_src>
import functools

import jax
import jax.numpy as jnp
from jax import lax
from jax.experimental import pallas as pl
from jax.experimental.pallas import tpu as pltpu
from jax.experimental.pallas import tpu_sc as plsc

_N = 10000
_NP = 10240
_E = 320000
_D = 128
_NC = 2
_NH = _NP // _NC
_NS = 16
_K = 120
_NB = 3
_NCHUNK = 168
_RPT = _NH // _NS
_ZROW = _N

_MESH = plsc.VectorSubcoreMesh(
    core_axis_name="c", subcore_axis_name="s", num_cores=_NC, num_subcores=_NS
)


@functools.partial(
    pl.kernel,
    out_type=jax.ShapeDtypeStruct((2, _NC, _NH, _D), jnp.float32),
    mesh=_MESH,
    scratch_types=[
        pltpu.VMEM((16,), jnp.int32),
        pltpu.VMEM((_NCHUNK, _K), jnp.int32),
        pltpu.VMEM((_NCHUNK, _K), jnp.int32),
        pltpu.VMEM((_NB, _K, _D), jnp.float32),
        pltpu.VMEM_SHARED((_NH, _D), jnp.float32),
    ]
    + [pltpu.SemaphoreType.DMA] * (2 * _NB),
)
def _sc_aggregate(table, idxs, dsts, meta, out,
                  meta_v, idx_v, dst_v, rows, acc, *sems):
    c = lax.axis_index("c")
    s = lax.axis_index("s")
    gsems = sems[:_NB]
    ssems = sems[_NB:]
    pltpu.sync_copy(meta.at[c], meta_v)
    pltpu.sync_copy(dsts.at[c, s], dst_v)
    rounds = meta_v[...][0]
    nchunk = rounds * _NB

    for st in (0, 1):
        pltpu.sync_copy(idxs.at[c, st, s], idx_v)
        xbase = 2 * _NP * st + c * _NH + s * _RPT
        pltpu.sync_copy(table.at[pl.ds(xbase, _RPT)],
                        acc.at[pl.ds(s * _RPT, _RPT)])
        for b in range(_NB):
            pltpu.async_copy(table.at[idx_v.at[b]], rows.at[b], gsems[b])
        plsc.subcore_barrier()

        def round_(r, carry):
            for b in range(_NB):
                j = r * _NB + b
                pltpu.make_async_copy(table.at[idx_v.at[j]], rows.at[b],
                                      gsems[b]).wait()
                pltpu.async_copy(rows.at[b], acc.at[dst_v.at[j]], ssems[b],
                                 add=True)
            for b in range(_NB):
                j = r * _NB + b
                jn = j + _NB

                @pl.when(jn < nchunk)
                def _(b=b, j=j, jn=jn):
                    pltpu.make_async_copy(rows.at[b], acc.at[dst_v.at[j]],
                                          ssems[b]).wait()
                    pltpu.async_copy(table.at[idx_v.at[jn]], rows.at[b],
                                     gsems[b])
            return carry

        lax.fori_loop(0, rounds, round_, 0)
        for b in range(_NB):
            j = (rounds - 1) * _NB + b
            pltpu.make_async_copy(rows.at[b], acc.at[dst_v.at[j]],
                                  ssems[b]).wait()
        plsc.subcore_barrier()
        pltpu.sync_copy(acc.at[pl.ds(s * _RPT, _RPT)],
                        out.at[st, c, pl.ds(s * _RPT, _RPT)])


_B = 1024


def _build_table0(x_s, x_u):
    def body(xs_ref, xu_ref, o_ref):
        xs = xs_ref[...]
        o_ref[0] = xs
        o_ref[1] = -xs
        o_ref[2] = xu_ref[...]

    return pl.pallas_call(
        body,
        grid=(_NP // _B,),
        in_specs=[
            pl.BlockSpec((_B, _D), lambda i: (i, 0)),
            pl.BlockSpec((_B, _D), lambda i: (i, 0)),
        ],
        out_specs=pl.BlockSpec((3, _B, _D), lambda i: (0, i, 0)),
        out_shape=jax.ShapeDtypeStruct((3, _NP, _D), jnp.float32),
    )(x_s, x_u)


def _block_tc(z_s, z_u, Ws, Wu):
    def body(zs_ref, zu_ref, ws_ref, wu_ref, o_ref):
        hs = jnp.tanh(jnp.dot(zs_ref[...], ws_ref[...],
                              preferred_element_type=jnp.float32))
        hu = jnp.maximum(jnp.dot(zu_ref[...], wu_ref[...],
                                 preferred_element_type=jnp.float32), 0.0)
        o_ref[0] = hs
        o_ref[1] = -hs
        o_ref[2] = hu

    return pl.pallas_call(
        body,
        grid=(_NP // _B,),
        in_specs=[
            pl.BlockSpec((_B, _D), lambda i: (i, 0)),
            pl.BlockSpec((_B, _D), lambda i: (i, 0)),
            pl.BlockSpec((_D, _D), lambda i: (0, 0)),
            pl.BlockSpec((_D, _D), lambda i: (0, 0)),
        ],
        out_specs=pl.BlockSpec((3, _B, _D), lambda i: (0, i, 0)),
        out_shape=jax.ShapeDtypeStruct((3, _NP, _D), jnp.float32),
    )(z_s, z_u, Ws, Wu)


def _final_tc(z_s, z_u, Ws, Wu, Whs, Whu):
    def body(zs_ref, zu_ref, ws_ref, wu_ref, whs_ref, whu_ref,
             os_ref, ou_ref):
        hs = jnp.tanh(jnp.dot(zs_ref[...], ws_ref[...],
                              preferred_element_type=jnp.float32))
        hu = jnp.maximum(jnp.dot(zu_ref[...], wu_ref[...],
                                 preferred_element_type=jnp.float32), 0.0)
        os_ref[...] = jnp.dot(hs, whs_ref[...],
                              preferred_element_type=jnp.float32)
        ou_ref[...] = jnp.dot(hu, whu_ref[...],
                              preferred_element_type=jnp.float32)

    return pl.pallas_call(
        body,
        grid=(_NP // _B,),
        in_specs=[
            pl.BlockSpec((_B, _D), lambda i: (i, 0)),
            pl.BlockSpec((_B, _D), lambda i: (i, 0)),
            pl.BlockSpec((_D, _D), lambda i: (0, 0)),
            pl.BlockSpec((_D, _D), lambda i: (0, 0)),
            pl.BlockSpec((_D, _D), lambda i: (0, 0)),
            pl.BlockSpec((_D, _D), lambda i: (0, 0)),
        ],
        out_specs=[
            pl.BlockSpec((_B, _D), lambda i: (i, 0)),
            pl.BlockSpec((_B, _D), lambda i: (i, 0)),
        ],
        out_shape=[
            jax.ShapeDtypeStruct((_NP, _D), jnp.float32),
            jax.ShapeDtypeStruct((_NP, _D), jnp.float32),
        ],
    )(z_s, z_u, Ws, Wu, Whs, Whu)


def kernel(x_signed, x_unsigned, edge_index, is_directed, Ws0, Ws1, Wu0, Wu1,
           Whs, Whu):
    src = edge_index[0]
    dst = edge_index[1]
    idx_s = src + _NP * is_directed.astype(jnp.int32)
    idx_u = 2 * _NP + src
    half = dst // _NH
    dst_loc = dst - half * _NH
    is0 = (half == 0).astype(jnp.int32)
    c0 = jnp.cumsum(is0)
    count0 = c0[-1]
    posn = jnp.where(is0 == 1, c0 - 1, count0 + jnp.cumsum(1 - is0) - 1)
    zbuf = jnp.zeros((_E,), jnp.int32)
    p_idx_s = zbuf.at[posn].set(idx_s)
    p_idx_u = zbuf.at[posn].set(idx_u)
    p_dst = zbuf.at[posn].set(dst_loc)
    counts = [count0, _E - count0]

    kk = jnp.arange(_K, dtype=jnp.int32)
    jj = jnp.arange(_NCHUNK, dtype=jnp.int32)[:, None]
    ss = jnp.arange(_NS, dtype=jnp.int32)[:, None, None]
    idxs_l, dsts_l, rounds_l = [], [], []
    start = jnp.int32(0)
    for c in range(_NC):
        cnt = counts[c]
        mc = jnp.clip((cnt + _NS * _K * _NB - 1) // (_NS * _K * _NB) * _NB,
                      _NB, _NCHUNK)
        pos = start + (ss * mc + jj) * _K + kk
        valid = (jj < mc) & (pos < start + cnt)
        posc = jnp.clip(pos, 0, _E - 1)
        idxs_l.append(jnp.stack([jnp.where(valid, p_idx_s[posc], _ZROW),
                                 jnp.where(valid, p_idx_u[posc], _ZROW)]))
        dsts_l.append(jnp.where(valid, p_dst[posc], 0))
        rounds_l.append(mc // _NB)
        start = start + cnt
    idxs = jnp.stack(idxs_l)
    dsts = jnp.stack(dsts_l)
    meta = jnp.zeros((_NC, 16), jnp.int32).at[:, 0].set(jnp.stack(rounds_l))

    pad = ((0, _NP - _N), (0, 0))
    xp_s = jnp.pad(x_signed, pad)
    xp_u = jnp.pad(x_unsigned, pad)

    table0 = _build_table0(xp_s, xp_u).reshape(3 * _NP, _D)
    z0 = _sc_aggregate(table0, idxs, dsts, meta)
    z0 = z0.reshape(2, _NP, _D)
    table1 = _block_tc(z0[0], z0[1], Ws0, Wu0).reshape(3 * _NP, _D)
    z1 = _sc_aggregate(table1, idxs, dsts, meta)
    z1 = z1.reshape(2, _NP, _D)
    out_s, out_u = _final_tc(z1[0], z1[1], Ws1, Wu1, Whs, Whu)
    return (out_s[:_N], out_u[:_N])

# --- scband reference (transcript-rebuilt; emitter-appended) ---
"""Pipeline reference for scband-eign-87771951661229 (READ-ONLY COPY).

The authoritative reference and input builder live on the scoring server;
editing this copy changes nothing except your own understanding.
"""

import jax, jax.numpy as jnp
import numpy as np

N = 10000
E = 320000
D = 128  # in = hidden = out channels for both signed and unsigned streams


def setup_inputs(seed: int = 0) -> dict:
    key = jax.random.key(seed)
    ks = jax.random.split(key, 10)
    x_signed = jax.random.normal(ks[0], (N, D), dtype=jnp.float32)
    x_unsigned = jax.random.normal(ks[1], (N, D), dtype=jnp.float32)
    edge_index = jax.random.randint(ks[2], (2, E), 0, N, dtype=jnp.int32)
    is_directed = jax.random.randint(ks[3], (E,), 0, 2, dtype=jnp.int32).astype(bool)
    scale = 1.0 / np.sqrt(D)
    Ws0 = jax.random.normal(ks[4], (D, D), dtype=jnp.float32) * scale
    Ws1 = jax.random.normal(ks[5], (D, D), dtype=jnp.float32) * scale
    Wu0 = jax.random.normal(ks[6], (D, D), dtype=jnp.float32) * scale
    Wu1 = jax.random.normal(ks[7], (D, D), dtype=jnp.float32) * scale
    Whs = jax.random.normal(ks[8], (D, D), dtype=jnp.float32) * scale  # signed head (no bias)
    Whu = jax.random.normal(ks[9], (D, D), dtype=jnp.float32) * scale  # unsigned head (no bias)
    return {"x_signed": x_signed, "x_unsigned": x_unsigned, "edge_index": edge_index,
            "is_directed": is_directed, "Ws0": Ws0, "Ws1": Ws1, "Wu0": Wu0, "Wu1": Wu1,
            "Whs": Whs, "Whu": Whu}


def _block(x_s, x_u, src, dst, sign, Ws, Wu):
    # signed stream: messages flip sign on directed edges (orientation-equivariant)
    msg_s = x_s[src] * sign[:, None]
    agg_s = jax.ops.segment_sum(msg_s, dst, num_segments=N)
    x_s_new = (x_s + agg_s) @ Ws
    # unsigned stream: plain sum aggregation (orientation-invariant)
    msg_u = x_u[src]
    agg_u = jax.ops.segment_sum(msg_u, dst, num_segments=N)
    x_u_new = (x_u + agg_u) @ Wu
    return x_s_new, x_u_new


def reference(x_signed, x_unsigned, edge_index, is_directed, Ws0, Ws1, Wu0, Wu1, Whs, Whu):
    src = edge_index[0]
    dst = edge_index[1]
    sign = jnp.where(is_directed, -1.0, 1.0).astype(jnp.float32)
    # block 0 + activations (dropout p=0.0 -> identity, eval mode)
    x_s, x_u = _block(x_signed, x_unsigned, src, dst, sign, Ws0, Wu0)
    x_s = jnp.tanh(x_s)
    x_u = jax.nn.relu(x_u)
    # block 1 + activations
    x_s, x_u = _block(x_s, x_u, src, dst, sign, Ws1, Wu1)
    x_s = jnp.tanh(x_s)
    x_u = jax.nn.relu(x_u)
    # heads (bias-free linears)
    out_s = x_s @ Whs
    out_u = x_u @ Whu
    return (out_s, out_u)

if __name__ == "__main__":
    import jax
    _d = setup_inputs()
    print(jax.jit(kernel)(*tuple(_d.values())))

</pallas_src>

<mosaic_0001>
#map = affine_map<(d0, d1) -> (0, 0)>
#map1 = affine_map<(d0, d1) -> (0, 0, 0, 0, 0)>
#map2 = affine_map<(d0, d1) -> (0, 0, 0, 0)>
module attributes {stable_mosaic.version = 14 : i64} {
  func.func @_sc_aggregate(%arg0: i32, %arg1: i32, %arg2: memref<30720x128xf32, #tpu.memory_space<hbm>>, %arg3: memref<2x2x16x168x120xi32, #tpu.memory_space<hbm>>, %arg4: memref<2x16x168x120xi32, #tpu.memory_space<hbm>>, %arg5: memref<2x16xi32, #tpu.memory_space<hbm>>, %arg6: memref<2x2x5120x128xf32, #tpu.memory_space<hbm>>, %arg7: memref<16xi32, #tpu.memory_space<vmem>>, %arg8: memref<168x120xi32, #tpu.memory_space<vmem>>, %arg9: memref<168x120xi32, #tpu.memory_space<vmem>>, %arg10: memref<3x120x128xf32, #tpu.memory_space<vmem>>, %arg11: memref<5120x128xf32, #tpu.memory_space<vmem_shared>>, %arg12: memref<!tpu.dma_semaphore, #tpu.memory_space<semaphore_mem>>, %arg13: memref<!tpu.dma_semaphore, #tpu.memory_space<semaphore_mem>>, %arg14: memref<!tpu.dma_semaphore, #tpu.memory_space<semaphore_mem>>, %arg15: memref<!tpu.dma_semaphore, #tpu.memory_space<semaphore_mem>>, %arg16: memref<!tpu.dma_semaphore, #tpu.memory_space<semaphore_mem>>, %arg17: memref<!tpu.dma_semaphore, #tpu.memory_space<semaphore_mem>>) attributes {dimension_semantics = [#tpu.dimension_semantics<core_parallel>, #tpu.dimension_semantics<subcore_parallel>], iteration_bounds = array<i64: 2, 16>, scalar_prefetch = 0 : i64, scratch_operands = 11 : i64, tpu.core_type = #tpu.core_type<sc_vector_subcore>, window_params = [{transform_indices = #map}, {transform_indices = #map1}, {transform_indices = #map2}, {transform_indices = #map}, {transform_indices = #map2}]} {
    "tpu.region"() ({
      %run_scoped3A_224 = tpu.sem_alloc : memref<!tpu.dma_semaphore, #tpu.memory_space<semaphore_mem>>
      %dma_start3A_225 = arith.constant 0 : i32
      %dma_start3A_226 = tpu.memref_slice %arg5[%arg0, %dma_start3A_225] : memref<2x16xi32, #tpu.memory_space<hbm>> -> memref<1x16xi32, #tpu.memory_space<hbm>>
      %dma_start3A_227 = tpu.memref_squeeze %dma_start3A_226 : memref<1x16xi32, #tpu.memory_space<hbm>> -> memref<16xi32, #tpu.memory_space<hbm>>
      %dma_start3A_228 = arith.constant 0 : i32
      %dma_start3A_229 = tpu.memref_slice %arg5[%arg0, %dma_start3A_228] : memref<2x16xi32, #tpu.memory_space<hbm>> -> memref<1x16xi32, #tpu.memory_space<hbm>>
      %dma_start3A_230 = tpu.memref_squeeze %dma_start3A_229 : memref<1x16xi32, #tpu.memory_space<hbm>> -> memref<16xi32, #tpu.memory_space<hbm>>
      tpu.enqueue_dma source(%dma_start3A_230 : memref<16xi32, #tpu.memory_space<hbm>>) target(%arg7 : memref<16xi32, #tpu.memory_space<vmem>>) target_semaphore(%run_scoped3A_224 : memref<!tpu.dma_semaphore, #tpu.memory_space<semaphore_mem>>)
      %dma_wait3A_231 = arith.constant 0 : i32
      %dma_wait3A_232 = tpu.memref_slice %arg5[%arg0, %dma_wait3A_231] : memref<2x16xi32, #tpu.memory_space<hbm>> -> memref<1x16xi32, #tpu.memory_space<hbm>>
      %dma_wait3A_233 = tpu.memref_squeeze %dma_wait3A_232 : memref<1x16xi32, #tpu.memory_space<hbm>> -> memref<16xi32, #tpu.memory_space<hbm>>
      %dma_wait3A_234 = arith.constant 0 : i32
      %dma_wait3A_235 = tpu.memref_slice %arg5[%arg0, %dma_wait3A_234] : memref<2x16xi32, #tpu.memory_space<hbm>> -> memref<1x16xi32, #tpu.memory_space<hbm>>
      %dma_wait3A_236 = tpu.memref_squeeze %dma_wait3A_235 : memref<1x16xi32, #tpu.memory_space<hbm>> -> memref<16xi32, #tpu.memory_space<hbm>>
      tpu.wait_dma2 semaphore(%run_scoped3A_224 : memref<!tpu.dma_semaphore, #tpu.memory_space<semaphore_mem>>) src(%dma_wait3A_236 : memref<16xi32, #tpu.memory_space<hbm>>) dst(%arg7 : memref<16xi32, #tpu.memory_space<vmem>>)
      tpu.yield
    }) : () -> ()
    "tpu.region"() ({
      %run_scoped3A_224 = tpu.sem_alloc : memref<!tpu.dma_semaphore, #tpu.memory_space<semaphore_mem>>
      %dma_start3A_225 = arith.constant 0 : i32
      %dma_start3A_226 = arith.constant 0 : i32
      %dma_start3A_227 = tpu.memref_slice %arg4[%arg0, %arg1, %dma_start3A_225, %dma_start3A_226] : memref<2x16x168x120xi32, #tpu.memory_space<hbm>> -> memref<1x1x168x120xi32, #tpu.memory_space<hbm>>
      %dma_start3A_228 = tpu.memref_squeeze %dma_start3A_227 : memref<1x1x168x120xi32, #tpu.memory_space<hbm>> -> memref<168x120xi32, #tpu.memory_space<hbm>>
      %dma_start3A_229 = arith.constant 0 : i32
      %dma_start3A_230 = arith.constant 0 : i32
      %dma_start3A_231 = tpu.memref_slice %arg4[%arg0, %arg1, %dma_start3A_229, %dma_start3A_230] : memref<2x16x168x120xi32, #tpu.memory_space<hbm>> -> memref<1x1x168x120xi32, #tpu.memory_space<hbm>>
      %dma_start3A_232 = tpu.memref_squeeze %dma_start3A_231 : memref<1x1x168x120xi32, #tpu.memory_space<hbm>> -> memref<168x120xi32, #tpu.memory_space<hbm>>
      tpu.enqueue_dma source(%dma_start3A_232 : memref<168x120xi32, #tpu.memory_space<hbm>>) target(%arg9 : memref<168x120xi32, #tpu.memory_space<vmem>>) target_semaphore(%run_scoped3A_224 : memref<!tpu.dma_semaphore, #tpu.memory_space<semaphore_mem>>)
      %dma_wait3A_233 = arith.constant 0 : i32
      %dma_wait3A_234 = arith.constant 0 : i32
      %dma_wait3A_235 = tpu.memref_slice %arg4[%arg0, %arg1, %dma_wait3A_233, %dma_wait3A_234] : memref<2x16x168x120xi32, #tpu.memory_space<hbm>> -> memref<1x1x168x120xi32, #tpu.memory_space<hbm>>
      %dma_wait3A_236 = tpu.memref_squeeze %dma_wait3A_235 : memref<1x1x168x120xi32, #tpu.memory_space<hbm>> -> memref<168x120xi32, #tpu.memory_space<hbm>>
      %dma_wait3A_237 = arith.constant 0 : i32
      %dma_wait3A_238 = arith.constant 0 : i32
      %dma_wait3A_239 = tpu.memref_slice %arg4[%arg0, %arg1, %dma_wait3A_237, %dma_wait3A_238] : memref<2x16x168x120xi32, #tpu.memory_space<hbm>> -> memref<1x1x168x120xi32, #tpu.memory_space<hbm>>
      %dma_wait3A_240 = tpu.memref_squeeze %dma_wait3A_239 : memref<1x1x168x120xi32, #tpu.memory_space<hbm>> -> memref<168x120xi32, #tpu.memory_space<hbm>>
      tpu.wait_dma2 semaphore(%run_scoped3A_224 : memref<!tpu.dma_semaphore, #tpu.memory_space<semaphore_mem>>) src(%dma_wait3A_240 : memref<168x120xi32, #tpu.memory_space<hbm>>) dst(%arg9 : memref<168x120xi32, #tpu.memory_space<vmem>>)
      tpu.yield
    }) : () -> ()
    %get3A = arith.constant 0 : index
    %get3A_0 = tpu.vector_load %arg7[%get3A] {strides = array<i32>} : memref<16xi32, #tpu.memory_space<vmem>>, vector<16xi32>,
    %get3A_1 = vector.shape_cast %get3A_0 : vector<16xi32> to vector<16xi32>
    %slice3A = vector.extract_strided_slice %get3A_1 {offsets = [0], sizes = [1], strides = [1]} : vector<16xi32> to vector<1xi32>
    %squeeze3A = vector.extract %slice3A[0] : i32 from vector<1xi32>
    %mul3A = arith.constant 3 : i32
    %mul3A_2 = arith.muli %squeeze3A, %mul3A : i32
    %run_scoped3A = arith.constant 0 : i32
    "tpu.region"() ({
      %run_scoped3A_224 = tpu.sem_alloc : memref<!tpu.dma_semaphore, #tpu.memory_space<semaphore_mem>>
      %dma_start3A_225 = arith.constant 0 : i32
      %dma_start3A_226 = arith.constant 0 : i32
      %dma_start3A_227 = tpu.memref_slice %arg3[%arg0, %run_scoped3A, %arg1, %dma_start3A_225, %dma_start3A_226] : memref<2x2x16x168x120xi32, #tpu.memory_space<hbm>> -> memref<1x1x1x168x120xi32, #tpu.memory_space<hbm>>
      %dma_start3A_228 = tpu.memref_squeeze %dma_start3A_227 : memref<1x1x1x168x120xi32, #tpu.memory_space<hbm>> -> memref<168x120xi32, #tpu.memory_space<hbm>>
      %dma_start3A_229 = arith.constant 0 : i32
      %dma_start3A_230 = arith.constant 0 : i32
      %dma_start3A_231 = tpu.memref_slice %arg3[%arg0, %run_scoped3A, %arg1, %dma_start3A_229, %dma_start3A_230] : memref<2x2x16x168x120xi32, #tpu.memory_space<hbm>> -> memref<1x1x1x168x120xi32, #tpu.memory_space<hbm>>
      %dma_start3A_232 = tpu.memref_squeeze %dma_start3A_231 : memref<1x1x1x168x120xi32, #tpu.memory_space<hbm>> -> memref<168x120xi32, #tpu.memory_space<hbm>>
      tpu.enqueue_dma source(%dma_start3A_232 : memref<168x120xi32, #tpu.memory_space<hbm>>) target(%arg8 : memref<168x120xi32, #tpu.memory_space<vmem>>) target_semaphore(%run_scoped3A_224 : memref<!tpu.dma_semaphore, #tpu.memory_space<semaphore_mem>>)
      %dma_wait3A_233 = arith.constant 0 : i32
      %dma_wait3A_234 = arith.constant 0 : i32
      %dma_wait3A_235 = tpu.memref_slice %arg3[%arg0, %run_scoped3A, %arg1, %dma_wait3A_233, %dma_wait3A_234] : memref<2x2x16x168x120xi32, #tpu.memory_space<hbm>> -> memref<1x1x1x168x120xi32, #tpu.memory_space<hbm>>
      %dma_wait3A_236 = tpu.memref_squeeze %dma_wait3A_235 : memref<1x1x1x168x120xi32, #tpu.memory_space<hbm>> -> memref<168x120xi32, #tpu.memory_space<hbm>>
      %dma_wait3A_237 = arith.constant 0 : i32
      %dma_wait3A_238 = arith.constant 0 : i32
      %dma_wait3A_239 = tpu.memref_slice %arg3[%arg0, %run_scoped3A, %arg1, %dma_wait3A_237, %dma_wait3A_238] : memref<2x2x16x168x120xi32, #tpu.memory_space<hbm>> -> memref<1x1x1x168x120xi32, #tpu.memory_space<hbm>>
      %dma_wait3A_240 = tpu.memref_squeeze %dma_wait3A_239 : memref<1x1x1x168x120xi32, #tpu.memory_space<hbm>> -> memref<168x120xi32, #tpu.memory_space<hbm>>
      tpu.wait_dma2 semaphore(%run_scoped3A_224 : memref<!tpu.dma_semaphore, #tpu.memory_space<semaphore_mem>>) src(%dma_wait3A_240 : memref<168x120xi32, #tpu.memory_space<hbm>>) dst(%arg8 : memref<168x120xi32, #tpu.memory_space<vmem>>)
      tpu.yield
    }) : () -> ()
    %mul3A_3 = arith.constant 5120 : i32
    %mul3A_4 = arith.muli %arg0, %mul3A_3 : i32
    %add3A = arith.constant 0 : i32
    %add3A_5 = arith.addi %add3A, %mul3A_4 : i32
    %mul3A_6 = arith.constant 320 : i32
    %mul3A_7 = arith.muli %arg1, %mul3A_6 : i32
    %add3A_8 = arith.addi %add3A_5, %mul3A_7 : i32
    %mul3A_9 = arith.constant 320 : i32
    %mul3A_10 = arith.muli %arg1, %mul3A_9 : i32
    "tpu.region"() ({
      %run_scoped3A_224 = tpu.sem_alloc : memref<!tpu.dma_semaphore, #tpu.memory_space<semaphore_mem>>
      %dma_start3A_225 = arith.constant 0 : i32
      %dma_start3A_226 = tpu.memref_slice %arg11[%mul3A_10, %dma_start3A_225] : memref<5120x128xf32, #tpu.memory_space<vmem_shared>> -> memref<320x128xf32, #tpu.memory_space<vmem_shared>>
      %dma_start3A_227 = arith.constant 0 : i32
      %dma_start3A_228 = tpu.memref_slice %arg2[%add3A_8, %dma_start3A_227] : memref<30720x128xf32, #tpu.memory_space<hbm>> -> memref<320x128xf32, #tpu.memory_space<hbm>>
      tpu.enqueue_dma source(%dma_start3A_228 : memref<320x128xf32, #tpu.memory_space<hbm>>) target(%dma_start3A_226 : memref<320x128xf32, #tpu.memory_space<vmem_shared>>) target_semaphore(%run_scoped3A_224 : memref<!tpu.dma_semaphore, #tpu.memory_space<semaphore_mem>>)
      %dma_wait3A_229 = arith.constant 0 : i32
      %dma_wait3A_230 = tpu.memref_slice %arg11[%mul3A_10, %dma_wait3A_229] : memref<5120x128xf32, #tpu.memory_space<vmem_shared>> -> memref<320x128xf32, #tpu.memory_space<vmem_shared>>
      %dma_wait3A_231 = arith.constant 0 : i32
      %dma_wait3A_232 = tpu.memref_slice %arg2[%add3A_8, %dma_wait3A_231] : memref<30720x128xf32, #tpu.memory_space<hbm>> -> memref<320x128xf32, #tpu.memory_space<hbm>>
      tpu.wait_dma2 semaphore(%run_scoped3A_224 : memref<!tpu.dma_semaphore, #tpu.memory_space<semaphore_mem>>) src(%dma_wait3A_232 : memref<320x128xf32, #tpu.memory_space<hbm>>) dst(%dma_wait3A_230 : memref<320x128xf32, #tpu.memory_space<vmem_shared>>)
      tpu.yield
    }) : () -> ()
    %dma_start3A = arith.constant 0 : i32
    %dma_start3A_11 = arith.constant 0 : i32
    %dma_start3A_12 = arith.constant 0 : i32
    %dma_start3A_13 = arith.constant 0 : i32
    %dma_start3A_14 = tpu.memref_slice %arg10[%dma_start3A_11, %dma_start3A_12, %dma_start3A_13] : memref<3x120x128xf32, #tpu.memory_space<vmem>> -> memref<1x120x128xf32, #tpu.memory_space<vmem>>
    %dma_start3A_15 = tpu.memref_squeeze %dma_start3A_14 : memref<1x120x128xf32, #tpu.memory_space<vmem>> -> memref<120x128xf32, #tpu.memory_space<vmem>>
    %dma_start3A_16 = arith.constant 0 : i32
    %dma_start3A_17 = tpu.memref_slice %arg8[%dma_start3A, %dma_start3A_16] : memref<168x120xi32, #tpu.memory_space<vmem>> -> memref<1x120xi32, #tpu.memory_space<vmem>>
    %dma_start3A_18 = tpu.memref_squeeze %dma_start3A_17 : memref<1x120xi32, #tpu.memory_space<vmem>> -> memref<120xi32, #tpu.memory_space<vmem>>
    %dma_start3A_19 = arith.constant 0 : i32
    %dma_start3A_20 = arith.constant 0 : i32
    %dma_start3A_21 = tpu.memref_slice %arg2[%dma_start3A_19, %dma_start3A_20] : memref<30720x128xf32, #tpu.memory_space<hbm>> -> memref<30720x128xf32, #tpu.memory_space<hbm>>
    tpu.enqueue_indirect_dma source(%dma_start3A_21 : memref<30720x128xf32, #tpu.memory_space<hbm>>) target(%dma_start3A_15 : memref<120x128xf32, #tpu.memory_space<vmem>>) offsets(%dma_start3A_18 : memref<120xi32, #tpu.memory_space<vmem>>) semaphore(%arg12 : memref<!tpu.dma_semaphore, #tpu.memory_space<semaphore_mem>>)
    %dma_start3A_22 = arith.constant 1 : i32
    %dma_start3A_23 = arith.constant 1 : i32
    %dma_start3A_24 = arith.constant 0 : i32
    %dma_start3A_25 = arith.constant 0 : i32
    %dma_start3A_26 = tpu.memref_slice %arg10[%dma_start3A_23, %dma_start3A_24, %dma_start3A_25] : memref<3x120x128xf32, #tpu.memory_space<vmem>> -> memref<1x120x128xf32, #tpu.memory_space<vmem>>
    %dma_start3A_27 = tpu.memref_squeeze %dma_start3A_26 : memref<1x120x128xf32, #tpu.memory_space<vmem>> -> memref<120x128xf32, #tpu.memory_space<vmem>>
    %dma_start3A_28 = arith.constant 0 : i32
    %dma_start3A_29 = tpu.memref_slice %arg8[%dma_start3A_22, %dma_start3A_28] : memref<168x120xi32, #tpu.memory_space<vmem>> -> memref<1x120xi32, #tpu.memory_space<vmem>>
    %dma_start3A_30 = tpu.memref_squeeze %dma_start3A_29 : memref<1x120xi32, #tpu.memory_space<vmem>> -> memref<120xi32, #tpu.memory_space<vmem>>
    %dma_start3A_31 = arith.constant 0 : i32
    %dma_start3A_32 = arith.constant 0 : i32
    %dma_start3A_33 = tpu.memref_slice %arg2[%dma_start3A_31, %dma_start3A_32] : memref<30720x128xf32, #tpu.memory_space<hbm>> -> memref<30720x128xf32, #tpu.memory_space<hbm>>
    tpu.enqueue_indirect_dma source(%dma_start3A_33 : memref<30720x128xf32, #tpu.memory_space<hbm>>) target(%dma_start3A_27 : memref<120x128xf32, #tpu.memory_space<vmem>>) offsets(%dma_start3A_30 : memref<120xi32, #tpu.memory_space<vmem>>) semaphore(%arg13 : memref<!tpu.dma_semaphore, #tpu.memory_space<semaphore_mem>>)
    %dma_start3A_34 = arith.constant 2 : i32
    %dma_start3A_35 = arith.constant 2 : i32
    %dma_start3A_36 = arith.constant 0 : i32
    %dma_start3A_37 = arith.constant 0 : i32
    %dma_start3A_38 = tpu.memref_slice %arg10[%dma_start3A_35, %dma_start3A_36, %dma_start3A_37] : memref<3x120x128xf32, #tpu.memory_space<vmem>> -> memref<1x120x128xf32, #tpu.memory_space<vmem>>
    %dma_start3A_39 = tpu.memref_squeeze %dma_start3A_38 : memref<1x120x128xf32, #tpu.memory_space<vmem>> -> memref<120x128xf32, #tpu.memory_space<vmem>>
    %dma_start3A_40 = arith.constant 0 : i32
    %dma_start3A_41 = tpu.memref_slice %arg8[%dma_start3A_34, %dma_start3A_40] : memref<168x120xi32, #tpu.memory_space<vmem>> -> memref<1x120xi32, #tpu.memory_space<vmem>>
    %dma_start3A_42 = tpu.memref_squeeze %dma_start3A_41 : memref<1x120xi32, #tpu.memory_space<vmem>> -> memref<120xi32, #tpu.memory_space<vmem>>
    %dma_start3A_43 = arith.constant 0 : i32
    %dma_start3A_44 = arith.constant 0 : i32
    %dma_start3A_45 = tpu.memref_slice %arg2[%dma_start3A_43, %dma_start3A_44] : memref<30720x128xf32, #tpu.memory_space<hbm>> -> memref<30720x128xf32, #tpu.memory_space<hbm>>
    tpu.enqueue_indirect_dma source(%dma_start3A_45 : memref<30720x128xf32, #tpu.memory_space<hbm>>) target(%dma_start3A_39 : memref<120x128xf32, #tpu.memory_space<vmem>>) offsets(%dma_start3A_42 : memref<120xi32, #tpu.memory_space<vmem>>) semaphore(%arg14 : memref<!tpu.dma_semaphore, #tpu.memory_space<semaphore_mem>>)
    %barrier3A = arith.constant 0 : index
    tpu.barrier barrier_id(%barrier3A)
    %while3A = arith.constant 0 : i32
    %while3A_46 = arith.constant 0 : i32
    %while3A_47 = arith.subi %squeeze3A, %while3A_46 : i32
    %while3A_48 = arith.addi %while3A_46, %while3A_47 : i32
    %while3A_49 = arith.constant 1 : i32
    %while3A_50 = arith.divsi %while3A_47, %while3A_49 : i32
    %while3A_51 = arith.muli %while3A_50, %while3A_49 : i32
    %while3A_52 = arith.addi %while3A_46, %while3A_51 : i32
    %while3A_53 = arith.constant 1 : i32
    scf.for %while3A_224 = %while3A_46 to %while3A_52 step %while3A_53  : i32 {
      %mul3A_225 = arith.constant 3 : i32
      %mul3A_226 = arith.muli %while3A_224, %mul3A_225 : i32
      %add3A_227 = arith.constant 0 : i32
      %add3A_228 = arith.addi %mul3A_226, %add3A_227 : i32
      %dma_wait3A_229 = arith.constant 0 : i32
      %dma_wait3A_230 = arith.constant 0 : i32
      %dma_wait3A_231 = arith.constant 0 : i32
      %dma_wait3A_232 = tpu.memref_slice %arg10[%dma_wait3A_229, %dma_wait3A_230, %dma_wait3A_231] : memref<3x120x128xf32, #tpu.memory_space<vmem>> -> memref<1x120x128xf32, #tpu.memory_space<vmem>>
      %dma_wait3A_233 = tpu.memref_squeeze %dma_wait3A_232 : memref<1x120x128xf32, #tpu.memory_space<vmem>> -> memref<120x128xf32, #tpu.memory_space<vmem>>
      %dma_wait3A_234 = arith.constant 0 : i32
      %dma_wait3A_235 = tpu.memref_slice %arg8[%add3A_228, %dma_wait3A_234] : memref<168x120xi32, #tpu.memory_space<vmem>> -> memref<1x120xi32, #tpu.memory_space<vmem>>
      %dma_wait3A_236 = tpu.memref_squeeze %dma_wait3A_235 : memref<1x120xi32, #tpu.memory_space<vmem>> -> memref<120xi32, #tpu.memory_space<vmem>>
      %dma_wait3A_237 = arith.constant 0 : i32
      %dma_wait3A_238 = arith.constant 0 : i32
      %dma_wait3A_239 = tpu.memref_slice %arg2[%dma_wait3A_237, %dma_wait3A_238] : memref<30720x128xf32, #tpu.memory_space<hbm>> -> memref<30720x128xf32, #tpu.memory_space<hbm>>
      tpu.wait_indirect_dma semaphore(%arg12 : memref<!tpu.dma_semaphore, #tpu.memory_space<semaphore_mem>>) src(%dma_wait3A_239 : memref<30720x128xf32, #tpu.memory_space<hbm>>) dst(%dma_wait3A_233 : memref<120x128xf32, #tpu.memory_space<vmem>>)
      %dma_start3A_240 = arith.constant 0 : i32
      %dma_start3A_241 = arith.constant 0 : i32
      %dma_start3A_242 = arith.constant 0 : i32
      %dma_start3A_243 = tpu.memref_slice %arg10[%dma_start3A_240, %dma_start3A_241, %dma_start3A_242] : memref<3x120x128xf32, #tpu.memory_space<vmem>> -> memref<1x120x128xf32, #tpu.memory_space<vmem>>
      %dma_start3A_244 = tpu.memref_squeeze %dma_start3A_243 : memref<1x120x128xf32, #tpu.memory_space<vmem>> -> memref<120x128xf32, #tpu.memory_space<vmem>>
      %dma_start3A_245 = arith.constant 0 : i32
      %dma_start3A_246 = tpu.memref_slice %arg9[%add3A_228, %dma_start3A_245] : memref<168x120xi32, #tpu.memory_space<vmem>> -> memref<1x120xi32, #tpu.memory_space<vmem>>
      %dma_start3A_247 = tpu.memref_squeeze %dma_start3A_246 : memref<1x120xi32, #tpu.memory_space<vmem>> -> memref<120xi32, #tpu.memory_space<vmem>>
      %dma_start3A_248 = arith.constant 0 : i32
      %dma_start3A_249 = arith.constant 0 : i32
      %dma_start3A_250 = tpu.memref_slice %arg11[%dma_start3A_248, %dma_start3A_249] : memref<5120x128xf32, #tpu.memory_space<vmem_shared>> -> memref<5120x128xf32, #tpu.memory_space<vmem_shared>>
      tpu.enqueue_indirect_dma source(%dma_start3A_244 : memref<120x128xf32, #tpu.memory_space<vmem>>) target(%dma_start3A_250 : memref<5120x128xf32, #tpu.memory_space<vmem_shared>>) offsets(%dma_start3A_247 : memref<120xi32, #tpu.memory_space<vmem>>) semaphore(%arg15 : memref<!tpu.dma_semaphore, #tpu.memory_space<semaphore_mem>>) {add = true}
      %mul3A_251 = arith.constant 3 : i32
      %mul3A_252 = arith.muli %while3A_224, %mul3A_251 : i32
      %add3A_253 = arith.constant 1 : i32
      %add3A_254 = arith.addi %mul3A_252, %add3A_253 : i32
      %dma_wait3A_255 = arith.constant 1 : i32
      %dma_wait3A_256 = arith.constant 0 : i32
      %dma_wait3A_257 = arith.constant 0 : i32
      %dma_wait3A_258 = tpu.memref_slice %arg10[%dma_wait3A_255, %dma_wait3A_256, %dma_wait3A_257] : memref<3x120x128xf32, #tpu.memory_space<vmem>> -> memref<1x120x128xf32, #tpu.memory_space<vmem>>
      %dma_wait3A_259 = tpu.memref_squeeze %dma_wait3A_258 : memref<1x120x128xf32, #tpu.memory_space<vmem>> -> memref<120x128xf32, #tpu.memory_space<vmem>>
      %dma_wait3A_260 = arith.constant 0 : i32
      %dma_wait3A_261 = tpu.memref_slice %arg8[%add3A_254, %dma_wait3A_260] : memref<168x120xi32, #tpu.memory_space<vmem>> -> memref<1x120xi32, #tpu.memory_space<vmem>>
      %dma_wait3A_262 = tpu.memref_squeeze %dma_wait3A_261 : memref<1x120xi32, #tpu.memory_space<vmem>> -> memref<120xi32, #tpu.memory_space<vmem>>
      %dma_wait3A_263 = arith.constant 0 : i32
      %dma_wait3A_264 = arith.constant 0 : i32
      %dma_wait3A_265 = tpu.memref_slice %arg2[%dma_wait3A_263, %dma_wait3A_264] : memref<30720x128xf32, #tpu.memory_space<hbm>> -> memref<30720x128xf32, #tpu.memory_space<hbm>>
      tpu.wait_indirect_dma semaphore(%arg13 : memref<!tpu.dma_semaphore, #tpu.memory_space<semaphore_mem>>) src(%dma_wait3A_265 : memref<30720x128xf32, #tpu.memory_space<hbm>>) dst(%dma_wait3A_259 : memref<120x128xf32, #tpu.memory_space<vmem>>)
      %dma_start3A_266 = arith.constant 1 : i32
      %dma_start3A_267 = arith.constant 0 : i32
      %dma_start3A_268 = arith.constant 0 : i32
      %dma_start3A_269 = tpu.memref_slice %arg10[%dma_start3A_266, %dma_start3A_267, %dma_start3A_268] : memref<3x120x128xf32, #tpu.memory_space<vmem>> -> memref<1x120x128xf32, #tpu.memory_space<vmem>>
      %dma_start3A_270 = tpu.memref_squeeze %dma_start3A_269 : memref<1x120x128xf32, #tpu.memory_space<vmem>> -> memref<120x128xf32, #tpu.memory_space<vmem>>
      %dma_start3A_271 = arith.constant 0 : i32
      %dma_start3A_272 = tpu.memref_slice %arg9[%add3A_254, %dma_start3A_271] : memref<168x120xi32, #tpu.memory_space<vmem>> -> memref<1x120xi32, #tpu.memory_space<vmem>>
      %dma_start3A_273 = tpu.memref_squeeze %dma_start3A_272 : memref<1x120xi32, #tpu.memory_space<vmem>> -> memref<120xi32, #tpu.memory_space<vmem>>
      %dma_start3A_274 = arith.constant 0 : i32
      %dma_start3A_275 = arith.constant 0 : i32
      %dma_start3A_276 = tpu.memref_slice %arg11[%dma_start3A_274, %dma_start3A_275] : memref<5120x128xf32, #tpu.memory_space<vmem_shared>> -> memref<5120x128xf32, #tpu.memory_space<vmem_shared>>
      tpu.enqueue_indirect_dma source(%dma_start3A_270 : memref<120x128xf32, #tpu.memory_space<vmem>>) target(%dma_start3A_276 : memref<5120x128xf32, #tpu.memory_space<vmem_shared>>) offsets(%dma_start3A_273 : memref<120xi32, #tpu.memory_space<vmem>>) semaphore(%arg16 : memref<!tpu.dma_semaphore, #tpu.memory_space<semaphore_mem>>) {add = true}
      %mul3A_277 = arith.constant 3 : i32
      %mul3A_278 = arith.muli %while3A_224, %mul3A_277 : i32
      %add3A_279 = arith.constant 2 : i32
      %add3A_280 = arith.addi %mul3A_278, %add3A_279 : i32
      %dma_wait3A_281 = arith.constant 2 : i32
      %dma_wait3A_282 = arith.constant 0 : i32
      %dma_wait3A_283 = arith.constant 0 : i32
      %dma_wait3A_284 = tpu.memref_slice %arg10[%dma_wait3A_281, %dma_wait3A_282, %dma_wait3A_283] : memref<3x120x128xf32, #tpu.memory_space<vmem>> -> memref<1x120x128xf32, #tpu.memory_space<vmem>>
      %dma_wait3A_285 = tpu.memref_squeeze %dma_wait3A_284 : memref<1x120x128xf32, #tpu.memory_space<vmem>> -> memref<120x128xf32, #tpu.memory_space<vmem>>
      %dma_wait3A_286 = arith.constant 0 : i32
      %dma_wait3A_287 = tpu.memref_slice %arg8[%add3A_280, %dma_wait3A_286] : memref<168x120xi32, #tpu.memory_space<vmem>> -> memref<1x120xi32, #tpu.memory_space<vmem>>
      %dma_wait3A_288 = tpu.memref_squeeze %dma_wait3A_287 : memref<1x120xi32, #tpu.memory_space<vmem>> -> memref<120xi32, #tpu.memory_space<vmem>>
      %dma_wait3A_289 = arith.constant 0 : i32
      %dma_wait3A_290 = arith.constant 0 : i32
      %dma_wait3A_291 = tpu.memref_slice %arg2[%dma_wait3A_289, %dma_wait3A_290] : memref<30720x128xf32, #tpu.memory_space<hbm>> -> memref<30720x128xf32, #tpu.memory_space<hbm>>
      tpu.wait_indirect_dma semaphore(%arg14 : memref<!tpu.dma_semaphore, #tpu.memory_space<semaphore_mem>>) src(%dma_wait3A_291 : memref<30720x128xf32, #tpu.memory_space<hbm>>) dst(%dma_wait3A_285 : memref<120x128xf32, #tpu.memory_space<vmem>>)
      %dma_start3A_292 = arith.constant 2 : i32
      %dma_start3A_293 = arith.constant 0 : i32
      %dma_start3A_294 = arith.constant 0 : i32
      %dma_start3A_295 = tpu.memref_slice %arg10[%dma_start3A_292, %dma_start3A_293, %dma_start3A_294] : memref<3x120x128xf32, #tpu.memory_space<vmem>> -> memref<1x120x128xf32, #tpu.memory_space<vmem>>
      %dma_start3A_296 = tpu.memref_squeeze %dma_start3A_295 : memref<1x120x128xf32, #tpu.memory_space<vmem>> -> memref<120x128xf32, #tpu.memory_space<vmem>>
      %dma_start3A_297 = arith.constant 0 : i32
      %dma_start3A_298 = tpu.memref_slice %arg9[%add3A_280, %dma_start3A_297] : memref<168x120xi32, #tpu.memory_space<vmem>> -> memref<1x120xi32, #tpu.memory_space<vmem>>
      %dma_start3A_299 = tpu.memref_squeeze %dma_start3A_298 : memref<1x120xi32, #tpu.memory_space<vmem>> -> memref<120xi32, #tpu.memory_space<vmem>>
      %dma_start3A_300 = arith.constant 0 : i32
      %dma_start3A_301 = arith.constant 0 : i32
      %dma_start3A_302 = tpu.memref_slice %arg11[%dma_start3A_300, %dma_start3A_301] : memref<5120x128xf32, #tpu.memory_space<vmem_shared>> -> memref<5120x128xf32, #tpu.memory_space<vmem_shared>>
      tpu.enqueue_indirect_dma source(%dma_start3A_296 : memref<120x128xf32, #tpu.memory_space<vmem>>) target(%dma_start3A_302 : memref<5120x128xf32, #tpu.memory_space<vmem_shared>>) offsets(%dma_start3A_299 : memref<120xi32, #tpu.memory_space<vmem>>) semaphore(%arg17 : memref<!tpu.dma_semaphore, #tpu.memory_space<semaphore_mem>>) {add = true}
      %mul3A_303 = arith.constant 3 : i32
      %mul3A_304 = arith.muli %while3A_224, %mul3A_303 : i32
      %add3A_305 = arith.constant 0 : i32
      %add3A_306 = arith.addi %mul3A_304, %add3A_305 : i32
      %add3A_307 = arith.constant 3 : i32
      %add3A_308 = arith.addi %add3A_306, %add3A_307 : i32
      %lt3A = arith.cmpi slt, %add3A_308, %mul3A_2 : i32
      %convert_element_type3A = arith.extui %lt3A : i1 to i32
      %cond3A = arith.constant 0 : i32
      %cond3A_309 = arith.cmpi ne, %convert_element_type3A, %cond3A : i32
      scf.if %cond3A_309 {
        %dma_wait3A_330 = arith.constant 0 : i32
        %dma_wait3A_331 = arith.constant 0 : i32
        %dma_wait3A_332 = arith.constant 0 : i32
        %dma_wait3A_333 = tpu.memref_slice %arg10[%dma_wait3A_330, %dma_wait3A_331, %dma_wait3A_332] : memref<3x120x128xf32, #tpu.memory_space<vmem>> -> memref<1x120x128xf32, #tpu.memory_space<vmem>>
        %dma_wait3A_334 = tpu.memref_squeeze %dma_wait3A_333 : memref<1x120x128xf32, #tpu.memory_space<vmem>> -> memref<120x128xf32, #tpu.memory_space<vmem>>
        %dma_wait3A_335 = arith.constant 0 : i32
        %dma_wait3A_336 = tpu.memref_slice %arg9[%add3A_306, %dma_wait3A_335] : memref<168x120xi32, #tpu.memory_space<vmem>> -> memref<1x120xi32, #tpu.memory_space<vmem>>
        %dma_wait3A_337 = tpu.memref_squeeze %dma_wait3A_336 : memref<1x120xi32, #tpu.memory_space<vmem>> -> memref<120xi32, #tpu.memory_space<vmem>>
        %dma_wait3A_338 = arith.constant 0 : i32
        %dma_wait3A_339 = arith.constant 0 : i32
        %dma_wait3A_340 = tpu.memref_slice %arg11[%dma_wait3A_338, %dma_wait3A_339] : memref<5120x128xf32, #tpu.memory_space<vmem_shared>> -> memref<5120x128xf32, #tpu.memory_space<vmem_shared>>
        tpu.wait_indirect_dma semaphore(%arg15 : memref<!tpu.dma_semaphore, #tpu.memory_space<semaphore_mem>>) src(%dma_wait3A_334 : memref<120x128xf32, #tpu.memory_space<vmem>>) dst(%dma_wait3A_340 : memref<5120x128xf32, #tpu.memory_space<vmem_shared>>)
        %dma_start3A_341 = arith.constant 0 : i32
        %dma_start3A_342 = arith.constant 0 : i32
        %dma_start3A_343 = arith.constant 0 : i32
        %dma_start3A_344 = tpu.memref_slice %arg10[%dma_start3A_341, %dma_start3A_342, %dma_start3A_343] : memref<3x120x128xf32, #tpu.memory_space<vmem>> -> memref<1x120x128xf32, #tpu.memory_space<vmem>>
        %dma_start3A_345 = tpu.memref_squeeze %dma_start3A_344 : memref<1x120x128xf32, #tpu.memory_space<vmem>> -> memref<120x128xf32, #tpu.memory_space<vmem>>
        %dma_start3A_346 = arith.constant 0 : i32
        %dma_start3A_347 = tpu.memref_slice %arg8[%add3A_308, %dma_start3A_346] : memref<168x120xi32, #tpu.memory_space<vmem>> -> memref<1x120xi32, #tpu.memory_space<vmem>>
        %dma_start3A_348 = tpu.memref_squeeze %dma_start3A_347 : memref<1x120xi32, #tpu.memory_space<vmem>> -> memref<120xi32, #tpu.memory_space<vmem>>
        %dma_start3A_349 = arith.constant 0 : i32
        %dma_start3A_350 = arith.constant 0 : i32
        %dma_start3A_351 = tpu.memref_slice %arg2[%dma_start3A_349, %dma_start3A_350] : memref<30720x128xf32, #tpu.memory_space<hbm>> -> memref<30720x128xf32, #tpu.memory_space<hbm>>
        tpu.enqueue_indirect_dma source(%dma_start3A_351 : memref<30720x128xf32, #tpu.memory_space<hbm>>) target(%dma_start3A_345 : memref<120x128xf32, #tpu.memory_space<vmem>>) offsets(%dma_start3A_348 : memref<120xi32, #tpu.memory_space<vmem>>) semaphore(%arg12 : memref<!tpu.dma_semaphore, #tpu.memory_space<semaphore_mem>>)
      } else {
      }
      %mul3A_310 = arith.constant 3 : i32
      %mul3A_311 = arith.muli %while3A_224, %mul3A_310 : i32
      %add3A_312 = arith.constant 1 : i32
      %add3A_313 = arith.addi %mul3A_311, %add3A_312 : i32
      %add3A_314 = arith.constant 3 : i32
      %add3A_315 = arith.addi %add3A_313, %add3A_314 : i32
      %lt3A_316 = arith.cmpi slt, %add3A_315, %mul3A_2 : i32
      %convert_element_type3A_317 = arith.extui %lt3A_316 : i1 to i32
      %cond3A_318 = arith.constant 0 : i32
      %cond3A_319 = arith.cmpi ne, %convert_element_type3A_317, %cond3A_318 : i32
      scf.if %cond3A_319 {
        %dma_wait3A_330 = arith.constant 1 : i32
        %dma_wait3A_331 = arith.constant 0 : i32
        %dma_wait3A_332 = arith.constant 0 : i32
        %dma_wait3A_333 = tpu.memref_slice %arg10[%dma_wait3A_330, %dma_wait3A_331, %dma_wait3A_332] : memref<3x120x128xf32, #tpu.memory_space<vmem>> -> memref<1x120x128xf32, #tpu.memory_space<vmem>>
        %dma_wait3A_334 = tpu.memref_squeeze %dma_wait3A_333 : memref<1x120x128xf32, #tpu.memory_space<vmem>> -> memref<120x128xf32, #tpu.memory_space<vmem>>
        %dma_wait3A_335 = arith.constant 0 : i32
        %dma_wait3A_336 = tpu.memref_slice %arg9[%add3A_313, %dma_wait3A_335] : memref<168x120xi32, #tpu.memory_space<vmem>> -> memref<1x120xi32, #tpu.memory_space<vmem>>
        %dma_wait3A_337 = tpu.memref_squeeze %dma_wait3A_336 : memref<1x120xi32, #tpu.memory_space<vmem>> -> memref<120xi32, #tpu.memory_space<vmem>>
        %dma_wait3A_338 = arith.constant 0 : i32
        %dma_wait3A_339 = arith.constant 0 : i32
        %dma_wait3A_340 = tpu.memref_slice %arg11[%dma_wait3A_338, %dma_wait3A_339] : memref<5120x128xf32, #tpu.memory_space<vmem_shared>> -> memref<5120x128xf32, #tpu.memory_space<vmem_shared>>
        tpu.wait_indirect_dma semaphore(%arg16 : memref<!tpu.dma_semaphore, #tpu.memory_space<semaphore_mem>>) src(%dma_wait3A_334 : memref<120x128xf32, #tpu.memory_space<vmem>>) dst(%dma_wait3A_340 : memref<5120x128xf32, #tpu.memory_space<vmem_shared>>)
        %dma_start3A_341 = arith.constant 1 : i32
        %dma_start3A_342 = arith.constant 0 : i32
        %dma_start3A_343 = arith.constant 0 : i32
        %dma_start3A_344 = tpu.memref_slice %arg10[%dma_start3A_341, %dma_start3A_342, %dma_start3A_343] : memref<3x120x128xf32, #tpu.memory_space<vmem>> -> memref<1x120x128xf32, #tpu.memory_space<vmem>>
        %dma_start3A_345 = tpu.memref_squeeze %dma_start3A_344 : memref<1x120x128xf32, #tpu.memory_space<vmem>> -> memref<120x128xf32, #tpu.memory_space<vmem>>
        %dma_start3A_346 = arith.constant 0 : i32
        %dma_start3A_347 = tpu.memref_slice %arg8[%add3A_315, %dma_start3A_346] : memref<168x120xi32, #tpu.memory_space<vmem>> -> memref<1x120xi32, #tpu.memory_space<vmem>>
        %dma_start3A_348 = tpu.memref_squeeze %dma_start3A_347 : memref<1x120xi32, #tpu.memory_space<vmem>> -> memref<120xi32, #tpu.memory_space<vmem>>
        %dma_start3A_349 = arith.constant 0 : i32
        %dma_start3A_350 = arith.constant 0 : i32
        %dma_start3A_351 = tpu.memref_slice %arg2[%dma_start3A_349, %dma_start3A_350] : memref<30720x128xf32, #tpu.memory_space<hbm>> -> memref<30720x128xf32, #tpu.memory_space<hbm>>
        tpu.enqueue_indirect_dma source(%dma_start3A_351 : memref<30720x128xf32, #tpu.memory_space<hbm>>) target(%dma_start3A_345 : memref<120x128xf32, #tpu.memory_space<vmem>>) offsets(%dma_start3A_348 : memref<120xi32, #tpu.memory_space<vmem>>) semaphore(%arg13 : memref<!tpu.dma_semaphore, #tpu.memory_space<semaphore_mem>>)
      } else {
      }
      %mul3A_320 = arith.constant 3 : i32
      %mul3A_321 = arith.muli %while3A_224, %mul3A_320 : i32
      %add3A_322 = arith.constant 2 : i32
      %add3A_323 = arith.addi %mul3A_321, %add3A_322 : i32
      %add3A_324 = arith.constant 3 : i32
      %add3A_325 = arith.addi %add3A_323, %add3A_324 : i32
      %lt3A_326 = arith.cmpi slt, %add3A_325, %mul3A_2 : i32
      %convert_element_type3A_327 = arith.extui %lt3A_326 : i1 to i32
      %cond3A_328 = arith.constant 0 : i32
      %cond3A_329 = arith.cmpi ne, %convert_element_type3A_327, %cond3A_328 : i32
      scf.if %cond3A_329 {
        %dma_wait3A_330 = arith.constant 2 : i32
        %dma_wait3A_331 = arith.constant 0 : i32
        %dma_wait3A_332 = arith.constant 0 : i32
        %dma_wait3A_333 = tpu.memref_slice %arg10[%dma_wait3A_330, %dma_wait3A_331, %dma_wait3A_332] : memref<3x120x128xf32, #tpu.memory_space<vmem>> -> memref<1x120x128xf32, #tpu.memory_space<vmem>>
        %dma_wait3A_334 = tpu.memref_squeeze %dma_wait3A_333 : memref<1x120x128xf32, #tpu.memory_space<vmem>> -> memref<120x128xf32, #tpu.memory_space<vmem>>
        %dma_wait3A_335 = arith.constant 0 : i32
        %dma_wait3A_336 = tpu.memref_slice %arg9[%add3A_323, %dma_wait3A_335] : memref<168x120xi32, #tpu.memory_space<vmem>> -> memref<1x120xi32, #tpu.memory_space<vmem>>
        %dma_wait3A_337 = tpu.memref_squeeze %dma_wait3A_336 : memref<1x120xi32, #tpu.memory_space<vmem>> -> memref<120xi32, #tpu.memory_space<vmem>>
        %dma_wait3A_338 = arith.constant 0 : i32
        %dma_wait3A_339 = arith.constant 0 : i32
        %dma_wait3A_340 = tpu.memref_slice %arg11[%dma_wait3A_338, %dma_wait3A_339] : memref<5120x128xf32, #tpu.memory_space<vmem_shared>> -> memref<5120x128xf32, #tpu.memory_space<vmem_shared>>
        tpu.wait_indirect_dma semaphore(%arg17 : memref<!tpu.dma_semaphore, #tpu.memory_space<semaphore_mem>>) src(%dma_wait3A_334 : memref<120x128xf32, #tpu.memory_space<vmem>>) dst(%dma_wait3A_340 : memref<5120x128xf32, #tpu.memory_space<vmem_shared>>)
        %dma_start3A_341 = arith.constant 2 : i32
        %dma_start3A_342 = arith.constant 0 : i32
        %dma_start3A_343 = arith.constant 0 : i32
        %dma_start3A_344 = tpu.memref_slice %arg10[%dma_start3A_341, %dma_start3A_342, %dma_start3A_343] : memref<3x120x128xf32, #tpu.memory_space<vmem>> -> memref<1x120x128xf32, #tpu.memory_space<vmem>>
        %dma_start3A_345 = tpu.memref_squeeze %dma_start3A_344 : memref<1x120x128xf32, #tpu.memory_space<vmem>> -> memref<120x128xf32, #tpu.memory_space<vmem>>
        %dma_start3A_346 = arith.constant 0 : i32
        %dma_start3A_347 = tpu.memref_slice %arg8[%add3A_325, %dma_start3A_346] : memref<168x120xi32, #tpu.memory_space<vmem>> -> memref<1x120xi32, #tpu.memory_space<vmem>>
        %dma_start3A_348 = tpu.memref_squeeze %dma_start3A_347 : memref<1x120xi32, #tpu.memory_space<vmem>> -> memref<120xi32, #tpu.memory_space<vmem>>
        %dma_start3A_349 = arith.constant 0 : i32
        %dma_start3A_350 = arith.constant 0 : i32
        %dma_start3A_351 = tpu.memref_slice %arg2[%dma_start3A_349, %dma_start3A_350] : memref<30720x128xf32, #tpu.memory_space<hbm>> -> memref<30720x128xf32, #tpu.memory_space<hbm>>
        tpu.enqueue_indirect_dma source(%dma_start3A_351 : memref<30720x128xf32, #tpu.memory_space<hbm>>) target(%dma_start3A_345 : memref<120x128xf32, #tpu.memory_space<vmem>>) offsets(%dma_start3A_348 : memref<120xi32, #tpu.memory_space<vmem>>) semaphore(%arg14 : memref<!tpu.dma_semaphore, #tpu.memory_space<semaphore_mem>>)
      } else {
      }
    }
    %while3A_54 = arith.constant 1 : i32
    scf.for %while3A_224 = %while3A_52 to %while3A_48 step %while3A_54  : i32 {
      %mul3A_225 = arith.constant 3 : i32
      %mul3A_226 = arith.muli %while3A_224, %mul3A_225 : i32
      %add3A_227 = arith.constant 0 : i32
      %add3A_228 = arith.addi %mul3A_226, %add3A_227 : i32
      %dma_wait3A_229 = arith.constant 0 : i32
      %dma_wait3A_230 = arith.constant 0 : i32
      %dma_wait3A_231 = arith.constant 0 : i32
      %dma_wait3A_232 = tpu.memref_slice %arg10[%dma_wait3A_229, %dma_wait3A_230, %dma_wait3A_231] : memref<3x120x128xf32, #tpu.memory_space<vmem>> -> memref<1x120x128xf32, #tpu.memory_space<vmem>>
      %dma_wait3A_233 = tpu.memref_squeeze %dma_wait3A_232 : memref<1x120x128xf32, #tpu.memory_space<vmem>> -> memref<120x128xf32, #tpu.memory_space<vmem>>
      %dma_wait3A_234 = arith.constant 0 : i32
      %dma_wait3A_235 = tpu.memref_slice %arg8[%add3A_228, %dma_wait3A_234] : memref<168x120xi32, #tpu.memory_space<vmem>> -> memref<1x120xi32, #tpu.memory_space<vmem>>
      %dma_wait3A_236 = tpu.memref_squeeze %dma_wait3A_235 : memref<1x120xi32, #tpu.memory_space<vmem>> -> memref<120xi32, #tpu.memory_space<vmem>>
      %dma_wait3A_237 = arith.constant 0 : i32
      %dma_wait3A_238 = arith.constant 0 : i32
      %dma_wait3A_239 = tpu.memref_slice %arg2[%dma_wait3A_237, %dma_wait3A_238] : memref<30720x128xf32, #tpu.memory_space<hbm>> -> memref<30720x128xf32, #tpu.memory_space<hbm>>
      tpu.wait_indirect_dma semaphore(%arg12 : memref<!tpu.dma_semaphore, #tpu.memory_space<semaphore_mem>>) src(%dma_wait3A_239 : memref<30720x128xf32, #tpu.memory_space<hbm>>) dst(%dma_wait3A_233 : memref<120x128xf32, #tpu.memory_space<vmem>>)
      %dma_start3A_240 = arith.constant 0 : i32
      %dma_start3A_241 = arith.constant 0 : i32
      %dma_start3A_242 = arith.constant 0 : i32
      %dma_start3A_243 = tpu.memref_slice %arg10[%dma_start3A_240, %dma_start3A_241, %dma_start3A_242] : memref<3x120x128xf32, #tpu.memory_space<vmem>> -> memref<1x120x128xf32, #tpu.memory_space<vmem>>
      %dma_start3A_244 = tpu.memref_squeeze %dma_start3A_243 : memref<1x120x128xf32, #tpu.memory_space<vmem>> -> memref<120x128xf32, #tpu.memory_space<vmem>>
      %dma_start3A_245 = arith.constant 0 : i32
      %dma_start3A_246 = tpu.memref_slice %arg9[%add3A_228, %dma_start3A_245] : memref<168x120xi32, #tpu.memory_space<vmem>> -> memref<1x120xi32, #tpu.memory_space<vmem>>
      %dma_start3A_247 = tpu.memref_squeeze %dma_start3A_246 : memref<1x120xi32, #tpu.memory_space<vmem>> -> memref<120xi32, #tpu.memory_space<vmem>>
      %dma_start3A_248 = arith.constant 0 : i32
      %dma_start3A_249 = arith.constant 0 : i32
      %dma_start3A_250 = tpu.memref_slice %arg11[%dma_start3A_248, %dma_start3A_249] : memref<5120x128xf32, #tpu.memory_space<vmem_shared>> -> memref<5120x128xf32, #tpu.memory_space<vmem_shared>>
      tpu.enqueue_indirect_dma source(%dma_start3A_244 : memref<120x128xf32, #tpu.memory_space<vmem>>) target(%dma_start3A_250 : memref<5120x128xf32, #tpu.memory_space<vmem_shared>>) offsets(%dma_start3A_247 : memref<120xi32, #tpu.memory_space<vmem>>) semaphore(%arg15 : memref<!tpu.dma_semaphore, #tpu.memory_space<semaphore_mem>>) {add = true}
      %mul3A_251 = arith.constant 3 : i32
      %mul3A_252 = arith.muli %while3A_224, %mul3A_251 : i32
      %add3A_253 = arith.constant 1 : i32
      %add3A_254 = arith.addi %mul3A_252, %add3A_253 : i32
      %dma_wait3A_255 = arith.constant 1 : i32
      %dma_wait3A_256 = arith.constant 0 : i32
      %dma_wait3A_257 = arith.constant 0 : i32
      %dma_wait3A_258 = tpu.memref_slice %arg10[%dma_wait3A_255, %dma_wait3A_256, %dma_wait3A_257] : memref<3x120x128xf32, #tpu.memory_space<vmem>> -> memref<1x120x128xf32, #tpu.memory_space<vmem>>
      %dma_wait3A_259 = tpu.memref_squeeze %dma_wait3A_258 : memref<1x120x128xf32, #tpu.memory_space<vmem>> -> memref<120x128xf32, #tpu.memory_space<vmem>>
      %dma_wait3A_260 = arith.constant 0 : i32
      %dma_wait3A_261 = tpu.memref_slice %arg8[%add3A_254, %dma_wait3A_260] : memref<168x120xi32, #tpu.memory_space<vmem>> -> memref<1x120xi32, #tpu.memory_space<vmem>>
      %dma_wait3A_262 = tpu.memref_squeeze %dma_wait3A_261 : memref<1x120xi32, #tpu.memory_space<vmem>> -> memref<120xi32, #tpu.memory_space<vmem>>
      %dma_wait3A_263 = arith.constant 0 : i32
      %dma_wait3A_264 = arith.constant 0 : i32
      %dma_wait3A_265 = tpu.memref_slice %arg2[%dma_wait3A_263, %dma_wait3A_264] : memref<30720x128xf32, #tpu.memory_space<hbm>> -> memref<30720x128xf32, #tpu.memory_space<hbm>>
      tpu.wait_indirect_dma semaphore(%arg13 : memref<!tpu.dma_semaphore, #tpu.memory_space<semaphore_mem>>) src(%dma_wait3A_265 : memref<30720x128xf32, #tpu.memory_space<hbm>>) dst(%dma_wait3A_259 : memref<120x128xf32, #tpu.memory_space<vmem>>)
      %dma_start3A_266 = arith.constant 1 : i32
      %dma_start3A_267 = arith.constant 0 : i32
      %dma_start3A_268 = arith.constant 0 : i32
      %dma_start3A_269 = tpu.memref_slice %arg10[%dma_start3A_266, %dma_start3A_267, %dma_start3A_268] : memref<3x120x128xf32, #tpu.memory_space<vmem>> -> memref<1x120x128xf32, #tpu.memory_space<vmem>>
      %dma_start3A_270 = tpu.memref_squeeze %dma_start3A_269 : memref<1x120x128xf32, #tpu.memory_space<vmem>> -> memref<120x128xf32, #tpu.memory_space<vmem>>
      %dma_start3A_271 = arith.constant 0 : i32
      %dma_start3A_272 = tpu.memref_slice %arg9[%add3A_254, %dma_start3A_271] : memref<168x120xi32, #tpu.memory_space<vmem>> -> memref<1x120xi32, #tpu.memory_space<vmem>>
      %dma_start3A_273 = tpu.memref_squeeze %dma_start3A_272 : memref<1x120xi32, #tpu.memory_space<vmem>> -> memref<120xi32, #tpu.memory_space<vmem>>
      %dma_start3A_274 = arith.constant 0 : i32
      %dma_start3A_275 = arith.constant 0 : i32
      %dma_start3A_276 = tpu.memref_slice %arg11[%dma_start3A_274, %dma_start3A_275] : memref<5120x128xf32, #tpu.memory_space<vmem_shared>> -> memref<5120x128xf32, #tpu.memory_space<vmem_shared>>
      tpu.enqueue_indirect_dma source(%dma_start3A_270 : memref<120x128xf32, #tpu.memory_space<vmem>>) target(%dma_start3A_276 : memref<5120x128xf32, #tpu.memory_space<vmem_shared>>) offsets(%dma_start3A_273 : memref<120xi32, #tpu.memory_space<vmem>>) semaphore(%arg16 : memref<!tpu.dma_semaphore, #tpu.memory_space<semaphore_mem>>) {add = true}
      %mul3A_277 = arith.constant 3 : i32
      %mul3A_278 = arith.muli %while3A_224, %mul3A_277 : i32
      %add3A_279 = arith.constant 2 : i32
      %add3A_280 = arith.addi %mul3A_278, %add3A_279 : i32
      %dma_wait3A_281 = arith.constant 2 : i32
      %dma_wait3A_282 = arith.constant 0 : i32
      %dma_wait3A_283 = arith.constant 0 : i32
      %dma_wait3A_284 = tpu.memref_slice %arg10[%dma_wait3A_281, %dma_wait3A_282, %dma_wait3A_283] : memref<3x120x128xf32, #tpu.memory_space<vmem>> -> memref<1x120x128xf32, #tpu.memory_space<vmem>>
      %dma_wait3A_285 = tpu.memref_squeeze %dma_wait3A_284 : memref<1x120x128xf32, #tpu.memory_space<vmem>> -> memref<120x128xf32, #tpu.memory_space<vmem>>
      %dma_wait3A_286 = arith.constant 0 : i32
      %dma_wait3A_287 = tpu.memref_slice %arg8[%add3A_280, %dma_wait3A_286] : memref<168x120xi32, #tpu.memory_space<vmem>> -> memref<1x120xi32, #tpu.memory_space<vmem>>
      %dma_wait3A_288 = tpu.memref_squeeze %dma_wait3A_287 : memref<1x120xi32, #tpu.memory_space<vmem>> -> memref<120xi32, #tpu.memory_space<vmem>>
      %dma_wait3A_289 = arith.constant 0 : i32
      %dma_wait3A_290 = arith.constant 0 : i32
      %dma_wait3A_291 = tpu.memref_slice %arg2[%dma_wait3A_289, %dma_wait3A_290] : memref<30720x128xf32, #tpu.memory_space<hbm>> -> memref<30720x128xf32, #tpu.memory_space<hbm>>
      tpu.wait_indirect_dma semaphore(%arg14 : memref<!tpu.dma_semaphore, #tpu.memory_space<semaphore_mem>>) src(%dma_wait3A_291 : memref<30720x128xf32, #tpu.memory_space<hbm>>) dst(%dma_wait3A_285 : memref<120x128xf32, #tpu.memory_space<vmem>>)
      %dma_start3A_292 = arith.constant 2 : i32
      %dma_start3A_293 = arith.constant 0 : i32
      %dma_start3A_294 = arith.constant 0 : i32
      %dma_start3A_295 = tpu.memref_slice %arg10[%dma_start3A_292, %dma_start3A_293, %dma_start3A_294] : memref<3x120x128xf32, #tpu.memory_space<vmem>> -> memref<1x120x128xf32, #tpu.memory_space<vmem>>
      %dma_start3A_296 = tpu.memref_squeeze %dma_start3A_295 : memref<1x120x128xf32, #tpu.memory_space<vmem>> -> memref<120x128xf32, #tpu.memory_space<vmem>>
      %dma_start3A_297 = arith.constant 0 : i32
      %dma_start3A_298 = tpu.memref_slice %arg9[%add3A_280, %dma_start3A_297] : memref<168x120xi32, #tpu.memory_space<vmem>> -> memref<1x120xi32, #tpu.memory_space<vmem>>
      %dma_start3A_299 = tpu.memref_squeeze %dma_start3A_298 : memref<1x120xi32, #tpu.memory_space<vmem>> -> memref<120xi32, #tpu.memory_space<vmem>>
      %dma_start3A_300 = arith.constant 0 : i32
      %dma_start3A_301 = arith.constant 0 : i32
      %dma_start3A_302 = tpu.memref_slice %arg11[%dma_start3A_300, %dma_start3A_301] : memref<5120x128xf32, #tpu.memory_space<vmem_shared>> -> memref<5120x128xf32, #tpu.memory_space<vmem_shared>>
      tpu.enqueue_indirect_dma source(%dma_start3A_296 : memref<120x128xf32, #tpu.memory_space<vmem>>) target(%dma_start3A_302 : memref<5120x128xf32, #tpu.memory_space<vmem_shared>>) offsets(%dma_start3A_299 : memref<120xi32, #tpu.memory_space<vmem>>) semaphore(%arg17 : memref<!tpu.dma_semaphore, #tpu.memory_space<semaphore_mem>>) {add = true}
      %mul3A_303 = arith.constant 3 : i32
      %mul3A_304 = arith.muli %while3A_224, %mul3A_303 : i32
      %add3A_305 = arith.constant 0 : i32
      %add3A_306 = arith.addi %mul3A_304, %add3A_305 : i32
      %add3A_307 = arith.constant 3 : i32
      %add3A_308 = arith.addi %add3A_306, %add3A_307 : i32
      %lt3A = arith.cmpi slt, %add3A_308, %mul3A_2 : i32
      %convert_element_type3A = arith.extui %lt3A : i1 to i32
      %cond3A = arith.constant 0 : i32
      %cond3A_309 = arith.cmpi ne, %convert_element_type3A, %cond3A : i32
      scf.if %cond3A_309 {
        %dma_wait3A_330 = arith.constant 0 : i32
        %dma_wait3A_331 = arith.constant 0 : i32
        %dma_wait3A_332 = arith.constant 0 : i32
        %dma_wait3A_333 = tpu.memref_slice %arg10[%dma_wait3A_330, %dma_wait3A_331, %dma_wait3A_332] : memref<3x120x128xf32, #tpu.memory_space<vmem>> -> memref<1x120x128xf32, #tpu.memory_space<vmem>>
        %dma_wait3A_334 = tpu.memref_squeeze %dma_wait3A_333 : memref<1x120x128xf32, #tpu.memory_space<vmem>> -> memref<120x128xf32, #tpu.memory_space<vmem>>
        %dma_wait3A_335 = arith.constant 0 : i32
        %dma_wait3A_336 = tpu.memref_slice %arg9[%add3A_306, %dma_wait3A_335] : memref<168x120xi32, #tpu.memory_space<vmem>> -> memref<1x120xi32, #tpu.memory_space<vmem>>
        %dma_wait3A_337 = tpu.memref_squeeze %dma_wait3A_336 : memref<1x120xi32, #tpu.memory_space<vmem>> -> memref<120xi32, #tpu.memory_space<vmem>>
        %dma_wait3A_338 = arith.constant 0 : i32
        %dma_wait3A_339 = arith.constant 0 : i32
        %dma_wait3A_340 = tpu.memref_slice %arg11[%dma_wait3A_338, %dma_wait3A_339] : memref<5120x128xf32, #tpu.memory_space<vmem_shared>> -> memref<5120x128xf32, #tpu.memory_space<vmem_shared>>
        tpu.wait_indirect_dma semaphore(%arg15 : memref<!tpu.dma_semaphore, #tpu.memory_space<semaphore_mem>>) src(%dma_wait3A_334 : memref<120x128xf32, #tpu.memory_space<vmem>>) dst(%dma_wait3A_340 : memref<5120x128xf32, #tpu.memory_space<vmem_shared>>)
        %dma_start3A_341 = arith.constant 0 : i32
        %dma_start3A_342 = arith.constant 0 : i32
        %dma_start3A_343 = arith.constant 0 : i32
        %dma_start3A_344 = tpu.memref_slice %arg10[%dma_start3A_341, %dma_start3A_342, %dma_start3A_343] : memref<3x120x128xf32, #tpu.memory_space<vmem>> -> memref<1x120x128xf32, #tpu.memory_space<vmem>>
        %dma_start3A_345 = tpu.memref_squeeze %dma_start3A_344 : memref<1x120x128xf32, #tpu.memory_space<vmem>> -> memref<120x128xf32, #tpu.memory_space<vmem>>
        %dma_start3A_346 = arith.constant 0 : i32
        %dma_start3A_347 = tpu.memref_slice %arg8[%add3A_308, %dma_start3A_346] : memref<168x120xi32, #tpu.memory_space<vmem>> -> memref<1x120xi32, #tpu.memory_space<vmem>>
        %dma_start3A_348 = tpu.memref_squeeze %dma_start3A_347 : memref<1x120xi32, #tpu.memory_space<vmem>> -> memref<120xi32, #tpu.memory_space<vmem>>
        %dma_start3A_349 = arith.constant 0 : i32
        %dma_start3A_350 = arith.constant 0 : i32
        %dma_start3A_351 = tpu.memref_slice %arg2[%dma_start3A_349, %dma_start3A_350] : memref<30720x128xf32, #tpu.memory_space<hbm>> -> memref<30720x128xf32, #tpu.memory_space<hbm>>
        tpu.enqueue_indirect_dma source(%dma_start3A_351 : memref<30720x128xf32, #tpu.memory_space<hbm>>) target(%dma_start3A_345 : memref<120x128xf32, #tpu.memory_space<vmem>>) offsets(%dma_start3A_348 : memref<120xi32, #tpu.memory_space<vmem>>) semaphore(%arg12 : memref<!tpu.dma_semaphore, #tpu.memory_space<semaphore_mem>>)
      } else {
      }
      %mul3A_310 = arith.constant 3 : i32
      %mul3A_311 = arith.muli %while3A_224, %mul3A_310 : i32
      %add3A_312 = arith.constant 1 : i32
      %add3A_313 = arith.addi %mul3A_311, %add3A_312 : i32
      %add3A_314 = arith.constant 3 : i32
      %add3A_315 = arith.addi %add3A_313, %add3A_314 : i32
      %lt3A_316 = arith.cmpi slt, %add3A_315, %mul3A_2 : i32
      %convert_element_type3A_317 = arith.extui %lt3A_316 : i1 to i32
      %cond3A_318 = arith.constant 0 : i32
      %cond3A_319 = arith.cmpi ne, %convert_element_type3A_317, %cond3A_318 : i32
      scf.if %cond3A_319 {
        %dma_wait3A_330 = arith.constant 1 : i32
        %dma_wait3A_331 = arith.constant 0 : i32
        %dma_wait3A_332 = arith.constant 0 : i32
        %dma_wait3A_333 = tpu.memref_slice %arg10[%dma_wait3A_330, %dma_wait3A_331, %dma_wait3A_332] : memref<3x120x128xf32, #tpu.memory_space<vmem>> -> memref<1x120x128xf32, #tpu.memory_space<vmem>>
        %dma_wait3A_334 = tpu.memref_squeeze %dma_wait3A_333 : memref<1x120x128xf32, #tpu.memory_space<vmem>> -> memref<120x128xf32, #tpu.memory_space<vmem>>
        %dma_wait3A_335 = arith.constant 0 : i32
        %dma_wait3A_336 = tpu.memref_slice %arg9[%add3A_313, %dma_wait3A_335] : memref<168x120xi32, #tpu.memory_space<vmem>> -> memref<1x120xi32, #tpu.memory_space<vmem>>
        %dma_wait3A_337 = tpu.memref_squeeze %dma_wait3A_336 : memref<1x120xi32, #tpu.memory_space<vmem>> -> memref<120xi32, #tpu.memory_space<vmem>>
        %dma_wait3A_338 = arith.constant 0 : i32
        %dma_wait3A_339 = arith.constant 0 : i32
        %dma_wait3A_340 = tpu.memref_slice %arg11[%dma_wait3A_338, %dma_wait3A_339] : memref<5120x128xf32, #tpu.memory_space<vmem_shared>> -> memref<5120x128xf32, #tpu.memory_space<vmem_shared>>
        tpu.wait_indirect_dma semaphore(%arg16 : memref<!tpu.dma_semaphore, #tpu.memory_space<semaphore_mem>>) src(%dma_wait3A_334 : memref<120x128xf32, #tpu.memory_space<vmem>>) dst(%dma_wait3A_340 : memref<5120x128xf32, #tpu.memory_space<vmem_shared>>)
        %dma_start3A_341 = arith.constant 1 : i32
        %dma_start3A_342 = arith.constant 0 : i32
        %dma_start3A_343 = arith.constant 0 : i32
        %dma_start3A_344 = tpu.memref_slice %arg10[%dma_start3A_341, %dma_start3A_342, %dma_start3A_343] : memref<3x120x128xf32, #tpu.memory_space<vmem>> -> memref<1x120x128xf32, #tpu.memory_space<vmem>>
        %dma_start3A_345 = tpu.memref_squeeze %dma_start3A_344 : memref<1x120x128xf32, #tpu.memory_space<vmem>> -> memref<120x128xf32, #tpu.memory_space<vmem>>
        %dma_start3A_346 = arith.constant 0 : i32
        %dma_start3A_347 = tpu.memref_slice %arg8[%add3A_315, %dma_start3A_346] : memref<168x120xi32, #tpu.memory_space<vmem>> -> memref<1x120xi32, #tpu.memory_space<vmem>>
        %dma_start3A_348 = tpu.memref_squeeze %dma_start3A_347 : memref<1x120xi32, #tpu.memory_space<vmem>> -> memref<120xi32, #tpu.memory_space<vmem>>
        %dma_start3A_349 = arith.constant 0 : i32
        %dma_start3A_350 = arith.constant 0 : i32
        %dma_start3A_351 = tpu.memref_slice %arg2[%dma_start3A_349, %dma_start3A_350] : memref<30720x128xf32, #tpu.memory_space<hbm>> -> memref<30720x128xf32, #tpu.memory_space<hbm>>
        tpu.enqueue_indirect_dma source(%dma_start3A_351 : memref<30720x128xf32, #tpu.memory_space<hbm>>) target(%dma_start3A_345 : memref<120x128xf32, #tpu.memory_space<vmem>>) offsets(%dma_start3A_348 : memref<120xi32, #tpu.memory_space<vmem>>) semaphore(%arg13 : memref<!tpu.dma_semaphore, #tpu.memory_space<semaphore_mem>>)
      } else {
      }
      %mul3A_320 = arith.constant 3 : i32
      %mul3A_321 = arith.muli %while3A_224, %mul3A_320 : i32
      %add3A_322 = arith.constant 2 : i32
      %add3A_323 = arith.addi %mul3A_321, %add3A_322 : i32
      %add3A_324 = arith.constant 3 : i32
      %add3A_325 = arith.addi %add3A_323, %add3A_324 : i32
      %lt3A_326 = arith.cmpi slt, %add3A_325, %mul3A_2 : i32
      %convert_element_type3A_327 = arith.extui %lt3A_326 : i1 to i32
      %cond3A_328 = arith.constant 0 : i32
      %cond3A_329 = arith.cmpi ne, %convert_element_type3A_327, %cond3A_328 : i32
      scf.if %cond3A_329 {
        %dma_wait3A_330 = arith.constant 2 : i32
        %dma_wait3A_331 = arith.constant 0 : i32
        %dma_wait3A_332 = arith.constant 0 : i32
        %dma_wait3A_333 = tpu.memref_slice %arg10[%dma_wait3A_330, %dma_wait3A_331, %dma_wait3A_332] : memref<3x120x128xf32, #tpu.memory_space<vmem>> -> memref<1x120x128xf32, #tpu.memory_space<vmem>>
        %dma_wait3A_334 = tpu.memref_squeeze %dma_wait3A_333 : memref<1x120x128xf32, #tpu.memory_space<vmem>> -> memref<120x128xf32, #tpu.memory_space<vmem>>
        %dma_wait3A_335 = arith.constant 0 : i32
        %dma_wait3A_336 = tpu.memref_slice %arg9[%add3A_323, %dma_wait3A_335] : memref<168x120xi32, #tpu.memory_space<vmem>> -> memref<1x120xi32, #tpu.memory_space<vmem>>
        %dma_wait3A_337 = tpu.memref_squeeze %dma_wait3A_336 : memref<1x120xi32, #tpu.memory_space<vmem>> -> memref<120xi32, #tpu.memory_space<vmem>>
        %dma_wait3A_338 = arith.constant 0 : i32
        %dma_wait3A_339 = arith.constant 0 : i32
        %dma_wait3A_340 = tpu.memref_slice %arg11[%dma_wait3A_338, %dma_wait3A_339] : memref<5120x128xf32, #tpu.memory_space<vmem_shared>> -> memref<5120x128xf32, #tpu.memory_space<vmem_shared>>
        tpu.wait_indirect_dma semaphore(%arg17 : memref<!tpu.dma_semaphore, #tpu.memory_space<semaphore_mem>>) src(%dma_wait3A_334 : memref<120x128xf32, #tpu.memory_space<vmem>>) dst(%dma_wait3A_340 : memref<5120x128xf32, #tpu.memory_space<vmem_shared>>)
        %dma_start3A_341 = arith.constant 2 : i32
        %dma_start3A_342 = arith.constant 0 : i32
        %dma_start3A_343 = arith.constant 0 : i32
        %dma_start3A_344 = tpu.memref_slice %arg10[%dma_start3A_341, %dma_start3A_342, %dma_start3A_343] : memref<3x120x128xf32, #tpu.memory_space<vmem>> -> memref<1x120x128xf32, #tpu.memory_space<vmem>>
        %dma_start3A_345 = tpu.memref_squeeze %dma_start3A_344 : memref<1x120x128xf32, #tpu.memory_space<vmem>> -> memref<120x128xf32, #tpu.memory_space<vmem>>
        %dma_start3A_346 = arith.constant 0 : i32
        %dma_start3A_347 = tpu.memref_slice %arg8[%add3A_325, %dma_start3A_346] : memref<168x120xi32, #tpu.memory_space<vmem>> -> memref<1x120xi32, #tpu.memory_space<vmem>>
        %dma_start3A_348 = tpu.memref_squeeze %dma_start3A_347 : memref<1x120xi32, #tpu.memory_space<vmem>> -> memref<120xi32, #tpu.memory_space<vmem>>
        %dma_start3A_349 = arith.constant 0 : i32
        %dma_start3A_350 = arith.constant 0 : i32
        %dma_start3A_351 = tpu.memref_slice %arg2[%dma_start3A_349, %dma_start3A_350] : memref<30720x128xf32, #tpu.memory_space<hbm>> -> memref<30720x128xf32, #tpu.memory_space<hbm>>
        tpu.enqueue_indirect_dma source(%dma_start3A_351 : memref<30720x128xf32, #tpu.memory_space<hbm>>) target(%dma_start3A_345 : memref<120x128xf32, #tpu.memory_space<vmem>>) offsets(%dma_start3A_348 : memref<120xi32, #tpu.memory_space<vmem>>) semaphore(%arg14 : memref<!tpu.dma_semaphore, #tpu.memory_space<semaphore_mem>>)
      } else {
      }
    }
    %sub3A = arith.constant 1 : i32
    %sub3A_55 = arith.subi %squeeze3A, %sub3A : i32
    %mul3A_56 = arith.constant 3 : i32
    %mul3A_57 = arith.muli %sub3A_55, %mul3A_56 : i32
    %add3A_58 = arith.constant 0 : i32
    %add3A_59 = arith.addi %mul3A_57, %add3A_58 : i32
    %dma_wait3A = arith.constant 0 : i32
    %dma_wait3A_60 = arith.constant 0 : i32
    %dma_wait3A_61 = arith.constant 0 : i32
    %dma_wait3A_62 = tpu.memref_slice %arg10[%dma_wait3A, %dma_wait3A_60, %dma_wait3A_61] : memref<3x120x128xf32, #tpu.memory_space<vmem>> -> memref<1x120x128xf32, #tpu.memory_space<vmem>>
    %dma_wait3A_63 = tpu.memref_squeeze %dma_wait3A_62 : memref<1x120x128xf32, #tpu.memory_space<vmem>> -> memref<120x128xf32, #tpu.memory_space<vmem>>
    %dma_wait3A_64 = arith.constant 0 : i32
    %dma_wait3A_65 = tpu.memref_slice %arg9[%add3A_59, %dma_wait3A_64] : memref<168x120xi32, #tpu.memory_space<vmem>> -> memref<1x120xi32, #tpu.memory_space<vmem>>
    %dma_wait3A_66 = tpu.memref_squeeze %dma_wait3A_65 : memref<1x120xi32, #tpu.memory_space<vmem>> -> memref<120xi32, #tpu.memory_space<vmem>>
    %dma_wait3A_67 = arith.constant 0 : i32
    %dma_wait3A_68 = arith.constant 0 : i32
    %dma_wait3A_69 = tpu.memref_slice %arg11[%dma_wait3A_67, %dma_wait3A_68] : memref<5120x128xf32, #tpu.memory_space<vmem_shared>> -> memref<5120x128xf32, #tpu.memory_space<vmem_shared>>
    tpu.wait_indirect_dma semaphore(%arg15 : memref<!tpu.dma_semaphore, #tpu.memory_space<semaphore_mem>>) src(%dma_wait3A_63 : memref<120x128xf32, #tpu.memory_space<vmem>>) dst(%dma_wait3A_69 : memref<5120x128xf32, #tpu.memory_space<vmem_shared>>)
    %sub3A_70 = arith.constant 1 : i32
    %sub3A_71 = arith.subi %squeeze3A, %sub3A_70 : i32
    %mul3A_72 = arith.constant 3 : i32
    %mul3A_73 = arith.muli %sub3A_71, %mul3A_72 : i32
    %add3A_74 = arith.constant 1 : i32
    %add3A_75 = arith.addi %mul3A_73, %add3A_74 : i32
    %dma_wait3A_76 = arith.constant 1 : i32
    %dma_wait3A_77 = arith.constant 0 : i32
    %dma_wait3A_78 = arith.constant 0 : i32
    %dma_wait3A_79 = tpu.memref_slice %arg10[%dma_wait3A_76, %dma_wait3A_77, %dma_wait3A_78] : memref<3x120x128xf32, #tpu.memory_space<vmem>> -> memref<1x120x128xf32, #tpu.memory_space<vmem>>
    %dma_wait3A_80 = tpu.memref_squeeze %dma_wait3A_79 : memref<1x120x128xf32, #tpu.memory_space<vmem>> -> memref<120x128xf32, #tpu.memory_space<vmem>>
    %dma_wait3A_81 = arith.constant 0 : i32
    %dma_wait3A_82 = tpu.memref_slice %arg9[%add3A_75, %dma_wait3A_81] : memref<168x120xi32, #tpu.memory_space<vmem>> -> memref<1x120xi32, #tpu.memory_space<vmem>>
    %dma_wait3A_83 = tpu.memref_squeeze %dma_wait3A_82 : memref<1x120xi32, #tpu.memory_space<vmem>> -> memref<120xi32, #tpu.memory_space<vmem>>
    %dma_wait3A_84 = arith.constant 0 : i32
    %dma_wait3A_85 = arith.constant 0 : i32
    %dma_wait3A_86 = tpu.memref_slice %arg11[%dma_wait3A_84, %dma_wait3A_85] : memref<5120x128xf32, #tpu.memory_space<vmem_shared>> -> memref<5120x128xf32, #tpu.memory_space<vmem_shared>>
    tpu.wait_indirect_dma semaphore(%arg16 : memref<!tpu.dma_semaphore, #tpu.memory_space<semaphore_mem>>) src(%dma_wait3A_80 : memref<120x128xf32, #tpu.memory_space<vmem>>) dst(%dma_wait3A_86 : memref<5120x128xf32, #tpu.memory_space<vmem_shared>>)
    %sub3A_87 = arith.constant 1 : i32
    %sub3A_88 = arith.subi %squeeze3A, %sub3A_87 : i32
    %mul3A_89 = arith.constant 3 : i32
    %mul3A_90 = arith.muli %sub3A_88, %mul3A_89 : i32
    %add3A_91 = arith.constant 2 : i32
    %add3A_92 = arith.addi %mul3A_90, %add3A_91 : i32
    %dma_wait3A_93 = arith.constant 2 : i32
    %dma_wait3A_94 = arith.constant 0 : i32
    %dma_wait3A_95 = arith.constant 0 : i32
    %dma_wait3A_96 = tpu.memref_slice %arg10[%dma_wait3A_93, %dma_wait3A_94, %dma_wait3A_95] : memref<3x120x128xf32, #tpu.memory_space<vmem>> -> memref<1x120x128xf32, #tpu.memory_space<vmem>>
    %dma_wait3A_97 = tpu.memref_squeeze %dma_wait3A_96 : memref<1x120x128xf32, #tpu.memory_space<vmem>> -> memref<120x128xf32, #tpu.memory_space<vmem>>
    %dma_wait3A_98 = arith.constant 0 : i32
    %dma_wait3A_99 = tpu.memref_slice %arg9[%add3A_92, %dma_wait3A_98] : memref<168x120xi32, #tpu.memory_space<vmem>> -> memref<1x120xi32, #tpu.memory_space<vmem>>
    %dma_wait3A_100 = tpu.memref_squeeze %dma_wait3A_99 : memref<1x120xi32, #tpu.memory_space<vmem>> -> memref<120xi32, #tpu.memory_space<vmem>>
    %dma_wait3A_101 = arith.constant 0 : i32
    %dma_wait3A_102 = arith.constant 0 : i32
    %dma_wait3A_103 = tpu.memref_slice %arg11[%dma_wait3A_101, %dma_wait3A_102] : memref<5120x128xf32, #tpu.memory_space<vmem_shared>> -> memref<5120x128xf32, #tpu.memory_space<vmem_shared>>
    tpu.wait_indirect_dma semaphore(%arg17 : memref<!tpu.dma_semaphore, #tpu.memory_space<semaphore_mem>>) src(%dma_wait3A_97 : memref<120x128xf32, #tpu.memory_space<vmem>>) dst(%dma_wait3A_103 : memref<5120x128xf32, #tpu.memory_space<vmem_shared>>)
    %barrier3A_104 = arith.constant 0 : index
    tpu.barrier barrier_id(%barrier3A_104)
    %mul3A_105 = arith.constant 320 : i32
    %mul3A_106 = arith.muli %arg1, %mul3A_105 : i32
    %mul3A_107 = arith.constant 320 : i32
    %mul3A_108 = arith.muli %arg1, %mul3A_107 : i32
    %run_scoped3A_109 = arith.constant 0 : i32
    "tpu.region"() ({
      %run_scoped3A_224 = tpu.sem_alloc : memref<!tpu.dma_semaphore, #tpu.memory_space<semaphore_mem>>
      %dma_start3A_225 = arith.constant 0 : i32
      %dma_start3A_226 = tpu.memref_slice %arg6[%run_scoped3A_109, %arg0, %mul3A_108, %dma_start3A_225] : memref<2x2x5120x128xf32, #tpu.memory_space<hbm>> -> memref<1x1x320x128xf32, #tpu.memory_space<hbm>>
      %dma_start3A_227 = tpu.memref_squeeze %dma_start3A_226 : memref<1x1x320x128xf32, #tpu.memory_space<hbm>> -> memref<320x128xf32, #tpu.memory_space<hbm>>
      %dma_start3A_228 = arith.constant 0 : i32
      %dma_start3A_229 = tpu.memref_slice %arg11[%mul3A_106, %dma_start3A_228] : memref<5120x128xf32, #tpu.memory_space<vmem_shared>> -> memref<320x128xf32, #tpu.memory_space<vmem_shared>>
      tpu.enqueue_dma source(%dma_start3A_229 : memref<320x128xf32, #tpu.memory_space<vmem_shared>>) target(%dma_start3A_227 : memref<320x128xf32, #tpu.memory_space<hbm>>) target_semaphore(%run_scoped3A_224 : memref<!tpu.dma_semaphore, #tpu.memory_space<semaphore_mem>>)
      %dma_wait3A_230 = arith.constant 0 : i32
      %dma_wait3A_231 = tpu.memref_slice %arg6[%run_scoped3A_109, %arg0, %mul3A_108, %dma_wait3A_230] : memref<2x2x5120x128xf32, #tpu.memory_space<hbm>> -> memref<1x1x320x128xf32, #tpu.memory_space<hbm>>
      %dma_wait3A_232 = tpu.memref_squeeze %dma_wait3A_231 : memref<1x1x320x128xf32, #tpu.memory_space<hbm>> -> memref<320x128xf32, #tpu.memory_space<hbm>>
      %dma_wait3A_233 = arith.constant 0 : i32
      %dma_wait3A_234 = tpu.memref_slice %arg11[%mul3A_106, %dma_wait3A_233] : memref<5120x128xf32, #tpu.memory_space<vmem_shared>> -> memref<320x128xf32, #tpu.memory_space<vmem_shared>>
      tpu.wait_dma2 semaphore(%run_scoped3A_224 : memref<!tpu.dma_semaphore, #tpu.memory_space<semaphore_mem>>) src(%dma_wait3A_234 : memref<320x128xf32, #tpu.memory_space<vmem_shared>>) dst(%dma_wait3A_232 : memref<320x128xf32, #tpu.memory_space<hbm>>)
      tpu.yield
    }) : () -> ()
    %run_scoped3A_110 = arith.constant 1 : i32
    "tpu.region"() ({
      %run_scoped3A_224 = tpu.sem_alloc : memref<!tpu.dma_semaphore, #tpu.memory_space<semaphore_mem>>
      %dma_start3A_225 = arith.constant 0 : i32
      %dma_start3A_226 = arith.constant 0 : i32
      %dma_start3A_227 = tpu.memref_slice %arg3[%arg0, %run_scoped3A_110, %arg1, %dma_start3A_225, %dma_start3A_226] : memref<2x2x16x168x120xi32, #tpu.memory_space<hbm>> -> memref<1x1x1x168x120xi32, #tpu.memory_space<hbm>>
      %dma_start3A_228 = tpu.memref_squeeze %dma_start3A_227 : memref<1x1x1x168x120xi32, #tpu.memory_space<hbm>> -> memref<168x120xi32, #tpu.memory_space<hbm>>
      %dma_start3A_229 = arith.constant 0 : i32
      %dma_start3A_230 = arith.constant 0 : i32
      %dma_start3A_231 = tpu.memref_slice %arg3[%arg0, %run_scoped3A_110, %arg1, %dma_start3A_229, %dma_start3A_230] : memref<2x2x16x168x120xi32, #tpu.memory_space<hbm>> -> memref<1x1x1x168x120xi32, #tpu.memory_space<hbm>>
      %dma_start3A_232 = tpu.memref_squeeze %dma_start3A_231 : memref<1x1x1x168x120xi32, #tpu.memory_space<hbm>> -> memref<168x120xi32, #tpu.memory_space<hbm>>
      tpu.enqueue_dma source(%dma_start3A_232 : memref<168x120xi32, #tpu.memory_space<hbm>>) target(%arg8 : memref<168x120xi32, #tpu.memory_space<vmem>>) target_semaphore(%run_scoped3A_224 : memref<!tpu.dma_semaphore, #tpu.memory_space<semaphore_mem>>)
      %dma_wait3A_233 = arith.constant 0 : i32
      %dma_wait3A_234 = arith.constant 0 : i32
      %dma_wait3A_235 = tpu.memref_slice %arg3[%arg0, %run_scoped3A_110, %arg1, %dma_wait3A_233, %dma_wait3A_234] : memref<2x2x16x168x120xi32, #tpu.memory_space<hbm>> -> memref<1x1x1x168x120xi32, #tpu.memory_space<hbm>>
      %dma_wait3A_236 = tpu.memref_squeeze %dma_wait3A_235 : memref<1x1x1x168x120xi32, #tpu.memory_space<hbm>> -> memref<168x120xi32, #tpu.memory_space<hbm>>
      %dma_wait3A_237 = arith.constant 0 : i32
      %dma_wait3A_238 = arith.constant 0 : i32
      %dma_wait3A_239 = tpu.memref_slice %arg3[%arg0, %run_scoped3A_110, %arg1, %dma_wait3A_237, %dma_wait3A_238] : memref<2x2x16x168x120xi32, #tpu.memory_space<hbm>> -> memref<1x1x1x168x120xi32, #tpu.memory_space<hbm>>
      %dma_wait3A_240 = tpu.memref_squeeze %dma_wait3A_239 : memref<1x1x1x168x120xi32, #tpu.memory_space<hbm>> -> memref<168x120xi32, #tpu.memory_space<hbm>>
      tpu.wait_dma2 semaphore(%run_scoped3A_224 : memref<!tpu.dma_semaphore, #tpu.memory_space<semaphore_mem>>) src(%dma_wait3A_240 : memref<168x120xi32, #tpu.memory_space<hbm>>) dst(%arg8 : memref<168x120xi32, #tpu.memory_space<vmem>>)
      tpu.yield
    }) : () -> ()
    %mul3A_111 = arith.constant 5120 : i32
    %mul3A_112 = arith.muli %arg0, %mul3A_111 : i32
    %add3A_113 = arith.constant 20480 : i32
    %add3A_114 = arith.addi %add3A_113, %mul3A_112 : i32
    %mul3A_115 = arith.constant 320 : i32
    %mul3A_116 = arith.muli %arg1, %mul3A_115 : i32
    %add3A_117 = arith.addi %add3A_114, %mul3A_116 : i32
    %mul3A_118 = arith.constant 320 : i32
    %mul3A_119 = arith.muli %arg1, %mul3A_118 : i32
    "tpu.region"() ({
      %run_scoped3A_224 = tpu.sem_alloc : memref<!tpu.dma_semaphore, #tpu.memory_space<semaphore_mem>>
      %dma_start3A_225 = arith.constant 0 : i32
      %dma_start3A_226 = tpu.memref_slice %arg11[%mul3A_119, %dma_start3A_225] : memref<5120x128xf32, #tpu.memory_space<vmem_shared>> -> memref<320x128xf32, #tpu.memory_space<vmem_shared>>
      %dma_start3A_227 = arith.constant 0 : i32
      %dma_start3A_228 = tpu.memref_slice %arg2[%add3A_117, %dma_start3A_227] : memref<30720x128xf32, #tpu.memory_space<hbm>> -> memref<320x128xf32, #tpu.memory_space<hbm>>
      tpu.enqueue_dma source(%dma_start3A_228 : memref<320x128xf32, #tpu.memory_space<hbm>>) target(%dma_start3A_226 : memref<320x128xf32, #tpu.memory_space<vmem_shared>>) target_semaphore(%run_scoped3A_224 : memref<!tpu.dma_semaphore, #tpu.memory_space<semaphore_mem>>)
      %dma_wait3A_229 = arith.constant 0 : i32
      %dma_wait3A_230 = tpu.memref_slice %arg11[%mul3A_119, %dma_wait3A_229] : memref<5120x128xf32, #tpu.memory_space<vmem_shared>> -> memref<320x128xf32, #tpu.memory_space<vmem_shared>>
      %dma_wait3A_231 = arith.constant 0 : i32
      %dma_wait3A_232 = tpu.memref_slice %arg2[%add3A_117, %dma_wait3A_231] : memref<30720x128xf32, #tpu.memory_space<hbm>> -> memref<320x128xf32, #tpu.memory_space<hbm>>
      tpu.wait_dma2 semaphore(%run_scoped3A_224 : memref<!tpu.dma_semaphore, #tpu.memory_space<semaphore_mem>>) src(%dma_wait3A_232 : memref<320x128xf32, #tpu.memory_space<hbm>>) dst(%dma_wait3A_230 : memref<320x128xf32, #tpu.memory_space<vmem_shared>>)
      tpu.yield
    }) : () -> ()
    %dma_start3A_120 = arith.constant 0 : i32
    %dma_start3A_121 = arith.constant 0 : i32
    %dma_start3A_122 = arith.constant 0 : i32
    %dma_start3A_123 = arith.constant 0 : i32
    %dma_start3A_124 = tpu.memref_slice %arg10[%dma_start3A_121, %dma_start3A_122, %dma_start3A_123] : memref<3x120x128xf32, #tpu.memory_space<vmem>> -> memref<1x120x128xf32, #tpu.memory_space<vmem>>
    %dma_start3A_125 = tpu.memref_squeeze %dma_start3A_124 : memref<1x120x128xf32, #tpu.memory_space<vmem>> -> memref<120x128xf32, #tpu.memory_space<vmem>>
    %dma_start3A_126 = arith.constant 0 : i32
    %dma_start3A_127 = tpu.memref_slice %arg8[%dma_start3A_120, %dma_start3A_126] : memref<168x120xi32, #tpu.memory_space<vmem>> -> memref<1x120xi32, #tpu.memory_space<vmem>>
    %dma_start3A_128 = tpu.memref_squeeze %dma_start3A_127 : memref<1x120xi32, #tpu.memory_space<vmem>> -> memref<120xi32, #tpu.memory_space<vmem>>
    %dma_start3A_129 = arith.constant 0 : i32
    %dma_start3A_130 = arith.constant 0 : i32
    %dma_start3A_131 = tpu.memref_slice %arg2[%dma_start3A_129, %dma_start3A_130] : memref<30720x128xf32, #tpu.memory_space<hbm>> -> memref<30720x128xf32, #tpu.memory_space<hbm>>
    tpu.enqueue_indirect_dma source(%dma_start3A_131 : memref<30720x128xf32, #tpu.memory_space<hbm>>) target(%dma_start3A_125 : memref<120x128xf32, #tpu.memory_space<vmem>>) offsets(%dma_start3A_128 : memref<120xi32, #tpu.memory_space<vmem>>) semaphore(%arg12 : memref<!tpu.dma_semaphore, #tpu.memory_space<semaphore_mem>>)
    %dma_start3A_132 = arith.constant 1 : i32
    %dma_start3A_133 = arith.constant 1 : i32
    %dma_start3A_134 = arith.constant 0 : i32
    %dma_start3A_135 = arith.constant 0 : i32
    %dma_start3A_136 = tpu.memref_slice %arg10[%dma_start3A_133, %dma_start3A_134, %dma_start3A_135] : memref<3x120x128xf32, #tpu.memory_space<vmem>> -> memref<1x120x128xf32, #tpu.memory_space<vmem>>
    %dma_start3A_137 = tpu.memref_squeeze %dma_start3A_136 : memref<1x120x128xf32, #tpu.memory_space<vmem>> -> memref<120x128xf32, #tpu.memory_space<vmem>>
    %dma_start3A_138 = arith.constant 0 : i32
    %dma_start3A_139 = tpu.memref_slice %arg8[%dma_start3A_132, %dma_start3A_138] : memref<168x120xi32, #tpu.memory_space<vmem>> -> memref<1x120xi32, #tpu.memory_space<vmem>>
    %dma_start3A_140 = tpu.memref_squeeze %dma_start3A_139 : memref<1x120xi32, #tpu.memory_space<vmem>> -> memref<120xi32, #tpu.memory_space<vmem>>
    %dma_start3A_141 = arith.constant 0 : i32
    %dma_start3A_142 = arith.constant 0 : i32
    %dma_start3A_143 = tpu.memref_slice %arg2[%dma_start3A_141, %dma_start3A_142] : memref<30720x128xf32, #tpu.memory_space<hbm>> -> memref<30720x128xf32, #tpu.memory_space<hbm>>
    tpu.enqueue_indirect_dma source(%dma_start3A_143 : memref<30720x128xf32, #tpu.memory_space<hbm>>) target(%dma_start3A_137 : memref<120x128xf32, #tpu.memory_space<vmem>>) offsets(%dma_start3A_140 : memref<120xi32, #tpu.memory_space<vmem>>) semaphore(%arg13 : memref<!tpu.dma_semaphore, #tpu.memory_space<semaphore_mem>>)
    %dma_start3A_144 = arith.constant 2 : i32
    %dma_start3A_145 = arith.constant 2 : i32
    %dma_start3A_146 = arith.constant 0 : i32
    %dma_start3A_147 = arith.constant 0 : i32
    %dma_start3A_148 = tpu.memref_slice %arg10[%dma_start3A_145, %dma_start3A_146, %dma_start3A_147] : memref<3x120x128xf32, #tpu.memory_space<vmem>> -> memref<1x120x128xf32, #tpu.memory_space<vmem>>
    %dma_start3A_149 = tpu.memref_squeeze %dma_start3A_148 : memref<1x120x128xf32, #tpu.memory_space<vmem>> -> memref<120x128xf32, #tpu.memory_space<vmem>>
    %dma_start3A_150 = arith.constant 0 : i32
    %dma_start3A_151 = tpu.memref_slice %arg8[%dma_start3A_144, %dma_start3A_150] : memref<168x120xi32, #tpu.memory_space<vmem>> -> memref<1x120xi32, #tpu.memory_space<vmem>>
    %dma_start3A_152 = tpu.memref_squeeze %dma_start3A_151 : memref<1x120xi32, #tpu.memory_space<vmem>> -> memref<120xi32, #tpu.memory_space<vmem>>
    %dma_start3A_153 = arith.constant 0 : i32
    %dma_start3A_154 = arith.constant 0 : i32
    %dma_start3A_155 = tpu.memref_slice %arg2[%dma_start3A_153, %dma_start3A_154] : memref<30720x128xf32, #tpu.memory_space<hbm>> -> memref<30720x128xf32, #tpu.memory_space<hbm>>
    tpu.enqueue_indirect_dma source(%dma_start3A_155 : memref<30720x128xf32, #tpu.memory_space<hbm>>) target(%dma_start3A_149 : memref<120x128xf32, #tpu.memory_space<vmem>>) offsets(%dma_start3A_152 : memref<120xi32, #tpu.memory_space<vmem>>) semaphore(%arg14 : memref<!tpu.dma_semaphore, #tpu.memory_space<semaphore_mem>>)
    %barrier3A_156 = arith.constant 0 : index
    tpu.barrier barrier_id(%barrier3A_156)
    %while3A_157 = arith.constant 0 : i32
    %while3A_158 = arith.constant 0 : i32
    %while3A_159 = arith.subi %squeeze3A, %while3A_158 : i32
    %while3A_160 = arith.addi %while3A_158, %while3A_159 : i32
    %while3A_161 = arith.constant 1 : i32
    %while3A_162 = arith.divsi %while3A_159, %while3A_161 : i32
    %while3A_163 = arith.muli %while3A_162, %while3A_161 : i32
    %while3A_164 = arith.addi %while3A_158, %while3A_163 : i32
    %while3A_165 = arith.constant 1 : i32
    scf.for %while3A_224 = %while3A_158 to %while3A_164 step %while3A_165  : i32 {
      %mul3A_225 = arith.constant 3 : i32
      %mul3A_226 = arith.muli %while3A_224, %mul3A_225 : i32
      %add3A_227 = arith.constant 0 : i32
      %add3A_228 = arith.addi %mul3A_226, %add3A_227 : i32
      %dma_wait3A_229 = arith.constant 0 : i32
      %dma_wait3A_230 = arith.constant 0 : i32
      %dma_wait3A_231 = arith.constant 0 : i32
      %dma_wait3A_232 = tpu.memref_slice %arg10[%dma_wait3A_229, %dma_wait3A_230, %dma_wait3A_231] : memref<3x120x128xf32, #tpu.memory_space<vmem>> -> memref<1x120x128xf32, #tpu.memory_space<vmem>>
      %dma_wait3A_233 = tpu.memref_squeeze %dma_wait3A_232 : memref<1x120x128xf32, #tpu.memory_space<vmem>> -> memref<120x128xf32, #tpu.memory_space<vmem>>
      %dma_wait3A_234 = arith.constant 0 : i32
      %dma_wait3A_235 = tpu.memref_slice %arg8[%add3A_228, %dma_wait3A_234] : memref<168x120xi32, #tpu.memory_space<vmem>> -> memref<1x120xi32, #tpu.memory_space<vmem>>
      %dma_wait3A_236 = tpu.memref_squeeze %dma_wait3A_235 : memref<1x120xi32, #tpu.memory_space<vmem>> -> memref<120xi32, #tpu.memory_space<vmem>>
      %dma_wait3A_237 = arith.constant 0 : i32
      %dma_wait3A_238 = arith.constant 0 : i32
      %dma_wait3A_239 = tpu.memref_slice %arg2[%dma_wait3A_237, %dma_wait3A_238] : memref<30720x128xf32, #tpu.memory_space<hbm>> -> memref<30720x128xf32, #tpu.memory_space<hbm>>
      tpu.wait_indirect_dma semaphore(%arg12 : memref<!tpu.dma_semaphore, #tpu.memory_space<semaphore_mem>>) src(%dma_wait3A_239 : memref<30720x128xf32, #tpu.memory_space<hbm>>) dst(%dma_wait3A_233 : memref<120x128xf32, #tpu.memory_space<vmem>>)
      %dma_start3A_240 = arith.constant 0 : i32
      %dma_start3A_241 = arith.constant 0 : i32
      %dma_start3A_242 = arith.constant 0 : i32
      %dma_start3A_243 = tpu.memref_slice %arg10[%dma_start3A_240, %dma_start3A_241, %dma_start3A_242] : memref<3x120x128xf32, #tpu.memory_space<vmem>> -> memref<1x120x128xf32, #tpu.memory_space<vmem>>
      %dma_start3A_244 = tpu.memref_squeeze %dma_start3A_243 : memref<1x120x128xf32, #tpu.memory_space<vmem>> -> memref<120x128xf32, #tpu.memory_space<vmem>>
      %dma_start3A_245 = arith.constant 0 : i32
      %dma_start3A_246 = tpu.memref_slice %arg9[%add3A_228, %dma_start3A_245] : memref<168x120xi32, #tpu.memory_space<vmem>> -> memref<1x120xi32, #tpu.memory_space<vmem>>
      %dma_start3A_247 = tpu.memref_squeeze %dma_start3A_246 : memref<1x120xi32, #tpu.memory_space<vmem>> -> memref<120xi32, #tpu.memory_space<vmem>>
      %dma_start3A_248 = arith.constant 0 : i32
      %dma_start3A_249 = arith.constant 0 : i32
      %dma_start3A_250 = tpu.memref_slice %arg11[%dma_start3A_248, %dma_start3A_249] : memref<5120x128xf32, #tpu.memory_space<vmem_shared>> -> memref<5120x128xf32, #tpu.memory_space<vmem_shared>>
      tpu.enqueue_indirect_dma source(%dma_start3A_244 : memref<120x128xf32, #tpu.memory_space<vmem>>) target(%dma_start3A_250 : memref<5120x128xf32, #tpu.memory_space<vmem_shared>>) offsets(%dma_start3A_247 : memref<120xi32, #tpu.memory_space<vmem>>) semaphore(%arg15 : memref<!tpu.dma_semaphore, #tpu.memory_space<semaphore_mem>>) {add = true}
      %mul3A_251 = arith.constant 3 : i32
      %mul3A_252 = arith.muli %while3A_224, %mul3A_251 : i32
      %add3A_253 = arith.constant 1 : i32
      %add3A_254 = arith.addi %mul3A_252, %add3A_253 : i32
      %dma_wait3A_255 = arith.constant 1 : i32
      %dma_wait3A_256 = arith.constant 0 : i32
      %dma_wait3A_257 = arith.constant 0 : i32
      %dma_wait3A_258 = tpu.memref_slice %arg10[%dma_wait3A_255, %dma_wait3A_256, %dma_wait3A_257] : memref<3x120x128xf32, #tpu.memory_space<vmem>> -> memref<1x120x128xf32, #tpu.memory_space<vmem>>
      %dma_wait3A_259 = tpu.memref_squeeze %dma_wait3A_258 : memref<1x120x128xf32, #tpu.memory_space<vmem>> -> memref<120x128xf32, #tpu.memory_space<vmem>>
      %dma_wait3A_260 = arith.constant 0 : i32
      %dma_wait3A_261 = tpu.memref_slice %arg8[%add3A_254, %dma_wait3A_260] : memref<168x120xi32, #tpu.memory_space<vmem>> -> memref<1x120xi32, #tpu.memory_space<vmem>>
      %dma_wait3A_262 = tpu.memref_squeeze %dma_wait3A_261 : memref<1x120xi32, #tpu.memory_space<vmem>> -> memref<120xi32, #tpu.memory_space<vmem>>
      %dma_wait3A_263 = arith.constant 0 : i32
      %dma_wait3A_264 = arith.constant 0 : i32
      %dma_wait3A_265 = tpu.memref_slice %arg2[%dma_wait3A_263, %dma_wait3A_264] : memref<30720x128xf32, #tpu.memory_space<hbm>> -> memref<30720x128xf32, #tpu.memory_space<hbm>>
      tpu.wait_indirect_dma semaphore(%arg13 : memref<!tpu.dma_semaphore, #tpu.memory_space<semaphore_mem>>) src(%dma_wait3A_265 : memref<30720x128xf32, #tpu.memory_space<hbm>>) dst(%dma_wait3A_259 : memref<120x128xf32, #tpu.memory_space<vmem>>)
      %dma_start3A_266 = arith.constant 1 : i32
      %dma_start3A_267 = arith.constant 0 : i32
      %dma_start3A_268 = arith.constant 0 : i32
      %dma_start3A_269 = tpu.memref_slice %arg10[%dma_start3A_266, %dma_start3A_267, %dma_start3A_268] : memref<3x120x128xf32, #tpu.memory_space<vmem>> -> memref<1x120x128xf32, #tpu.memory_space<vmem>>
      %dma_start3A_270 = tpu.memref_squeeze %dma_start3A_269 : memref<1x120x128xf32, #tpu.memory_space<vmem>> -> memref<120x128xf32, #tpu.memory_space<vmem>>
      %dma_start3A_271 = arith.constant 0 : i32
      %dma_start3A_272 = tpu.memref_slice %arg9[%add3A_254, %dma_start3A_271] : memref<168x120xi32, #tpu.memory_space<vmem>> -> memref<1x120xi32, #tpu.memory_space<vmem>>
      %dma_start3A_273 = tpu.memref_squeeze %dma_start3A_272 : memref<1x120xi32, #tpu.memory_space<vmem>> -> memref<120xi32, #tpu.memory_space<vmem>>
      %dma_start3A_274 = arith.constant 0 : i32
      %dma_start3A_275 = arith.constant 0 : i32
      %dma_start3A_276 = tpu.memref_slice %arg11[%dma_start3A_274, %dma_start3A_275] : memref<5120x128xf32, #tpu.memory_space<vmem_shared>> -> memref<5120x128xf32, #tpu.memory_space<vmem_shared>>
      tpu.enqueue_indirect_dma source(%dma_start3A_270 : memref<120x128xf32, #tpu.memory_space<vmem>>) target(%dma_start3A_276 : memref<5120x128xf32, #tpu.memory_space<vmem_shared>>) offsets(%dma_start3A_273 : memref<120xi32, #tpu.memory_space<vmem>>) semaphore(%arg16 : memref<!tpu.dma_semaphore, #tpu.memory_space<semaphore_mem>>) {add = true}
      %mul3A_277 = arith.constant 3 : i32
      %mul3A_278 = arith.muli %while3A_224, %mul3A_277 : i32
      %add3A_279 = arith.constant 2 : i32
      %add3A_280 = arith.addi %mul3A_278, %add3A_279 : i32
      %dma_wait3A_281 = arith.constant 2 : i32
      %dma_wait3A_282 = arith.constant 0 : i32
      %dma_wait3A_283 = arith.constant 0 : i32
      %dma_wait3A_284 = tpu.memref_slice %arg10[%dma_wait3A_281, %dma_wait3A_282, %dma_wait3A_283] : memref<3x120x128xf32, #tpu.memory_space<vmem>> -> memref<1x120x128xf32, #tpu.memory_space<vmem>>
      %dma_wait3A_285 = tpu.memref_squeeze %dma_wait3A_284 : memref<1x120x128xf32, #tpu.memory_space<vmem>> -> memref<120x128xf32, #tpu.memory_space<vmem>>
      %dma_wait3A_286 = arith.constant 0 : i32
      %dma_wait3A_287 = tpu.memref_slice %arg8[%add3A_280, %dma_wait3A_286] : memref<168x120xi32, #tpu.memory_space<vmem>> -> memref<1x120xi32, #tpu.memory_space<vmem>>
      %dma_wait3A_288 = tpu.memref_squeeze %dma_wait3A_287 : memref<1x120xi32, #tpu.memory_space<vmem>> -> memref<120xi32, #tpu.memory_space<vmem>>
      %dma_wait3A_289 = arith.constant 0 : i32
      %dma_wait3A_290 = arith.constant 0 : i32
      %dma_wait3A_291 = tpu.memref_slice %arg2[%dma_wait3A_289, %dma_wait3A_290] : memref<30720x128xf32, #tpu.memory_space<hbm>> -> memref<30720x128xf32, #tpu.memory_space<hbm>>
      tpu.wait_indirect_dma semaphore(%arg14 : memref<!tpu.dma_semaphore, #tpu.memory_space<semaphore_mem>>) src(%dma_wait3A_291 : memref<30720x128xf32, #tpu.memory_space<hbm>>) dst(%dma_wait3A_285 : memref<120x128xf32, #tpu.memory_space<vmem>>)
      %dma_start3A_292 = arith.constant 2 : i32
      %dma_start3A_293 = arith.constant 0 : i32
      %dma_start3A_294 = arith.constant 0 : i32
      %dma_start3A_295 = tpu.memref_slice %arg10[%dma_start3A_292, %dma_start3A_293, %dma_start3A_294] : memref<3x120x128xf32, #tpu.memory_space<vmem>> -> memref<1x120x128xf32, #tpu.memory_space<vmem>>
      %dma_start3A_296 = tpu.memref_squeeze %dma_start3A_295 : memref<1x120x128xf32, #tpu.memory_space<vmem>> -> memref<120x128xf32, #tpu.memory_space<vmem>>
      %dma_start3A_297 = arith.constant 0 : i32
      %dma_start3A_298 = tpu.memref_slice %arg9[%add3A_280, %dma_start3A_297] : memref<168x120xi32, #tpu.memory_space<vmem>> -> memref<1x120xi32, #tpu.memory_space<vmem>>
      %dma_start3A_299 = tpu.memref_squeeze %dma_start3A_298 : memref<1x120xi32, #tpu.memory_space<vmem>> -> memref<120xi32, #tpu.memory_space<vmem>>
      %dma_start3A_300 = arith.constant 0 : i32
      %dma_start3A_301 = arith.constant 0 : i32
      %dma_start3A_302 = tpu.memref_slice %arg11[%dma_start3A_300, %dma_start3A_301] : memref<5120x128xf32, #tpu.memory_space<vmem_shared>> -> memref<5120x128xf32, #tpu.memory_space<vmem_shared>>
      tpu.enqueue_indirect_dma source(%dma_start3A_296 : memref<120x128xf32, #tpu.memory_space<vmem>>) target(%dma_start3A_302 : memref<5120x128xf32, #tpu.memory_space<vmem_shared>>) offsets(%dma_start3A_299 : memref<120xi32, #tpu.memory_space<vmem>>) semaphore(%arg17 : memref<!tpu.dma_semaphore, #tpu.memory_space<semaphore_mem>>) {add = true}
      %mul3A_303 = arith.constant 3 : i32
      %mul3A_304 = arith.muli %while3A_224, %mul3A_303 : i32
      %add3A_305 = arith.constant 0 : i32
      %add3A_306 = arith.addi %mul3A_304, %add3A_305 : i32
      %add3A_307 = arith.constant 3 : i32
      %add3A_308 = arith.addi %add3A_306, %add3A_307 : i32
      %lt3A = arith.cmpi slt, %add3A_308, %mul3A_2 : i32
      %convert_element_type3A = arith.extui %lt3A : i1 to i32
      %cond3A = arith.constant 0 : i32
      %cond3A_309 = arith.cmpi ne, %convert_element_type3A, %cond3A : i32
      scf.if %cond3A_309 {
        %dma_wait3A_330 = arith.constant 0 : i32
        %dma_wait3A_331 = arith.constant 0 : i32
        %dma_wait3A_332 = arith.constant 0 : i32
        %dma_wait3A_333 = tpu.memref_slice %arg10[%dma_wait3A_330, %dma_wait3A_331, %dma_wait3A_332] : memref<3x120x128xf32, #tpu.memory_space<vmem>> -> memref<1x120x128xf32, #tpu.memory_space<vmem>>
        %dma_wait3A_334 = tpu.memref_squeeze %dma_wait3A_333 : memref<1x120x128xf32, #tpu.memory_space<vmem>> -> memref<120x128xf32, #tpu.memory_space<vmem>>
        %dma_wait3A_335 = arith.constant 0 : i32
        %dma_wait3A_336 = tpu.memref_slice %arg9[%add3A_306, %dma_wait3A_335] : memref<168x120xi32, #tpu.memory_space<vmem>> -> memref<1x120xi32, #tpu.memory_space<vmem>>
        %dma_wait3A_337 = tpu.memref_squeeze %dma_wait3A_336 : memref<1x120xi32, #tpu.memory_space<vmem>> -> memref<120xi32, #tpu.memory_space<vmem>>
        %dma_wait3A_338 = arith.constant 0 : i32
        %dma_wait3A_339 = arith.constant 0 : i32
        %dma_wait3A_340 = tpu.memref_slice %arg11[%dma_wait3A_338, %dma_wait3A_339] : memref<5120x128xf32, #tpu.memory_space<vmem_shared>> -> memref<5120x128xf32, #tpu.memory_space<vmem_shared>>
        tpu.wait_indirect_dma semaphore(%arg15 : memref<!tpu.dma_semaphore, #tpu.memory_space<semaphore_mem>>) src(%dma_wait3A_334 : memref<120x128xf32, #tpu.memory_space<vmem>>) dst(%dma_wait3A_340 : memref<5120x128xf32, #tpu.memory_space<vmem_shared>>)
        %dma_start3A_341 = arith.constant 0 : i32
        %dma_start3A_342 = arith.constant 0 : i32
        %dma_start3A_343 = arith.constant 0 : i32
        %dma_start3A_344 = tpu.memref_slice %arg10[%dma_start3A_341, %dma_start3A_342, %dma_start3A_343] : memref<3x120x128xf32, #tpu.memory_space<vmem>> -> memref<1x120x128xf32, #tpu.memory_space<vmem>>
        %dma_start3A_345 = tpu.memref_squeeze %dma_start3A_344 : memref<1x120x128xf32, #tpu.memory_space<vmem>> -> memref<120x128xf32, #tpu.memory_space<vmem>>
        %dma_start3A_346 = arith.constant 0 : i32
        %dma_start3A_347 = tpu.memref_slice %arg8[%add3A_308, %dma_start3A_346] : memref<168x120xi32, #tpu.memory_space<vmem>> -> memref<1x120xi32, #tpu.memory_space<vmem>>
        %dma_start3A_348 = tpu.memref_squeeze %dma_start3A_347 : memref<1x120xi32, #tpu.memory_space<vmem>> -> memref<120xi32, #tpu.memory_space<vmem>>
        %dma_start3A_349 = arith.constant 0 : i32
        %dma_start3A_350 = arith.constant 0 : i32
        %dma_start3A_351 = tpu.memref_slice %arg2[%dma_start3A_349, %dma_start3A_350] : memref<30720x128xf32, #tpu.memory_space<hbm>> -> memref<30720x128xf32, #tpu.memory_space<hbm>>
        tpu.enqueue_indirect_dma source(%dma_start3A_351 : memref<30720x128xf32, #tpu.memory_space<hbm>>) target(%dma_start3A_345 : memref<120x128xf32, #tpu.memory_space<vmem>>) offsets(%dma_start3A_348 : memref<120xi32, #tpu.memory_space<vmem>>) semaphore(%arg12 : memref<!tpu.dma_semaphore, #tpu.memory_space<semaphore_mem>>)
      } else {
      }
      %mul3A_310 = arith.constant 3 : i32
      %mul3A_311 = arith.muli %while3A_224, %mul3A_310 : i32
      %add3A_312 = arith.constant 1 : i32
      %add3A_313 = arith.addi %mul3A_311, %add3A_312 : i32
      %add3A_314 = arith.constant 3 : i32
      %add3A_315 = arith.addi %add3A_313, %add3A_314 : i32
      %lt3A_316 = arith.cmpi slt, %add3A_315, %mul3A_2 : i32
      %convert_element_type3A_317 = arith.extui %lt3A_316 : i1 to i32
      %cond3A_318 = arith.constant 0 : i32
      %cond3A_319 = arith.cmpi ne, %convert_element_type3A_317, %cond3A_318 : i32
      scf.if %cond3A_319 {
        %dma_wait3A_330 = arith.constant 1 : i32
        %dma_wait3A_331 = arith.constant 0 : i32
        %dma_wait3A_332 = arith.constant 0 : i32
        %dma_wait3A_333 = tpu.memref_slice %arg10[%dma_wait3A_330, %dma_wait3A_331, %dma_wait3A_332] : memref<3x120x128xf32, #tpu.memory_space<vmem>> -> memref<1x120x128xf32, #tpu.memory_space<vmem>>
        %dma_wait3A_334 = tpu.memref_squeeze %dma_wait3A_333 : memref<1x120x128xf32, #tpu.memory_space<vmem>> -> memref<120x128xf32, #tpu.memory_space<vmem>>
        %dma_wait3A_335 = arith.constant 0 : i32
        %dma_wait3A_336 = tpu.memref_slice %arg9[%add3A_313, %dma_wait3A_335] : memref<168x120xi32, #tpu.memory_space<vmem>> -> memref<1x120xi32, #tpu.memory_space<vmem>>
        %dma_wait3A_337 = tpu.memref_squeeze %dma_wait3A_336 : memref<1x120xi32, #tpu.memory_space<vmem>> -> memref<120xi32, #tpu.memory_space<vmem>>
        %dma_wait3A_338 = arith.constant 0 : i32
        %dma_wait3A_339 = arith.constant 0 : i32
        %dma_wait3A_340 = tpu.memref_slice %arg11[%dma_wait3A_338, %dma_wait3A_339] : memref<5120x128xf32, #tpu.memory_space<vmem_shared>> -> memref<5120x128xf32, #tpu.memory_space<vmem_shared>>
        tpu.wait_indirect_dma semaphore(%arg16 : memref<!tpu.dma_semaphore, #tpu.memory_space<semaphore_mem>>) src(%dma_wait3A_334 : memref<120x128xf32, #tpu.memory_space<vmem>>) dst(%dma_wait3A_340 : memref<5120x128xf32, #tpu.memory_space<vmem_shared>>)
        %dma_start3A_341 = arith.constant 1 : i32
        %dma_start3A_342 = arith.constant 0 : i32
        %dma_start3A_343 = arith.constant 0 : i32
        %dma_start3A_344 = tpu.memref_slice %arg10[%dma_start3A_341, %dma_start3A_342, %dma_start3A_343] : memref<3x120x128xf32, #tpu.memory_space<vmem>> -> memref<1x120x128xf32, #tpu.memory_space<vmem>>
        %dma_start3A_345 = tpu.memref_squeeze %dma_start3A_344 : memref<1x120x128xf32, #tpu.memory_space<vmem>> -> memref<120x128xf32, #tpu.memory_space<vmem>>
        %dma_start3A_346 = arith.constant 0 : i32
        %dma_start3A_347 = tpu.memref_slice %arg8[%add3A_315, %dma_start3A_346] : memref<168x120xi32, #tpu.memory_space<vmem>> -> memref<1x120xi32, #tpu.memory_space<vmem>>
        %dma_start3A_348 = tpu.memref_squeeze %dma_start3A_347 : memref<1x120xi32, #tpu.memory_space<vmem>> -> memref<120xi32, #tpu.memory_space<vmem>>
        %dma_start3A_349 = arith.constant 0 : i32
        %dma_start3A_350 = arith.constant 0 : i32
        %dma_start3A_351 = tpu.memref_slice %arg2[%dma_start3A_349, %dma_start3A_350] : memref<30720x128xf32, #tpu.memory_space<hbm>> -> memref<30720x128xf32, #tpu.memory_space<hbm>>
        tpu.enqueue_indirect_dma source(%dma_start3A_351 : memref<30720x128xf32, #tpu.memory_space<hbm>>) target(%dma_start3A_345 : memref<120x128xf32, #tpu.memory_space<vmem>>) offsets(%dma_start3A_348 : memref<120xi32, #tpu.memory_space<vmem>>) semaphore(%arg13 : memref<!tpu.dma_semaphore, #tpu.memory_space<semaphore_mem>>)
      } else {
      }
      %mul3A_320 = arith.constant 3 : i32
      %mul3A_321 = arith.muli %while3A_224, %mul3A_320 : i32
      %add3A_322 = arith.constant 2 : i32
      %add3A_323 = arith.addi %mul3A_321, %add3A_322 : i32
      %add3A_324 = arith.constant 3 : i32
      %add3A_325 = arith.addi %add3A_323, %add3A_324 : i32
      %lt3A_326 = arith.cmpi slt, %add3A_325, %mul3A_2 : i32
      %convert_element_type3A_327 = arith.extui %lt3A_326 : i1 to i32
      %cond3A_328 = arith.constant 0 : i32
      %cond3A_329 = arith.cmpi ne, %convert_element_type3A_327, %cond3A_328 : i32
      scf.if %cond3A_329 {
        %dma_wait3A_330 = arith.constant 2 : i32
        %dma_wait3A_331 = arith.constant 0 : i32
        %dma_wait3A_332 = arith.constant 0 : i32
        %dma_wait3A_333 = tpu.memref_slice %arg10[%dma_wait3A_330, %dma_wait3A_331, %dma_wait3A_332] : memref<3x120x128xf32, #tpu.memory_space<vmem>> -> memref<1x120x128xf32, #tpu.memory_space<vmem>>
        %dma_wait3A_334 = tpu.memref_squeeze %dma_wait3A_333 : memref<1x120x128xf32, #tpu.memory_space<vmem>> -> memref<120x128xf32, #tpu.memory_space<vmem>>
        %dma_wait3A_335 = arith.constant 0 : i32
        %dma_wait3A_336 = tpu.memref_slice %arg9[%add3A_323, %dma_wait3A_335] : memref<168x120xi32, #tpu.memory_space<vmem>> -> memref<1x120xi32, #tpu.memory_space<vmem>>
        %dma_wait3A_337 = tpu.memref_squeeze %dma_wait3A_336 : memref<1x120xi32, #tpu.memory_space<vmem>> -> memref<120xi32, #tpu.memory_space<vmem>>
        %dma_wait3A_338 = arith.constant 0 : i32
        %dma_wait3A_339 = arith.constant 0 : i32
        %dma_wait3A_340 = tpu.memref_slice %arg11[%dma_wait3A_338, %dma_wait3A_339] : memref<5120x128xf32, #tpu.memory_space<vmem_shared>> -> memref<5120x128xf32, #tpu.memory_space<vmem_shared>>
        tpu.wait_indirect_dma semaphore(%arg17 : memref<!tpu.dma_semaphore, #tpu.memory_space<semaphore_mem>>) src(%dma_wait3A_334 : memref<120x128xf32, #tpu.memory_space<vmem>>) dst(%dma_wait3A_340 : memref<5120x128xf32, #tpu.memory_space<vmem_shared>>)
        %dma_start3A_341 = arith.constant 2 : i32
        %dma_start3A_342 = arith.constant 0 : i32
        %dma_start3A_343 = arith.constant 0 : i32
        %dma_start3A_344 = tpu.memref_slice %arg10[%dma_start3A_341, %dma_start3A_342, %dma_start3A_343] : memref<3x120x128xf32, #tpu.memory_space<vmem>> -> memref<1x120x128xf32, #tpu.memory_space<vmem>>
        %dma_start3A_345 = tpu.memref_squeeze %dma_start3A_344 : memref<1x120x128xf32, #tpu.memory_space<vmem>> -> memref<120x128xf32, #tpu.memory_space<vmem>>
        %dma_start3A_346 = arith.constant 0 : i32
        %dma_start3A_347 = tpu.memref_slice %arg8[%add3A_325, %dma_start3A_346] : memref<168x120xi32, #tpu.memory_space<vmem>> -> memref<1x120xi32, #tpu.memory_space<vmem>>
        %dma_start3A_348 = tpu.memref_squeeze %dma_start3A_347 : memref<1x120xi32, #tpu.memory_space<vmem>> -> memref<120xi32, #tpu.memory_space<vmem>>
        %dma_start3A_349 = arith.constant 0 : i32
        %dma_start3A_350 = arith.constant 0 : i32
        %dma_start3A_351 = tpu.memref_slice %arg2[%dma_start3A_349, %dma_start3A_350] : memref<30720x128xf32, #tpu.memory_space<hbm>> -> memref<30720x128xf32, #tpu.memory_space<hbm>>
        tpu.enqueue_indirect_dma source(%dma_start3A_351 : memref<30720x128xf32, #tpu.memory_space<hbm>>) target(%dma_start3A_345 : memref<120x128xf32, #tpu.memory_space<vmem>>) offsets(%dma_start3A_348 : memref<120xi32, #tpu.memory_space<vmem>>) semaphore(%arg14 : memref<!tpu.dma_semaphore, #tpu.memory_space<semaphore_mem>>)
      } else {
      }
    }
    %while3A_166 = arith.constant 1 : i32
    scf.for %while3A_224 = %while3A_164 to %while3A_160 step %while3A_166  : i32 {
      %mul3A_225 = arith.constant 3 : i32
      %mul3A_226 = arith.muli %while3A_224, %mul3A_225 : i32
      %add3A_227 = arith.constant 0 : i32
      %add3A_228 = arith.addi %mul3A_226, %add3A_227 : i32
      %dma_wait3A_229 = arith.constant 0 : i32
      %dma_wait3A_230 = arith.constant 0 : i32
      %dma_wait3A_231 = arith.constant 0 : i32
      %dma_wait3A_232 = tpu.memref_slice %arg10[%dma_wait3A_229, %dma_wait3A_230, %dma_wait3A_231] : memref<3x120x128xf32, #tpu.memory_space<vmem>> -> memref<1x120x128xf32, #tpu.memory_space<vmem>>
      %dma_wait3A_233 = tpu.memref_squeeze %dma_wait3A_232 : memref<1x120x128xf32, #tpu.memory_space<vmem>> -> memref<120x128xf32, #tpu.memory_space<vmem>>
      %dma_wait3A_234 = arith.constant 0 : i32
      %dma_wait3A_235 = tpu.memref_slice %arg8[%add3A_228, %dma_wait3A_234] : memref<168x120xi32, #tpu.memory_space<vmem>> -> memref<1x120xi32, #tpu.memory_space<vmem>>
      %dma_wait3A_236 = tpu.memref_squeeze %dma_wait3A_235 : memref<1x120xi32, #tpu.memory_space<vmem>> -> memref<120xi32, #tpu.memory_space<vmem>>
      %dma_wait3A_237 = arith.constant 0 : i32
      %dma_wait3A_238 = arith.constant 0 : i32
      %dma_wait3A_239 = tpu.memref_slice %arg2[%dma_wait3A_237, %dma_wait3A_238] : memref<30720x128xf32, #tpu.memory_space<hbm>> -> memref<30720x128xf32, #tpu.memory_space<hbm>>
      tpu.wait_indirect_dma semaphore(%arg12 : memref<!tpu.dma_semaphore, #tpu.memory_space<semaphore_mem>>) src(%dma_wait3A_239 : memref<30720x128xf32, #tpu.memory_space<hbm>>) dst(%dma_wait3A_233 : memref<120x128xf32, #tpu.memory_space<vmem>>)
      %dma_start3A_240 = arith.constant 0 : i32
      %dma_start3A_241 = arith.constant 0 : i32
      %dma_start3A_242 = arith.constant 0 : i32
      %dma_start3A_243 = tpu.memref_slice %arg10[%dma_start3A_240, %dma_start3A_241, %dma_start3A_242] : memref<3x120x128xf32, #tpu.memory_space<vmem>> -> memref<1x120x128xf32, #tpu.memory_space<vmem>>
      %dma_start3A_244 = tpu.memref_squeeze %dma_start3A_243 : memref<1x120x128xf32, #tpu.memory_space<vmem>> -> memref<120x128xf32, #tpu.memory_space<vmem>>
      %dma_start3A_245 = arith.constant 0 : i32
      %dma_start3A_246 = tpu.memref_slice %arg9[%add3A_228, %dma_start3A_245] : memref<168x120xi32, #tpu.memory_space<vmem>> -> memref<1x120xi32, #tpu.memory_space<vmem>>
      %dma_start3A_247 = tpu.memref_squeeze %dma_start3A_246 : memref<1x120xi32, #tpu.memory_space<vmem>> -> memref<120xi32, #tpu.memory_space<vmem>>
      %dma_start3A_248 = arith.constant 0 : i32
      %dma_start3A_249 = arith.constant 0 : i32
      %dma_start3A_250 = tpu.memref_slice %arg11[%dma_start3A_248, %dma_start3A_249] : memref<5120x128xf32, #tpu.memory_space<vmem_shared>> -> memref<5120x128xf32, #tpu.memory_space<vmem_shared>>
      tpu.enqueue_indirect_dma source(%dma_start3A_244 : memref<120x128xf32, #tpu.memory_space<vmem>>) target(%dma_start3A_250 : memref<5120x128xf32, #tpu.memory_space<vmem_shared>>) offsets(%dma_start3A_247 : memref<120xi32, #tpu.memory_space<vmem>>) semaphore(%arg15 : memref<!tpu.dma_semaphore, #tpu.memory_space<semaphore_mem>>) {add = true}
      %mul3A_251 = arith.constant 3 : i32
      %mul3A_252 = arith.muli %while3A_224, %mul3A_251 : i32
      %add3A_253 = arith.constant 1 : i32
      %add3A_254 = arith.addi %mul3A_252, %add3A_253 : i32
      %dma_wait3A_255 = arith.constant 1 : i32
      %dma_wait3A_256 = arith.constant 0 : i32
      %dma_wait3A_257 = arith.constant 0 : i32
      %dma_wait3A_258 = tpu.memref_slice %arg10[%dma_wait3A_255, %dma_wait3A_256, %dma_wait3A_257] : memref<3x120x128xf32, #tpu.memory_space<vmem>> -> memref<1x120x128xf32, #tpu.memory_space<vmem>>
      %dma_wait3A_259 = tpu.memref_squeeze %dma_wait3A_258 : memref<1x120x128xf32, #tpu.memory_space<vmem>> -> memref<120x128xf32, #tpu.memory_space<vmem>>
      %dma_wait3A_260 = arith.constant 0 : i32
      %dma_wait3A_261 = tpu.memref_slice %arg8[%add3A_254, %dma_wait3A_260] : memref<168x120xi32, #tpu.memory_space<vmem>> -> memref<1x120xi32, #tpu.memory_space<vmem>>
      %dma_wait3A_262 = tpu.memref_squeeze %dma_wait3A_261 : memref<1x120xi32, #tpu.memory_space<vmem>> -> memref<120xi32, #tpu.memory_space<vmem>>
      %dma_wait3A_263 = arith.constant 0 : i32
      %dma_wait3A_264 = arith.constant 0 : i32
      %dma_wait3A_265 = tpu.memref_slice %arg2[%dma_wait3A_263, %dma_wait3A_264] : memref<30720x128xf32, #tpu.memory_space<hbm>> -> memref<30720x128xf32, #tpu.memory_space<hbm>>
      tpu.wait_indirect_dma semaphore(%arg13 : memref<!tpu.dma_semaphore, #tpu.memory_space<semaphore_mem>>) src(%dma_wait3A_265 : memref<30720x128xf32, #tpu.memory_space<hbm>>) dst(%dma_wait3A_259 : memref<120x128xf32, #tpu.memory_space<vmem>>)
      %dma_start3A_266 = arith.constant 1 : i32
      %dma_start3A_267 = arith.constant 0 : i32
      %dma_start3A_268 = arith.constant 0 : i32
      %dma_start3A_269 = tpu.memref_slice %arg10[%dma_start3A_266, %dma_start3A_267, %dma_start3A_268] : memref<3x120x128xf32, #tpu.memory_space<vmem>> -> memref<1x120x128xf32, #tpu.memory_space<vmem>>
      %dma_start3A_270 = tpu.memref_squeeze %dma_start3A_269 : memref<1x120x128xf32, #tpu.memory_space<vmem>> -> memref<120x128xf32, #tpu.memory_space<vmem>>
      %dma_start3A_271 = arith.constant 0 : i32
      %dma_start3A_272 = tpu.memref_slice %arg9[%add3A_254, %dma_start3A_271] : memref<168x120xi32, #tpu.memory_space<vmem>> -> memref<1x120xi32, #tpu.memory_space<vmem>>
      %dma_start3A_273 = tpu.memref_squeeze %dma_start3A_272 : memref<1x120xi32, #tpu.memory_space<vmem>> -> memref<120xi32, #tpu.memory_space<vmem>>
      %dma_start3A_274 = arith.constant 0 : i32
      %dma_start3A_275 = arith.constant 0 : i32
      %dma_start3A_276 = tpu.memref_slice %arg11[%dma_start3A_274, %dma_start3A_275] : memref<5120x128xf32, #tpu.memory_space<vmem_shared>> -> memref<5120x128xf32, #tpu.memory_space<vmem_shared>>
      tpu.enqueue_indirect_dma source(%dma_start3A_270 : memref<120x128xf32, #tpu.memory_space<vmem>>) target(%dma_start3A_276 : memref<5120x128xf32, #tpu.memory_space<vmem_shared>>) offsets(%dma_start3A_273 : memref<120xi32, #tpu.memory_space<vmem>>) semaphore(%arg16 : memref<!tpu.dma_semaphore, #tpu.memory_space<semaphore_mem>>) {add = true}
      %mul3A_277 = arith.constant 3 : i32
      %mul3A_278 = arith.muli %while3A_224, %mul3A_277 : i32
      %add3A_279 = arith.constant 2 : i32
      %add3A_280 = arith.addi %mul3A_278, %add3A_279 : i32
      %dma_wait3A_281 = arith.constant 2 : i32
      %dma_wait3A_282 = arith.constant 0 : i32
      %dma_wait3A_283 = arith.constant 0 : i32
      %dma_wait3A_284 = tpu.memref_slice %arg10[%dma_wait3A_281, %dma_wait3A_282, %dma_wait3A_283] : memref<3x120x128xf32, #tpu.memory_space<vmem>> -> memref<1x120x128xf32, #tpu.memory_space<vmem>>
      %dma_wait3A_285 = tpu.memref_squeeze %dma_wait3A_284 : memref<1x120x128xf32, #tpu.memory_space<vmem>> -> memref<120x128xf32, #tpu.memory_space<vmem>>
      %dma_wait3A_286 = arith.constant 0 : i32
      %dma_wait3A_287 = tpu.memref_slice %arg8[%add3A_280, %dma_wait3A_286] : memref<168x120xi32, #tpu.memory_space<vmem>> -> memref<1x120xi32, #tpu.memory_space<vmem>>
      %dma_wait3A_288 = tpu.memref_squeeze %dma_wait3A_287 : memref<1x120xi32, #tpu.memory_space<vmem>> -> memref<120xi32, #tpu.memory_space<vmem>>
      %dma_wait3A_289 = arith.constant 0 : i32
      %dma_wait3A_290 = arith.constant 0 : i32
      %dma_wait3A_291 = tpu.memref_slice %arg2[%dma_wait3A_289, %dma_wait3A_290] : memref<30720x128xf32, #tpu.memory_space<hbm>> -> memref<30720x128xf32, #tpu.memory_space<hbm>>
      tpu.wait_indirect_dma semaphore(%arg14 : memref<!tpu.dma_semaphore, #tpu.memory_space<semaphore_mem>>) src(%dma_wait3A_291 : memref<30720x128xf32, #tpu.memory_space<hbm>>) dst(%dma_wait3A_285 : memref<120x128xf32, #tpu.memory_space<vmem>>)
      %dma_start3A_292 = arith.constant 2 : i32
      %dma_start3A_293 = arith.constant 0 : i32
      %dma_start3A_294 = arith.constant 0 : i32
      %dma_start3A_295 = tpu.memref_slice %arg10[%dma_start3A_292, %dma_start3A_293, %dma_start3A_294] : memref<3x120x128xf32, #tpu.memory_space<vmem>> -> memref<1x120x128xf32, #tpu.memory_space<vmem>>
      %dma_start3A_296 = tpu.memref_squeeze %dma_start3A_295 : memref<1x120x128xf32, #tpu.memory_space<vmem>> -> memref<120x128xf32, #tpu.memory_space<vmem>>
      %dma_start3A_297 = arith.constant 0 : i32
      %dma_start3A_298 = tpu.memref_slice %arg9[%add3A_280, %dma_start3A_297] : memref<168x120xi32, #tpu.memory_space<vmem>> -> memref<1x120xi32, #tpu.memory_space<vmem>>
      %dma_start3A_299 = tpu.memref_squeeze %dma_start3A_298 : memref<1x120xi32, #tpu.memory_space<vmem>> -> memref<120xi32, #tpu.memory_space<vmem>>
      %dma_start3A_300 = arith.constant 0 : i32
      %dma_start3A_301 = arith.constant 0 : i32
      %dma_start3A_302 = tpu.memref_slice %arg11[%dma_start3A_300, %dma_start3A_301] : memref<5120x128xf32, #tpu.memory_space<vmem_shared>> -> memref<5120x128xf32, #tpu.memory_space<vmem_shared>>
      tpu.enqueue_indirect_dma source(%dma_start3A_296 : memref<120x128xf32, #tpu.memory_space<vmem>>) target(%dma_start3A_302 : memref<5120x128xf32, #tpu.memory_space<vmem_shared>>) offsets(%dma_start3A_299 : memref<120xi32, #tpu.memory_space<vmem>>) semaphore(%arg17 : memref<!tpu.dma_semaphore, #tpu.memory_space<semaphore_mem>>) {add = true}
      %mul3A_303 = arith.constant 3 : i32
      %mul3A_304 = arith.muli %while3A_224, %mul3A_303 : i32
      %add3A_305 = arith.constant 0 : i32
      %add3A_306 = arith.addi %mul3A_304, %add3A_305 : i32
      %add3A_307 = arith.constant 3 : i32
      %add3A_308 = arith.addi %add3A_306, %add3A_307 : i32
      %lt3A = arith.cmpi slt, %add3A_308, %mul3A_2 : i32
      %convert_element_type3A = arith.extui %lt3A : i1 to i32
      %cond3A = arith.constant 0 : i32
      %cond3A_309 = arith.cmpi ne, %convert_element_type3A, %cond3A : i32
      scf.if %cond3A_309 {
        %dma_wait3A_330 = arith.constant 0 : i32
        %dma_wait3A_331 = arith.constant 0 : i32
        %dma_wait3A_332 = arith.constant 0 : i32
        %dma_wait3A_333 = tpu.memref_slice %arg10[%dma_wait3A_330, %dma_wait3A_331, %dma_wait3A_332] : memref<3x120x128xf32, #tpu.memory_space<vmem>> -> memref<1x120x128xf32, #tpu.memory_space<vmem>>
        %dma_wait3A_334 = tpu.memref_squeeze %dma_wait3A_333 : memref<1x120x128xf32, #tpu.memory_space<vmem>> -> memref<120x128xf32, #tpu.memory_space<vmem>>
        %dma_wait3A_335 = arith.constant 0 : i32
        %dma_wait3A_336 = tpu.memref_slice %arg9[%add3A_306, %dma_wait3A_335] : memref<168x120xi32, #tpu.memory_space<vmem>> -> memref<1x120xi32, #tpu.memory_space<vmem>>
        %dma_wait3A_337 = tpu.memref_squeeze %dma_wait3A_336 : memref<1x120xi32, #tpu.memory_space<vmem>> -> memref<120xi32, #tpu.memory_space<vmem>>
        %dma_wait3A_338 = arith.constant 0 : i32
        %dma_wait3A_339 = arith.constant 0 : i32
        %dma_wait3A_340 = tpu.memref_slice %arg11[%dma_wait3A_338, %dma_wait3A_339] : memref<5120x128xf32, #tpu.memory_space<vmem_shared>> -> memref<5120x128xf32, #tpu.memory_space<vmem_shared>>
        tpu.wait_indirect_dma semaphore(%arg15 : memref<!tpu.dma_semaphore, #tpu.memory_space<semaphore_mem>>) src(%dma_wait3A_334 : memref<120x128xf32, #tpu.memory_space<vmem>>) dst(%dma_wait3A_340 : memref<5120x128xf32, #tpu.memory_space<vmem_shared>>)
        %dma_start3A_341 = arith.constant 0 : i32
        %dma_start3A_342 = arith.constant 0 : i32
        %dma_start3A_343 = arith.constant 0 : i32
        %dma_start3A_344 = tpu.memref_slice %arg10[%dma_start3A_341, %dma_start3A_342, %dma_start3A_343] : memref<3x120x128xf32, #tpu.memory_space<vmem>> -> memref<1x120x128xf32, #tpu.memory_space<vmem>>
        %dma_start3A_345 = tpu.memref_squeeze %dma_start3A_344 : memref<1x120x128xf32, #tpu.memory_space<vmem>> -> memref<120x128xf32, #tpu.memory_space<vmem>>
        %dma_start3A_346 = arith.constant 0 : i32
        %dma_start3A_347 = tpu.memref_slice %arg8[%add3A_308, %dma_start3A_346] : memref<168x120xi32, #tpu.memory_space<vmem>> -> memref<1x120xi32, #tpu.memory_space<vmem>>
        %dma_start3A_348 = tpu.memref_squeeze %dma_start3A_347 : memref<1x120xi32, #tpu.memory_space<vmem>> -> memref<120xi32, #tpu.memory_space<vmem>>
        %dma_start3A_349 = arith.constant 0 : i32
        %dma_start3A_350 = arith.constant 0 : i32
        %dma_start3A_351 = tpu.memref_slice %arg2[%dma_start3A_349, %dma_start3A_350] : memref<30720x128xf32, #tpu.memory_space<hbm>> -> memref<30720x128xf32, #tpu.memory_space<hbm>>
        tpu.enqueue_indirect_dma source(%dma_start3A_351 : memref<30720x128xf32, #tpu.memory_space<hbm>>) target(%dma_start3A_345 : memref<120x128xf32, #tpu.memory_space<vmem>>) offsets(%dma_start3A_348 : memref<120xi32, #tpu.memory_space<vmem>>) semaphore(%arg12 : memref<!tpu.dma_semaphore, #tpu.memory_space<semaphore_mem>>)
      } else {
      }
      %mul3A_310 = arith.constant 3 : i32
      %mul3A_311 = arith.muli %while3A_224, %mul3A_310 : i32
      %add3A_312 = arith.constant 1 : i32
      %add3A_313 = arith.addi %mul3A_311, %add3A_312 : i32
      %add3A_314 = arith.constant 3 : i32
      %add3A_315 = arith.addi %add3A_313, %add3A_314 : i32
      %lt3A_316 = arith.cmpi slt, %add3A_315, %mul3A_2 : i32
      %convert_element_type3A_317 = arith.extui %lt3A_316 : i1 to i32
      %cond3A_318 = arith.constant 0 : i32
      %cond3A_319 = arith.cmpi ne, %convert_element_type3A_317, %cond3A_318 : i32
      scf.if %cond3A_319 {
        %dma_wait3A_330 = arith.constant 1 : i32
        %dma_wait3A_331 = arith.constant 0 : i32
        %dma_wait3A_332 = arith.constant 0 : i32
        %dma_wait3A_333 = tpu.memref_slice %arg10[%dma_wait3A_330, %dma_wait3A_331, %dma_wait3A_332] : memref<3x120x128xf32, #tpu.memory_space<vmem>> -> memref<1x120x128xf32, #tpu.memory_space<vmem>>
        %dma_wait3A_334 = tpu.memref_squeeze %dma_wait3A_333 : memref<1x120x128xf32, #tpu.memory_space<vmem>> -> memref<120x128xf32, #tpu.memory_space<vmem>>
        %dma_wait3A_335 = arith.constant 0 : i32
        %dma_wait3A_336 = tpu.memref_slice %arg9[%add3A_313, %dma_wait3A_335] : memref<168x120xi32, #tpu.memory_space<vmem>> -> memref<1x120xi32, #tpu.memory_space<vmem>>
        %dma_wait3A_337 = tpu.memref_squeeze %dma_wait3A_336 : memref<1x120xi32, #tpu.memory_space<vmem>> -> memref<120xi32, #tpu.memory_space<vmem>>
        %dma_wait3A_338 = arith.constant 0 : i32
        %dma_wait3A_339 = arith.constant 0 : i32
        %dma_wait3A_340 = tpu.memref_slice %arg11[%dma_wait3A_338, %dma_wait3A_339] : memref<5120x128xf32, #tpu.memory_space<vmem_shared>> -> memref<5120x128xf32, #tpu.memory_space<vmem_shared>>
        tpu.wait_indirect_dma semaphore(%arg16 : memref<!tpu.dma_semaphore, #tpu.memory_space<semaphore_mem>>) src(%dma_wait3A_334 : memref<120x128xf32, #tpu.memory_space<vmem>>) dst(%dma_wait3A_340 : memref<5120x128xf32, #tpu.memory_space<vmem_shared>>)
        %dma_start3A_341 = arith.constant 1 : i32
        %dma_start3A_342 = arith.constant 0 : i32
        %dma_start3A_343 = arith.constant 0 : i32
        %dma_start3A_344 = tpu.memref_slice %arg10[%dma_start3A_341, %dma_start3A_342, %dma_start3A_343] : memref<3x120x128xf32, #tpu.memory_space<vmem>> -> memref<1x120x128xf32, #tpu.memory_space<vmem>>
        %dma_start3A_345 = tpu.memref_squeeze %dma_start3A_344 : memref<1x120x128xf32, #tpu.memory_space<vmem>> -> memref<120x128xf32, #tpu.memory_space<vmem>>
        %dma_start3A_346 = arith.constant 0 : i32
        %dma_start3A_347 = tpu.memref_slice %arg8[%add3A_315, %dma_start3A_346] : memref<168x120xi32, #tpu.memory_space<vmem>> -> memref<1x120xi32, #tpu.memory_space<vmem>>
        %dma_start3A_348 = tpu.memref_squeeze %dma_start3A_347 : memref<1x120xi32, #tpu.memory_space<vmem>> -> memref<120xi32, #tpu.memory_space<vmem>>
        %dma_start3A_349 = arith.constant 0 : i32
        %dma_start3A_350 = arith.constant 0 : i32
        %dma_start3A_351 = tpu.memref_slice %arg2[%dma_start3A_349, %dma_start3A_350] : memref<30720x128xf32, #tpu.memory_space<hbm>> -> memref<30720x128xf32, #tpu.memory_space<hbm>>
        tpu.enqueue_indirect_dma source(%dma_start3A_351 : memref<30720x128xf32, #tpu.memory_space<hbm>>) target(%dma_start3A_345 : memref<120x128xf32, #tpu.memory_space<vmem>>) offsets(%dma_start3A_348 : memref<120xi32, #tpu.memory_space<vmem>>) semaphore(%arg13 : memref<!tpu.dma_semaphore, #tpu.memory_space<semaphore_mem>>)
      } else {
      }
      %mul3A_320 = arith.constant 3 : i32
      %mul3A_321 = arith.muli %while3A_224, %mul3A_320 : i32
      %add3A_322 = arith.constant 2 : i32
      %add3A_323 = arith.addi %mul3A_321, %add3A_322 : i32
      %add3A_324 = arith.constant 3 : i32
      %add3A_325 = arith.addi %add3A_323, %add3A_324 : i32
      %lt3A_326 = arith.cmpi slt, %add3A_325, %mul3A_2 : i32
      %convert_element_type3A_327 = arith.extui %lt3A_326 : i1 to i32
      %cond3A_328 = arith.constant 0 : i32
      %cond3A_329 = arith.cmpi ne, %convert_element_type3A_327, %cond3A_328 : i32
      scf.if %cond3A_329 {
        %dma_wait3A_330 = arith.constant 2 : i32
        %dma_wait3A_331 = arith.constant 0 : i32
        %dma_wait3A_332 = arith.constant 0 : i32
        %dma_wait3A_333 = tpu.memref_slice %arg10[%dma_wait3A_330, %dma_wait3A_331, %dma_wait3A_332] : memref<3x120x128xf32, #tpu.memory_space<vmem>> -> memref<1x120x128xf32, #tpu.memory_space<vmem>>
        %dma_wait3A_334 = tpu.memref_squeeze %dma_wait3A_333 : memref<1x120x128xf32, #tpu.memory_space<vmem>> -> memref<120x128xf32, #tpu.memory_space<vmem>>
        %dma_wait3A_335 = arith.constant 0 : i32
        %dma_wait3A_336 = tpu.memref_slice %arg9[%add3A_323, %dma_wait3A_335] : memref<168x120xi32, #tpu.memory_space<vmem>> -> memref<1x120xi32, #tpu.memory_space<vmem>>
        %dma_wait3A_337 = tpu.memref_squeeze %dma_wait3A_336 : memref<1x120xi32, #tpu.memory_space<vmem>> -> memref<120xi32, #tpu.memory_space<vmem>>
        %dma_wait3A_338 = arith.constant 0 : i32
        %dma_wait3A_339 = arith.constant 0 : i32
        %dma_wait3A_340 = tpu.memref_slice %arg11[%dma_wait3A_338, %dma_wait3A_339] : memref<5120x128xf32, #tpu.memory_space<vmem_shared>> -> memref<5120x128xf32, #tpu.memory_space<vmem_shared>>
        tpu.wait_indirect_dma semaphore(%arg17 : memref<!tpu.dma_semaphore, #tpu.memory_space<semaphore_mem>>) src(%dma_wait3A_334 : memref<120x128xf32, #tpu.memory_space<vmem>>) dst(%dma_wait3A_340 : memref<5120x128xf32, #tpu.memory_space<vmem_shared>>)
        %dma_start3A_341 = arith.constant 2 : i32
        %dma_start3A_342 = arith.constant 0 : i32
        %dma_start3A_343 = arith.constant 0 : i32
        %dma_start3A_344 = tpu.memref_slice %arg10[%dma_start3A_341, %dma_start3A_342, %dma_start3A_343] : memref<3x120x128xf32, #tpu.memory_space<vmem>> -> memref<1x120x128xf32, #tpu.memory_space<vmem>>
        %dma_start3A_345 = tpu.memref_squeeze %dma_start3A_344 : memref<1x120x128xf32, #tpu.memory_space<vmem>> -> memref<120x128xf32, #tpu.memory_space<vmem>>
        %dma_start3A_346 = arith.constant 0 : i32
        %dma_start3A_347 = tpu.memref_slice %arg8[%add3A_325, %dma_start3A_346] : memref<168x120xi32, #tpu.memory_space<vmem>> -> memref<1x120xi32, #tpu.memory_space<vmem>>
        %dma_start3A_348 = tpu.memref_squeeze %dma_start3A_347 : memref<1x120xi32, #tpu.memory_space<vmem>> -> memref<120xi32, #tpu.memory_space<vmem>>
        %dma_start3A_349 = arith.constant 0 : i32
        %dma_start3A_350 = arith.constant 0 : i32
        %dma_start3A_351 = tpu.memref_slice %arg2[%dma_start3A_349, %dma_start3A_350] : memref<30720x128xf32, #tpu.memory_space<hbm>> -> memref<30720x128xf32, #tpu.memory_space<hbm>>
        tpu.enqueue_indirect_dma source(%dma_start3A_351 : memref<30720x128xf32, #tpu.memory_space<hbm>>) target(%dma_start3A_345 : memref<120x128xf32, #tpu.memory_space<vmem>>) offsets(%dma_start3A_348 : memref<120xi32, #tpu.memory_space<vmem>>) semaphore(%arg14 : memref<!tpu.dma_semaphore, #tpu.memory_space<semaphore_mem>>)
      } else {
      }
    }
    %sub3A_167 = arith.constant 1 : i32
    %sub3A_168 = arith.subi %squeeze3A, %sub3A_167 : i32
    %mul3A_169 = arith.constant 3 : i32
    %mul3A_170 = arith.muli %sub3A_168, %mul3A_169 : i32
    %add3A_171 = arith.constant 0 : i32
    %add3A_172 = arith.addi %mul3A_170, %add3A_171 : i32
    %dma_wait3A_173 = arith.constant 0 : i32
    %dma_wait3A_174 = arith.constant 0 : i32
    %dma_wait3A_175 = arith.constant 0 : i32
    %dma_wait3A_176 = tpu.memref_slice %arg10[%dma_wait3A_173, %dma_wait3A_174, %dma_wait3A_175] : memref<3x120x128xf32, #tpu.memory_space<vmem>> -> memref<1x120x128xf32, #tpu.memory_space<vmem>>
    %dma_wait3A_177 = tpu.memref_squeeze %dma_wait3A_176 : memref<1x120x128xf32, #tpu.memory_space<vmem>> -> memref<120x128xf32, #tpu.memory_space<vmem>>
    %dma_wait3A_178 = arith.constant 0 : i32
    %dma_wait3A_179 = tpu.memref_slice %arg9[%add3A_172, %dma_wait3A_178] : memref<168x120xi32, #tpu.memory_space<vmem>> -> memref<1x120xi32, #tpu.memory_space<vmem>>
    %dma_wait3A_180 = tpu.memref_squeeze %dma_wait3A_179 : memref<1x120xi32, #tpu.memory_space<vmem>> -> memref<120xi32, #tpu.memory_space<vmem>>
    %dma_wait3A_181 = arith.constant 0 : i32
    %dma_wait3A_182 = arith.constant 0 : i32
    %dma_wait3A_183 = tpu.memref_slice %arg11[%dma_wait3A_181, %dma_wait3A_182] : memref<5120x128xf32, #tpu.memory_space<vmem_shared>> -> memref<5120x128xf32, #tpu.memory_space<vmem_shared>>
    tpu.wait_indirect_dma semaphore(%arg15 : memref<!tpu.dma_semaphore, #tpu.memory_space<semaphore_mem>>) src(%dma_wait3A_177 : memref<120x128xf32, #tpu.memory_space<vmem>>) dst(%dma_wait3A_183 : memref<5120x128xf32, #tpu.memory_space<vmem_shared>>)
    %sub3A_184 = arith.constant 1 : i32
    %sub3A_185 = arith.subi %squeeze3A, %sub3A_184 : i32
    %mul3A_186 = arith.constant 3 : i32
    %mul3A_187 = arith.muli %sub3A_185, %mul3A_186 : i32
    %add3A_188 = arith.constant 1 : i32
    %add3A_189 = arith.addi %mul3A_187, %add3A_188 : i32
    %dma_wait3A_190 = arith.constant 1 : i32
    %dma_wait3A_191 = arith.constant 0 : i32
    %dma_wait3A_192 = arith.constant 0 : i32
    %dma_wait3A_193 = tpu.memref_slice %arg10[%dma_wait3A_190, %dma_wait3A_191, %dma_wait3A_192] : memref<3x120x128xf32, #tpu.memory_space<vmem>> -> memref<1x120x128xf32, #tpu.memory_space<vmem>>
    %dma_wait3A_194 = tpu.memref_squeeze %dma_wait3A_193 : memref<1x120x128xf32, #tpu.memory_space<vmem>> -> memref<120x128xf32, #tpu.memory_space<vmem>>
    %dma_wait3A_195 = arith.constant 0 : i32
    %dma_wait3A_196 = tpu.memref_slice %arg9[%add3A_189, %dma_wait3A_195] : memref<168x120xi32, #tpu.memory_space<vmem>> -> memref<1x120xi32, #tpu.memory_space<vmem>>
    %dma_wait3A_197 = tpu.memref_squeeze %dma_wait3A_196 : memref<1x120xi32, #tpu.memory_space<vmem>> -> memref<120xi32, #tpu.memory_space<vmem>>
    %dma_wait3A_198 = arith.constant 0 : i32
    %dma_wait3A_199 = arith.constant 0 : i32
    %dma_wait3A_200 = tpu.memref_slice %arg11[%dma_wait3A_198, %dma_wait3A_199] : memref<5120x128xf32, #tpu.memory_space<vmem_shared>> -> memref<5120x128xf32, #tpu.memory_space<vmem_shared>>
    tpu.wait_indirect_dma semaphore(%arg16 : memref<!tpu.dma_semaphore, #tpu.memory_space<semaphore_mem>>) src(%dma_wait3A_194 : memref<120x128xf32, #tpu.memory_space<vmem>>) dst(%dma_wait3A_200 : memref<5120x128xf32, #tpu.memory_space<vmem_shared>>)
    %sub3A_201 = arith.constant 1 : i32
    %sub3A_202 = arith.subi %squeeze3A, %sub3A_201 : i32
    %mul3A_203 = arith.constant 3 : i32
    %mul3A_204 = arith.muli %sub3A_202, %mul3A_203 : i32
    %add3A_205 = arith.constant 2 : i32
    %add3A_206 = arith.addi %mul3A_204, %add3A_205 : i32
    %dma_wait3A_207 = arith.constant 2 : i32
    %dma_wait3A_208 = arith.constant 0 : i32
    %dma_wait3A_209 = arith.constant 0 : i32
    %dma_wait3A_210 = tpu.memref_slice %arg10[%dma_wait3A_207, %dma_wait3A_208, %dma_wait3A_209] : memref<3x120x128xf32, #tpu.memory_space<vmem>> -> memref<1x120x128xf32, #tpu.memory_space<vmem>>
    %dma_wait3A_211 = tpu.memref_squeeze %dma_wait3A_210 : memref<1x120x128xf32, #tpu.memory_space<vmem>> -> memref<120x128xf32, #tpu.memory_space<vmem>>
    %dma_wait3A_212 = arith.constant 0 : i32
    %dma_wait3A_213 = tpu.memref_slice %arg9[%add3A_206, %dma_wait3A_212] : memref<168x120xi32, #tpu.memory_space<vmem>> -> memref<1x120xi32, #tpu.memory_space<vmem>>
    %dma_wait3A_214 = tpu.memref_squeeze %dma_wait3A_213 : memref<1x120xi32, #tpu.memory_space<vmem>> -> memref<120xi32, #tpu.memory_space<vmem>>
    %dma_wait3A_215 = arith.constant 0 : i32
    %dma_wait3A_216 = arith.constant 0 : i32
    %dma_wait3A_217 = tpu.memref_slice %arg11[%dma_wait3A_215, %dma_wait3A_216] : memref<5120x128xf32, #tpu.memory_space<vmem_shared>> -> memref<5120x128xf32, #tpu.memory_space<vmem_shared>>
    tpu.wait_indirect_dma semaphore(%arg17 : memref<!tpu.dma_semaphore, #tpu.memory_space<semaphore_mem>>) src(%dma_wait3A_211 : memref<120x128xf32, #tpu.memory_space<vmem>>) dst(%dma_wait3A_217 : memref<5120x128xf32, #tpu.memory_space<vmem_shared>>)
    %barrier3A_218 = arith.constant 0 : index
    tpu.barrier barrier_id(%barrier3A_218)
    %mul3A_219 = arith.constant 320 : i32
    %mul3A_220 = arith.muli %arg1, %mul3A_219 : i32
    %mul3A_221 = arith.constant 320 : i32
    %mul3A_222 = arith.muli %arg1, %mul3A_221 : i32
    %run_scoped3A_223 = arith.constant 1 : i32
    "tpu.region"() ({
      %run_scoped3A_224 = tpu.sem_alloc : memref<!tpu.dma_semaphore, #tpu.memory_space<semaphore_mem>>
      %dma_start3A_225 = arith.constant 0 : i32
      %dma_start3A_226 = tpu.memref_slice %arg6[%run_scoped3A_223, %arg0, %mul3A_222, %dma_start3A_225] : memref<2x2x5120x128xf32, #tpu.memory_space<hbm>> -> memref<1x1x320x128xf32, #tpu.memory_space<hbm>>
      %dma_start3A_227 = tpu.memref_squeeze %dma_start3A_226 : memref<1x1x320x128xf32, #tpu.memory_space<hbm>> -> memref<320x128xf32, #tpu.memory_space<hbm>>
      %dma_start3A_228 = arith.constant 0 : i32
      %dma_start3A_229 = tpu.memref_slice %arg11[%mul3A_220, %dma_start3A_228] : memref<5120x128xf32, #tpu.memory_space<vmem_shared>> -> memref<320x128xf32, #tpu.memory_space<vmem_shared>>
      tpu.enqueue_dma source(%dma_start3A_229 : memref<320x128xf32, #tpu.memory_space<vmem_shared>>) target(%dma_start3A_227 : memref<320x128xf32, #tpu.memory_space<hbm>>) target_semaphore(%run_scoped3A_224 : memref<!tpu.dma_semaphore, #tpu.memory_space<semaphore_mem>>)
      %dma_wait3A_230 = arith.constant 0 : i32
      %dma_wait3A_231 = tpu.memref_slice %arg6[%run_scoped3A_223, %arg0, %mul3A_222, %dma_wait3A_230] : memref<2x2x5120x128xf32, #tpu.memory_space<hbm>> -> memref<1x1x320x128xf32, #tpu.memory_space<hbm>>
      %dma_wait3A_232 = tpu.memref_squeeze %dma_wait3A_231 : memref<1x1x320x128xf32, #tpu.memory_space<hbm>> -> memref<320x128xf32, #tpu.memory_space<hbm>>
      %dma_wait3A_233 = arith.constant 0 : i32
      %dma_wait3A_234 = tpu.memref_slice %arg11[%mul3A_220, %dma_wait3A_233] : memref<5120x128xf32, #tpu.memory_space<vmem_shared>> -> memref<320x128xf32, #tpu.memory_space<vmem_shared>>
      tpu.wait_dma2 semaphore(%run_scoped3A_224 : memref<!tpu.dma_semaphore, #tpu.memory_space<semaphore_mem>>) src(%dma_wait3A_234 : memref<320x128xf32, #tpu.memory_space<vmem_shared>>) dst(%dma_wait3A_232 : memref<320x128xf32, #tpu.memory_space<hbm>>)
      tpu.yield
    }) : () -> ()
    return
  }
}

#map = affine_map<(d0, d1) -> (0, 0)>
#map1 = affine_map<(d0, d1) -> (0, 0, 0, 0, 0)>
#map2 = affine_map<(d0, d1) -> (0, 0, 0, 0)>
module attributes {stable_mosaic.version = 14 : i64} {
  func.func @_sc_aggregate(%arg0: i32, %arg1: i32, %arg2: memref<30720x128xf32, #tpu.memory_space<hbm>>, %arg3: memref<2x2x16x168x120xi32, #tpu.memory_space<hbm>>, %arg4: memref<2x16x168x120xi32, #tpu.memory_space<hbm>>, %arg5: memref<2x16xi32, #tpu.memory_space<hbm>>, %arg6: memref<2x2x5120x128xf32, #tpu.memory_space<hbm>>, %arg7: memref<16xi32, #tpu.memory_space<vmem>>, %arg8: memref<168x120xi32, #tpu.memory_space<vmem>>, %arg9: memref<168x120xi32, #tpu.memory_space<vmem>>, %arg10: memref<3x120x128xf32, #tpu.memory_space<vmem>>, %arg11: memref<5120x128xf32, #tpu.memory_space<vmem_shared>>, %arg12: memref<!tpu.dma_semaphore, #tpu.memory_space<semaphore_mem>>, %arg13: memref<!tpu.dma_semaphore, #tpu.memory_space<semaphore_mem>>, %arg14: memref<!tpu.dma_semaphore, #tpu.memory_space<semaphore_mem>>, %arg15: memref<!tpu.dma_semaphore, #tpu.memory_space<semaphore_mem>>, %arg16: memref<!tpu.dma_semaphore, #tpu.memory_space<semaphore_mem>>, %arg17: memref<!tpu.dma_semaphore, #tpu.memory_space<semaphore_mem>>) attributes {dimension_semantics = [#tpu.dimension_semantics<core_parallel>, #tpu.dimension_semantics<subcore_parallel>], iteration_bounds = array<i64: 2, 16>, scalar_prefetch = 0 : i64, scratch_operands = 11 : i64, tpu.core_type = #tpu.core_type<sc_vector_subcore>, window_params = [{transform_indices = #map}, {transform_indices = #map1}, {transform_indices = #map2}, {transform_indices = #map}, {transform_indices = #map2}]} {
    "tpu.region"() ({
      %run_scoped3A_224 = tpu.sem_alloc : memref<!tpu.dma_semaphore, #tpu.memory_space<semaphore_mem>>
      %dma_start3A_225 = arith.constant 0 : i32
      %dma_start3A_226 = tpu.memref_slice %arg5[%arg0, %dma_start3A_225] : memref<2x16xi32, #tpu.memory_space<hbm>> -> memref<1x16xi32, #tpu.memory_space<hbm>>
      %dma_start3A_227 = tpu.memref_squeeze %dma_start3A_226 : memref<1x16xi32, #tpu.memory_space<hbm>> -> memref<16xi32, #tpu.memory_space<hbm>>
      %dma_start3A_228 = arith.constant 0 : i32
      %dma_start3A_229 = tpu.memref_slice %arg5[%arg0, %dma_start3A_228] : memref<2x16xi32, #tpu.memory_space<hbm>> -> memref<1x16xi32, #tpu.memory_space<hbm>>
      %dma_start3A_230 = tpu.memref_squeeze %dma_start3A_229 : memref<1x16xi32, #tpu.memory_space<hbm>> -> memref<16xi32, #tpu.memory_space<hbm>>
      tpu.enqueue_dma source(%dma_start3A_230 : memref<16xi32, #tpu.memory_space<hbm>>) target(%arg7 : memref<16xi32, #tpu.memory_space<vmem>>) target_semaphore(%run_scoped3A_224 : memref<!tpu.dma_semaphore, #tpu.memory_space<semaphore_mem>>)
      %dma_wait3A_231 = arith.constant 0 : i32
      %dma_wait3A_232 = tpu.memref_slice %arg5[%arg0, %dma_wait3A_231] : memref<2x16xi32, #tpu.memory_space<hbm>> -> memref<1x16xi32, #tpu.memory_space<hbm>>
      %dma_wait3A_233 = tpu.memref_squeeze %dma_wait3A_232 : memref<1x16xi32, #tpu.memory_space<hbm>> -> memref<16xi32, #tpu.memory_space<hbm>>
      %dma_wait3A_234 = arith.constant 0 : i32
      %dma_wait3A_235 = tpu.memref_slice %arg5[%arg0, %dma_wait3A_234] : memref<2x16xi32, #tpu.memory_space<hbm>> -> memref<1x16xi32, #tpu.memory_space<hbm>>
      %dma_wait3A_236 = tpu.memref_squeeze %dma_wait3A_235 : memref<1x16xi32, #tpu.memory_space<hbm>> -> memref<16xi32, #tpu.memory_space<hbm>>
      tpu.wait_dma2 semaphore(%run_scoped3A_224 : memref<!tpu.dma_semaphore, #tpu.memory_space<semaphore_mem>>) src(%dma_wait3A_236 : memref<16xi32, #tpu.memory_space<hbm>>) dst(%arg7 : memref<16xi32, #tpu.memory_space<vmem>>)
      tpu.yield
    }) : () -> ()
    "tpu.region"() ({
      %run_scoped3A_224 = tpu.sem_alloc : memref<!tpu.dma_semaphore, #tpu.memory_space<semaphore_mem>>
      %dma_start3A_225 = arith.constant 0 : i32
      %dma_start3A_226 = arith.constant 0 : i32
      %dma_start3A_227 = tpu.memref_slice %arg4[%arg0, %arg1, %dma_start3A_225, %dma_start3A_226] : memref<2x16x168x120xi32, #tpu.memory_space<hbm>> -> memref<1x1x168x120xi32, #tpu.memory_space<hbm>>
      %dma_start3A_228 = tpu.memref_squeeze %dma_start3A_227 : memref<1x1x168x120xi32, #tpu.memory_space<hbm>> -> memref<168x120xi32, #tpu.memory_space<hbm>>
      %dma_start3A_229 = arith.constant 0 : i32
      %dma_start3A_230 = arith.constant 0 : i32
      %dma_start3A_231 = tpu.memref_slice %arg4[%arg0, %arg1, %dma_start3A_229, %dma_start3A_230] : memref<2x16x168x120xi32, #tpu.memory_space<hbm>> -> memref<1x1x168x120xi32, #tpu.memory_space<hbm>>
      %dma_start3A_232 = tpu.memref_squeeze %dma_start3A_231 : memref<1x1x168x120xi32, #tpu.memory_space<hbm>> -> memref<168x120xi32, #tpu.memory_space<hbm>>
      tpu.enqueue_dma source(%dma_start3A_232 : memref<168x120xi32, #tpu.memory_space<hbm>>) target(%arg9 : memref<168x120xi32, #tpu.memory_space<vmem>>) target_semaphore(%run_scoped3A_224 : memref<!tpu.dma_semaphore, #tpu.memory_space<semaphore_mem>>)
      %dma_wait3A_233 = arith.constant 0 : i32
      %dma_wait3A_234 = arith.constant 0 : i32
      %dma_wait3A_235 = tpu.memref_slice %arg4[%arg0, %arg1, %dma_wait3A_233, %dma_wait3A_234] : memref<2x16x168x120xi32, #tpu.memory_space<hbm>> -> memref<1x1x168x120xi32, #tpu.memory_space<hbm>>
      %dma_wait3A_236 = tpu.memref_squeeze %dma_wait3A_235 : memref<1x1x168x120xi32, #tpu.memory_space<hbm>> -> memref<168x120xi32, #tpu.memory_space<hbm>>
      %dma_wait3A_237 = arith.constant 0 : i32
      %dma_wait3A_238 = arith.constant 0 : i32
      %dma_wait3A_239 = tpu.memref_slice %arg4[%arg0, %arg1, %dma_wait3A_237, %dma_wait3A_238] : memref<2x16x168x120xi32, #tpu.memory_space<hbm>> -> memref<1x1x168x120xi32, #tpu.memory_space<hbm>>
      %dma_wait3A_240 = tpu.memref_squeeze %dma_wait3A_239 : memref<1x1x168x120xi32, #tpu.memory_space<hbm>> -> memref<168x120xi32, #tpu.memory_space<hbm>>
      tpu.wait_dma2 semaphore(%run_scoped3A_224 : memref<!tpu.dma_semaphore, #tpu.memory_space<semaphore_mem>>) src(%dma_wait3A_240 : memref<168x120xi32, #tpu.memory_space<hbm>>) dst(%arg9 : memref<168x120xi32, #tpu.memory_space<vmem>>)
      tpu.yield
    }) : () -> ()
    %get3A = arith.constant 0 : index
    %get3A_0 = tpu.vector_load %arg7[%get3A] {strides = array<i32>} : memref<16xi32, #tpu.memory_space<vmem>>, vector<16xi32>,
    %get3A_1 = vector.shape_cast %get3A_0 : vector<16xi32> to vector<16xi32>
    %slice3A = vector.extract_strided_slice %get3A_1 {offsets = [0], sizes = [1], strides = [1]} : vector<16xi32> to vector<1xi32>
    %squeeze3A = vector.extract %slice3A[0] : i32 from vector<1xi32>
    %mul3A = arith.constant 3 : i32
    %mul3A_2 = arith.muli %squeeze3A, %mul3A : i32
    %run_scoped3A = arith.constant 0 : i32
    "tpu.region"() ({
      %run_scoped3A_224 = tpu.sem_alloc : memref<!tpu.dma_semaphore, #tpu.memory_space<semaphore_mem>>
      %dma_start3A_225 = arith.constant 0 : i32
      %dma_start3A_226 = arith.constant 0 : i32
      %dma_start3A_227 = tpu.memref_slice %arg3[%arg0, %run_scoped3A, %arg1, %dma_start3A_225, %dma_start3A_226] : memref<2x2x16x168x120xi32, #tpu.memory_space<hbm>> -> memref<1x1x1x168x120xi32, #tpu.memory_space<hbm>>
      %dma_start3A_228 = tpu.memref_squeeze %dma_start3A_227 : memref<1x1x1x168x120xi32, #tpu.memory_space<hbm>> -> memref<168x120xi32, #tpu.memory_space<hbm>>
      %dma_start3A_229 = arith.constant 0 : i32
      %dma_start3A_230 = arith.constant 0 : i32
      %dma_start3A_231 = tpu.memref_slice %arg3[%arg0, %run_scoped3A, %arg1, %dma_start3A_229, %dma_start3A_230] : memref<2x2x16x168x120xi32, #tpu.memory_space<hbm>> -> memref<1x1x1x168x120xi32, #tpu.memory_space<hbm>>
      %dma_start3A_232 = tpu.memref_squeeze %dma_start3A_231 : memref<1x1x1x168x120xi32, #tpu.memory_space<hbm>> -> memref<168x120xi32, #tpu.memory_space<hbm>>
      tpu.enqueue_dma source(%dma_start3A_232 : memref<168x120xi32, #tpu.memory_space<hbm>>) target(%arg8 : memref<168x120xi32, #tpu.memory_space<vmem>>) target_semaphore(%run_scoped3A_224 : memref<!tpu.dma_semaphore, #tpu.memory_space<semaphore_mem>>)
      %dma_wait3A_233 = arith.constant 0 : i32
      %dma_wait3A_234 = arith.constant 0 : i32
      %dma_wait3A_235 = tpu.memref_slice %arg3[%arg0, %run_scoped3A, %arg1, %dma_wait3A_233, %dma_wait3A_234] : memref<2x2x16x168x120xi32, #tpu.memory_space<hbm>> -> memref<1x1x1x168x120xi32, #tpu.memory_space<hbm>>
      %dma_wait3A_236 = tpu.memref_squeeze %dma_wait3A_235 : memref<1x1x1x168x120xi32, #tpu.memory_space<hbm>> -> memref<168x120xi32, #tpu.memory_space<hbm>>
      %dma_wait3A_237 = arith.constant 0 : i32
      %dma_wait3A_238 = arith.constant 0 : i32
      %dma_wait3A_239 = tpu.memref_slice %arg3[%arg0, %run_scoped3A, %arg1, %dma_wait3A_237, %dma_wait3A_238] : memref<2x2x16x168x120xi32, #tpu.memory_space<hbm>> -> memref<1x1x1x168x120xi32, #tpu.memory_space<hbm>>
      %dma_wait3A_240 = tpu.memref_squeeze %dma_wait3A_239 : memref<1x1x1x168x120xi32, #tpu.memory_space<hbm>> -> memref<168x120xi32, #tpu.memory_space<hbm>>
      tpu.wait_dma2 semaphore(%run_scoped3A_224 : memref<!tpu.dma_semaphore, #tpu.memory_space<semaphore_mem>>) src(%dma_wait3A_240 : memref<168x120xi32, #tpu.memory_space<hbm>>) dst(%arg8 : memref<168x120xi32, #tpu.memory_space<vmem>>)
      tpu.yield
    }) : () -> ()
    %mul3A_3 = arith.constant 5120 : i32
    %mul3A_4 = arith.muli %arg0, %mul3A_3 : i32
    %add3A = arith.constant 0 : i32
    %add3A_5 = arith.addi %add3A, %mul3A_4 : i32
    %mul3A_6 = arith.constant 320 : i32
    %mul3A_7 = arith.muli %arg1, %mul3A_6 : i32
    %add3A_8 = arith.addi %add3A_5, %mul3A_7 : i32
    %mul3A_9 = arith.constant 320 : i32
    %mul3A_10 = arith.muli %arg1, %mul3A_9 : i32
    "tpu.region"() ({
      %run_scoped3A_224 = tpu.sem_alloc : memref<!tpu.dma_semaphore, #tpu.memory_space<semaphore_mem>>
      %dma_start3A_225 = arith.constant 0 : i32
      %dma_start3A_226 = tpu.memref_slice %arg11[%mul3A_10, %dma_start3A_225] : memref<5120x128xf32, #tpu.memory_space<vmem_shared>> -> memref<320x128xf32, #tpu.memory_space<vmem_shared>>
      %dma_start3A_227 = arith.constant 0 : i32
      %dma_start3A_228 = tpu.memref_slice %arg2[%add3A_8, %dma_start3A_227] : memref<30720x128xf32, #tpu.memory_space<hbm>> -> memref<320x128xf32, #tpu.memory_space<hbm>>
      tpu.enqueue_dma source(%dma_start3A_228 : memref<320x128xf32, #tpu.memory_space<hbm>>) target(%dma_start3A_226 : memref<320x128xf32, #tpu.memory_space<vmem_shared>>) target_semaphore(%run_scoped3A_224 : memref<!tpu.dma_semaphore, #tpu.memory_space<semaphore_mem>>)
      %dma_wait3A_229 = arith.constant 0 : i32
      %dma_wait3A_230 = tpu.memref_slice %arg11[%mul3A_10, %dma_wait3A_229] : memref<5120x128xf32, #tpu.memory_space<vmem_shared>> -> memref<320x128xf32, #tpu.memory_space<vmem_shared>>
      %dma_wait3A_231 = arith.constant 0 : i32
      %dma_wait3A_232 = tpu.memref_slice %arg2[%add3A_8, %dma_wait3A_231] : memref<30720x128xf32, #tpu.memory_space<hbm>> -> memref<320x128xf32, #tpu.memory_space<hbm>>
      tpu.wait_dma2 semaphore(%run_scoped3A_224 : memref<!tpu.dma_semaphore, #tpu.memory_space<semaphore_mem>>) src(%dma_wait3A_232 : memref<320x128xf32, #tpu.memory_space<hbm>>) dst(%dma_wait3A_230 : memref<320x128xf32, #tpu.memory_space<vmem_shared>>)
      tpu.yield
    }) : () -> ()
    %dma_start3A = arith.constant 0 : i32
    %dma_start3A_11 = arith.constant 0 : i32
    %dma_start3A_12 = arith.constant 0 : i32
    %dma_start3A_13 = arith.constant 0 : i32
    %dma_start3A_14 = tpu.memref_slice %arg10[%dma_start3A_11, %dma_start3A_12, %dma_start3A_13] : memref<3x120x128xf32, #tpu.memory_space<vmem>> -> memref<1x120x128xf32, #tpu.memory_space<vmem>>
    %dma_start3A_15 = tpu.memref_squeeze %dma_start3A_14 : memref<1x120x128xf32, #tpu.memory_space<vmem>> -> memref<120x128xf32, #tpu.memory_space<vmem>>
    %dma_start3A_16 = arith.constant 0 : i32
    %dma_start3A_17 = tpu.memref_slice %arg8[%dma_start3A, %dma_start3A_16] : memref<168x120xi32, #tpu.memory_space<vmem>> -> memref<1x120xi32, #tpu.memory_space<vmem>>
    %dma_start3A_18 = tpu.memref_squeeze %dma_start3A_17 : memref<1x120xi32, #tpu.memory_space<vmem>> -> memref<120xi32, #tpu.memory_space<vmem>>
    %dma_start3A_19 = arith.constant 0 : i32
    %dma_start3A_20 = arith.constant 0 : i32
    %dma_start3A_21 = tpu.memref_slice %arg2[%dma_start3A_19, %dma_start3A_20] : memref<30720x128xf32, #tpu.memory_space<hbm>> -> memref<30720x128xf32, #tpu.memory_space<hbm>>
    tpu.enqueue_indirect_dma source(%dma_start3A_21 : memref<30720x128xf32, #tpu.memory_space<hbm>>) target(%dma_start3A_15 : memref<120x128xf32, #tpu.memory_space<vmem>>) offsets(%dma_start3A_18 : memref<120xi32, #tpu.memory_space<vmem>>) semaphore(%arg12 : memref<!tpu.dma_semaphore, #tpu.memory_space<semaphore_mem>>)
    %dma_start3A_22 = arith.constant 1 : i32
    %dma_start3A_23 = arith.constant 1 : i32
    %dma_start3A_24 = arith.constant 0 : i32
    %dma_start3A_25 = arith.constant 0 : i32
    %dma_start3A_26 = tpu.memref_slice %arg10[%dma_start3A_23, %dma_start3A_24, %dma_start3A_25] : memref<3x120x128xf32, #tpu.memory_space<vmem>> -> memref<1x120x128xf32, #tpu.memory_space<vmem>>
    %dma_start3A_27 = tpu.memref_squeeze %dma_start3A_26 : memref<1x120x128xf32, #tpu.memory_space<vmem>> -> memref<120x128xf32, #tpu.memory_space<vmem>>
    %dma_start3A_28 = arith.constant 0 : i32
    %dma_start3A_29 = tpu.memref_slice %arg8[%dma_start3A_22, %dma_start3A_28] : memref<168x120xi32, #tpu.memory_space<vmem>> -> memref<1x120xi32, #tpu.memory_space<vmem>>
    %dma_start3A_30 = tpu.memref_squeeze %dma_start3A_29 : memref<1x120xi32, #tpu.memory_space<vmem>> -> memref<120xi32, #tpu.memory_space<vmem>>
    %dma_start3A_31 = arith.constant 0 : i32
    %dma_start3A_32 = arith.constant 0 : i32
    %dma_start3A_33 = tpu.memref_slice %arg2[%dma_start3A_31, %dma_start3A_32] : memref<30720x128xf32, #tpu.memory_space<hbm>> -> memref<30720x128xf32, #tpu.memory_space<hbm>>
    tpu.enqueue_indirect_dma source(%dma_start3A_33 : memref<30720x128xf32, #tpu.memory_space<hbm>>) target(%dma_start3A_27 : memref<120x128xf32, #tpu.memory_space<vmem>>) offsets(%dma_start3A_30 : memref<120xi32, #tpu.memory_space<vmem>>) semaphore(%arg13 : memref<!tpu.dma_semaphore, #tpu.memory_space<semaphore_mem>>)
    %dma_start3A_34 = arith.constant 2 : i32
    %dma_start3A_35 = arith.constant 2 : i32
    %dma_start3A_36 = arith.constant 0 : i32
    %dma_start3A_37 = arith.constant 0 : i32
    %dma_start3A_38 = tpu.memref_slice %arg10[%dma_start3A_35, %dma_start3A_36, %dma_start3A_37] : memref<3x120x128xf32, #tpu.memory_space<vmem>> -> memref<1x120x128xf32, #tpu.memory_space<vmem>>
    %dma_start3A_39 = tpu.memref_squeeze %dma_start3A_38 : memref<1x120x128xf32, #tpu.memory_space<vmem>> -> memref<120x128xf32, #tpu.memory_space<vmem>>
    %dma_start3A_40 = arith.constant 0 : i32
    %dma_start3A_41 = tpu.memref_slice %arg8[%dma_start3A_34, %dma_start3A_40] : memref<168x120xi32, #tpu.memory_space<vmem>> -> memref<1x120xi32, #tpu.memory_space<vmem>>
    %dma_start3A_42 = tpu.memref_squeeze %dma_start3A_41 : memref<1x120xi32, #tpu.memory_space<vmem>> -> memref<120xi32, #tpu.memory_space<vmem>>
    %dma_start3A_43 = arith.constant 0 : i32
    %dma_start3A_44 = arith.constant 0 : i32
    %dma_start3A_45 = tpu.memref_slice %arg2[%dma_start3A_43, %dma_start3A_44] : memref<30720x128xf32, #tpu.memory_space<hbm>> -> memref<30720x128xf32, #tpu.memory_space<hbm>>
    tpu.enqueue_indirect_dma source(%dma_start3A_45 : memref<30720x128xf32, #tpu.memory_space<hbm>>) target(%dma_start3A_39 : memref<120x128xf32, #tpu.memory_space<vmem>>) offsets(%dma_start3A_42 : memref<120xi32, #tpu.memory_space<vmem>>) semaphore(%arg14 : memref<!tpu.dma_semaphore, #tpu.memory_space<semaphore_mem>>)
    %barrier3A = arith.constant 0 : index
    tpu.barrier barrier_id(%barrier3A)
    %while3A = arith.constant 0 : i32
    %while3A_46 = arith.constant 0 : i32
    %while3A_47 = arith.subi %squeeze3A, %while3A_46 : i32
    %while3A_48 = arith.addi %while3A_46, %while3A_47 : i32
    %while3A_49 = arith.constant 1 : i32
    %while3A_50 = arith.divsi %while3A_47, %while3A_49 : i32
    %while3A_51 = arith.muli %while3A_50, %while3A_49 : i32
    %while3A_52 = arith.addi %while3A_46, %while3A_51 : i32
    %while3A_53 = arith.constant 1 : i32
    scf.for %while3A_224 = %while3A_46 to %while3A_52 step %while3A_53  : i32 {
      %mul3A_225 = arith.constant 3 : i32
      %mul3A_226 = arith.muli %while3A_224, %mul3A_225 : i32
      %add3A_227 = arith.constant 0 : i32
      %add3A_228 = arith.addi %mul3A_226, %add3A_227 : i32
      %dma_wait3A_229 = arith.constant 0 : i32
      %dma_wait3A_230 = arith.constant 0 : i32
      %dma_wait3A_231 = arith.constant 0 : i32
      %dma_wait3A_232 = tpu.memref_slice %arg10[%dma_wait3A_229, %dma_wait3A_230, %dma_wait3A_231] : memref<3x120x128xf32, #tpu.memory_space<vmem>> -> memref<1x120x128xf32, #tpu.memory_space<vmem>>
      %dma_wait3A_233 = tpu.memref_squeeze %dma_wait3A_232 : memref<1x120x128xf32, #tpu.memory_space<vmem>> -> memref<120x128xf32, #tpu.memory_space<vmem>>
      %dma_wait3A_234 = arith.constant 0 : i32
      %dma_wait3A_235 = tpu.memref_slice %arg8[%add3A_228, %dma_wait3A_234] : memref<168x120xi32, #tpu.memory_space<vmem>> -> memref<1x120xi32, #tpu.memory_space<vmem>>
      %dma_wait3A_236 = tpu.memref_squeeze %dma_wait3A_235 : memref<1x120xi32, #tpu.memory_space<vmem>> -> memref<120xi32, #tpu.memory_space<vmem>>
      %dma_wait3A_237 = arith.constant 0 : i32
      %dma_wait3A_238 = arith.constant 0 : i32
      %dma_wait3A_239 = tpu.memref_slice %arg2[%dma_wait3A_237, %dma_wait3A_238] : memref<30720x128xf32, #tpu.memory_space<hbm>> -> memref<30720x128xf32, #tpu.memory_space<hbm>>
      tpu.wait_indirect_dma semaphore(%arg12 : memref<!tpu.dma_semaphore, #tpu.memory_space<semaphore_mem>>) src(%dma_wait3A_239 : memref<30720x128xf32, #tpu.memory_space<hbm>>) dst(%dma_wait3A_233 : memref<120x128xf32, #tpu.memory_space<vmem>>)
      %dma_start3A_240 = arith.constant 0 : i32
      %dma_start3A_241 = arith.constant 0 : i32
      %dma_start3A_242 = arith.constant 0 : i32
      %dma_start3A_243 = tpu.memref_slice %arg10[%dma_start3A_240, %dma_start3A_241, %dma_start3A_242] : memref<3x120x128xf32, #tpu.memory_space<vmem>> -> memref<1x120x128xf32, #tpu.memory_space<vmem>>
      %dma_start3A_244 = tpu.memref_squeeze %dma_start3A_243 : memref<1x120x128xf32, #tpu.memory_space<vmem>> -> memref<120x128xf32, #tpu.memory_space<vmem>>
      %dma_start3A_245 = arith.constant 0 : i32
      %dma_start3A_246 = tpu.memref_slice %arg9[%add3A_228, %dma_start3A_245] : memref<168x120xi32, #tpu.memory_space<vmem>> -> memref<1x120xi32, #tpu.memory_space<vmem>>
      %dma_start3A_247 = tpu.memref_squeeze %dma_start3A_246 : memref<1x120xi32, #tpu.memory_space<vmem>> -> memref<120xi32, #tpu.memory_space<vmem>>
      %dma_start3A_248 = arith.constant 0 : i32
      %dma_start3A_249 = arith.constant 0 : i32
      %dma_start3A_250 = tpu.memref_slice %arg11[%dma_start3A_248, %dma_start3A_249] : memref<5120x128xf32, #tpu.memory_space<vmem_shared>> -> memref<5120x128xf32, #tpu.memory_space<vmem_shared>>
      tpu.enqueue_indirect_dma source(%dma_start3A_244 : memref<120x128xf32, #tpu.memory_space<vmem>>) target(%dma_start3A_250 : memref<5120x128xf32, #tpu.memory_space<vmem_shared>>) offsets(%dma_start3A_247 : memref<120xi32, #tpu.memory_space<vmem>>) semaphore(%arg15 : memref<!tpu.dma_semaphore, #tpu.memory_space<semaphore_mem>>) {add = true}
      %mul3A_251 = arith.constant 3 : i32
      %mul3A_252 = arith.muli %while3A_224, %mul3A_251 : i32
      %add3A_253 = arith.constant 1 : i32
      %add3A_254 = arith.addi %mul3A_252, %add3A_253 : i32
      %dma_wait3A_255 = arith.constant 1 : i32
      %dma_wait3A_256 = arith.constant 0 : i32
      %dma_wait3A_257 = arith.constant 0 : i32
      %dma_wait3A_258 = tpu.memref_slice %arg10[%dma_wait3A_255, %dma_wait3A_256, %dma_wait3A_257] : memref<3x120x128xf32, #tpu.memory_space<vmem>> -> memref<1x120x128xf32, #tpu.memory_space<vmem>>
      %dma_wait3A_259 = tpu.memref_squeeze %dma_wait3A_258 : memref<1x120x128xf32, #tpu.memory_space<vmem>> -> memref<120x128xf32, #tpu.memory_space<vmem>>
      %dma_wait3A_260 = arith.constant 0 : i32
      %dma_wait3A_261 = tpu.memref_slice %arg8[%add3A_254, %dma_wait3A_260] : memref<168x120xi32, #tpu.memory_space<vmem>> -> memref<1x120xi32, #tpu.memory_space<vmem>>
      %dma_wait3A_262 = tpu.memref_squeeze %dma_wait3A_261 : memref<1x120xi32, #tpu.memory_space<vmem>> -> memref<120xi32, #tpu.memory_space<vmem>>
      %dma_wait3A_263 = arith.constant 0 : i32
      %dma_wait3A_264 = arith.constant 0 : i32
      %dma_wait3A_265 = tpu.memref_slice %arg2[%dma_wait3A_263, %dma_wait3A_264] : memref<30720x128xf32, #tpu.memory_space<hbm>> -> memref<30720x128xf32, #tpu.memory_space<hbm>>
      tpu.wait_indirect_dma semaphore(%arg13 : memref<!tpu.dma_semaphore, #tpu.memory_space<semaphore_mem>>) src(%dma_wait3A_265 : memref<30720x128xf32, #tpu.memory_space<hbm>>) dst(%dma_wait3A_259 : memref<120x128xf32, #tpu.memory_space<vmem>>)
      %dma_start3A_266 = arith.constant 1 : i32
      %dma_start3A_267 = arith.constant 0 : i32
      %dma_start3A_268 = arith.constant 0 : i32
      %dma_start3A_269 = tpu.memref_slice %arg10[%dma_start3A_266, %dma_start3A_267, %dma_start3A_268] : memref<3x120x128xf32, #tpu.memory_space<vmem>> -> memref<1x120x128xf32, #tpu.memory_space<vmem>>
      %dma_start3A_270 = tpu.memref_squeeze %dma_start3A_269 : memref<1x120x128xf32, #tpu.memory_space<vmem>> -> memref<120x128xf32, #tpu.memory_space<vmem>>
      %dma_start3A_271 = arith.constant 0 : i32
      %dma_start3A_272 = tpu.memref_slice %arg9[%add3A_254, %dma_start3A_271] : memref<168x120xi32, #tpu.memory_space<vmem>> -> memref<1x120xi32, #tpu.memory_space<vmem>>
      %dma_start3A_273 = tpu.memref_squeeze %dma_start3A_272 : memref<1x120xi32, #tpu.memory_space<vmem>> -> memref<120xi32, #tpu.memory_space<vmem>>
      %dma_start3A_274 = arith.constant 0 : i32
      %dma_start3A_275 = arith.constant 0 : i32
      %dma_start3A_276 = tpu.memref_slice %arg11[%dma_start3A_274, %dma_start3A_275] : memref<5120x128xf32, #tpu.memory_space<vmem_shared>> -> memref<5120x128xf32, #tpu.memory_space<vmem_shared>>
      tpu.enqueue_indirect_dma source(%dma_start3A_270 : memref<120x128xf32, #tpu.memory_space<vmem>>) target(%dma_start3A_276 : memref<5120x128xf32, #tpu.memory_space<vmem_shared>>) offsets(%dma_start3A_273 : memref<120xi32, #tpu.memory_space<vmem>>) semaphore(%arg16 : memref<!tpu.dma_semaphore, #tpu.memory_space<semaphore_mem>>) {add = true}
      %mul3A_277 = arith.constant 3 : i32
      %mul3A_278 = arith.muli %while3A_224, %mul3A_277 : i32
      %add3A_279 = arith.constant 2 : i32
      %add3A_280 = arith.addi %mul3A_278, %add3A_279 : i32
      %dma_wait3A_281 = arith.constant 2 : i32
      %dma_wait3A_282 = arith.constant 0 : i32
      %dma_wait3A_283 = arith.constant 0 : i32
      %dma_wait3A_284 = tpu.memref_slice %arg10[%dma_wait3A_281, %dma_wait3A_282, %dma_wait3A_283] : memref<3x120x128xf32, #tpu.memory_space<vmem>> -> memref<1x120x128xf32, #tpu.memory_space<vmem>>
      %dma_wait3A_285 = tpu.memref_squeeze %dma_wait3A_284 : memref<1x120x128xf32, #tpu.memory_space<vmem>> -> memref<120x128xf32, #tpu.memory_space<vmem>>
      %dma_wait3A_286 = arith.constant 0 : i32
      %dma_wait3A_287 = tpu.memref_slice %arg8[%add3A_280, %dma_wait3A_286] : memref<168x120xi32, #tpu.memory_space<vmem>> -> memref<1x120xi32, #tpu.memory_space<vmem>>
      %dma_wait3A_288 = tpu.memref_squeeze %dma_wait3A_287 : memref<1x120xi32, #tpu.memory_space<vmem>> -> memref<120xi32, #tpu.memory_space<vmem>>
      %dma_wait3A_289 = arith.constant 0 : i32
      %dma_wait3A_290 = arith.constant 0 : i32
      %dma_wait3A_291 = tpu.memref_slice %arg2[%dma_wait3A_289, %dma_wait3A_290] : memref<30720x128xf32, #tpu.memory_space<hbm>> -> memref<30720x128xf32, #tpu.memory_space<hbm>>
      tpu.wait_indirect_dma semaphore(%arg14 : memref<!tpu.dma_semaphore, #tpu.memory_space<semaphore_mem>>) src(%dma_wait3A_291 : memref<30720x128xf32, #tpu.memory_space<hbm>>) dst(%dma_wait3A_285 : memref<120x128xf32, #tpu.memory_space<vmem>>)
      %dma_start3A_292 = arith.constant 2 : i32
      %dma_start3A_293 = arith.constant 0 : i32
      %dma_start3A_294 = arith.constant 0 : i32
      %dma_start3A_295 = tpu.memref_slice %arg10[%dma_start3A_292, %dma_start3A_293, %dma_start3A_294] : memref<3x120x128xf32, #tpu.memory_space<vmem>> -> memref<1x120x128xf32, #tpu.memory_space<vmem>>
      %dma_start3A_296 = tpu.memref_squeeze %dma_start3A_295 : memref<1x120x128xf32, #tpu.memory_space<vmem>> -> memref<120x128xf32, #tpu.memory_space<vmem>>
      %dma_start3A_297 = arith.constant 0 : i32
      %dma_start3A_298 = tpu.memref_slice %arg9[%add3A_280, %dma_start3A_297] : memref<168x120xi32, #tpu.memory_space<vmem>> -> memref<1x120xi32, #tpu.memory_space<vmem>>
      %dma_start3A_299 = tpu.memref_squeeze %dma_start3A_298 : memref<1x120xi32, #tpu.memory_space<vmem>> -> memref<120xi32, #tpu.memory_space<vmem>>
      %dma_start3A_300 = arith.constant 0 : i32
      %dma_start3A_301 = arith.constant 0 : i32
      %dma_start3A_302 = tpu.memref_slice %arg11[%dma_start3A_300, %dma_start3A_301] : memref<5120x128xf32, #tpu.memory_space<vmem_shared>> -> memref<5120x128xf32, #tpu.memory_space<vmem_shared>>
      tpu.enqueue_indirect_dma source(%dma_start3A_296 : memref<120x128xf32, #tpu.memory_space<vmem>>) target(%dma_start3A_302 : memref<5120x128xf32, #tpu.memory_space<vmem_shared>>) offsets(%dma_start3A_299 : memref<120xi32, #tpu.memory_space<vmem>>) semaphore(%arg17 : memref<!tpu.dma_semaphore, #tpu.memory_space<semaphore_mem>>) {add = true}
      %mul3A_303 = arith.constant 3 : i32
      %mul3A_304 = arith.muli %while3A_224, %mul3A_303 : i32
      %add3A_305 = arith.constant 0 : i32
      %add3A_306 = arith.addi %mul3A_304, %add3A_305 : i32
      %add3A_307 = arith.constant 3 : i32
      %add3A_308 = arith.addi %add3A_306, %add3A_307 : i32
      %lt3A = arith.cmpi slt, %add3A_308, %mul3A_2 : i32
      %convert_element_type3A = arith.extui %lt3A : i1 to i32
      %cond3A = arith.constant 0 : i32
      %cond3A_309 = arith.cmpi ne, %convert_element_type3A, %cond3A : i32
      scf.if %cond3A_309 {
        %dma_wait3A_330 = arith.constant 0 : i32
        %dma_wait3A_331 = arith.constant 0 : i32
        %dma_wait3A_332 = arith.constant 0 : i32
        %dma_wait3A_333 = tpu.memref_slice %arg10[%dma_wait3A_330, %dma_wait3A_331, %dma_wait3A_332] : memref<3x120x128xf32, #tpu.memory_space<vmem>> -> memref<1x120x128xf32, #tpu.memory_space<vmem>>
        %dma_wait3A_334 = tpu.memref_squeeze %dma_wait3A_333 : memref<1x120x128xf32, #tpu.memory_space<vmem>> -> memref<120x128xf32, #tpu.memory_space<vmem>>
        %dma_wait3A_335 = arith.constant 0 : i32
        %dma_wait3A_336 = tpu.memref_slice %arg9[%add3A_306, %dma_wait3A_335] : memref<168x120xi32, #tpu.memory_space<vmem>> -> memref<1x120xi32, #tpu.memory_space<vmem>>
        %dma_wait3A_337 = tpu.memref_squeeze %dma_wait3A_336 : memref<1x120xi32, #tpu.memory_space<vmem>> -> memref<120xi32, #tpu.memory_space<vmem>>
        %dma_wait3A_338 = arith.constant 0 : i32
        %dma_wait3A_339 = arith.constant 0 : i32
        %dma_wait3A_340 = tpu.memref_slice %arg11[%dma_wait3A_338, %dma_wait3A_339] : memref<5120x128xf32, #tpu.memory_space<vmem_shared>> -> memref<5120x128xf32, #tpu.memory_space<vmem_shared>>
        tpu.wait_indirect_dma semaphore(%arg15 : memref<!tpu.dma_semaphore, #tpu.memory_space<semaphore_mem>>) src(%dma_wait3A_334 : memref<120x128xf32, #tpu.memory_space<vmem>>) dst(%dma_wait3A_340 : memref<5120x128xf32, #tpu.memory_space<vmem_shared>>)
        %dma_start3A_341 = arith.constant 0 : i32
        %dma_start3A_342 = arith.constant 0 : i32
        %dma_start3A_343 = arith.constant 0 : i32
        %dma_start3A_344 = tpu.memref_slice %arg10[%dma_start3A_341, %dma_start3A_342, %dma_start3A_343] : memref<3x120x128xf32, #tpu.memory_space<vmem>> -> memref<1x120x128xf32, #tpu.memory_space<vmem>>
        %dma_start3A_345 = tpu.memref_squeeze %dma_start3A_344 : memref<1x120x128xf32, #tpu.memory_space<vmem>> -> memref<120x128xf32, #tpu.memory_space<vmem>>
        %dma_start3A_346 = arith.constant 0 : i32
        %dma_start3A_347 = tpu.memref_slice %arg8[%add3A_308, %dma_start3A_346] : memref<168x120xi32, #tpu.memory_space<vmem>> -> memref<1x120xi32, #tpu.memory_space<vmem>>
        %dma_start3A_348 = tpu.memref_squeeze %dma_start3A_347 : memref<1x120xi32, #tpu.memory_space<vmem>> -> memref<120xi32, #tpu.memory_space<vmem>>
        %dma_start3A_349 = arith.constant 0 : i32
        %dma_start3A_350 = arith.constant 0 : i32
        %dma_start3A_351 = tpu.memref_slice %arg2[%dma_start3A_349, %dma_start3A_350] : memref<30720x128xf32, #tpu.memory_space<hbm>> -> memref<30720x128xf32, #tpu.memory_space<hbm>>
        tpu.enqueue_indirect_dma source(%dma_start3A_351 : memref<30720x128xf32, #tpu.memory_space<hbm>>) target(%dma_start3A_345 : memref<120x128xf32, #tpu.memory_space<vmem>>) offsets(%dma_start3A_348 : memref<120xi32, #tpu.memory_space<vmem>>) semaphore(%arg12 : memref<!tpu.dma_semaphore, #tpu.memory_space<semaphore_mem>>)
      } else {
      }
      %mul3A_310 = arith.constant 3 : i32
      %mul3A_311 = arith.muli %while3A_224, %mul3A_310 : i32
      %add3A_312 = arith.constant 1 : i32
      %add3A_313 = arith.addi %mul3A_311, %add3A_312 : i32
      %add3A_314 = arith.constant 3 : i32
      %add3A_315 = arith.addi %add3A_313, %add3A_314 : i32
      %lt3A_316 = arith.cmpi slt, %add3A_315, %mul3A_2 : i32
      %convert_element_type3A_317 = arith.extui %lt3A_316 : i1 to i32
      %cond3A_318 = arith.constant 0 : i32
      %cond3A_319 = arith.cmpi ne, %convert_element_type3A_317, %cond3A_318 : i32
      scf.if %cond3A_319 {
        %dma_wait3A_330 = arith.constant 1 : i32
        %dma_wait3A_331 = arith.constant 0 : i32
        %dma_wait3A_332 = arith.constant 0 : i32
        %dma_wait3A_333 = tpu.memref_slice %arg10[%dma_wait3A_330, %dma_wait3A_331, %dma_wait3A_332] : memref<3x120x128xf32, #tpu.memory_space<vmem>> -> memref<1x120x128xf32, #tpu.memory_space<vmem>>
        %dma_wait3A_334 = tpu.memref_squeeze %dma_wait3A_333 : memref<1x120x128xf32, #tpu.memory_space<vmem>> -> memref<120x128xf32, #tpu.memory_space<vmem>>
        %dma_wait3A_335 = arith.constant 0 : i32
        %dma_wait3A_336 = tpu.memref_slice %arg9[%add3A_313, %dma_wait3A_335] : memref<168x120xi32, #tpu.memory_space<vmem>> -> memref<1x120xi32, #tpu.memory_space<vmem>>
        %dma_wait3A_337 = tpu.memref_squeeze %dma_wait3A_336 : memref<1x120xi32, #tpu.memory_space<vmem>> -> memref<120xi32, #tpu.memory_space<vmem>>
        %dma_wait3A_338 = arith.constant 0 : i32
        %dma_wait3A_339 = arith.constant 0 : i32
        %dma_wait3A_340 = tpu.memref_slice %arg11[%dma_wait3A_338, %dma_wait3A_339] : memref<5120x128xf32, #tpu.memory_space<vmem_shared>> -> memref<5120x128xf32, #tpu.memory_space<vmem_shared>>
        tpu.wait_indirect_dma semaphore(%arg16 : memref<!tpu.dma_semaphore, #tpu.memory_space<semaphore_mem>>) src(%dma_wait3A_334 : memref<120x128xf32, #tpu.memory_space<vmem>>) dst(%dma_wait3A_340 : memref<5120x128xf32, #tpu.memory_space<vmem_shared>>)
        %dma_start3A_341 = arith.constant 1 : i32
        %dma_start3A_342 = arith.constant 0 : i32
        %dma_start3A_343 = arith.constant 0 : i32
        %dma_start3A_344 = tpu.memref_slice %arg10[%dma_start3A_341, %dma_start3A_342, %dma_start3A_343] : memref<3x120x128xf32, #tpu.memory_space<vmem>> -> memref<1x120x128xf32, #tpu.memory_space<vmem>>
        %dma_start3A_345 = tpu.memref_squeeze %dma_start3A_344 : memref<1x120x128xf32, #tpu.memory_space<vmem>> -> memref<120x128xf32, #tpu.memory_space<vmem>>
        %dma_start3A_346 = arith.constant 0 : i32
        %dma_start3A_347 = tpu.memref_slice %arg8[%add3A_315, %dma_start3A_346] : memref<168x120xi32, #tpu.memory_space<vmem>> -> memref<1x120xi32, #tpu.memory_space<vmem>>
        %dma_start3A_348 = tpu.memref_squeeze %dma_start3A_347 : memref<1x120xi32, #tpu.memory_space<vmem>> -> memref<120xi32, #tpu.memory_space<vmem>>
        %dma_start3A_349 = arith.constant 0 : i32
        %dma_start3A_350 = arith.constant 0 : i32
        %dma_start3A_351 = tpu.memref_slice %arg2[%dma_start3A_349, %dma_start3A_350] : memref<30720x128xf32, #tpu.memory_space<hbm>> -> memref<30720x128xf32, #tpu.memory_space<hbm>>
        tpu.enqueue_indirect_dma source(%dma_start3A_351 : memref<30720x128xf32, #tpu.memory_space<hbm>>) target(%dma_start3A_345 : memref<120x128xf32, #tpu.memory_space<vmem>>) offsets(%dma_start3A_348 : memref<120xi32, #tpu.memory_space<vmem>>) semaphore(%arg13 : memref<!tpu.dma_semaphore, #tpu.memory_space<semaphore_mem>>)
      } else {
      }
      %mul3A_320 = arith.constant 3 : i32
      %mul3A_321 = arith.muli %while3A_224, %mul3A_320 : i32
      %add3A_322 = arith.constant 2 : i32
      %add3A_323 = arith.addi %mul3A_321, %add3A_322 : i32
      %add3A_324 = arith.constant 3 : i32
      %add3A_325 = arith.addi %add3A_323, %add3A_324 : i32
      %lt3A_326 = arith.cmpi slt, %add3A_325, %mul3A_2 : i32
      %convert_element_type3A_327 = arith.extui %lt3A_326 : i1 to i32
      %cond3A_328 = arith.constant 0 : i32
      %cond3A_329 = arith.cmpi ne, %convert_element_type3A_327, %cond3A_328 : i32
      scf.if %cond3A_329 {
        %dma_wait3A_330 = arith.constant 2 : i32
        %dma_wait3A_331 = arith.constant 0 : i32
        %dma_wait3A_332 = arith.constant 0 : i32
        %dma_wait3A_333 = tpu.memref_slice %arg10[%dma_wait3A_330, %dma_wait3A_331, %dma_wait3A_332] : memref<3x120x128xf32, #tpu.memory_space<vmem>> -> memref<1x120x128xf32, #tpu.memory_space<vmem>>
        %dma_wait3A_334 = tpu.memref_squeeze %dma_wait3A_333 : memref<1x120x128xf32, #tpu.memory_space<vmem>> -> memref<120x128xf32, #tpu.memory_space<vmem>>
        %dma_wait3A_335 = arith.constant 0 : i32
        %dma_wait3A_336 = tpu.memref_slice %arg9[%add3A_323, %dma_wait3A_335] : memref<168x120xi32, #tpu.memory_space<vmem>> -> memref<1x120xi32, #tpu.memory_space<vmem>>
        %dma_wait3A_337 = tpu.memref_squeeze %dma_wait3A_336 : memref<1x120xi32, #tpu.memory_space<vmem>> -> memref<120xi32, #tpu.memory_space<vmem>>
        %dma_wait3A_338 = arith.constant 0 : i32
        %dma_wait3A_339 = arith.constant 0 : i32
        %dma_wait3A_340 = tpu.memref_slice %arg11[%dma_wait3A_338, %dma_wait3A_339] : memref<5120x128xf32, #tpu.memory_space<vmem_shared>> -> memref<5120x128xf32, #tpu.memory_space<vmem_shared>>
        tpu.wait_indirect_dma semaphore(%arg17 : memref<!tpu.dma_semaphore, #tpu.memory_space<semaphore_mem>>) src(%dma_wait3A_334 : memref<120x128xf32, #tpu.memory_space<vmem>>) dst(%dma_wait3A_340 : memref<5120x128xf32, #tpu.memory_space<vmem_shared>>)
        %dma_start3A_341 = arith.constant 2 : i32
        %dma_start3A_342 = arith.constant 0 : i32
        %dma_start3A_343 = arith.constant 0 : i32
        %dma_start3A_344 = tpu.memref_slice %arg10[%dma_start3A_341, %dma_start3A_342, %dma_start3A_343] : memref<3x120x128xf32, #tpu.memory_space<vmem>> -> memref<1x120x128xf32, #tpu.memory_space<vmem>>
        %dma_start3A_345 = tpu.memref_squeeze %dma_start3A_344 : memref<1x120x128xf32, #tpu.memory_space<vmem>> -> memref<120x128xf32, #tpu.memory_space<vmem>>
        %dma_start3A_346 = arith.constant 0 : i32
        %dma_start3A_347 = tpu.memref_slice %arg8[%add3A_325, %dma_start3A_346] : memref<168x120xi32, #tpu.memory_space<vmem>> -> memref<1x120xi32, #tpu.memory_space<vmem>>
        %dma_start3A_348 = tpu.memref_squeeze %dma_start3A_347 : memref<1x120xi32, #tpu.memory_space<vmem>> -> memref<120xi32, #tpu.memory_space<vmem>>
        %dma_start3A_349 = arith.constant 0 : i32
        %dma_start3A_350 = arith.constant 0 : i32
        %dma_start3A_351 = tpu.memref_slice %arg2[%dma_start3A_349, %dma_start3A_350] : memref<30720x128xf32, #tpu.memory_space<hbm>> -> memref<30720x128xf32, #tpu.memory_space<hbm>>
        tpu.enqueue_indirect_dma source(%dma_start3A_351 : memref<30720x128xf32, #tpu.memory_space<hbm>>) target(%dma_start3A_345 : memref<120x128xf32, #tpu.memory_space<vmem>>) offsets(%dma_start3A_348 : memref<120xi32, #tpu.memory_space<vmem>>) semaphore(%arg14 : memref<!tpu.dma_semaphore, #tpu.memory_space<semaphore_mem>>)
      } else {
      }
    }
    %while3A_54 = arith.constant 1 : i32
    scf.for %while3A_224 = %while3A_52 to %while3A_48 step %while3A_54  : i32 {
      %mul3A_225 = arith.constant 3 : i32
      %mul3A_226 = arith.muli %while3A_224, %mul3A_225 : i32
      %add3A_227 = arith.constant 0 : i32
      %add3A_228 = arith.addi %mul3A_226, %add3A_227 : i32
      %dma_wait3A_229 = arith.constant 0 : i32
      %dma_wait3A_230 = arith.constant 0 : i32
      %dma_wait3A_231 = arith.constant 0 : i32
      %dma_wait3A_232 = tpu.memref_slice %arg10[%dma_wait3A_229, %dma_wait3A_230, %dma_wait3A_231] : memref<3x120x128xf32, #tpu.memory_space<vmem>> -> memref<1x120x128xf32, #tpu.memory_space<vmem>>
      %dma_wait3A_233 = tpu.memref_squeeze %dma_wait3A_232 : memref<1x120x128xf32, #tpu.memory_space<vmem>> -> memref<120x128xf32, #tpu.memory_space<vmem>>
      %dma_wait3A_234 = arith.constant 0 : i32
      %dma_wait3A_235 = tpu.memref_slice %arg8[%add3A_228, %dma_wait3A_234] : memref<168x120xi32, #tpu.memory_space<vmem>> -> memref<1x120xi32, #tpu.memory_space<vmem>>
      %dma_wait3A_236 = tpu.memref_squeeze %dma_wait3A_235 : memref<1x120xi32, #tpu.memory_space<vmem>> -> memref<120xi32, #tpu.memory_space<vmem>>
      %dma_wait3A_237 = arith.constant 0 : i32
      %dma_wait3A_238 = arith.constant 0 : i32
      %dma_wait3A_239 = tpu.memref_slice %arg2[%dma_wait3A_237, %dma_wait3A_238] : memref<30720x128xf32, #tpu.memory_space<hbm>> -> memref<30720x128xf32, #tpu.memory_space<hbm>>
      tpu.wait_indirect_dma semaphore(%arg12 : memref<!tpu.dma_semaphore, #tpu.memory_space<semaphore_mem>>) src(%dma_wait3A_239 : memref<30720x128xf32, #tpu.memory_space<hbm>>) dst(%dma_wait3A_233 : memref<120x128xf32, #tpu.memory_space<vmem>>)
      %dma_start3A_240 = arith.constant 0 : i32
      %dma_start3A_241 = arith.constant 0 : i32
      %dma_start3A_242 = arith.constant 0 : i32
      %dma_start3A_243 = tpu.memref_slice %arg10[%dma_start3A_240, %dma_start3A_241, %dma_start3A_242] : memref<3x120x128xf32, #tpu.memory_space<vmem>> -> memref<1x120x128xf32, #tpu.memory_space<vmem>>
      %dma_start3A_244 = tpu.memref_squeeze %dma_start3A_243 : memref<1x120x128xf32, #tpu.memory_space<vmem>> -> memref<120x128xf32, #tpu.memory_space<vmem>>
      %dma_start3A_245 = arith.constant 0 : i32
      %dma_start3A_246 = tpu.memref_slice %arg9[%add3A_228, %dma_start3A_245] : memref<168x120xi32, #tpu.memory_space<vmem>> -> memref<1x120xi32, #tpu.memory_space<vmem>>
      %dma_start3A_247 = tpu.memref_squeeze %dma_start3A_246 : memref<1x120xi32, #tpu.memory_space<vmem>> -> memref<120xi32, #tpu.memory_space<vmem>>
      %dma_start3A_248 = arith.constant 0 : i32
      %dma_start3A_249 = arith.constant 0 : i32
      %dma_start3A_250 = tpu.memref_slice %arg11[%dma_start3A_248, %dma_start3A_249] : memref<5120x128xf32, #tpu.memory_space<vmem_shared>> -> memref<5120x128xf32, #tpu.memory_space<vmem_shared>>
      tpu.enqueue_indirect_dma source(%dma_start3A_244 : memref<120x128xf32, #tpu.memory_space<vmem>>) target(%dma_start3A_250 : memref<5120x128xf32, #tpu.memory_space<vmem_shared>>) offsets(%dma_start3A_247 : memref<120xi32, #tpu.memory_space<vmem>>) semaphore(%arg15 : memref<!tpu.dma_semaphore, #tpu.memory_space<semaphore_mem>>) {add = true}
      %mul3A_251 = arith.constant 3 : i32
      %mul3A_252 = arith.muli %while3A_224, %mul3A_251 : i32
      %add3A_253 = arith.constant 1 : i32
      %add3A_254 = arith.addi %mul3A_252, %add3A_253 : i32
      %dma_wait3A_255 = arith.constant 1 : i32
      %dma_wait3A_256 = arith.constant 0 : i32
      %dma_wait3A_257 = arith.constant 0 : i32
      %dma_wait3A_258 = tpu.memref_slice %arg10[%dma_wait3A_255, %dma_wait3A_256, %dma_wait3A_257] : memref<3x120x128xf32, #tpu.memory_space<vmem>> -> memref<1x120x128xf32, #tpu.memory_space<vmem>>
      %dma_wait3A_259 = tpu.memref_squeeze %dma_wait3A_258 : memref<1x120x128xf32, #tpu.memory_space<vmem>> -> memref<120x128xf32, #tpu.memory_space<vmem>>
      %dma_wait3A_260 = arith.constant 0 : i32
      %dma_wait3A_261 = tpu.memref_slice %arg8[%add3A_254, %dma_wait3A_260] : memref<168x120xi32, #tpu.memory_space<vmem>> -> memref<1x120xi32, #tpu.memory_space<vmem>>
      %dma_wait3A_262 = tpu.memref_squeeze %dma_wait3A_261 : memref<1x120xi32, #tpu.memory_space<vmem>> -> memref<120xi32, #tpu.memory_space<vmem>>
      %dma_wait3A_263 = arith.constant 0 : i32
      %dma_wait3A_264 = arith.constant 0 : i32
      %dma_wait3A_265 = tpu.memref_slice %arg2[%dma_wait3A_263, %dma_wait3A_264] : memref<30720x128xf32, #tpu.memory_space<hbm>> -> memref<30720x128xf32, #tpu.memory_space<hbm>>
      tpu.wait_indirect_dma semaphore(%arg13 : memref<!tpu.dma_semaphore, #tpu.memory_space<semaphore_mem>>) src(%dma_wait3A_265 : memref<30720x128xf32, #tpu.memory_space<hbm>>) dst(%dma_wait3A_259 : memref<120x128xf32, #tpu.memory_space<vmem>>)
      %dma_start3A_266 = arith.constant 1 : i32
      %dma_start3A_267 = arith.constant 0 : i32
      %dma_start3A_268 = arith.constant 0 : i32
      %dma_start3A_269 = tpu.memref_slice %arg10[%dma_start3A_266, %dma_start3A_267, %dma_start3A_268] : memref<3x120x128xf32, #tpu.memory_space<vmem>> -> memref<1x120x128xf32, #tpu.memory_space<vmem>>
      %dma_start3A_270 = tpu.memref_squeeze %dma_start3A_269 : memref<1x120x128xf32, #tpu.memory_space<vmem>> -> memref<120x128xf32, #tpu.memory_space<vmem>>
      %dma_start3A_271 = arith.constant 0 : i32
      %dma_start3A_272 = tpu.memref_slice %arg9[%add3A_254, %dma_start3A_271] : memref<168x120xi32, #tpu.memory_space<vmem>> -> memref<1x120xi32, #tpu.memory_space<vmem>>
      %dma_start3A_273 = tpu.memref_squeeze %dma_start3A_272 : memref<1x120xi32, #tpu.memory_space<vmem>> -> memref<120xi32, #tpu.memory_space<vmem>>
      %dma_start3A_274 = arith.constant 0 : i32
      %dma_start3A_275 = arith.constant 0 : i32
      %dma_start3A_276 = tpu.memref_slice %arg11[%dma_start3A_274, %dma_start3A_275] : memref<5120x128xf32, #tpu.memory_space<vmem_shared>> -> memref<5120x128xf32, #tpu.memory_space<vmem_shared>>
      tpu.enqueue_indirect_dma source(%dma_start3A_270 : memref<120x128xf32, #tpu.memory_space<vmem>>) target(%dma_start3A_276 : memref<5120x128xf32, #tpu.memory_space<vmem_shared>>) offsets(%dma_start3A_273 : memref<120xi32, #tpu.memory_space<vmem>>) semaphore(%arg16 : memref<!tpu.dma_semaphore, #tpu.memory_space<semaphore_mem>>) {add = true}
      %mul3A_277 = arith.constant 3 : i32
      %mul3A_278 = arith.muli %while3A_224, %mul3A_277 : i32
      %add3A_279 = arith.constant 2 : i32
      %add3A_280 = arith.addi %mul3A_278, %add3A_279 : i32
      %dma_wait3A_281 = arith.constant 2 : i32
      %dma_wait3A_282 = arith.constant 0 : i32
      %dma_wait3A_283 = arith.constant 0 : i32
      %dma_wait3A_284 = tpu.memref_slice %arg10[%dma_wait3A_281, %dma_wait3A_282, %dma_wait3A_283] : memref<3x120x128xf32, #tpu.memory_space<vmem>> -> memref<1x120x128xf32, #tpu.memory_space<vmem>>
      %dma_wait3A_285 = tpu.memref_squeeze %dma_wait3A_284 : memref<1x120x128xf32, #tpu.memory_space<vmem>> -> memref<120x128xf32, #tpu.memory_space<vmem>>
      %dma_wait3A_286 = arith.constant 0 : i32
      %dma_wait3A_287 = tpu.memref_slice %arg8[%add3A_280, %dma_wait3A_286] : memref<168x120xi32, #tpu.memory_space<vmem>> -> memref<1x120xi32, #tpu.memory_space<vmem>>
      %dma_wait3A_288 = tpu.memref_squeeze %dma_wait3A_287 : memref<1x120xi32, #tpu.memory_space<vmem>> -> memref<120xi32, #tpu.memory_space<vmem>>
      %dma_wait3A_289 = arith.constant 0 : i32
      %dma_wait3A_290 = arith.constant 0 : i32
      %dma_wait3A_291 = tpu.memref_slice %arg2[%dma_wait3A_289, %dma_wait3A_290] : memref<30720x128xf32, #tpu.memory_space<hbm>> -> memref<30720x128xf32, #tpu.memory_space<hbm>>
      tpu.wait_indirect_dma semaphore(%arg14 : memref<!tpu.dma_semaphore, #tpu.memory_space<semaphore_mem>>) src(%dma_wait3A_291 : memref<30720x128xf32, #tpu.memory_space<hbm>>) dst(%dma_wait3A_285 : memref<120x128xf32, #tpu.memory_space<vmem>>)
      %dma_start3A_292 = arith.constant 2 : i32
      %dma_start3A_293 = arith.constant 0 : i32
      %dma_start3A_294 = arith.constant 0 : i32
      %dma_start3A_295 = tpu.memref_slice %arg10[%dma_start3A_292, %dma_start3A_293, %dma_start3A_294] : memref<3x120x128xf32, #tpu.memory_space<vmem>> -> memref<1x120x128xf32, #tpu.memory_space<vmem>>
      %dma_start3A_296 = tpu.memref_squeeze %dma_start3A_295 : memref<1x120x128xf32, #tpu.memory_space<vmem>> -> memref<120x128xf32, #tpu.memory_space<vmem>>
      %dma_start3A_297 = arith.constant 0 : i32
      %dma_start3A_298 = tpu.memref_slice %arg9[%add3A_280, %dma_start3A_297] : memref<168x120xi32, #tpu.memory_space<vmem>> -> memref<1x120xi32, #tpu.memory_space<vmem>>
      %dma_start3A_299 = tpu.memref_squeeze %dma_start3A_298 : memref<1x120xi32, #tpu.memory_space<vmem>> -> memref<120xi32, #tpu.memory_space<vmem>>
      %dma_start3A_300 = arith.constant 0 : i32
      %dma_start3A_301 = arith.constant 0 : i32
      %dma_start3A_302 = tpu.memref_slice %arg11[%dma_start3A_300, %dma_start3A_301] : memref<5120x128xf32, #tpu.memory_space<vmem_shared>> -> memref<5120x128xf32, #tpu.memory_space<vmem_shared>>
      tpu.enqueue_indirect_dma source(%dma_start3A_296 : memref<120x128xf32, #tpu.memory_space<vmem>>) target(%dma_start3A_302 : memref<5120x128xf32, #tpu.memory_space<vmem_shared>>) offsets(%dma_start3A_299 : memref<120xi32, #tpu.memory_space<vmem>>) semaphore(%arg17 : memref<!tpu.dma_semaphore, #tpu.memory_space<semaphore_mem>>) {add = true}
      %mul3A_303 = arith.constant 3 : i32
      %mul3A_304 = arith.muli %while3A_224, %mul3A_303 : i32
      %add3A_305 = arith.constant 0 : i32
      %add3A_306 = arith.addi %mul3A_304, %add3A_305 : i32
      %add3A_307 = arith.constant 3 : i32
      %add3A_308 = arith.addi %add3A_306, %add3A_307 : i32
      %lt3A = arith.cmpi slt, %add3A_308, %mul3A_2 : i32
      %convert_element_type3A = arith.extui %lt3A : i1 to i32
      %cond3A = arith.constant 0 : i32
      %cond3A_309 = arith.cmpi ne, %convert_element_type3A, %cond3A : i32
      scf.if %cond3A_309 {
        %dma_wait3A_330 = arith.constant 0 : i32
        %dma_wait3A_331 = arith.constant 0 : i32
        %dma_wait3A_332 = arith.constant 0 : i32
        %dma_wait3A_333 = tpu.memref_slice %arg10[%dma_wait3A_330, %dma_wait3A_331, %dma_wait3A_332] : memref<3x120x128xf32, #tpu.memory_space<vmem>> -> memref<1x120x128xf32, #tpu.memory_space<vmem>>
        %dma_wait3A_334 = tpu.memref_squeeze %dma_wait3A_333 : memref<1x120x128xf32, #tpu.memory_space<vmem>> -> memref<120x128xf32, #tpu.memory_space<vmem>>
        %dma_wait3A_335 = arith.constant 0 : i32
        %dma_wait3A_336 = tpu.memref_slice %arg9[%add3A_306, %dma_wait3A_335] : memref<168x120xi32, #tpu.memory_space<vmem>> -> memref<1x120xi32, #tpu.memory_space<vmem>>
        %dma_wait3A_337 = tpu.memref_squeeze %dma_wait3A_336 : memref<1x120xi32, #tpu.memory_space<vmem>> -> memref<120xi32, #tpu.memory_space<vmem>>
        %dma_wait3A_338 = arith.constant 0 : i32
        %dma_wait3A_339 = arith.constant 0 : i32
        %dma_wait3A_340 = tpu.memref_slice %arg11[%dma_wait3A_338, %dma_wait3A_339] : memref<5120x128xf32, #tpu.memory_space<vmem_shared>> -> memref<5120x128xf32, #tpu.memory_space<vmem_shared>>
        tpu.wait_indirect_dma semaphore(%arg15 : memref<!tpu.dma_semaphore, #tpu.memory_space<semaphore_mem>>) src(%dma_wait3A_334 : memref<120x128xf32, #tpu.memory_space<vmem>>) dst(%dma_wait3A_340 : memref<5120x128xf32, #tpu.memory_space<vmem_shared>>)
        %dma_start3A_341 = arith.constant 0 : i32
        %dma_start3A_342 = arith.constant 0 : i32
        %dma_start3A_343 = arith.constant 0 : i32
        %dma_start3A_344 = tpu.memref_slice %arg10[%dma_start3A_341, %dma_start3A_342, %dma_start3A_343] : memref<3x120x128xf32, #tpu.memory_space<vmem>> -> memref<1x120x128xf32, #tpu.memory_space<vmem>>
        %dma_start3A_345 = tpu.memref_squeeze %dma_start3A_344 : memref<1x120x128xf32, #tpu.memory_space<vmem>> -> memref<120x128xf32, #tpu.memory_space<vmem>>
        %dma_start3A_346 = arith.constant 0 : i32
        %dma_start3A_347 = tpu.memref_slice %arg8[%add3A_308, %dma_start3A_346] : memref<168x120xi32, #tpu.memory_space<vmem>> -> memref<1x120xi32, #tpu.memory_space<vmem>>
        %dma_start3A_348 = tpu.memref_squeeze %dma_start3A_347 : memref<1x120xi32, #tpu.memory_space<vmem>> -> memref<120xi32, #tpu.memory_space<vmem>>
        %dma_start3A_349 = arith.constant 0 : i32
        %dma_start3A_350 = arith.constant 0 : i32
        %dma_start3A_351 = tpu.memref_slice %arg2[%dma_start3A_349, %dma_start3A_350] : memref<30720x128xf32, #tpu.memory_space<hbm>> -> memref<30720x128xf32, #tpu.memory_space<hbm>>
        tpu.enqueue_indirect_dma source(%dma_start3A_351 : memref<30720x128xf32, #tpu.memory_space<hbm>>) target(%dma_start3A_345 : memref<120x128xf32, #tpu.memory_space<vmem>>) offsets(%dma_start3A_348 : memref<120xi32, #tpu.memory_space<vmem>>) semaphore(%arg12 : memref<!tpu.dma_semaphore, #tpu.memory_space<semaphore_mem>>)
      } else {
      }
      %mul3A_310 = arith.constant 3 : i32
      %mul3A_311 = arith.muli %while3A_224, %mul3A_310 : i32
      %add3A_312 = arith.constant 1 : i32
      %add3A_313 = arith.addi %mul3A_311, %add3A_312 : i32
      %add3A_314 = arith.constant 3 : i32
      %add3A_315 = arith.addi %add3A_313, %add3A_314 : i32
      %lt3A_316 = arith.cmpi slt, %add3A_315, %mul3A_2 : i32
      %convert_element_type3A_317 = arith.extui %lt3A_316 : i1 to i32
      %cond3A_318 = arith.constant 0 : i32
      %cond3A_319 = arith.cmpi ne, %convert_element_type3A_317, %cond3A_318 : i32
      scf.if %cond3A_319 {
        %dma_wait3A_330 = arith.constant 1 : i32
        %dma_wait3A_331 = arith.constant 0 : i32
        %dma_wait3A_332 = arith.constant 0 : i32
        %dma_wait3A_333 = tpu.memref_slice %arg10[%dma_wait3A_330, %dma_wait3A_331, %dma_wait3A_332] : memref<3x120x128xf32, #tpu.memory_space<vmem>> -> memref<1x120x128xf32, #tpu.memory_space<vmem>>
        %dma_wait3A_334 = tpu.memref_squeeze %dma_wait3A_333 : memref<1x120x128xf32, #tpu.memory_space<vmem>> -> memref<120x128xf32, #tpu.memory_space<vmem>>
        %dma_wait3A_335 = arith.constant 0 : i32
        %dma_wait3A_336 = tpu.memref_slice %arg9[%add3A_313, %dma_wait3A_335] : memref<168x120xi32, #tpu.memory_space<vmem>> -> memref<1x120xi32, #tpu.memory_space<vmem>>
        %dma_wait3A_337 = tpu.memref_squeeze %dma_wait3A_336 : memref<1x120xi32, #tpu.memory_space<vmem>> -> memref<120xi32, #tpu.memory_space<vmem>>
        %dma_wait3A_338 = arith.constant 0 : i32
        %dma_wait3A_339 = arith.constant 0 : i32
        %dma_wait3A_340 = tpu.memref_slice %arg11[%dma_wait3A_338, %dma_wait3A_339] : memref<5120x128xf32, #tpu.memory_space<vmem_shared>> -> memref<5120x128xf32, #tpu.memory_space<vmem_shared>>
        tpu.wait_indirect_dma semaphore(%arg16 : memref<!tpu.dma_semaphore, #tpu.memory_space<semaphore_mem>>) src(%dma_wait3A_334 : memref<120x128xf32, #tpu.memory_space<vmem>>) dst(%dma_wait3A_340 : memref<5120x128xf32, #tpu.memory_space<vmem_shared>>)
        %dma_start3A_341 = arith.constant 1 : i32
        %dma_start3A_342 = arith.constant 0 : i32
        %dma_start3A_343 = arith.constant 0 : i32
        %dma_start3A_344 = tpu.memref_slice %arg10[%dma_start3A_341, %dma_start3A_342, %dma_start3A_343] : memref<3x120x128xf32, #tpu.memory_space<vmem>> -> memref<1x120x128xf32, #tpu.memory_space<vmem>>
        %dma_start3A_345 = tpu.memref_squeeze %dma_start3A_344 : memref<1x120x128xf32, #tpu.memory_space<vmem>> -> memref<120x128xf32, #tpu.memory_space<vmem>>
        %dma_start3A_346 = arith.constant 0 : i32
        %dma_start3A_347 = tpu.memref_slice %arg8[%add3A_315, %dma_start3A_346] : memref<168x120xi32, #tpu.memory_space<vmem>> -> memref<1x120xi32, #tpu.memory_space<vmem>>
        %dma_start3A_348 = tpu.memref_squeeze %dma_start3A_347 : memref<1x120xi32, #tpu.memory_space<vmem>> -> memref<120xi32, #tpu.memory_space<vmem>>
        %dma_start3A_349 = arith.constant 0 : i32
        %dma_start3A_350 = arith.constant 0 : i32
        %dma_start3A_351 = tpu.memref_slice %arg2[%dma_start3A_349, %dma_start3A_350] : memref<30720x128xf32, #tpu.memory_space<hbm>> -> memref<30720x128xf32, #tpu.memory_space<hbm>>
        tpu.enqueue_indirect_dma source(%dma_start3A_351 : memref<30720x128xf32, #tpu.memory_space<hbm>>) target(%dma_start3A_345 : memref<120x128xf32, #tpu.memory_space<vmem>>) offsets(%dma_start3A_348 : memref<120xi32, #tpu.memory_space<vmem>>) semaphore(%arg13 : memref<!tpu.dma_semaphore, #tpu.memory_space<semaphore_mem>>)
      } else {
      }
      %mul3A_320 = arith.constant 3 : i32
      %mul3A_321 = arith.muli %while3A_224, %mul3A_320 : i32
      %add3A_322 = arith.constant 2 : i32
      %add3A_323 = arith.addi %mul3A_321, %add3A_322 : i32
      %add3A_324 = arith.constant 3 : i32
      %add3A_325 = arith.addi %add3A_323, %add3A_324 : i32
      %lt3A_326 = arith.cmpi slt, %add3A_325, %mul3A_2 : i32
      %convert_element_type3A_327 = arith.extui %lt3A_326 : i1 to i32
      %cond3A_328 = arith.constant 0 : i32
      %cond3A_329 = arith.cmpi ne, %convert_element_type3A_327, %cond3A_328 : i32
      scf.if %cond3A_329 {
        %dma_wait3A_330 = arith.constant 2 : i32
        %dma_wait3A_331 = arith.constant 0 : i32
        %dma_wait3A_332 = arith.constant 0 : i32
        %dma_wait3A_333 = tpu.memref_slice %arg10[%dma_wait3A_330, %dma_wait3A_331, %dma_wait3A_332] : memref<3x120x128xf32, #tpu.memory_space<vmem>> -> memref<1x120x128xf32, #tpu.memory_space<vmem>>
        %dma_wait3A_334 = tpu.memref_squeeze %dma_wait3A_333 : memref<1x120x128xf32, #tpu.memory_space<vmem>> -> memref<120x128xf32, #tpu.memory_space<vmem>>
        %dma_wait3A_335 = arith.constant 0 : i32
        %dma_wait3A_336 = tpu.memref_slice %arg9[%add3A_323, %dma_wait3A_335] : memref<168x120xi32, #tpu.memory_space<vmem>> -> memref<1x120xi32, #tpu.memory_space<vmem>>
        %dma_wait3A_337 = tpu.memref_squeeze %dma_wait3A_336 : memref<1x120xi32, #tpu.memory_space<vmem>> -> memref<120xi32, #tpu.memory_space<vmem>>
        %dma_wait3A_338 = arith.constant 0 : i32
        %dma_wait3A_339 = arith.constant 0 : i32
        %dma_wait3A_340 = tpu.memref_slice %arg11[%dma_wait3A_338, %dma_wait3A_339] : memref<5120x128xf32, #tpu.memory_space<vmem_shared>> -> memref<5120x128xf32, #tpu.memory_space<vmem_shared>>
        tpu.wait_indirect_dma semaphore(%arg17 : memref<!tpu.dma_semaphore, #tpu.memory_space<semaphore_mem>>) src(%dma_wait3A_334 : memref<120x128xf32, #tpu.memory_space<vmem>>) dst(%dma_wait3A_340 : memref<5120x128xf32, #tpu.memory_space<vmem_shared>>)
        %dma_start3A_341 = arith.constant 2 : i32
        %dma_start3A_342 = arith.constant 0 : i32
        %dma_start3A_343 = arith.constant 0 : i32
        %dma_start3A_344 = tpu.memref_slice %arg10[%dma_start3A_341, %dma_start3A_342, %dma_start3A_343] : memref<3x120x128xf32, #tpu.memory_space<vmem>> -> memref<1x120x128xf32, #tpu.memory_space<vmem>>
        %dma_start3A_345 = tpu.memref_squeeze %dma_start3A_344 : memref<1x120x128xf32, #tpu.memory_space<vmem>> -> memref<120x128xf32, #tpu.memory_space<vmem>>
        %dma_start3A_346 = arith.constant 0 : i32
        %dma_start3A_347 = tpu.memref_slice %arg8[%add3A_325, %dma_start3A_346] : memref<168x120xi32, #tpu.memory_space<vmem>> -> memref<1x120xi32, #tpu.memory_space<vmem>>
        %dma_start3A_348 = tpu.memref_squeeze %dma_start3A_347 : memref<1x120xi32, #tpu.memory_space<vmem>> -> memref<120xi32, #tpu.memory_space<vmem>>
        %dma_start3A_349 = arith.constant 0 : i32
        %dma_start3A_350 = arith.constant 0 : i32
        %dma_start3A_351 = tpu.memref_slice %arg2[%dma_start3A_349, %dma_start3A_350] : memref<30720x128xf32, #tpu.memory_space<hbm>> -> memref<30720x128xf32, #tpu.memory_space<hbm>>
        tpu.enqueue_indirect_dma source(%dma_start3A_351 : memref<30720x128xf32, #tpu.memory_space<hbm>>) target(%dma_start3A_345 : memref<120x128xf32, #tpu.memory_space<vmem>>) offsets(%dma_start3A_348 : memref<120xi32, #tpu.memory_space<vmem>>) semaphore(%arg14 : memref<!tpu.dma_semaphore, #tpu.memory_space<semaphore_mem>>)
      } else {
      }
    }
    %sub3A = arith.constant 1 : i32
    %sub3A_55 = arith.subi %squeeze3A, %sub3A : i32
    %mul3A_56 = arith.constant 3 : i32
    %mul3A_57 = arith.muli %sub3A_55, %mul3A_56 : i32
    %add3A_58 = arith.constant 0 : i32
    %add3A_59 = arith.addi %mul3A_57, %add3A_58 : i32
    %dma_wait3A = arith.constant 0 : i32
    %dma_wait3A_60 = arith.constant 0 : i32
    %dma_wait3A_61 = arith.constant 0 : i32
    %dma_wait3A_62 = tpu.memref_slice %arg10[%dma_wait3A, %dma_wait3A_60, %dma_wait3A_61] : memref<3x120x128xf32, #tpu.memory_space<vmem>> -> memref<1x120x128xf32, #tpu.memory_space<vmem>>
    %dma_wait3A_63 = tpu.memref_squeeze %dma_wait3A_62 : memref<1x120x128xf32, #tpu.memory_space<vmem>> -> memref<120x128xf32, #tpu.memory_space<vmem>>
    %dma_wait3A_64 = arith.constant 0 : i32
    %dma_wait3A_65 = tpu.memref_slice %arg9[%add3A_59, %dma_wait3A_64] : memref<168x120xi32, #tpu.memory_space<vmem>> -> memref<1x120xi32, #tpu.memory_space<vmem>>
    %dma_wait3A_66 = tpu.memref_squeeze %dma_wait3A_65 : memref<1x120xi32, #tpu.memory_space<vmem>> -> memref<120xi32, #tpu.memory_space<vmem>>
    %dma_wait3A_67 = arith.constant 0 : i32
    %dma_wait3A_68 = arith.constant 0 : i32
    %dma_wait3A_69 = tpu.memref_slice %arg11[%dma_wait3A_67, %dma_wait3A_68] : memref<5120x128xf32, #tpu.memory_space<vmem_shared>> -> memref<5120x128xf32, #tpu.memory_space<vmem_shared>>
    tpu.wait_indirect_dma semaphore(%arg15 : memref<!tpu.dma_semaphore, #tpu.memory_space<semaphore_mem>>) src(%dma_wait3A_63 : memref<120x128xf32, #tpu.memory_space<vmem>>) dst(%dma_wait3A_69 : memref<5120x128xf32, #tpu.memory_space<vmem_shared>>)
    %sub3A_70 = arith.constant 1 : i32
    %sub3A_71 = arith.subi %squeeze3A, %sub3A_70 : i32
    %mul3A_72 = arith.constant 3 : i32
    %mul3A_73 = arith.muli %sub3A_71, %mul3A_72 : i32
    %add3A_74 = arith.constant 1 : i32
    %add3A_75 = arith.addi %mul3A_73, %add3A_74 : i32
    %dma_wait3A_76 = arith.constant 1 : i32
    %dma_wait3A_77 = arith.constant 0 : i32
    %dma_wait3A_78 = arith.constant 0 : i32
    %dma_wait3A_79 = tpu.memref_slice %arg10[%dma_wait3A_76, %dma_wait3A_77, %dma_wait3A_78] : memref<3x120x128xf32, #tpu.memory_space<vmem>> -> memref<1x120x128xf32, #tpu.memory_space<vmem>>
    %dma_wait3A_80 = tpu.memref_squeeze %dma_wait3A_79 : memref<1x120x128xf32, #tpu.memory_space<vmem>> -> memref<120x128xf32, #tpu.memory_space<vmem>>
    %dma_wait3A_81 = arith.constant 0 : i32
    %dma_wait3A_82 = tpu.memref_slice %arg9[%add3A_75, %dma_wait3A_81] : memref<168x120xi32, #tpu.memory_space<vmem>> -> memref<1x120xi32, #tpu.memory_space<vmem>>
    %dma_wait3A_83 = tpu.memref_squeeze %dma_wait3A_82 : memref<1x120xi32, #tpu.memory_space<vmem>> -> memref<120xi32, #tpu.memory_space<vmem>>
    %dma_wait3A_84 = arith.constant 0 : i32
    %dma_wait3A_85 = arith.constant 0 : i32
    %dma_wait3A_86 = tpu.memref_slice %arg11[%dma_wait3A_84, %dma_wait3A_85] : memref<5120x128xf32, #tpu.memory_space<vmem_shared>> -> memref<5120x128xf32, #tpu.memory_space<vmem_shared>>
    tpu.wait_indirect_dma semaphore(%arg16 : memref<!tpu.dma_semaphore, #tpu.memory_space<semaphore_mem>>) src(%dma_wait3A_80 : memref<120x128xf32, #tpu.memory_space<vmem>>) dst(%dma_wait3A_86 : memref<5120x128xf32, #tpu.memory_space<vmem_shared>>)
    %sub3A_87 = arith.constant 1 : i32
    %sub3A_88 = arith.subi %squeeze3A, %sub3A_87 : i32
    %mul3A_89 = arith.constant 3 : i32
    %mul3A_90 = arith.muli %sub3A_88, %mul3A_89 : i32
    %add3A_91 = arith.constant 2 : i32
    %add3A_92 = arith.addi %mul3A_90, %add3A_91 : i32
    %dma_wait3A_93 = arith.constant 2 : i32
    %dma_wait3A_94 = arith.constant 0 : i32
    %dma_wait3A_95 = arith.constant 0 : i32
    %dma_wait3A_96 = tpu.memref_slice %arg10[%dma_wait3A_93, %dma_wait3A_94, %dma_wait3A_95] : memref<3x120x128xf32, #tpu.memory_space<vmem>> -> memref<1x120x128xf32, #tpu.memory_space<vmem>>
    %dma_wait3A_97 = tpu.memref_squeeze %dma_wait3A_96 : memref<1x120x128xf32, #tpu.memory_space<vmem>> -> memref<120x128xf32, #tpu.memory_space<vmem>>
    %dma_wait3A_98 = arith.constant 0 : i32
    %dma_wait3A_99 = tpu.memref_slice %arg9[%add3A_92, %dma_wait3A_98] : memref<168x120xi32, #tpu.memory_space<vmem>> -> memref<1x120xi32, #tpu.memory_space<vmem>>
    %dma_wait3A_100 = tpu.memref_squeeze %dma_wait3A_99 : memref<1x120xi32, #tpu.memory_space<vmem>> -> memref<120xi32, #tpu.memory_space<vmem>>
    %dma_wait3A_101 = arith.constant 0 : i32
    %dma_wait3A_102 = arith.constant 0 : i32
    %dma_wait3A_103 = tpu.memref_slice %arg11[%dma_wait3A_101, %dma_wait3A_102] : memref<5120x128xf32, #tpu.memory_space<vmem_shared>> -> memref<5120x128xf32, #tpu.memory_space<vmem_shared>>
    tpu.wait_indirect_dma semaphore(%arg17 : memref<!tpu.dma_semaphore, #tpu.memory_space<semaphore_mem>>) src(%dma_wait3A_97 : memref<120x128xf32, #tpu.memory_space<vmem>>) dst(%dma_wait3A_103 : memref<5120x128xf32, #tpu.memory_space<vmem_shared>>)
    %barrier3A_104 = arith.constant 0 : index
    tpu.barrier barrier_id(%barrier3A_104)
    %mul3A_105 = arith.constant 320 : i32
    %mul3A_106 = arith.muli %arg1, %mul3A_105 : i32
    %mul3A_107 = arith.constant 320 : i32
    %mul3A_108 = arith.muli %arg1, %mul3A_107 : i32
    %run_scoped3A_109 = arith.constant 0 : i32
    "tpu.region"() ({
      %run_scoped3A_224 = tpu.sem_alloc : memref<!tpu.dma_semaphore, #tpu.memory_space<semaphore_mem>>
      %dma_start3A_225 = arith.constant 0 : i32
      %dma_start3A_226 = tpu.memref_slice %arg6[%run_scoped3A_109, %arg0, %mul3A_108, %dma_start3A_225] : memref<2x2x5120x128xf32, #tpu.memory_space<hbm>> -> memref<1x1x320x128xf32, #tpu.memory_space<hbm>>
      %dma_start3A_227 = tpu.memref_squeeze %dma_start3A_226 : memref<1x1x320x128xf32, #tpu.memory_space<hbm>> -> memref<320x128xf32, #tpu.memory_space<hbm>>
      %dma_start3A_228 = arith.constant 0 : i32
      %dma_start3A_229 = tpu.memref_slice %arg11[%mul3A_106, %dma_start3A_228] : memref<5120x128xf32, #tpu.memory_space<vmem_shared>> -> memref<320x128xf32, #tpu.memory_space<vmem_shared>>
      tpu.enqueue_dma source(%dma_start3A_229 : memref<320x128xf32, #tpu.memory_space<vmem_shared>>) target(%dma_start3A_227 : memref<320x128xf32, #tpu.memory_space<hbm>>) target_semaphore(%run_scoped3A_224 : memref<!tpu.dma_semaphore, #tpu.memory_space<semaphore_mem>>)
      %dma_wait3A_230 = arith.constant 0 : i32
      %dma_wait3A_231 = tpu.memref_slice %arg6[%run_scoped3A_109, %arg0, %mul3A_108, %dma_wait3A_230] : memref<2x2x5120x128xf32, #tpu.memory_space<hbm>> -> memref<1x1x320x128xf32, #tpu.memory_space<hbm>>
      %dma_wait3A_232 = tpu.memref_squeeze %dma_wait3A_231 : memref<1x1x320x128xf32, #tpu.memory_space<hbm>> -> memref<320x128xf32, #tpu.memory_space<hbm>>
      %dma_wait3A_233 = arith.constant 0 : i32
      %dma_wait3A_234 = tpu.memref_slice %arg11[%mul3A_106, %dma_wait3A_233] : memref<5120x128xf32, #tpu.memory_space<vmem_shared>> -> memref<320x128xf32, #tpu.memory_space<vmem_shared>>
      tpu.wait_dma2 semaphore(%run_scoped3A_224 : memref<!tpu.dma_semaphore, #tpu.memory_space<semaphore_mem>>) src(%dma_wait3A_234 : memref<320x128xf32, #tpu.memory_space<vmem_shared>>) dst(%dma_wait3A_232 : memref<320x128xf32, #tpu.memory_space<hbm>>)
      tpu.yield
    }) : () -> ()
    %run_scoped3A_110 = arith.constant 1 : i32
    "tpu.region"() ({
      %run_scoped3A_224 = tpu.sem_alloc : memref<!tpu.dma_semaphore, #tpu.memory_space<semaphore_mem>>
      %dma_start3A_225 = arith.constant 0 : i32
      %dma_start3A_226 = arith.constant 0 : i32
      %dma_start3A_227 = tpu.memref_slice %arg3[%arg0, %run_scoped3A_110, %arg1, %dma_start3A_225, %dma_start3A_226] : memref<2x2x16x168x120xi32, #tpu.memory_space<hbm>> -> memref<1x1x1x168x120xi32, #tpu.memory_space<hbm>>
      %dma_start3A_228 = tpu.memref_squeeze %dma_start3A_227 : memref<1x1x1x168x120xi32, #tpu.memory_space<hbm>> -> memref<168x120xi32, #tpu.memory_space<hbm>>
      %dma_start3A_229 = arith.constant 0 : i32
      %dma_start3A_230 = arith.constant 0 : i32
      %dma_start3A_231 = tpu.memref_slice %arg3[%arg0, %run_scoped3A_110, %arg1, %dma_start3A_229, %dma_start3A_230] : memref<2x2x16x168x120xi32, #tpu.memory_space<hbm>> -> memref<1x1x1x168x120xi32, #tpu.memory_space<hbm>>
      %dma_start3A_232 = tpu.memref_squeeze %dma_start3A_231 : memref<1x1x1x168x120xi32, #tpu.memory_space<hbm>> -> memref<168x120xi32, #tpu.memory_space<hbm>>
      tpu.enqueue_dma source(%dma_start3A_232 : memref<168x120xi32, #tpu.memory_space<hbm>>) target(%arg8 : memref<168x120xi32, #tpu.memory_space<vmem>>) target_semaphore(%run_scoped3A_224 : memref<!tpu.dma_semaphore, #tpu.memory_space<semaphore_mem>>)
      %dma_wait3A_233 = arith.constant 0 : i32
      %dma_wait3A_234 = arith.constant 0 : i32
      %dma_wait3A_235 = tpu.memref_slice %arg3[%arg0, %run_scoped3A_110, %arg1, %dma_wait3A_233, %dma_wait3A_234] : memref<2x2x16x168x120xi32, #tpu.memory_space<hbm>> -> memref<1x1x1x168x120xi32, #tpu.memory_space<hbm>>
      %dma_wait3A_236 = tpu.memref_squeeze %dma_wait3A_235 : memref<1x1x1x168x120xi32, #tpu.memory_space<hbm>> -> memref<168x120xi32, #tpu.memory_space<hbm>>
      %dma_wait3A_237 = arith.constant 0 : i32
      %dma_wait3A_238 = arith.constant 0 : i32
      %dma_wait3A_239 = tpu.memref_slice %arg3[%arg0, %run_scoped3A_110, %arg1, %dma_wait3A_237, %dma_wait3A_238] : memref<2x2x16x168x120xi32, #tpu.memory_space<hbm>> -> memref<1x1x1x168x120xi32, #tpu.memory_space<hbm>>
      %dma_wait3A_240 = tpu.memref_squeeze %dma_wait3A_239 : memref<1x1x1x168x120xi32, #tpu.memory_space<hbm>> -> memref<168x120xi32, #tpu.memory_space<hbm>>
      tpu.wait_dma2 semaphore(%run_scoped3A_224 : memref<!tpu.dma_semaphore, #tpu.memory_space<semaphore_mem>>) src(%dma_wait3A_240 : memref<168x120xi32, #tpu.memory_space<hbm>>) dst(%arg8 : memref<168x120xi32, #tpu.memory_space<vmem>>)
      tpu.yield
    }) : () -> ()
    %mul3A_111 = arith.constant 5120 : i32
    %mul3A_112 = arith.muli %arg0, %mul3A_111 : i32
    %add3A_113 = arith.constant 20480 : i32
    %add3A_114 = arith.addi %add3A_113, %mul3A_112 : i32
    %mul3A_115 = arith.constant 320 : i32
    %mul3A_116 = arith.muli %arg1, %mul3A_115 : i32
    %add3A_117 = arith.addi %add3A_114, %mul3A_116 : i32
    %mul3A_118 = arith.constant 320 : i32
    %mul3A_119 = arith.muli %arg1, %mul3A_118 : i32
    "tpu.region"() ({
      %run_scoped3A_224 = tpu.sem_alloc : memref<!tpu.dma_semaphore, #tpu.memory_space<semaphore_mem>>
      %dma_start3A_225 = arith.constant 0 : i32
      %dma_start3A_226 = tpu.memref_slice %arg11[%mul3A_119, %dma_start3A_225] : memref<5120x128xf32, #tpu.memory_space<vmem_shared>> -> memref<320x128xf32, #tpu.memory_space<vmem_shared>>
      %dma_start3A_227 = arith.constant 0 : i32
      %dma_start3A_228 = tpu.memref_slice %arg2[%add3A_117, %dma_start3A_227] : memref<30720x128xf32, #tpu.memory_space<hbm>> -> memref<320x128xf32, #tpu.memory_space<hbm>>
      tpu.enqueue_dma source(%dma_start3A_228 : memref<320x128xf32, #tpu.memory_space<hbm>>) target(%dma_start3A_226 : memref<320x128xf32, #tpu.memory_space<vmem_shared>>) target_semaphore(%run_scoped3A_224 : memref<!tpu.dma_semaphore, #tpu.memory_space<semaphore_mem>>)
      %dma_wait3A_229 = arith.constant 0 : i32
      %dma_wait3A_230 = tpu.memref_slice %arg11[%mul3A_119, %dma_wait3A_229] : memref<5120x128xf32, #tpu.memory_space<vmem_shared>> -> memref<320x128xf32, #tpu.memory_space<vmem_shared>>
      %dma_wait3A_231 = arith.constant 0 : i32
      %dma_wait3A_232 = tpu.memref_slice %arg2[%add3A_117, %dma_wait3A_231] : memref<30720x128xf32, #tpu.memory_space<hbm>> -> memref<320x128xf32, #tpu.memory_space<hbm>>
      tpu.wait_dma2 semaphore(%run_scoped3A_224 : memref<!tpu.dma_semaphore, #tpu.memory_space<semaphore_mem>>) src(%dma_wait3A_232 : memref<320x128xf32, #tpu.memory_space<hbm>>) dst(%dma_wait3A_230 : memref<320x128xf32, #tpu.memory_space<vmem_shared>>)
      tpu.yield
    }) : () -> ()
    %dma_start3A_120 = arith.constant 0 : i32
    %dma_start3A_121 = arith.constant 0 : i32
    %dma_start3A_122 = arith.constant 0 : i32
    %dma_start3A_123 = arith.constant 0 : i32
    %dma_start3A_124 = tpu.memref_slice %arg10[%dma_start3A_121, %dma_start3A_122, %dma_start3A_123] : memref<3x120x128xf32, #tpu.memory_space<vmem>> -> memref<1x120x128xf32, #tpu.memory_space<vmem>>
    %dma_start3A_125 = tpu.memref_squeeze %dma_start3A_124 : memref<1x120x128xf32, #tpu.memory_space<vmem>> -> memref<120x128xf32, #tpu.memory_space<vmem>>
    %dma_start3A_126 = arith.constant 0 : i32
    %dma_start3A_127 = tpu.memref_slice %arg8[%dma_start3A_120, %dma_start3A_126] : memref<168x120xi32, #tpu.memory_space<vmem>> -> memref<1x120xi32, #tpu.memory_space<vmem>>
    %dma_start3A_128 = tpu.memref_squeeze %dma_start3A_127 : memref<1x120xi32, #tpu.memory_space<vmem>> -> memref<120xi32, #tpu.memory_space<vmem>>
    %dma_start3A_129 = arith.constant 0 : i32
    %dma_start3A_130 = arith.constant 0 : i32
    %dma_start3A_131 = tpu.memref_slice %arg2[%dma_start3A_129, %dma_start3A_130] : memref<30720x128xf32, #tpu.memory_space<hbm>> -> memref<30720x128xf32, #tpu.memory_space<hbm>>
    tpu.enqueue_indirect_dma source(%dma_start3A_131 : memref<30720x128xf32, #tpu.memory_space<hbm>>) target(%dma_start3A_125 : memref<120x128xf32, #tpu.memory_space<vmem>>) offsets(%dma_start3A_128 : memref<120xi32, #tpu.memory_space<vmem>>) semaphore(%arg12 : memref<!tpu.dma_semaphore, #tpu.memory_space<semaphore_mem>>)
    %dma_start3A_132 = arith.constant 1 : i32
    %dma_start3A_133 = arith.constant 1 : i32
    %dma_start3A_134 = arith.constant 0 : i32
    %dma_start3A_135 = arith.constant 0 : i32
    %dma_start3A_136 = tpu.memref_slice %arg10[%dma_start3A_133, %dma_start3A_134, %dma_start3A_135] : memref<3x120x128xf32, #tpu.memory_space<vmem>> -> memref<1x120x128xf32, #tpu.memory_space<vmem>>
    %dma_start3A_137 = tpu.memref_squeeze %dma_start3A_136 : memref<1x120x128xf32, #tpu.memory_space<vmem>> -> memref<120x128xf32, #tpu.memory_space<vmem>>
    %dma_start3A_138 = arith.constant 0 : i32
    %dma_start3A_139 = tpu.memref_slice %arg8[%dma_start3A_132, %dma_start3A_138] : memref<168x120xi32, #tpu.memory_space<vmem>> -> memref<1x120xi32, #tpu.memory_space<vmem>>
    %dma_start3A_140 = tpu.memref_squeeze %dma_start3A_139 : memref<1x120xi32, #tpu.memory_space<vmem>> -> memref<120xi32, #tpu.memory_space<vmem>>
    %dma_start3A_141 = arith.constant 0 : i32
    %dma_start3A_142 = arith.constant 0 : i32
    %dma_start3A_143 = tpu.memref_slice %arg2[%dma_start3A_141, %dma_start3A_142] : memref<30720x128xf32, #tpu.memory_space<hbm>> -> memref<30720x128xf32, #tpu.memory_space<hbm>>
    tpu.enqueue_indirect_dma source(%dma_start3A_143 : memref<30720x128xf32, #tpu.memory_space<hbm>>) target(%dma_start3A_137 : memref<120x128xf32, #tpu.memory_space<vmem>>) offsets(%dma_start3A_140 : memref<120xi32, #tpu.memory_space<vmem>>) semaphore(%arg13 : memref<!tpu.dma_semaphore, #tpu.memory_space<semaphore_mem>>)
    %dma_start3A_144 = arith.constant 2 : i32
    %dma_start3A_145 = arith.constant 2 : i32
    %dma_start3A_146 = arith.constant 0 : i32
    %dma_start3A_147 = arith.constant 0 : i32
    %dma_start3A_148 = tpu.memref_slice %arg10[%dma_start3A_145, %dma_start3A_146, %dma_start3A_147] : memref<3x120x128xf32, #tpu.memory_space<vmem>> -> memref<1x120x128xf32, #tpu.memory_space<vmem>>
    %dma_start3A_149 = tpu.memref_squeeze %dma_start3A_148 : memref<1x120x128xf32, #tpu.memory_space<vmem>> -> memref<120x128xf32, #tpu.memory_space<vmem>>
    %dma_start3A_150 = arith.constant 0 : i32
    %dma_start3A_151 = tpu.memref_slice %arg8[%dma_start3A_144, %dma_start3A_150] : memref<168x120xi32, #tpu.memory_space<vmem>> -> memref<1x120xi32, #tpu.memory_space<vmem>>
    %dma_start3A_152 = tpu.memref_squeeze %dma_start3A_151 : memref<1x120xi32, #tpu.memory_space<vmem>> -> memref<120xi32, #tpu.memory_space<vmem>>
    %dma_start3A_153 = arith.constant 0 : i32
    %dma_start3A_154 = arith.constant 0 : i32
    %dma_start3A_155 = tpu.memref_slice %arg2[%dma_start3A_153, %dma_start3A_154] : memref<30720x128xf32, #tpu.memory_space<hbm>> -> memref<30720x128xf32, #tpu.memory_space<hbm>>
    tpu.enqueue_indirect_dma source(%dma_start3A_155 : memref<30720x128xf32, #tpu.memory_space<hbm>>) target(%dma_start3A_149 : memref<120x128xf32, #tpu.memory_space<vmem>>) offsets(%dma_start3A_152 : memref<120xi32, #tpu.memory_space<vmem>>) semaphore(%arg14 : memref<!tpu.dma_semaphore, #tpu.memory_space<semaphore_mem>>)
    %barrier3A_156 = arith.constant 0 : index
    tpu.barrier barrier_id(%barrier3A_156)
    %while3A_157 = arith.constant 0 : i32
    %while3A_158 = arith.constant 0 : i32
    %while3A_159 = arith.subi %squeeze3A, %while3A_158 : i32
    %while3A_160 = arith.addi %while3A_158, %while3A_159 : i32
    %while3A_161 = arith.constant 1 : i32
    %while3A_162 = arith.divsi %while3A_159, %while3A_161 : i32
    %while3A_163 = arith.muli %while3A_162, %while3A_161 : i32
    %while3A_164 = arith.addi %while3A_158, %while3A_163 : i32
    %while3A_165 = arith.constant 1 : i32
    scf.for %while3A_224 = %while3A_158 to %while3A_164 step %while3A_165  : i32 {
      %mul3A_225 = arith.constant 3 : i32
      %mul3A_226 = arith.muli %while3A_224, %mul3A_225 : i32
      %add3A_227 = arith.constant 0 : i32
      %add3A_228 = arith.addi %mul3A_226, %add3A_227 : i32
      %dma_wait3A_229 = arith.constant 0 : i32
      %dma_wait3A_230 = arith.constant 0 : i32
      %dma_wait3A_231 = arith.constant 0 : i32
      %dma_wait3A_232 = tpu.memref_slice %arg10[%dma_wait3A_229, %dma_wait3A_230, %dma_wait3A_231] : memref<3x120x128xf32, #tpu.memory_space<vmem>> -> memref<1x120x128xf32, #tpu.memory_space<vmem>>
      %dma_wait3A_233 = tpu.memref_squeeze %dma_wait3A_232 : memref<1x120x128xf32, #tpu.memory_space<vmem>> -> memref<120x128xf32, #tpu.memory_space<vmem>>
      %dma_wait3A_234 = arith.constant 0 : i32
      %dma_wait3A_235 = tpu.memref_slice %arg8[%add3A_228, %dma_wait3A_234] : memref<168x120xi32, #tpu.memory_space<vmem>> -> memref<1x120xi32, #tpu.memory_space<vmem>>
      %dma_wait3A_236 = tpu.memref_squeeze %dma_wait3A_235 : memref<1x120xi32, #tpu.memory_space<vmem>> -> memref<120xi32, #tpu.memory_space<vmem>>
      %dma_wait3A_237 = arith.constant 0 : i32
      %dma_wait3A_238 = arith.constant 0 : i32
      %dma_wait3A_239 = tpu.memref_slice %arg2[%dma_wait3A_237, %dma_wait3A_238] : memref<30720x128xf32, #tpu.memory_space<hbm>> -> memref<30720x128xf32, #tpu.memory_space<hbm>>
      tpu.wait_indirect_dma semaphore(%arg12 : memref<!tpu.dma_semaphore, #tpu.memory_space<semaphore_mem>>) src(%dma_wait3A_239 : memref<30720x128xf32, #tpu.memory_space<hbm>>) dst(%dma_wait3A_233 : memref<120x128xf32, #tpu.memory_space<vmem>>)
      %dma_start3A_240 = arith.constant 0 : i32
      %dma_start3A_241 = arith.constant 0 : i32
      %dma_start3A_242 = arith.constant 0 : i32
      %dma_start3A_243 = tpu.memref_slice %arg10[%dma_start3A_240, %dma_start3A_241, %dma_start3A_242] : memref<3x120x128xf32, #tpu.memory_space<vmem>> -> memref<1x120x128xf32, #tpu.memory_space<vmem>>
      %dma_start3A_244 = tpu.memref_squeeze %dma_start3A_243 : memref<1x120x128xf32, #tpu.memory_space<vmem>> -> memref<120x128xf32, #tpu.memory_space<vmem>>
      %dma_start3A_245 = arith.constant 0 : i32
      %dma_start3A_246 = tpu.memref_slice %arg9[%add3A_228, %dma_start3A_245] : memref<168x120xi32, #tpu.memory_space<vmem>> -> memref<1x120xi32, #tpu.memory_space<vmem>>
      %dma_start3A_247 = tpu.memref_squeeze %dma_start3A_246 : memref<1x120xi32, #tpu.memory_space<vmem>> -> memref<120xi32, #tpu.memory_space<vmem>>
      %dma_start3A_248 = arith.constant 0 : i32
      %dma_start3A_249 = arith.constant 0 : i32
      %dma_start3A_250 = tpu.memref_slice %arg11[%dma_start3A_248, %dma_start3A_249] : memref<5120x128xf32, #tpu.memory_space<vmem_shared>> -> memref<5120x128xf32, #tpu.memory_space<vmem_shared>>
      tpu.enqueue_indirect_dma source(%dma_start3A_244 : memref<120x128xf32, #tpu.memory_space<vmem>>) target(%dma_start3A_250 : memref<5120x128xf32, #tpu.memory_space<vmem_shared>>) offsets(%dma_start3A_247 : memref<120xi32, #tpu.memory_space<vmem>>) semaphore(%arg15 : memref<!tpu.dma_semaphore, #tpu.memory_space<semaphore_mem>>) {add = true}
      %mul3A_251 = arith.constant 3 : i32
      %mul3A_252 = arith.muli %while3A_224, %mul3A_251 : i32
      %add3A_253 = arith.constant 1 : i32
      %add3A_254 = arith.addi %mul3A_252, %add3A_253 : i32
      %dma_wait3A_255 = arith.constant 1 : i32
      %dma_wait3A_256 = arith.constant 0 : i32
      %dma_wait3A_257 = arith.constant 0 : i32
      %dma_wait3A_258 = tpu.memref_slice %arg10[%dma_wait3A_255, %dma_wait3A_256, %dma_wait3A_257] : memref<3x120x128xf32, #tpu.memory_space<vmem>> -> memref<1x120x128xf32, #tpu.memory_space<vmem>>
      %dma_wait3A_259 = tpu.memref_squeeze %dma_wait3A_258 : memref<1x120x128xf32, #tpu.memory_space<vmem>> -> memref<120x128xf32, #tpu.memory_space<vmem>>
      %dma_wait3A_260 = arith.constant 0 : i32
      %dma_wait3A_261 = tpu.memref_slice %arg8[%add3A_254, %dma_wait3A_260] : memref<168x120xi32, #tpu.memory_space<vmem>> -> memref<1x120xi32, #tpu.memory_space<vmem>>
      %dma_wait3A_262 = tpu.memref_squeeze %dma_wait3A_261 : memref<1x120xi32, #tpu.memory_space<vmem>> -> memref<120xi32, #tpu.memory_space<vmem>>
      %dma_wait3A_263 = arith.constant 0 : i32
      %dma_wait3A_264 = arith.constant 0 : i32
      %dma_wait3A_265 = tpu.memref_slice %arg2[%dma_wait3A_263, %dma_wait3A_264] : memref<30720x128xf32, #tpu.memory_space<hbm>> -> memref<30720x128xf32, #tpu.memory_space<hbm>>
      tpu.wait_indirect_dma semaphore(%arg13 : memref<!tpu.dma_semaphore, #tpu.memory_space<semaphore_mem>>) src(%dma_wait3A_265 : memref<30720x128xf32, #tpu.memory_space<hbm>>) dst(%dma_wait3A_259 : memref<120x128xf32, #tpu.memory_space<vmem>>)
      %dma_start3A_266 = arith.constant 1 : i32
      %dma_start3A_267 = arith.constant 0 : i32
      %dma_start3A_268 = arith.constant 0 : i32
      %dma_start3A_269 = tpu.memref_slice %arg10[%dma_start3A_266, %dma_start3A_267, %dma_start3A_268] : memref<3x120x128xf32, #tpu.memory_space<vmem>> -> memref<1x120x128xf32, #tpu.memory_space<vmem>>
      %dma_start3A_270 = tpu.memref_squeeze %dma_start3A_269 : memref<1x120x128xf32, #tpu.memory_space<vmem>> -> memref<120x128xf32, #tpu.memory_space<vmem>>
      %dma_start3A_271 = arith.constant 0 : i32
      %dma_start3A_272 = tpu.memref_slice %arg9[%add3A_254, %dma_start3A_271] : memref<168x120xi32, #tpu.memory_space<vmem>> -> memref<1x120xi32, #tpu.memory_space<vmem>>
      %dma_start3A_273 = tpu.memref_squeeze %dma_start3A_272 : memref<1x120xi32, #tpu.memory_space<vmem>> -> memref<120xi32, #tpu.memory_space<vmem>>
      %dma_start3A_274 = arith.constant 0 : i32
      %dma_start3A_275 = arith.constant 0 : i32
      %dma_start3A_276 = tpu.memref_slice %arg11[%dma_start3A_274, %dma_start3A_275] : memref<5120x128xf32, #tpu.memory_space<vmem_shared>> -> memref<5120x128xf32, #tpu.memory_space<vmem_shared>>
      tpu.enqueue_indirect_dma source(%dma_start3A_270 : memref<120x128xf32, #tpu.memory_space<vmem>>) target(%dma_start3A_276 : memref<5120x128xf32, #tpu.memory_space<vmem_shared>>) offsets(%dma_start3A_273 : memref<120xi32, #tpu.memory_space<vmem>>) semaphore(%arg16 : memref<!tpu.dma_semaphore, #tpu.memory_space<semaphore_mem>>) {add = true}
      %mul3A_277 = arith.constant 3 : i32
      %mul3A_278 = arith.muli %while3A_224, %mul3A_277 : i32
      %add3A_279 = arith.constant 2 : i32
      %add3A_280 = arith.addi %mul3A_278, %add3A_279 : i32
      %dma_wait3A_281 = arith.constant 2 : i32
      %dma_wait3A_282 = arith.constant 0 : i32
      %dma_wait3A_283 = arith.constant 0 : i32
      %dma_wait3A_284 = tpu.memref_slice %arg10[%dma_wait3A_281, %dma_wait3A_282, %dma_wait3A_283] : memref<3x120x128xf32, #tpu.memory_space<vmem>> -> memref<1x120x128xf32, #tpu.memory_space<vmem>>
      %dma_wait3A_285 = tpu.memref_squeeze %dma_wait3A_284 : memref<1x120x128xf32, #tpu.memory_space<vmem>> -> memref<120x128xf32, #tpu.memory_space<vmem>>
      %dma_wait3A_286 = arith.constant 0 : i32
      %dma_wait3A_287 = tpu.memref_slice %arg8[%add3A_280, %dma_wait3A_286] : memref<168x120xi32, #tpu.memory_space<vmem>> -> memref<1x120xi32, #tpu.memory_space<vmem>>
      %dma_wait3A_288 = tpu.memref_squeeze %dma_wait3A_287 : memref<1x120xi32, #tpu.memory_space<vmem>> -> memref<120xi32, #tpu.memory_space<vmem>>
      %dma_wait3A_289 = arith.constant 0 : i32
      %dma_wait3A_290 = arith.constant 0 : i32
      %dma_wait3A_291 = tpu.memref_slice %arg2[%dma_wait3A_289, %dma_wait3A_290] : memref<30720x128xf32, #tpu.memory_space<hbm>> -> memref<30720x128xf32, #tpu.memory_space<hbm>>
      tpu.wait_indirect_dma semaphore(%arg14 : memref<!tpu.dma_semaphore, #tpu.memory_space<semaphore_mem>>) src(%dma_wait3A_291 : memref<30720x128xf32, #tpu.memory_space<hbm>>) dst(%dma_wait3A_285 : memref<120x128xf32, #tpu.memory_space<vmem>>)
      %dma_start3A_292 = arith.constant 2 : i32
      %dma_start3A_293 = arith.constant 0 : i32
      %dma_start3A_294 = arith.constant 0 : i32
      %dma_start3A_295 = tpu.memref_slice %arg10[%dma_start3A_292, %dma_start3A_293, %dma_start3A_294] : memref<3x120x128xf32, #tpu.memory_space<vmem>> -> memref<1x120x128xf32, #tpu.memory_space<vmem>>
      %dma_start3A_296 = tpu.memref_squeeze %dma_start3A_295 : memref<1x120x128xf32, #tpu.memory_space<vmem>> -> memref<120x128xf32, #tpu.memory_space<vmem>>
      %dma_start3A_297 = arith.constant 0 : i32
      %dma_start3A_298 = tpu.memref_slice %arg9[%add3A_280, %dma_start3A_297] : memref<168x120xi32, #tpu.memory_space<vmem>> -> memref<1x120xi32, #tpu.memory_space<vmem>>
      %dma_start3A_299 = tpu.memref_squeeze %dma_start3A_298 : memref<1x120xi32, #tpu.memory_space<vmem>> -> memref<120xi32, #tpu.memory_space<vmem>>
      %dma_start3A_300 = arith.constant 0 : i32
      %dma_start3A_301 = arith.constant 0 : i32
      %dma_start3A_302 = tpu.memref_slice %arg11[%dma_start3A_300, %dma_start3A_301] : memref<5120x128xf32, #tpu.memory_space<vmem_shared>> -> memref<5120x128xf32, #tpu.memory_space<vmem_shared>>
      tpu.enqueue_indirect_dma source(%dma_start3A_296 : memref<120x128xf32, #tpu.memory_space<vmem>>) target(%dma_start3A_302 : memref<5120x128xf32, #tpu.memory_space<vmem_shared>>) offsets(%dma_start3A_299 : memref<120xi32, #tpu.memory_space<vmem>>) semaphore(%arg17 : memref<!tpu.dma_semaphore, #tpu.memory_space<semaphore_mem>>) {add = true}
      %mul3A_303 = arith.constant 3 : i32
      %mul3A_304 = arith.muli %while3A_224, %mul3A_303 : i32
      %add3A_305 = arith.constant 0 : i32
      %add3A_306 = arith.addi %mul3A_304, %add3A_305 : i32
      %add3A_307 = arith.constant 3 : i32
      %add3A_308 = arith.addi %add3A_306, %add3A_307 : i32
      %lt3A = arith.cmpi slt, %add3A_308, %mul3A_2 : i32
      %convert_element_type3A = arith.extui %lt3A : i1 to i32
      %cond3A = arith.constant 0 : i32
      %cond3A_309 = arith.cmpi ne, %convert_element_type3A, %cond3A : i32
      scf.if %cond3A_309 {
        %dma_wait3A_330 = arith.constant 0 : i32
        %dma_wait3A_331 = arith.constant 0 : i32
        %dma_wait3A_332 = arith.constant 0 : i32
        %dma_wait3A_333 = tpu.memref_slice %arg10[%dma_wait3A_330, %dma_wait3A_331, %dma_wait3A_332] : memref<3x120x128xf32, #tpu.memory_space<vmem>> -> memref<1x120x128xf32, #tpu.memory_space<vmem>>
        %dma_wait3A_334 = tpu.memref_squeeze %dma_wait3A_333 : memref<1x120x128xf32, #tpu.memory_space<vmem>> -> memref<120x128xf32, #tpu.memory_space<vmem>>
        %dma_wait3A_335 = arith.constant 0 : i32
        %dma_wait3A_336 = tpu.memref_slice %arg9[%add3A_306, %dma_wait3A_335] : memref<168x120xi32, #tpu.memory_space<vmem>> -> memref<1x120xi32, #tpu.memory_space<vmem>>
        %dma_wait3A_337 = tpu.memref_squeeze %dma_wait3A_336 : memref<1x120xi32, #tpu.memory_space<vmem>> -> memref<120xi32, #tpu.memory_space<vmem>>
        %dma_wait3A_338 = arith.constant 0 : i32
        %dma_wait3A_339 = arith.constant 0 : i32
        %dma_wait3A_340 = tpu.memref_slice %arg11[%dma_wait3A_338, %dma_wait3A_339] : memref<5120x128xf32, #tpu.memory_space<vmem_shared>> -> memref<5120x128xf32, #tpu.memory_space<vmem_shared>>
        tpu.wait_indirect_dma semaphore(%arg15 : memref<!tpu.dma_semaphore, #tpu.memory_space<semaphore_mem>>) src(%dma_wait3A_334 : memref<120x128xf32, #tpu.memory_space<vmem>>) dst(%dma_wait3A_340 : memref<5120x128xf32, #tpu.memory_space<vmem_shared>>)
        %dma_start3A_341 = arith.constant 0 : i32
        %dma_start3A_342 = arith.constant 0 : i32
        %dma_start3A_343 = arith.constant 0 : i32
        %dma_start3A_344 = tpu.memref_slice %arg10[%dma_start3A_341, %dma_start3A_342, %dma_start3A_343] : memref<3x120x128xf32, #tpu.memory_space<vmem>> -> memref<1x120x128xf32, #tpu.memory_space<vmem>>
        %dma_start3A_345 = tpu.memref_squeeze %dma_start3A_344 : memref<1x120x128xf32, #tpu.memory_space<vmem>> -> memref<120x128xf32, #tpu.memory_space<vmem>>
        %dma_start3A_346 = arith.constant 0 : i32
        %dma_start3A_347 = tpu.memref_slice %arg8[%add3A_308, %dma_start3A_346] : memref<168x120xi32, #tpu.memory_space<vmem>> -> memref<1x120xi32, #tpu.memory_space<vmem>>
        %dma_start3A_348 = tpu.memref_squeeze %dma_start3A_347 : memref<1x120xi32, #tpu.memory_space<vmem>> -> memref<120xi32, #tpu.memory_space<vmem>>
        %dma_start3A_349 = arith.constant 0 : i32
        %dma_start3A_350 = arith.constant 0 : i32
        %dma_start3A_351 = tpu.memref_slice %arg2[%dma_start3A_349, %dma_start3A_350] : memref<30720x128xf32, #tpu.memory_space<hbm>> -> memref<30720x128xf32, #tpu.memory_space<hbm>>
        tpu.enqueue_indirect_dma source(%dma_start3A_351 : memref<30720x128xf32, #tpu.memory_space<hbm>>) target(%dma_start3A_345 : memref<120x128xf32, #tpu.memory_space<vmem>>) offsets(%dma_start3A_348 : memref<120xi32, #tpu.memory_space<vmem>>) semaphore(%arg12 : memref<!tpu.dma_semaphore, #tpu.memory_space<semaphore_mem>>)
      } else {
      }
      %mul3A_310 = arith.constant 3 : i32
      %mul3A_311 = arith.muli %while3A_224, %mul3A_310 : i32
      %add3A_312 = arith.constant 1 : i32
      %add3A_313 = arith.addi %mul3A_311, %add3A_312 : i32
      %add3A_314 = arith.constant 3 : i32
      %add3A_315 = arith.addi %add3A_313, %add3A_314 : i32
      %lt3A_316 = arith.cmpi slt, %add3A_315, %mul3A_2 : i32
      %convert_element_type3A_317 = arith.extui %lt3A_316 : i1 to i32
      %cond3A_318 = arith.constant 0 : i32
      %cond3A_319 = arith.cmpi ne, %convert_element_type3A_317, %cond3A_318 : i32
      scf.if %cond3A_319 {
        %dma_wait3A_330 = arith.constant 1 : i32
        %dma_wait3A_331 = arith.constant 0 : i32
        %dma_wait3A_332 = arith.constant 0 : i32
        %dma_wait3A_333 = tpu.memref_slice %arg10[%dma_wait3A_330, %dma_wait3A_331, %dma_wait3A_332] : memref<3x120x128xf32, #tpu.memory_space<vmem>> -> memref<1x120x128xf32, #tpu.memory_space<vmem>>
        %dma_wait3A_334 = tpu.memref_squeeze %dma_wait3A_333 : memref<1x120x128xf32, #tpu.memory_space<vmem>> -> memref<120x128xf32, #tpu.memory_space<vmem>>
        %dma_wait3A_335 = arith.constant 0 : i32
        %dma_wait3A_336 = tpu.memref_slice %arg9[%add3A_313, %dma_wait3A_335] : memref<168x120xi32, #tpu.memory_space<vmem>> -> memref<1x120xi32, #tpu.memory_space<vmem>>
        %dma_wait3A_337 = tpu.memref_squeeze %dma_wait3A_336 : memref<1x120xi32, #tpu.memory_space<vmem>> -> memref<120xi32, #tpu.memory_space<vmem>>
        %dma_wait3A_338 = arith.constant 0 : i32
        %dma_wait3A_339 = arith.constant 0 : i32
        %dma_wait3A_340 = tpu.memref_slice %arg11[%dma_wait3A_338, %dma_wait3A_339] : memref<5120x128xf32, #tpu.memory_space<vmem_shared>> -> memref<5120x128xf32, #tpu.memory_space<vmem_shared>>
        tpu.wait_indirect_dma semaphore(%arg16 : memref<!tpu.dma_semaphore, #tpu.memory_space<semaphore_mem>>) src(%dma_wait3A_334 : memref<120x128xf32, #tpu.memory_space<vmem>>) dst(%dma_wait3A_340 : memref<5120x128xf32, #tpu.memory_space<vmem_shared>>)
        %dma_start3A_341 = arith.constant 1 : i32
        %dma_start3A_342 = arith.constant 0 : i32
        %dma_start3A_343 = arith.constant 0 : i32
        %dma_start3A_344 = tpu.memref_slice %arg10[%dma_start3A_341, %dma_start3A_342, %dma_start3A_343] : memref<3x120x128xf32, #tpu.memory_space<vmem>> -> memref<1x120x128xf32, #tpu.memory_space<vmem>>
        %dma_start3A_345 = tpu.memref_squeeze %dma_start3A_344 : memref<1x120x128xf32, #tpu.memory_space<vmem>> -> memref<120x128xf32, #tpu.memory_space<vmem>>
        %dma_start3A_346 = arith.constant 0 : i32
        %dma_start3A_347 = tpu.memref_slice %arg8[%add3A_315, %dma_start3A_346] : memref<168x120xi32, #tpu.memory_space<vmem>> -> memref<1x120xi32, #tpu.memory_space<vmem>>
        %dma_start3A_348 = tpu.memref_squeeze %dma_start3A_347 : memref<1x120xi32, #tpu.memory_space<vmem>> -> memref<120xi32, #tpu.memory_space<vmem>>
        %dma_start3A_349 = arith.constant 0 : i32
        %dma_start3A_350 = arith.constant 0 : i32
        %dma_start3A_351 = tpu.memref_slice %arg2[%dma_start3A_349, %dma_start3A_350] : memref<30720x128xf32, #tpu.memory_space<hbm>> -> memref<30720x128xf32, #tpu.memory_space<hbm>>
        tpu.enqueue_indirect_dma source(%dma_start3A_351 : memref<30720x128xf32, #tpu.memory_space<hbm>>) target(%dma_start3A_345 : memref<120x128xf32, #tpu.memory_space<vmem>>) offsets(%dma_start3A_348 : memref<120xi32, #tpu.memory_space<vmem>>) semaphore(%arg13 : memref<!tpu.dma_semaphore, #tpu.memory_space<semaphore_mem>>)
      } else {
      }
      %mul3A_320 = arith.constant 3 : i32
      %mul3A_321 = arith.muli %while3A_224, %mul3A_320 : i32
      %add3A_322 = arith.constant 2 : i32
      %add3A_323 = arith.addi %mul3A_321, %add3A_322 : i32
      %add3A_324 = arith.constant 3 : i32
      %add3A_325 = arith.addi %add3A_323, %add3A_324 : i32
      %lt3A_326 = arith.cmpi slt, %add3A_325, %mul3A_2 : i32
      %convert_element_type3A_327 = arith.extui %lt3A_326 : i1 to i32
      %cond3A_328 = arith.constant 0 : i32
      %cond3A_329 = arith.cmpi ne, %convert_element_type3A_327, %cond3A_328 : i32
      scf.if %cond3A_329 {
        %dma_wait3A_330 = arith.constant 2 : i32
        %dma_wait3A_331 = arith.constant 0 : i32
        %dma_wait3A_332 = arith.constant 0 : i32
        %dma_wait3A_333 = tpu.memref_slice %arg10[%dma_wait3A_330, %dma_wait3A_331, %dma_wait3A_332] : memref<3x120x128xf32, #tpu.memory_space<vmem>> -> memref<1x120x128xf32, #tpu.memory_space<vmem>>
        %dma_wait3A_334 = tpu.memref_squeeze %dma_wait3A_333 : memref<1x120x128xf32, #tpu.memory_space<vmem>> -> memref<120x128xf32, #tpu.memory_space<vmem>>
        %dma_wait3A_335 = arith.constant 0 : i32
        %dma_wait3A_336 = tpu.memref_slice %arg9[%add3A_323, %dma_wait3A_335] : memref<168x120xi32, #tpu.memory_space<vmem>> -> memref<1x120xi32, #tpu.memory_space<vmem>>
        %dma_wait3A_337 = tpu.memref_squeeze %dma_wait3A_336 : memref<1x120xi32, #tpu.memory_space<vmem>> -> memref<120xi32, #tpu.memory_space<vmem>>
        %dma_wait3A_338 = arith.constant 0 : i32
        %dma_wait3A_339 = arith.constant 0 : i32
        %dma_wait3A_340 = tpu.memref_slice %arg11[%dma_wait3A_338, %dma_wait3A_339] : memref<5120x128xf32, #tpu.memory_space<vmem_shared>> -> memref<5120x128xf32, #tpu.memory_space<vmem_shared>>
        tpu.wait_indirect_dma semaphore(%arg17 : memref<!tpu.dma_semaphore, #tpu.memory_space<semaphore_mem>>) src(%dma_wait3A_334 : memref<120x128xf32, #tpu.memory_space<vmem>>) dst(%dma_wait3A_340 : memref<5120x128xf32, #tpu.memory_space<vmem_shared>>)
        %dma_start3A_341 = arith.constant 2 : i32
        %dma_start3A_342 = arith.constant 0 : i32
        %dma_start3A_343 = arith.constant 0 : i32
        %dma_start3A_344 = tpu.memref_slice %arg10[%dma_start3A_341, %dma_start3A_342, %dma_start3A_343] : memref<3x120x128xf32, #tpu.memory_space<vmem>> -> memref<1x120x128xf32, #tpu.memory_space<vmem>>
        %dma_start3A_345 = tpu.memref_squeeze %dma_start3A_344 : memref<1x120x128xf32, #tpu.memory_space<vmem>> -> memref<120x128xf32, #tpu.memory_space<vmem>>
        %dma_start3A_346 = arith.constant 0 : i32
        %dma_start3A_347 = tpu.memref_slice %arg8[%add3A_325, %dma_start3A_346] : memref<168x120xi32, #tpu.memory_space<vmem>> -> memref<1x120xi32, #tpu.memory_space<vmem>>
        %dma_start3A_348 = tpu.memref_squeeze %dma_start3A_347 : memref<1x120xi32, #tpu.memory_space<vmem>> -> memref<120xi32, #tpu.memory_space<vmem>>
        %dma_start3A_349 = arith.constant 0 : i32
        %dma_start3A_350 = arith.constant 0 : i32
        %dma_start3A_351 = tpu.memref_slice %arg2[%dma_start3A_349, %dma_start3A_350] : memref<30720x128xf32, #tpu.memory_space<hbm>> -> memref<30720x128xf32, #tpu.memory_space<hbm>>
        tpu.enqueue_indirect_dma source(%dma_start3A_351 : memref<30720x128xf32, #tpu.memory_space<hbm>>) target(%dma_start3A_345 : memref<120x128xf32, #tpu.memory_space<vmem>>) offsets(%dma_start3A_348 : memref<120xi32, #tpu.memory_space<vmem>>) semaphore(%arg14 : memref<!tpu.dma_semaphore, #tpu.memory_space<semaphore_mem>>)
      } else {
      }
    }
    %while3A_166 = arith.constant 1 : i32
    scf.for %while3A_224 = %while3A_164 to %while3A_160 step %while3A_166  : i32 {
      %mul3A_225 = arith.constant 3 : i32
      %mul3A_226 = arith.muli %while3A_224, %mul3A_225 : i32
      %add3A_227 = arith.constant 0 : i32
      %add3A_228 = arith.addi %mul3A_226, %add3A_227 : i32
      %dma_wait3A_229 = arith.constant 0 : i32
      %dma_wait3A_230 = arith.constant 0 : i32
      %dma_wait3A_231 = arith.constant 0 : i32
      %dma_wait3A_232 = tpu.memref_slice %arg10[%dma_wait3A_229, %dma_wait3A_230, %dma_wait3A_231] : memref<3x120x128xf32, #tpu.memory_space<vmem>> -> memref<1x120x128xf32, #tpu.memory_space<vmem>>
      %dma_wait3A_233 = tpu.memref_squeeze %dma_wait3A_232 : memref<1x120x128xf32, #tpu.memory_space<vmem>> -> memref<120x128xf32, #tpu.memory_space<vmem>>
      %dma_wait3A_234 = arith.constant 0 : i32
      %dma_wait3A_235 = tpu.memref_slice %arg8[%add3A_228, %dma_wait3A_234] : memref<168x120xi32, #tpu.memory_space<vmem>> -> memref<1x120xi32, #tpu.memory_space<vmem>>
      %dma_wait3A_236 = tpu.memref_squeeze %dma_wait3A_235 : memref<1x120xi32, #tpu.memory_space<vmem>> -> memref<120xi32, #tpu.memory_space<vmem>>
      %dma_wait3A_237 = arith.constant 0 : i32
      %dma_wait3A_238 = arith.constant 0 : i32
      %dma_wait3A_239 = tpu.memref_slice %arg2[%dma_wait3A_237, %dma_wait3A_238] : memref<30720x128xf32, #tpu.memory_space<hbm>> -> memref<30720x128xf32, #tpu.memory_space<hbm>>
      tpu.wait_indirect_dma semaphore(%arg12 : memref<!tpu.dma_semaphore, #tpu.memory_space<semaphore_mem>>) src(%dma_wait3A_239 : memref<30720x128xf32, #tpu.memory_space<hbm>>) dst(%dma_wait3A_233 : memref<120x128xf32, #tpu.memory_space<vmem>>)
      %dma_start3A_240 = arith.constant 0 : i32
      %dma_start3A_241 = arith.constant 0 : i32
      %dma_start3A_242 = arith.constant 0 : i32
      %dma_start3A_243 = tpu.memref_slice %arg10[%dma_start3A_240, %dma_start3A_241, %dma_start3A_242] : memref<3x120x128xf32, #tpu.memory_space<vmem>> -> memref<1x120x128xf32, #tpu.memory_space<vmem>>
      %dma_start3A_244 = tpu.memref_squeeze %dma_start3A_243 : memref<1x120x128xf32, #tpu.memory_space<vmem>> -> memref<120x128xf32, #tpu.memory_space<vmem>>
      %dma_start3A_245 = arith.constant 0 : i32
      %dma_start3A_246 = tpu.memref_slice %arg9[%add3A_228, %dma_start3A_245] : memref<168x120xi32, #tpu.memory_space<vmem>> -> memref<1x120xi32, #tpu.memory_space<vmem>>
      %dma_start3A_247 = tpu.memref_squeeze %dma_start3A_246 : memref<1x120xi32, #tpu.memory_space<vmem>> -> memref<120xi32, #tpu.memory_space<vmem>>
      %dma_start3A_248 = arith.constant 0 : i32
      %dma_start3A_249 = arith.constant 0 : i32
      %dma_start3A_250 = tpu.memref_slice %arg11[%dma_start3A_248, %dma_start3A_249] : memref<5120x128xf32, #tpu.memory_space<vmem_shared>> -> memref<5120x128xf32, #tpu.memory_space<vmem_shared>>
      tpu.enqueue_indirect_dma source(%dma_start3A_244 : memref<120x128xf32, #tpu.memory_space<vmem>>) target(%dma_start3A_250 : memref<5120x128xf32, #tpu.memory_space<vmem_shared>>) offsets(%dma_start3A_247 : memref<120xi32, #tpu.memory_space<vmem>>) semaphore(%arg15 : memref<!tpu.dma_semaphore, #tpu.memory_space<semaphore_mem>>) {add = true}
      %mul3A_251 = arith.constant 3 : i32
      %mul3A_252 = arith.muli %while3A_224, %mul3A_251 : i32
      %add3A_253 = arith.constant 1 : i32
      %add3A_254 = arith.addi %mul3A_252, %add3A_253 : i32
      %dma_wait3A_255 = arith.constant 1 : i32
      %dma_wait3A_256 = arith.constant 0 : i32
      %dma_wait3A_257 = arith.constant 0 : i32
      %dma_wait3A_258 = tpu.memref_slice %arg10[%dma_wait3A_255, %dma_wait3A_256, %dma_wait3A_257] : memref<3x120x128xf32, #tpu.memory_space<vmem>> -> memref<1x120x128xf32, #tpu.memory_space<vmem>>
      %dma_wait3A_259 = tpu.memref_squeeze %dma_wait3A_258 : memref<1x120x128xf32, #tpu.memory_space<vmem>> -> memref<120x128xf32, #tpu.memory_space<vmem>>
      %dma_wait3A_260 = arith.constant 0 : i32
      %dma_wait3A_261 = tpu.memref_slice %arg8[%add3A_254, %dma_wait3A_260] : memref<168x120xi32, #tpu.memory_space<vmem>> -> memref<1x120xi32, #tpu.memory_space<vmem>>
      %dma_wait3A_262 = tpu.memref_squeeze %dma_wait3A_261 : memref<1x120xi32, #tpu.memory_space<vmem>> -> memref<120xi32, #tpu.memory_space<vmem>>
      %dma_wait3A_263 = arith.constant 0 : i32
      %dma_wait3A_264 = arith.constant 0 : i32
      %dma_wait3A_265 = tpu.memref_slice %arg2[%dma_wait3A_263, %dma_wait3A_264] : memref<30720x128xf32, #tpu.memory_space<hbm>> -> memref<30720x128xf32, #tpu.memory_space<hbm>>
      tpu.wait_indirect_dma semaphore(%arg13 : memref<!tpu.dma_semaphore, #tpu.memory_space<semaphore_mem>>) src(%dma_wait3A_265 : memref<30720x128xf32, #tpu.memory_space<hbm>>) dst(%dma_wait3A_259 : memref<120x128xf32, #tpu.memory_space<vmem>>)
      %dma_start3A_266 = arith.constant 1 : i32
      %dma_start3A_267 = arith.constant 0 : i32
      %dma_start3A_268 = arith.constant 0 : i32
      %dma_start3A_269 = tpu.memref_slice %arg10[%dma_start3A_266, %dma_start3A_267, %dma_start3A_268] : memref<3x120x128xf32, #tpu.memory_space<vmem>> -> memref<1x120x128xf32, #tpu.memory_space<vmem>>
      %dma_start3A_270 = tpu.memref_squeeze %dma_start3A_269 : memref<1x120x128xf32, #tpu.memory_space<vmem>> -> memref<120x128xf32, #tpu.memory_space<vmem>>
      %dma_start3A_271 = arith.constant 0 : i32
      %dma_start3A_272 = tpu.memref_slice %arg9[%add3A_254, %dma_start3A_271] : memref<168x120xi32, #tpu.memory_space<vmem>> -> memref<1x120xi32, #tpu.memory_space<vmem>>
      %dma_start3A_273 = tpu.memref_squeeze %dma_start3A_272 : memref<1x120xi32, #tpu.memory_space<vmem>> -> memref<120xi32, #tpu.memory_space<vmem>>
      %dma_start3A_274 = arith.constant 0 : i32
      %dma_start3A_275 = arith.constant 0 : i32
      %dma_start3A_276 = tpu.memref_slice %arg11[%dma_start3A_274, %dma_start3A_275] : memref<5120x128xf32, #tpu.memory_space<vmem_shared>> -> memref<5120x128xf32, #tpu.memory_space<vmem_shared>>
      tpu.enqueue_indirect_dma source(%dma_start3A_270 : memref<120x128xf32, #tpu.memory_space<vmem>>) target(%dma_start3A_276 : memref<5120x128xf32, #tpu.memory_space<vmem_shared>>) offsets(%dma_start3A_273 : memref<120xi32, #tpu.memory_space<vmem>>) semaphore(%arg16 : memref<!tpu.dma_semaphore, #tpu.memory_space<semaphore_mem>>) {add = true}
      %mul3A_277 = arith.constant 3 : i32
      %mul3A_278 = arith.muli %while3A_224, %mul3A_277 : i32
      %add3A_279 = arith.constant 2 : i32
      %add3A_280 = arith.addi %mul3A_278, %add3A_279 : i32
      %dma_wait3A_281 = arith.constant 2 : i32
      %dma_wait3A_282 = arith.constant 0 : i32
      %dma_wait3A_283 = arith.constant 0 : i32
      %dma_wait3A_284 = tpu.memref_slice %arg10[%dma_wait3A_281, %dma_wait3A_282, %dma_wait3A_283] : memref<3x120x128xf32, #tpu.memory_space<vmem>> -> memref<1x120x128xf32, #tpu.memory_space<vmem>>
      %dma_wait3A_285 = tpu.memref_squeeze %dma_wait3A_284 : memref<1x120x128xf32, #tpu.memory_space<vmem>> -> memref<120x128xf32, #tpu.memory_space<vmem>>
      %dma_wait3A_286 = arith.constant 0 : i32
      %dma_wait3A_287 = tpu.memref_slice %arg8[%add3A_280, %dma_wait3A_286] : memref<168x120xi32, #tpu.memory_space<vmem>> -> memref<1x120xi32, #tpu.memory_space<vmem>>
      %dma_wait3A_288 = tpu.memref_squeeze %dma_wait3A_287 : memref<1x120xi32, #tpu.memory_space<vmem>> -> memref<120xi32, #tpu.memory_space<vmem>>
      %dma_wait3A_289 = arith.constant 0 : i32
      %dma_wait3A_290 = arith.constant 0 : i32
      %dma_wait3A_291 = tpu.memref_slice %arg2[%dma_wait3A_289, %dma_wait3A_290] : memref<30720x128xf32, #tpu.memory_space<hbm>> -> memref<30720x128xf32, #tpu.memory_space<hbm>>
      tpu.wait_indirect_dma semaphore(%arg14 : memref<!tpu.dma_semaphore, #tpu.memory_space<semaphore_mem>>) src(%dma_wait3A_291 : memref<30720x128xf32, #tpu.memory_space<hbm>>) dst(%dma_wait3A_285 : memref<120x128xf32, #tpu.memory_space<vmem>>)
      %dma_start3A_292 = arith.constant 2 : i32
      %dma_start3A_293 = arith.constant 0 : i32
      %dma_start3A_294 = arith.constant 0 : i32
      %dma_start3A_295 = tpu.memref_slice %arg10[%dma_start3A_292, %dma_start3A_293, %dma_start3A_294] : memref<3x120x128xf32, #tpu.memory_space<vmem>> -> memref<1x120x128xf32, #tpu.memory_space<vmem>>
      %dma_start3A_296 = tpu.memref_squeeze %dma_start3A_295 : memref<1x120x128xf32, #tpu.memory_space<vmem>> -> memref<120x128xf32, #tpu.memory_space<vmem>>
      %dma_start3A_297 = arith.constant 0 : i32
      %dma_start3A_298 = tpu.memref_slice %arg9[%add3A_280, %dma_start3A_297] : memref<168x120xi32, #tpu.memory_space<vmem>> -> memref<1x120xi32, #tpu.memory_space<vmem>>
      %dma_start3A_299 = tpu.memref_squeeze %dma_start3A_298 : memref<1x120xi32, #tpu.memory_space<vmem>> -> memref<120xi32, #tpu.memory_space<vmem>>
      %dma_start3A_300 = arith.constant 0 : i32
      %dma_start3A_301 = arith.constant 0 : i32
      %dma_start3A_302 = tpu.memref_slice %arg11[%dma_start3A_300, %dma_start3A_301] : memref<5120x128xf32, #tpu.memory_space<vmem_shared>> -> memref<5120x128xf32, #tpu.memory_space<vmem_shared>>
      tpu.enqueue_indirect_dma source(%dma_start3A_296 : memref<120x128xf32, #tpu.memory_space<vmem>>) target(%dma_start3A_302 : memref<5120x128xf32, #tpu.memory_space<vmem_shared>>) offsets(%dma_start3A_299 : memref<120xi32, #tpu.memory_space<vmem>>) semaphore(%arg17 : memref<!tpu.dma_semaphore, #tpu.memory_space<semaphore_mem>>) {add = true}
      %mul3A_303 = arith.constant 3 : i32
      %mul3A_304 = arith.muli %while3A_224, %mul3A_303 : i32
      %add3A_305 = arith.constant 0 : i32
      %add3A_306 = arith.addi %mul3A_304, %add3A_305 : i32
      %add3A_307 = arith.constant 3 : i32
      %add3A_308 = arith.addi %add3A_306, %add3A_307 : i32
      %lt3A = arith.cmpi slt, %add3A_308, %mul3A_2 : i32
      %convert_element_type3A = arith.extui %lt3A : i1 to i32
      %cond3A = arith.constant 0 : i32
      %cond3A_309 = arith.cmpi ne, %convert_element_type3A, %cond3A : i32
      scf.if %cond3A_309 {
        %dma_wait3A_330 = arith.constant 0 : i32
        %dma_wait3A_331 = arith.constant 0 : i32
        %dma_wait3A_332 = arith.constant 0 : i32
        %dma_wait3A_333 = tpu.memref_slice %arg10[%dma_wait3A_330, %dma_wait3A_331, %dma_wait3A_332] : memref<3x120x128xf32, #tpu.memory_space<vmem>> -> memref<1x120x128xf32, #tpu.memory_space<vmem>>
        %dma_wait3A_334 = tpu.memref_squeeze %dma_wait3A_333 : memref<1x120x128xf32, #tpu.memory_space<vmem>> -> memref<120x128xf32, #tpu.memory_space<vmem>>
        %dma_wait3A_335 = arith.constant 0 : i32
        %dma_wait3A_336 = tpu.memref_slice %arg9[%add3A_306, %dma_wait3A_335] : memref<168x120xi32, #tpu.memory_space<vmem>> -> memref<1x120xi32, #tpu.memory_space<vmem>>
        %dma_wait3A_337 = tpu.memref_squeeze %dma_wait3A_336 : memref<1x120xi32, #tpu.memory_space<vmem>> -> memref<120xi32, #tpu.memory_space<vmem>>
        %dma_wait3A_338 = arith.constant 0 : i32
        %dma_wait3A_339 = arith.constant 0 : i32
        %dma_wait3A_340 = tpu.memref_slice %arg11[%dma_wait3A_338, %dma_wait3A_339] : memref<5120x128xf32, #tpu.memory_space<vmem_shared>> -> memref<5120x128xf32, #tpu.memory_space<vmem_shared>>
        tpu.wait_indirect_dma semaphore(%arg15 : memref<!tpu.dma_semaphore, #tpu.memory_space<semaphore_mem>>) src(%dma_wait3A_334 : memref<120x128xf32, #tpu.memory_space<vmem>>) dst(%dma_wait3A_340 : memref<5120x128xf32, #tpu.memory_space<vmem_shared>>)
        %dma_start3A_341 = arith.constant 0 : i32
        %dma_start3A_342 = arith.constant 0 : i32
        %dma_start3A_343 = arith.constant 0 : i32
        %dma_start3A_344 = tpu.memref_slice %arg10[%dma_start3A_341, %dma_start3A_342, %dma_start3A_343] : memref<3x120x128xf32, #tpu.memory_space<vmem>> -> memref<1x120x128xf32, #tpu.memory_space<vmem>>
        %dma_start3A_345 = tpu.memref_squeeze %dma_start3A_344 : memref<1x120x128xf32, #tpu.memory_space<vmem>> -> memref<120x128xf32, #tpu.memory_space<vmem>>
        %dma_start3A_346 = arith.constant 0 : i32
        %dma_start3A_347 = tpu.memref_slice %arg8[%add3A_308, %dma_start3A_346] : memref<168x120xi32, #tpu.memory_space<vmem>> -> memref<1x120xi32, #tpu.memory_space<vmem>>
        %dma_start3A_348 = tpu.memref_squeeze %dma_start3A_347 : memref<1x120xi32, #tpu.memory_space<vmem>> -> memref<120xi32, #tpu.memory_space<vmem>>
        %dma_start3A_349 = arith.constant 0 : i32
        %dma_start3A_350 = arith.constant 0 : i32
        %dma_start3A_351 = tpu.memref_slice %arg2[%dma_start3A_349, %dma_start3A_350] : memref<30720x128xf32, #tpu.memory_space<hbm>> -> memref<30720x128xf32, #tpu.memory_space<hbm>>
        tpu.enqueue_indirect_dma source(%dma_start3A_351 : memref<30720x128xf32, #tpu.memory_space<hbm>>) target(%dma_start3A_345 : memref<120x128xf32, #tpu.memory_space<vmem>>) offsets(%dma_start3A_348 : memref<120xi32, #tpu.memory_space<vmem>>) semaphore(%arg12 : memref<!tpu.dma_semaphore, #tpu.memory_space<semaphore_mem>>)
      } else {
      }
      %mul3A_310 = arith.constant 3 : i32
      %mul3A_311 = arith.muli %while3A_224, %mul3A_310 : i32
      %add3A_312 = arith.constant 1 : i32
      %add3A_313 = arith.addi %mul3A_311, %add3A_312 : i32
      %add3A_314 = arith.constant 3 : i32
      %add3A_315 = arith.addi %add3A_313, %add3A_314 : i32
      %lt3A_316 = arith.cmpi slt, %add3A_315, %mul3A_2 : i32
      %convert_element_type3A_317 = arith.extui %lt3A_316 : i1 to i32
      %cond3A_318 = arith.constant 0 : i32
      %cond3A_319 = arith.cmpi ne, %convert_element_type3A_317, %cond3A_318 : i32
      scf.if %cond3A_319 {
        %dma_wait3A_330 = arith.constant 1 : i32
        %dma_wait3A_331 = arith.constant 0 : i32
        %dma_wait3A_332 = arith.constant 0 : i32
        %dma_wait3A_333 = tpu.memref_slice %arg10[%dma_wait3A_330, %dma_wait3A_331, %dma_wait3A_332] : memref<3x120x128xf32, #tpu.memory_space<vmem>> -> memref<1x120x128xf32, #tpu.memory_space<vmem>>
        %dma_wait3A_334 = tpu.memref_squeeze %dma_wait3A_333 : memref<1x120x128xf32, #tpu.memory_space<vmem>> -> memref<120x128xf32, #tpu.memory_space<vmem>>
        %dma_wait3A_335 = arith.constant 0 : i32
        %dma_wait3A_336 = tpu.memref_slice %arg9[%add3A_313, %dma_wait3A_335] : memref<168x120xi32, #tpu.memory_space<vmem>> -> memref<1x120xi32, #tpu.memory_space<vmem>>
        %dma_wait3A_337 = tpu.memref_squeeze %dma_wait3A_336 : memref<1x120xi32, #tpu.memory_space<vmem>> -> memref<120xi32, #tpu.memory_space<vmem>>
        %dma_wait3A_338 = arith.constant 0 : i32
        %dma_wait3A_339 = arith.constant 0 : i32
        %dma_wait3A_340 = tpu.memref_slice %arg11[%dma_wait3A_338, %dma_wait3A_339] : memref<5120x128xf32, #tpu.memory_space<vmem_shared>> -> memref<5120x128xf32, #tpu.memory_space<vmem_shared>>
        tpu.wait_indirect_dma semaphore(%arg16 : memref<!tpu.dma_semaphore, #tpu.memory_space<semaphore_mem>>) src(%dma_wait3A_334 : memref<120x128xf32, #tpu.memory_space<vmem>>) dst(%dma_wait3A_340 : memref<5120x128xf32, #tpu.memory_space<vmem_shared>>)
        %dma_start3A_341 = arith.constant 1 : i32
        %dma_start3A_342 = arith.constant 0 : i32
        %dma_start3A_343 = arith.constant 0 : i32
        %dma_start3A_344 = tpu.memref_slice %arg10[%dma_start3A_341, %dma_start3A_342, %dma_start3A_343] : memref<3x120x128xf32, #tpu.memory_space<vmem>> -> memref<1x120x128xf32, #tpu.memory_space<vmem>>
        %dma_start3A_345 = tpu.memref_squeeze %dma_start3A_344 : memref<1x120x128xf32, #tpu.memory_space<vmem>> -> memref<120x128xf32, #tpu.memory_space<vmem>>
        %dma_start3A_346 = arith.constant 0 : i32
        %dma_start3A_347 = tpu.memref_slice %arg8[%add3A_315, %dma_start3A_346] : memref<168x120xi32, #tpu.memory_space<vmem>> -> memref<1x120xi32, #tpu.memory_space<vmem>>
        %dma_start3A_348 = tpu.memref_squeeze %dma_start3A_347 : memref<1x120xi32, #tpu.memory_space<vmem>> -> memref<120xi32, #tpu.memory_space<vmem>>
        %dma_start3A_349 = arith.constant 0 : i32
        %dma_start3A_350 = arith.constant 0 : i32
        %dma_start3A_351 = tpu.memref_slice %arg2[%dma_start3A_349, %dma_start3A_350] : memref<30720x128xf32, #tpu.memory_space<hbm>> -> memref<30720x128xf32, #tpu.memory_space<hbm>>
        tpu.enqueue_indirect_dma source(%dma_start3A_351 : memref<30720x128xf32, #tpu.memory_space<hbm>>) target(%dma_start3A_345 : memref<120x128xf32, #tpu.memory_space<vmem>>) offsets(%dma_start3A_348 : memref<120xi32, #tpu.memory_space<vmem>>) semaphore(%arg13 : memref<!tpu.dma_semaphore, #tpu.memory_space<semaphore_mem>>)
      } else {
      }
      %mul3A_320 = arith.constant 3 : i32
      %mul3A_321 = arith.muli %while3A_224, %mul3A_320 : i32
      %add3A_322 = arith.constant 2 : i32
      %add3A_323 = arith.addi %mul3A_321, %add3A_322 : i32
      %add3A_324 = arith.constant 3 : i32
      %add3A_325 = arith.addi %add3A_323, %add3A_324 : i32
      %lt3A_326 = arith.cmpi slt, %add3A_325, %mul3A_2 : i32
      %convert_element_type3A_327 = arith.extui %lt3A_326 : i1 to i32
      %cond3A_328 = arith.constant 0 : i32
      %cond3A_329 = arith.cmpi ne, %convert_element_type3A_327, %cond3A_328 : i32
      scf.if %cond3A_329 {
        %dma_wait3A_330 = arith.constant 2 : i32
        %dma_wait3A_331 = arith.constant 0 : i32
        %dma_wait3A_332 = arith.constant 0 : i32
        %dma_wait3A_333 = tpu.memref_slice %arg10[%dma_wait3A_330, %dma_wait3A_331, %dma_wait3A_332] : memref<3x120x128xf32, #tpu.memory_space<vmem>> -> memref<1x120x128xf32, #tpu.memory_space<vmem>>
        %dma_wait3A_334 = tpu.memref_squeeze %dma_wait3A_333 : memref<1x120x128xf32, #tpu.memory_space<vmem>> -> memref<120x128xf32, #tpu.memory_space<vmem>>
        %dma_wait3A_335 = arith.constant 0 : i32
        %dma_wait3A_336 = tpu.memref_slice %arg9[%add3A_323, %dma_wait3A_335] : memref<168x120xi32, #tpu.memory_space<vmem>> -> memref<1x120xi32, #tpu.memory_space<vmem>>
        %dma_wait3A_337 = tpu.memref_squeeze %dma_wait3A_336 : memref<1x120xi32, #tpu.memory_space<vmem>> -> memref<120xi32, #tpu.memory_space<vmem>>
        %dma_wait3A_338 = arith.constant 0 : i32
        %dma_wait3A_339 = arith.constant 0 : i32
        %dma_wait3A_340 = tpu.memref_slice %arg11[%dma_wait3A_338, %dma_wait3A_339] : memref<5120x128xf32, #tpu.memory_space<vmem_shared>> -> memref<5120x128xf32, #tpu.memory_space<vmem_shared>>
        tpu.wait_indirect_dma semaphore(%arg17 : memref<!tpu.dma_semaphore, #tpu.memory_space<semaphore_mem>>) src(%dma_wait3A_334 : memref<120x128xf32, #tpu.memory_space<vmem>>) dst(%dma_wait3A_340 : memref<5120x128xf32, #tpu.memory_space<vmem_shared>>)
        %dma_start3A_341 = arith.constant 2 : i32
        %dma_start3A_342 = arith.constant 0 : i32
        %dma_start3A_343 = arith.constant 0 : i32
        %dma_start3A_344 = tpu.memref_slice %arg10[%dma_start3A_341, %dma_start3A_342, %dma_start3A_343] : memref<3x120x128xf32, #tpu.memory_space<vmem>> -> memref<1x120x128xf32, #tpu.memory_space<vmem>>
        %dma_start3A_345 = tpu.memref_squeeze %dma_start3A_344 : memref<1x120x128xf32, #tpu.memory_space<vmem>> -> memref<120x128xf32, #tpu.memory_space<vmem>>
        %dma_start3A_346 = arith.constant 0 : i32
        %dma_start3A_347 = tpu.memref_slice %arg8[%add3A_325, %dma_start3A_346] : memref<168x120xi32, #tpu.memory_space<vmem>> -> memref<1x120xi32, #tpu.memory_space<vmem>>
        %dma_start3A_348 = tpu.memref_squeeze %dma_start3A_347 : memref<1x120xi32, #tpu.memory_space<vmem>> -> memref<120xi32, #tpu.memory_space<vmem>>
        %dma_start3A_349 = arith.constant 0 : i32
        %dma_start3A_350 = arith.constant 0 : i32
        %dma_start3A_351 = tpu.memref_slice %arg2[%dma_start3A_349, %dma_start3A_350] : memref<30720x128xf32, #tpu.memory_space<hbm>> -> memref<30720x128xf32, #tpu.memory_space<hbm>>
        tpu.enqueue_indirect_dma source(%dma_start3A_351 : memref<30720x128xf32, #tpu.memory_space<hbm>>) target(%dma_start3A_345 : memref<120x128xf32, #tpu.memory_space<vmem>>) offsets(%dma_start3A_348 : memref<120xi32, #tpu.memory_space<vmem>>) semaphore(%arg14 : memref<!tpu.dma_semaphore, #tpu.memory_space<semaphore_mem>>)
      } else {
      }
    }
    %sub3A_167 = arith.constant 1 : i32
    %sub3A_168 = arith.subi %squeeze3A, %sub3A_167 : i32
    %mul3A_169 = arith.constant 3 : i32
    %mul3A_170 = arith.muli %sub3A_168, %mul3A_169 : i32
    %add3A_171 = arith.constant 0 : i32
    %add3A_172 = arith.addi %mul3A_170, %add3A_171 : i32
    %dma_wait3A_173 = arith.constant 0 : i32
    %dma_wait3A_174 = arith.constant 0 : i32
    %dma_wait3A_175 = arith.constant 0 : i32
    %dma_wait3A_176 = tpu.memref_slice %arg10[%dma_wait3A_173, %dma_wait3A_174, %dma_wait3A_175] : memref<3x120x128xf32, #tpu.memory_space<vmem>> -> memref<1x120x128xf32, #tpu.memory_space<vmem>>
    %dma_wait3A_177 = tpu.memref_squeeze %dma_wait3A_176 : memref<1x120x128xf32, #tpu.memory_space<vmem>> -> memref<120x128xf32, #tpu.memory_space<vmem>>
    %dma_wait3A_178 = arith.constant 0 : i32
    %dma_wait3A_179 = tpu.memref_slice %arg9[%add3A_172, %dma_wait3A_178] : memref<168x120xi32, #tpu.memory_space<vmem>> -> memref<1x120xi32, #tpu.memory_space<vmem>>
    %dma_wait3A_180 = tpu.memref_squeeze %dma_wait3A_179 : memref<1x120xi32, #tpu.memory_space<vmem>> -> memref<120xi32, #tpu.memory_space<vmem>>
    %dma_wait3A_181 = arith.constant 0 : i32
    %dma_wait3A_182 = arith.constant 0 : i32
    %dma_wait3A_183 = tpu.memref_slice %arg11[%dma_wait3A_181, %dma_wait3A_182] : memref<5120x128xf32, #tpu.memory_space<vmem_shared>> -> memref<5120x128xf32, #tpu.memory_space<vmem_shared>>
    tpu.wait_indirect_dma semaphore(%arg15 : memref<!tpu.dma_semaphore, #tpu.memory_space<semaphore_mem>>) src(%dma_wait3A_177 : memref<120x128xf32, #tpu.memory_space<vmem>>) dst(%dma_wait3A_183 : memref<5120x128xf32, #tpu.memory_space<vmem_shared>>)
    %sub3A_184 = arith.constant 1 : i32
    %sub3A_185 = arith.subi %squeeze3A, %sub3A_184 : i32
    %mul3A_186 = arith.constant 3 : i32
    %mul3A_187 = arith.muli %sub3A_185, %mul3A_186 : i32
    %add3A_188 = arith.constant 1 : i32
    %add3A_189 = arith.addi %mul3A_187, %add3A_188 : i32
    %dma_wait3A_190 = arith.constant 1 : i32
    %dma_wait3A_191 = arith.constant 0 : i32
    %dma_wait3A_192 = arith.constant 0 : i32
    %dma_wait3A_193 = tpu.memref_slice %arg10[%dma_wait3A_190, %dma_wait3A_191, %dma_wait3A_192] : memref<3x120x128xf32, #tpu.memory_space<vmem>> -> memref<1x120x128xf32, #tpu.memory_space<vmem>>
    %dma_wait3A_194 = tpu.memref_squeeze %dma_wait3A_193 : memref<1x120x128xf32, #tpu.memory_space<vmem>> -> memref<120x128xf32, #tpu.memory_space<vmem>>
    %dma_wait3A_195 = arith.constant 0 : i32
    %dma_wait3A_196 = tpu.memref_slice %arg9[%add3A_189, %dma_wait3A_195] : memref<168x120xi32, #tpu.memory_space<vmem>> -> memref<1x120xi32, #tpu.memory_space<vmem>>
    %dma_wait3A_197 = tpu.memref_squeeze %dma_wait3A_196 : memref<1x120xi32, #tpu.memory_space<vmem>> -> memref<120xi32, #tpu.memory_space<vmem>>
    %dma_wait3A_198 = arith.constant 0 : i32
    %dma_wait3A_199 = arith.constant 0 : i32
    %dma_wait3A_200 = tpu.memref_slice %arg11[%dma_wait3A_198, %dma_wait3A_199] : memref<5120x128xf32, #tpu.memory_space<vmem_shared>> -> memref<5120x128xf32, #tpu.memory_space<vmem_shared>>
    tpu.wait_indirect_dma semaphore(%arg16 : memref<!tpu.dma_semaphore, #tpu.memory_space<semaphore_mem>>) src(%dma_wait3A_194 : memref<120x128xf32, #tpu.memory_space<vmem>>) dst(%dma_wait3A_200 : memref<5120x128xf32, #tpu.memory_space<vmem_shared>>)
    %sub3A_201 = arith.constant 1 : i32
    %sub3A_202 = arith.subi %squeeze3A, %sub3A_201 : i32
    %mul3A_203 = arith.constant 3 : i32
    %mul3A_204 = arith.muli %sub3A_202, %mul3A_203 : i32
    %add3A_205 = arith.constant 2 : i32
    %add3A_206 = arith.addi %mul3A_204, %add3A_205 : i32
    %dma_wait3A_207 = arith.constant 2 : i32
    %dma_wait3A_208 = arith.constant 0 : i32
    %dma_wait3A_209 = arith.constant 0 : i32
    %dma_wait3A_210 = tpu.memref_slice %arg10[%dma_wait3A_207, %dma_wait3A_208, %dma_wait3A_209] : memref<3x120x128xf32, #tpu.memory_space<vmem>> -> memref<1x120x128xf32, #tpu.memory_space<vmem>>
    %dma_wait3A_211 = tpu.memref_squeeze %dma_wait3A_210 : memref<1x120x128xf32, #tpu.memory_space<vmem>> -> memref<120x128xf32, #tpu.memory_space<vmem>>
    %dma_wait3A_212 = arith.constant 0 : i32
    %dma_wait3A_213 = tpu.memref_slice %arg9[%add3A_206, %dma_wait3A_212] : memref<168x120xi32, #tpu.memory_space<vmem>> -> memref<1x120xi32, #tpu.memory_space<vmem>>
    %dma_wait3A_214 = tpu.memref_squeeze %dma_wait3A_213 : memref<1x120xi32, #tpu.memory_space<vmem>> -> memref<120xi32, #tpu.memory_space<vmem>>
    %dma_wait3A_215 = arith.constant 0 : i32
    %dma_wait3A_216 = arith.constant 0 : i32
    %dma_wait3A_217 = tpu.memref_slice %arg11[%dma_wait3A_215, %dma_wait3A_216] : memref<5120x128xf32, #tpu.memory_space<vmem_shared>> -> memref<5120x128xf32, #tpu.memory_space<vmem_shared>>
    tpu.wait_indirect_dma semaphore(%arg17 : memref<!tpu.dma_semaphore, #tpu.memory_space<semaphore_mem>>) src(%dma_wait3A_211 : memref<120x128xf32, #tpu.memory_space<vmem>>) dst(%dma_wait3A_217 : memref<5120x128xf32, #tpu.memory_space<vmem_shared>>)
    %barrier3A_218 = arith.constant 0 : index
    tpu.barrier barrier_id(%barrier3A_218)
    %mul3A_219 = arith.constant 320 : i32
    %mul3A_220 = arith.muli %arg1, %mul3A_219 : i32
    %mul3A_221 = arith.constant 320 : i32
    %mul3A_222 = arith.muli %arg1, %mul3A_221 : i32
    %run_scoped3A_223 = arith.constant 1 : i32
    "tpu.region"() ({
      %run_scoped3A_224 = tpu.sem_alloc : memref<!tpu.dma_semaphore, #tpu.memory_space<semaphore_mem>>
      %dma_start3A_225 = arith.constant 0 : i32
      %dma_start3A_226 = tpu.memref_slice %arg6[%run_scoped3A_223, %arg0, %mul3A_222, %dma_start3A_225] : memref<2x2x5120x128xf32, #tpu.memory_space<hbm>> -> memref<1x1x320x128xf32, #tpu.memory_space<hbm>>
      %dma_start3A_227 = tpu.memref_squeeze %dma_start3A_226 : memref<1x1x320x128xf32, #tpu.memory_space<hbm>> -> memref<320x128xf32, #tpu.memory_space<hbm>>
      %dma_start3A_228 = arith.constant 0 : i32
      %dma_start3A_229 = tpu.memref_slice %arg11[%mul3A_220, %dma_start3A_228] : memref<5120x128xf32, #tpu.memory_space<vmem_shared>> -> memref<320x128xf32, #tpu.memory_space<vmem_shared>>
      tpu.enqueue_dma source(%dma_start3A_229 : memref<320x128xf32, #tpu.memory_space<vmem_shared>>) target(%dma_start3A_227 : memref<320x128xf32, #tpu.memory_space<hbm>>) target_semaphore(%run_scoped3A_224 : memref<!tpu.dma_semaphore, #tpu.memory_space<semaphore_mem>>)
      %dma_wait3A_230 = arith.constant 0 : i32
      %dma_wait3A_231 = tpu.memref_slice %arg6[%run_scoped3A_223, %arg0, %mul3A_222, %dma_wait3A_230] : memref<2x2x5120x128xf32, #tpu.memory_space<hbm>> -> memref<1x1x320x128xf32, #tpu.memory_space<hbm>>
      %dma_wait3A_232 = tpu.memref_squeeze %dma_wait3A_231 : memref<1x1x320x128xf32, #tpu.memory_space<hbm>> -> memref<320x128xf32, #tpu.memory_space<hbm>>
      %dma_wait3A_233 = arith.constant 0 : i32
      %dma_wait3A_234 = tpu.memref_slice %arg11[%mul3A_220, %dma_wait3A_233] : memref<5120x128xf32, #tpu.memory_space<vmem_shared>> -> memref<320x128xf32, #tpu.memory_space<vmem_shared>>
      tpu.wait_dma2 semaphore(%run_scoped3A_224 : memref<!tpu.dma_semaphore, #tpu.memory_space<semaphore_mem>>) src(%dma_wait3A_234 : memref<320x128xf32, #tpu.memory_space<vmem_shared>>) dst(%dma_wait3A_232 : memref<320x128xf32, #tpu.memory_space<hbm>>)
      tpu.yield
    }) : () -> ()
    return
  }
}

module attributes {stable_mosaic.version = 14 : i64} {
  func.func @body(%arg0: i32, %arg1: memref<1024x128xf32, #tpu.memory_space<vmem>>, %arg2: memref<1024x128xf32, #tpu.memory_space<vmem>>, %arg3: memref<3x1024x128xf32, #tpu.memory_space<vmem>>) attributes {dimension_semantics = [#tpu.dimension_semantics<arbitrary>], iteration_bounds = array<i64: 10>, scalar_prefetch = 0 : i64, scratch_operands = 0 : i64, tpu.core_type = #tpu.core_type<tc>, window_params = [{transform_indices = @transform_0, window_bounds = array<i64: 1024, 128>}, {transform_indices = @transform_1, window_bounds = array<i64: 1024, 128>}, {transform_indices = @transform_2, window_bounds = array<i64: 3, 1024, 128>}]} {
    %get3A = arith.constant 0 : index
    %get3A_0 = arith.constant 0 : index
    %get3A_1 = vector.load %arg1[%get3A, %get3A_0] : memref<1024x128xf32, #tpu.memory_space<vmem>>, vector<1024x128xf32>
    %swap3A = arith.constant 0 : index
    %swap3A_2 = arith.constant 0 : index
    %swap3A_3 = arith.constant 0 : index
    %swap3A_4 = vector.load %arg3[%swap3A, %swap3A_2, %swap3A_3] : memref<3x1024x128xf32, #tpu.memory_space<vmem>>, vector<1x1024x128xf32>
    %swap3A_5 = vector.shape_cast %swap3A_4 : vector<1x1024x128xf32> to vector<1024x128xf32>
    %swap3A_6 = vector.shape_cast %get3A_1 : vector<1024x128xf32> to vector<1x1024x128xf32>
    tpu.vector_store %arg3[%swap3A, %swap3A_2, %swap3A_3], %swap3A_6 {strides = array<i32>} : memref<3x1024x128xf32, #tpu.memory_space<vmem>>, vector<1x1024x128xf32>,
    %neg3A = arith.constant 0.000000e+00 : f32
    %neg3A_7 = vector.broadcast %neg3A : f32 to vector<1024x128xf32>
    %neg3A_8 = arith.subf %neg3A_7, %get3A_1 : vector<1024x128xf32>
    %swap3A_9 = arith.constant 1 : index
    %swap3A_10 = arith.constant 0 : index
    %swap3A_11 = arith.constant 0 : index
    %swap3A_12 = vector.load %arg3[%swap3A_9, %swap3A_10, %swap3A_11] : memref<3x1024x128xf32, #tpu.memory_space<vmem>>, vector<1x1024x128xf32>
    %swap3A_13 = vector.shape_cast %swap3A_12 : vector<1x1024x128xf32> to vector<1024x128xf32>
    %swap3A_14 = vector.shape_cast %neg3A_8 : vector<1024x128xf32> to vector<1x1024x128xf32>
    tpu.vector_store %arg3[%swap3A_9, %swap3A_10, %swap3A_11], %swap3A_14 {strides = array<i32>} : memref<3x1024x128xf32, #tpu.memory_space<vmem>>, vector<1x1024x128xf32>,
    %get3A_15 = arith.constant 0 : index
    %get3A_16 = arith.constant 0 : index
    %get3A_17 = vector.load %arg2[%get3A_15, %get3A_16] : memref<1024x128xf32, #tpu.memory_space<vmem>>, vector<1024x128xf32>
    %swap3A_18 = arith.constant 2 : index
    %swap3A_19 = arith.constant 0 : index
    %swap3A_20 = arith.constant 0 : index
    %swap3A_21 = vector.load %arg3[%swap3A_18, %swap3A_19, %swap3A_20] : memref<3x1024x128xf32, #tpu.memory_space<vmem>>, vector<1x1024x128xf32>
    %swap3A_22 = vector.shape_cast %swap3A_21 : vector<1x1024x128xf32> to vector<1024x128xf32>
    %swap3A_23 = vector.shape_cast %get3A_17 : vector<1024x128xf32> to vector<1x1024x128xf32>
    tpu.vector_store %arg3[%swap3A_18, %swap3A_19, %swap3A_20], %swap3A_23 {strides = array<i32>} : memref<3x1024x128xf32, #tpu.memory_space<vmem>>, vector<1x1024x128xf32>,
    return
  }
  func.func @transform_0(%arg0: i32) -> (i32, i32) {
    %c0_i32 = arith.constant 0 : i32
    %c0_i32_0 = arith.constant 0 : i32
    return %arg0, %c0_i32 : i32, i32
  }
  func.func @transform_1(%arg0: i32) -> (i32, i32) {
    %c0_i32 = arith.constant 0 : i32
    %c0_i32_0 = arith.constant 0 : i32
    return %arg0, %c0_i32 : i32, i32
  }
  func.func @transform_2(%arg0: i32) -> (i32, i32, i32) {
    %c0_i32 = arith.constant 0 : i32
    %c0_i32_0 = arith.constant 0 : i32
    %c0_i32_1 = arith.constant 0 : i32
    return %c0_i32, %arg0, %c0_i32_0 : i32, i32, i32
  }
}

module attributes {stable_mosaic.version = 14 : i64} {
  func.func @body(%arg0: i32, %arg1: memref<1024x128xf32, #tpu.memory_space<vmem>>, %arg2: memref<1024x128xf32, #tpu.memory_space<vmem>>, %arg3: memref<128x128xf32, #tpu.memory_space<vmem>>, %arg4: memref<128x128xf32, #tpu.memory_space<vmem>>, %arg5: memref<3x1024x128xf32, #tpu.memory_space<vmem>>) attributes {dimension_semantics = [#tpu.dimension_semantics<arbitrary>], iteration_bounds = array<i64: 10>, scalar_prefetch = 0 : i64, scratch_operands = 0 : i64, tpu.core_type = #tpu.core_type<tc>, window_params = [{transform_indices = @transform_0, window_bounds = array<i64: 1024, 128>}, {transform_indices = @transform_1, window_bounds = array<i64: 1024, 128>}, {pipeline_mode = #tpu.pipeline_mode<synchronous>, transform_indices = @transform_2, window_bounds = array<i64: 128, 128>}, {pipeline_mode = #tpu.pipeline_mode<synchronous>, transform_indices = @transform_3, window_bounds = array<i64: 128, 128>}, {transform_indices = @transform_4, window_bounds = array<i64: 3, 1024, 128>}]} {
    %get3A = arith.constant 0 : index
    %get3A_0 = arith.constant 0 : index
    %get3A_1 = vector.load %arg1[%get3A, %get3A_0] : memref<1024x128xf32, #tpu.memory_space<vmem>>, vector<1024x128xf32>
    %get3A_2 = arith.constant 0 : index
    %get3A_3 = arith.constant 0 : index
    %get3A_4 = vector.load %arg3[%get3A_2, %get3A_3] : memref<128x128xf32, #tpu.memory_space<vmem>>, vector<128x128xf32>
    %dot_general3A = arith.constant dense<0.000000e+00> : vector<1024x128xf32>
    %dot_general3A_5 = tpu.matmul %get3A_1, %get3A_4, %dot_general3A {dimension_numbers = #tpu.dot_dimension_numbers<[1], [0], [0], [1], [0, 0, 1, 1], [], []>, transpose_lhs_hint = false} : vector<1024x128xf32>, vector<128x128xf32>, vector<1024x128xf32> -> vector<1024x128xf32>
    %tanh3A = math.tanh %dot_general3A_5 : vector<1024x128xf32>
    %get3A_6 = arith.constant 0 : index
    %get3A_7 = arith.constant 0 : index
    %get3A_8 = vector.load %arg2[%get3A_6, %get3A_7] : memref<1024x128xf32, #tpu.memory_space<vmem>>, vector<1024x128xf32>
    %get3A_9 = arith.constant 0 : index
    %get3A_10 = arith.constant 0 : index
    %get3A_11 = vector.load %arg4[%get3A_9, %get3A_10] : memref<128x128xf32, #tpu.memory_space<vmem>>, vector<128x128xf32>
    %dot_general3A_12 = arith.constant dense<0.000000e+00> : vector<1024x128xf32>
    %dot_general3A_13 = tpu.matmul %get3A_8, %get3A_11, %dot_general3A_12 {dimension_numbers = #tpu.dot_dimension_numbers<[1], [0], [0], [1], [0, 0, 1, 1], [], []>, transpose_lhs_hint = false} : vector<1024x128xf32>, vector<128x128xf32>, vector<1024x128xf32> -> vector<1024x128xf32>
    %max3A = arith.constant 0.000000e+00 : f32
    %max3A_14 = vector.broadcast %max3A : f32 to vector<1024x128xf32>
    %max3A_15 = arith.maximumf %dot_general3A_13, %max3A_14 : vector<1024x128xf32>
    %swap3A = arith.constant 0 : index
    %swap3A_16 = arith.constant 0 : index
    %swap3A_17 = arith.constant 0 : index
    %swap3A_18 = vector.load %arg5[%swap3A, %swap3A_16, %swap3A_17] : memref<3x1024x128xf32, #tpu.memory_space<vmem>>, vector<1x1024x128xf32>
    %swap3A_19 = vector.shape_cast %swap3A_18 : vector<1x1024x128xf32> to vector<1024x128xf32>
    %swap3A_20 = vector.shape_cast %tanh3A : vector<1024x128xf32> to vector<1x1024x128xf32>
    tpu.vector_store %arg5[%swap3A, %swap3A_16, %swap3A_17], %swap3A_20 {strides = array<i32>} : memref<3x1024x128xf32, #tpu.memory_space<vmem>>, vector<1x1024x128xf32>,
    %neg3A = arith.constant 0.000000e+00 : f32
    %neg3A_21 = vector.broadcast %neg3A : f32 to vector<1024x128xf32>
    %neg3A_22 = arith.subf %neg3A_21, %tanh3A : vector<1024x128xf32>
    %swap3A_23 = arith.constant 1 : index
    %swap3A_24 = arith.constant 0 : index
    %swap3A_25 = arith.constant 0 : index
    %swap3A_26 = vector.load %arg5[%swap3A_23, %swap3A_24, %swap3A_25] : memref<3x1024x128xf32, #tpu.memory_space<vmem>>, vector<1x1024x128xf32>
    %swap3A_27 = vector.shape_cast %swap3A_26 : vector<1x1024x128xf32> to vector<1024x128xf32>
    %swap3A_28 = vector.shape_cast %neg3A_22 : vector<1024x128xf32> to vector<1x1024x128xf32>
    tpu.vector_store %arg5[%swap3A_23, %swap3A_24, %swap3A_25], %swap3A_28 {strides = array<i32>} : memref<3x1024x128xf32, #tpu.memory_space<vmem>>, vector<1x1024x128xf32>,
    %swap3A_29 = arith.constant 2 : index
    %swap3A_30 = arith.constant 0 : index
    %swap3A_31 = arith.constant 0 : index
    %swap3A_32 = vector.load %arg5[%swap3A_29, %swap3A_30, %swap3A_31] : memref<3x1024x128xf32, #tpu.memory_space<vmem>>, vector<1x1024x128xf32>
    %swap3A_33 = vector.shape_cast %swap3A_32 : vector<1x1024x128xf32> to vector<1024x128xf32>
    %swap3A_34 = vector.shape_cast %max3A_15 : vector<1024x128xf32> to vector<1x1024x128xf32>
    tpu.vector_store %arg5[%swap3A_29, %swap3A_30, %swap3A_31], %swap3A_34 {strides = array<i32>} : memref<3x1024x128xf32, #tpu.memory_space<vmem>>, vector<1x1024x128xf32>,
    return
  }
  func.func @transform_0(%arg0: i32) -> (i32, i32) {
    %c0_i32 = arith.constant 0 : i32
    %c0_i32_0 = arith.constant 0 : i32
    return %arg0, %c0_i32 : i32, i32
  }
  func.func @transform_1(%arg0: i32) -> (i32, i32) {
    %c0_i32 = arith.constant 0 : i32
    %c0_i32_0 = arith.constant 0 : i32
    return %arg0, %c0_i32 : i32, i32
  }
  func.func @transform_2(%arg0: i32) -> (i32, i32) {
    %c0_i32 = arith.constant 0 : i32
    %c0_i32_0 = arith.constant 0 : i32
    %c0_i32_1 = arith.constant 0 : i32
    return %c0_i32, %c0_i32_0 : i32, i32
  }
  func.func @transform_3(%arg0: i32) -> (i32, i32) {
    %c0_i32 = arith.constant 0 : i32
    %c0_i32_0 = arith.constant 0 : i32
    %c0_i32_1 = arith.constant 0 : i32
    return %c0_i32, %c0_i32_0 : i32, i32
  }
  func.func @transform_4(%arg0: i32) -> (i32, i32, i32) {
    %c0_i32 = arith.constant 0 : i32
    %c0_i32_0 = arith.constant 0 : i32
    %c0_i32_1 = arith.constant 0 : i32
    return %c0_i32, %arg0, %c0_i32_0 : i32, i32, i32
  }
}

module attributes {stable_mosaic.version = 14 : i64} {
  func.func @body(%arg0: i32, %arg1: memref<1024x128xf32, #tpu.memory_space<vmem>>, %arg2: memref<1024x128xf32, #tpu.memory_space<vmem>>, %arg3: memref<128x128xf32, #tpu.memory_space<vmem>>, %arg4: memref<128x128xf32, #tpu.memory_space<vmem>>, %arg5: memref<128x128xf32, #tpu.memory_space<vmem>>, %arg6: memref<128x128xf32, #tpu.memory_space<vmem>>, %arg7: memref<1024x128xf32, #tpu.memory_space<vmem>>, %arg8: memref<1024x128xf32, #tpu.memory_space<vmem>>) attributes {dimension_semantics = [#tpu.dimension_semantics<arbitrary>], iteration_bounds = array<i64: 10>, scalar_prefetch = 0 : i64, scratch_operands = 0 : i64, tpu.core_type = #tpu.core_type<tc>, window_params = [{transform_indices = @transform_0, window_bounds = array<i64: 1024, 128>}, {transform_indices = @transform_1, window_bounds = array<i64: 1024, 128>}, {pipeline_mode = #tpu.pipeline_mode<synchronous>, transform_indices = @transform_2, window_bounds = array<i64: 128, 128>}, {pipeline_mode = #tpu.pipeline_mode<synchronous>, transform_indices = @transform_3, window_bounds = array<i64: 128, 128>}, {pipeline_mode = #tpu.pipeline_mode<synchronous>, transform_indices = @transform_4, window_bounds = array<i64: 128, 128>}, {pipeline_mode = #tpu.pipeline_mode<synchronous>, transform_indices = @transform_5, window_bounds = array<i64: 128, 128>}, {transform_indices = @transform_6, window_bounds = array<i64: 1024, 128>}, {transform_indices = @transform_7, window_bounds = array<i64: 1024, 128>}]} {
    %get3A = arith.constant 0 : index
    %get3A_0 = arith.constant 0 : index
    %get3A_1 = vector.load %arg1[%get3A, %get3A_0] : memref<1024x128xf32, #tpu.memory_space<vmem>>, vector<1024x128xf32>
    %get3A_2 = arith.constant 0 : index
    %get3A_3 = arith.constant 0 : index
    %get3A_4 = vector.load %arg3[%get3A_2, %get3A_3] : memref<128x128xf32, #tpu.memory_space<vmem>>, vector<128x128xf32>
    %dot_general3A = arith.constant dense<0.000000e+00> : vector<1024x128xf32>
    %dot_general3A_5 = tpu.matmul %get3A_1, %get3A_4, %dot_general3A {dimension_numbers = #tpu.dot_dimension_numbers<[1], [0], [0], [1], [0, 0, 1, 1], [], []>, transpose_lhs_hint = false} : vector<1024x128xf32>, vector<128x128xf32>, vector<1024x128xf32> -> vector<1024x128xf32>
    %tanh3A = math.tanh %dot_general3A_5 : vector<1024x128xf32>
    %get3A_6 = arith.constant 0 : index
    %get3A_7 = arith.constant 0 : index
    %get3A_8 = vector.load %arg2[%get3A_6, %get3A_7] : memref<1024x128xf32, #tpu.memory_space<vmem>>, vector<1024x128xf32>
    %get3A_9 = arith.constant 0 : index
    %get3A_10 = arith.constant 0 : index
    %get3A_11 = vector.load %arg4[%get3A_9, %get3A_10] : memref<128x128xf32, #tpu.memory_space<vmem>>, vector<128x128xf32>
    %dot_general3A_12 = arith.constant dense<0.000000e+00> : vector<1024x128xf32>
    %dot_general3A_13 = tpu.matmul %get3A_8, %get3A_11, %dot_general3A_12 {dimension_numbers = #tpu.dot_dimension_numbers<[1], [0], [0], [1], [0, 0, 1, 1], [], []>, transpose_lhs_hint = false} : vector<1024x128xf32>, vector<128x128xf32>, vector<1024x128xf32> -> vector<1024x128xf32>
    %max3A = arith.constant 0.000000e+00 : f32
    %max3A_14 = vector.broadcast %max3A : f32 to vector<1024x128xf32>
    %max3A_15 = arith.maximumf %dot_general3A_13, %max3A_14 : vector<1024x128xf32>
    %get3A_16 = arith.constant 0 : index
    %get3A_17 = arith.constant 0 : index
    %get3A_18 = vector.load %arg5[%get3A_16, %get3A_17] : memref<128x128xf32, #tpu.memory_space<vmem>>, vector<128x128xf32>
    %dot_general3A_19 = arith.constant dense<0.000000e+00> : vector<1024x128xf32>
    %dot_general3A_20 = tpu.matmul %tanh3A, %get3A_18, %dot_general3A_19 {dimension_numbers = #tpu.dot_dimension_numbers<[1], [0], [0], [1], [0, 0, 1, 1], [], []>, transpose_lhs_hint = false} : vector<1024x128xf32>, vector<128x128xf32>, vector<1024x128xf32> -> vector<1024x128xf32>
    %swap3A = arith.constant 0 : index
    %swap3A_21 = arith.constant 0 : index
    %swap3A_22 = vector.load %arg7[%swap3A, %swap3A_21] : memref<1024x128xf32, #tpu.memory_space<vmem>>, vector<1024x128xf32>
    tpu.vector_store %arg7[%swap3A, %swap3A_21], %dot_general3A_20 {strides = array<i32>} : memref<1024x128xf32, #tpu.memory_space<vmem>>, vector<1024x128xf32>,
    %get3A_23 = arith.constant 0 : index
    %get3A_24 = arith.constant 0 : index
    %get3A_25 = vector.load %arg6[%get3A_23, %get3A_24] : memref<128x128xf32, #tpu.memory_space<vmem>>, vector<128x128xf32>
    %dot_general3A_26 = arith.constant dense<0.000000e+00> : vector<1024x128xf32>
    %dot_general3A_27 = tpu.matmul %max3A_15, %get3A_25, %dot_general3A_26 {dimension_numbers = #tpu.dot_dimension_numbers<[1], [0], [0], [1], [0, 0, 1, 1], [], []>, transpose_lhs_hint = false} : vector<1024x128xf32>, vector<128x128xf32>, vector<1024x128xf32> -> vector<1024x128xf32>
    %swap3A_28 = arith.constant 0 : index
    %swap3A_29 = arith.constant 0 : index
    %swap3A_30 = vector.load %arg8[%swap3A_28, %swap3A_29] : memref<1024x128xf32, #tpu.memory_space<vmem>>, vector<1024x128xf32>
    tpu.vector_store %arg8[%swap3A_28, %swap3A_29], %dot_general3A_27 {strides = array<i32>} : memref<1024x128xf32, #tpu.memory_space<vmem>>, vector<1024x128xf32>,
    return
  }
  func.func @transform_0(%arg0: i32) -> (i32, i32) {
    %c0_i32 = arith.constant 0 : i32
    %c0_i32_0 = arith.constant 0 : i32
    return %arg0, %c0_i32 : i32, i32
  }
  func.func @transform_1(%arg0: i32) -> (i32, i32) {
    %c0_i32 = arith.constant 0 : i32
    %c0_i32_0 = arith.constant 0 : i32
    return %arg0, %c0_i32 : i32, i32
  }
  func.func @transform_2(%arg0: i32) -> (i32, i32) {
    %c0_i32 = arith.constant 0 : i32
    %c0_i32_0 = arith.constant 0 : i32
    %c0_i32_1 = arith.constant 0 : i32
    return %c0_i32, %c0_i32_0 : i32, i32
  }
  func.func @transform_3(%arg0: i32) -> (i32, i32) {
    %c0_i32 = arith.constant 0 : i32
    %c0_i32_0 = arith.constant 0 : i32
    %c0_i32_1 = arith.constant 0 : i32
    return %c0_i32, %c0_i32_0 : i32, i32
  }
  func.func @transform_4(%arg0: i32) -> (i32, i32) {
    %c0_i32 = arith.constant 0 : i32
    %c0_i32_0 = arith.constant 0 : i32
    %c0_i32_1 = arith.constant 0 : i32
    return %c0_i32, %c0_i32_0 : i32, i32
  }
  func.func @transform_5(%arg0: i32) -> (i32, i32) {
    %c0_i32 = arith.constant 0 : i32
    %c0_i32_0 = arith.constant 0 : i32
    %c0_i32_1 = arith.constant 0 : i32
    return %c0_i32, %c0_i32_0 : i32, i32
  }
  func.func @transform_6(%arg0: i32) -> (i32, i32) {
    %c0_i32 = arith.constant 0 : i32
    %c0_i32_0 = arith.constant 0 : i32
    return %arg0, %c0_i32 : i32, i32
  }
  func.func @transform_7(%arg0: i32) -> (i32, i32) {
    %c0_i32 = arith.constant 0 : i32
    %c0_i32_0 = arith.constant 0 : i32
    return %arg0, %c0_i32 : i32, i32
  }
}

</mosaic_0001>

<sc_bundles>
// kernel: gather_offload_async_start.1
scs
__scs_entry_jumppad:
0x0: {  	(pc) =	sbr.rel $0x88, $3  }
0x1: {  	(tag) =	ssettag $0x0;
	lr =	simm.s32 $0x1  }
0x2: {  	[smem:$0x3F97] =	sst lr;
	_ =	strace $0xD0000000  }
0x3: {  	_ = 	snop  }
0x4: {  	_ = 	snop  }
0x5: {  	_ = 	snop  }
0x6: {  	_ = 	snop  }
0x7: {  	_ = 	snop  }
__scs_overlays_trampoline_lowered:
0x8: {  	[smem:$0x3FA6] =	sst s0  }
0x9: {  	[smem:$0x3FA7] =	sst s1  }
0xa: {  	[smem:$0x3FA8] =	sst s2  }
0xb: {  	[smem:$0x3FA9] =	sst s3  }
0xc: {  	[smem:$0x3FAA] =	sst s4  }
0xd: {  	[smem:$0x3FAB] =	sst s5  }
0xe: {  	[smem:$0x3FAC] =	sst s6  }
0xf: {  	[smem:$0x3FAD] =	sst s7  }
0x10: {  	[smem:$0x3FAE] =	sst s8  }
0x11: {  	[smem:$0x3FAF] =	sst s9;
	s0 =	simm.s32 @!p0 $0x0  }
0x12: {  	s1 =	sld [smem:$0x3F95];
	s0 =	simm.s32 @p0 $0x1  }
0x13: {  	[smem:$0x3FB0] =	sst s0;
	s0 =	simm.s32 @!p1 $0x0  }
0x14: {  	s2 =	sld [smem:$0x3F94];
	s0 =	simm.s32 @p1 $0x1  }
0x15: {  	[smem:$0x3FB1] =	sst s0;
	s0 =	simm.s32 @!p2 $0x0  }
0x16: {  	s3 =	sld [smem:$0x3FDB];
	s0 =	simm.s32 @p2 $0x1  }
0x17: {  	s4 =	simm.s32 $0x1BF5;
	[smem:$0x3FB3] =	sst s0  }
0x18: {  	s0 =	sld [smem:$0x3F96];
	_ =	swait.ge [sflag:s4], $0x0  }
0x19: {  	s7 =	sld [smem:$0x3F97]  }
0x1a: {  	s8 =	sadd.s32 $0xFFFFE003, lr  }
0x1b: {  	s9 =	sadd.s32 $0xFFFFFEF7, lr;
	s5 =	simm.s32 $0xFFFFFFFF;
	p2 =	slt.u32 s8, $0xFFFFF086  }
0x1c: {  	p1 =	slt.u32 s9, $0xF7A;
	s5 =	simm.s32 @!p2 $0x0  }
0x1d: {  	s5 =	simm.s32 @p1 $0x1;
	p0 =	seq.s32 s7, s2  }
0x1e: {  	s7 =	smul.u32 @!p0 $0xF7A, s2;
	p2 =	seq.s32 @!p0 s5, $0x0  }
0x1f: {  	s9 =	smul.u32 $0xF7A, s1;
	s8 =	simm.s32 @!p0 $0x1BF5;
	p2 =	por !p2, p0  }
0x20: {  	[sflag:s8] =	ssyncset.s32 @!p0 $0xFFFFF086;
	s6 =	sadd.s32 @!p0 s3, s7;
	s7 =	simm.s32 @!p0 $0x108  }
0x21: {  	s3 =	sadd.s32 s3, s9;
	s6 =	sadd.s32 @!p0 $0x88, s6;
	s7 =	simm.s32 @p2 $0x1082  }
0x22: {  	[simem:s7], [sflag:s8] =	dma.local @!p0 [hbm:s6], $0xF7A  }
0x23: {  	s9 =	sor.u32 $0xD0000000, s2;
	s6 =	simm.s32 $0x108;
	_ =	swait.ge @!p0 [sflag:s8], $0x0  }
0x24: {  	s3 =	sadd.s32 $0x88, s3;
	s6 =	simm.s32 @!p1 $0x1082;
	[sflag:s4] =	ssyncset.s32 $0xFFFFF086  }
0x25: {  	[simem:s6], [sflag:s4] =	dma.local [hbm:s3], $0xF7A  }
0x26: {  	[smem:$0x3F97] =	sst s1;
	(tag) =	ssettag s2;
	_ =	strace s9  }
0x27: {  	s1 =	sld [smem:$0x3FA7]  }
0x28: {  	s2 =	sld [smem:$0x3FA8]  }
0x29: {  	s4 =	sld [smem:$0x3FAA]  }
0x2a: {  	p0 =	seq.s32 s5, $0x0;
	s5 =	sld [smem:$0x3FAB]  }
0x2b: {  	s6 =	sld [smem:$0x3FAC]  }
0x2c: {  	s7 =	sld [smem:$0x3FAD]  }
0x2d: {  	s3 =	simm.s32 $0x108;
	s8 =	sld [smem:$0x3FAE]  }
0x2e: {  	s3 =	simm.s32 @!p0 $0x1082;
	s9 =	sld [smem:$0x3FAF]  }
0x2f: {  	lr =	sadd.s32 s0, s3;
	s0 =	sld [smem:$0x3FA6]  }
0x30: {  	s3 =	sld [smem:$0x3FA9]  }
0x31: {  	[smem:$0x3FB2] =	sst s10  }
0x32: {  	s10 =	sld [smem:$0x3FB0];
	_ =	sdelay $0x3  }
0x33: {  	p0 =	seq.s32 s10, $0x1;
	s10 =	sld [smem:$0x3FB2];
	_ =	sdelay $0x3  }
0x34: {  	[smem:$0x3FB2] =	sst s10  }
0x35: {  	s10 =	sld [smem:$0x3FB1];
	_ =	sdelay $0x3  }
0x36: {  	p1 =	seq.s32 s10, $0x1;
	s10 =	sld [smem:$0x3FB2];
	_ =	sdelay $0x3  }
0x37: {  	[smem:$0x3FB2] =	sst s10  }
0x38: {  	s10 =	sld [smem:$0x3FB3]  }
0x39: {  	_ = 	snop;
	(pc) =	sbr.ind lr, $3  }
0x3a: {  	_ = 	snop  }
0x3b: {  	_ = 	snop  }
0x3c: {  	p2 =	seq.s32 s10, $0x1;
	s10 =	sld [smem:$0x3FB2]  }
0x3d: {  	_ =	shalt  }
0x3e: {  	_ =	shalt  }
0x3f: {  	_ =	shalt  }
0x40: {  	_ =	shalt  }
0x41: {  	_ =	shalt  }
0x42: {  	_ =	shalt  }
0x43: {  	_ =	shalt  }
0x44: {  	_ =	shalt  }
0x45: {  	_ =	shalt  }
0x46: {  	_ =	shalt  }
0x47: {  	_ =	shalt  }
0x48: {  	_ =	shalt  }
0x49: {  	_ =	shalt  }
0x4a: {  	_ =	shalt  }
0x4b: {  	_ =	shalt  }
0x4c: {  	_ =	shalt  }
0x4d: {  	_ =	shalt  }
0x4e: {  	_ =	shalt  }
0x4f: {  	_ =	shalt  }
0x50: {  	_ =	shalt  }
0x51: {  	_ =	shalt  }
0x52: {  	_ =	shalt  }
0x53: {  	_ =	shalt  }
0x54: {  	_ =	shalt  }
0x55: {  	_ =	shalt  }
0x56: {  	_ =	shalt  }
0x57: {  	_ =	shalt  }
0x58: {  	_ =	shalt  }
0x59: {  	_ =	shalt  }
0x5a: {  	_ =	shalt  }
0x5b: {  	_ =	shalt  }
0x5c: {  	_ =	shalt  }
0x5d: {  	_ =	shalt  }
0x5e: {  	_ =	shalt  }
0x5f: {  	_ =	shalt  }
0x60: {  	_ =	shalt  }
0x61: {  	_ =	shalt  }
0x62: {  	_ =	shalt  }
0x63: {  	_ =	shalt  }
0x64: {  	_ =	shalt  }
0x65: {  	_ =	shalt  }
0x66: {  	_ =	shalt  }
0x67: {  	_ =	shalt  }
0x68: {  	_ =	shalt  }
0x69: {  	_ =	shalt  }
0x6a: {  	_ =	shalt  }
0x6b: {  	_ =	shalt  }
0x6c: {  	_ =	shalt  }
0x6d: {  	_ =	shalt  }
0x6e: {  	_ =	shalt  }
0x6f: {  	_ =	shalt  }
0x70: {  	_ =	shalt  }
0x71: {  	_ =	shalt  }
0x72: {  	_ =	shalt  }
0x73: {  	_ =	shalt  }
0x74: {  	_ =	shalt  }
0x75: {  	_ =	shalt  }
0x76: {  	_ =	shalt  }
0x77: {  	_ =	shalt  }
0x78: {  	_ =	shalt  }
0x79: {  	_ =	shalt  }
0x7a: {  	_ =	shalt  }
0x7b: {  	_ =	shalt  }
0x7c: {  	_ =	shalt  }
0x7d: {  	_ =	shalt  }
0x7e: {  	_ =	shalt  }
0x7f: {  	_ =	shalt  }
0x80: {  	_ =	shalt  }
0x81: {  	_ =	shalt  }
0x82: {  	_ =	shalt  }
0x83: {  	_ =	shalt  }
0x84: {  	_ =	shalt  }
0x85: {  	_ =	shalt  }
0x86: {  	_ =	shalt  }
0x87: {  	_ =	shalt  }
.Lfunc_end0:
.L_simem_size_0:
called_computation.1_lowered:
.L_overlay_start_0:
0x88: {  	s2 =	sld [smem:$0x3FD9]  }
0x89: {  	s3 =	sld [smem:$0x3FFE];
	_ =	sdelay $0x1  }
0x8a: {  	s1 =	srdreg.scid  }
0x8b: {  	s0 =	sand.u32 $0x1, s1  }
0x8c: {  	s17 =	sshll.u32 s0, $0xA;
	s2 =	sadd.s32 s3, s2  }
0x8d: {  	s2 =	sadd.s32 s2, s17  }
0x8e: {  	[smem:$0x3FBE] =	sst s2  }
0x8f: {  	_ = 	snop  }
0x90: {  	(tm) =	ssettm $0x1  }
0x91: {  	s18 =	sld [smem:$0x3FFB];
	_ =	sdelay $0x3  }
0x92: {  	_ =	strace s18  }
0x93: {  	s2 =	sld [smem:$0x3FFC];
	_ =	sdelay $0x3  }
0x94: {  	_ =	strace s2  }
0x95: {  	s2 =	sld [smem:$0x3FFD];
	_ =	sdelay $0x3  }
0x96: {  	_ =	strace s2  }
0x97: {  	_ =	strace $0x8FFFFFFF  }
0x98: {  	s19 =	sld [smem:$0x3FDB];
	_ =	sdelay $0x1  }
0x99: {  	s20 =	simm.s32 $_scs_section_size  }
0x9a: {  	s4 =	simm.s32 $_size__tile_overlayer_lowered;
	s5 =	simm.s32 $_tile_overlayer_lowered  }
0x9b: {  	s6 =	simm.s32 $0x1BFF;
	s21 =	sshll.u32 s5, $0x1;
	s3 =	sadd.s32 s20, s19  }
0x9c: {  	s22 =	simm.s32 $0x0;
	s4 =	sshll.u32 s4, $0x1;
	s5 =	sadd.s32 s21, s3  }
0x9d: {  	[timem:s22], [sflag:s6] =	dma.local [hbm:s5], s4  }
0x9e: {  	_ =	swait.ge [sflag:s6], s4  }
0x9f: {  	s4 =	ssub.s32 $0x0, s4;
	[sflag:s6] =	ssyncset.done $0x0  }
0xa0: {  	[sflag:s6] =	ssyncadd.s32 s4;
	_ =	sdelay $0x1  }
0xa1: {  	s23 =	simm.s32 $0x1B8B  }
0xa2: {  	_ =	swait.ge [sflag:s23], $0x1  }
0xa3: {  	[sflag:s23] =	ssyncset.done $0x0  }
0xa4: {  	[sflag:s23] =	ssyncadd.s32 $0xFFFFFFFF  }
0xa5: {  	s4 =	sld [smem:$0x0]  }
0xa6: {  	s5 =	sand.u32 $0xFFFFFFFE, s1  }
0xa7: {  	p0 =	sne.s32 s1, s5  }
0xa8: {  	s5 =	sshll.u32 @p0 s5, $0xE  }
0xa9: {  	s5 =	sadd.s32 @p0 $0x11B8D, s5;
	s6 =	sshll.u32 @p0 s4, $0x11  }
0xaa: {  	s5 =	sor.u32 @p0 s6, s5  }
0xab: {  	[sflag:s5] =	ssyncadd.remote.s32 @p0 $0x1;
	_ =	sdelay $0x1  }
0xac: {  	s5 =	simm.s32 @p0 $0x1B8D  }
0xad: {  	_ =	swait.eq @p0 [sflag:s5], $0x1  }
0xae: {  	[sflag:s5] =	ssyncadd.s32 @p0 $0xFFFFFFFF  }
0xaf: {  	s6 =	sshll.u32 @!p0 s1, $0xE  }
0xb0: {  	s6 =	sor.u32 @!p0 $0x4000, s6;
	s5 =	simm.s32 @!p0 $0x1B8D  }
0xb1: {  	s4 =	sshll.u32 @!p0 s4, $0x11;
	s6 =	sadd.s32 @!p0 $0x11B8D, s6;
	_ =	swait.eq @!p0 [sflag:s5], $0x1  }
0xb2: {  	s4 =	sor.u32 @!p0 s4, s6;
	[sflag:s5] =	ssyncadd.s32 @!p0 $0xFFFFFFFF  }
0xb3: {  	s25 =	simm.s32 $0x1B8E;
	s24 =	sld [smem:$0x3FFE];
	[sflag:s4] =	ssyncadd.remote.s32 @!p0 $0x1  }
0xb4: {  	s26 =	simm.s32 $execute0_lowered;
	[smem:$0x3FD2] =	sst s25  }
0xb5: {  	s5 =	sshll.u32 s26, $0x1;
	_ =	strace $0x80000049;
	[dreg:$0x1] =	wrdreg $0xFFFFFFFF  }
0xb6: {  	s28 =	simm.s32 $_size_execute0_lowered;
	s3 =	sadd.s32 s3, s5;
	[dreg:$0x0] =	wrdreg $0x0  }
0xb7: {  	s5 =	sshll.u32 s28, $0x1;
	[dreg:$0x2] =	wrdreg s3  }
0xb8: {  	[dreg:$0x3] =	wrdreg s5  }
0xb9: {  	[dreg:$0x4] =	wrdreg $0xC0  }
0xba: {  	_ =	task [dreg:s22], $0x5FFFF  }
0xbb: {  	[dreg:$0x1] =	wrdreg $0xFFFFFFFF  }
0xbc: {  	[dreg:$0x0] =	wrdreg $0x60  }
0xbd: {  	[dreg:$0x2] =	wrdreg s24  }
0xbe: {  	[dreg:$0x3] =	wrdreg $0x9  }
0xbf: {  	_ =	task.clear_ibuf [dreg:s22], $0x4FFFF;
	_ =	strace $0x90000049  }
0xc0: {  	s29 =	simm.s32 $0x9;
	_ =	strace $0x8000004B  }
0xc1: {  	_ =	swait.ge [sflag:s29], $0x1  }
0xc2: {  	[sflag:s29] =	ssyncadd.s32 $0xFFFFFFFF  }
0xc3: {  	_ =	strace $0x9000004B  }
0xc4: {  	_ =	sfence  }
0xc5: {  	s30 =	sld [smem:$0x0];
	_ =	sdelay $0x2  }
0xc6: {  	s31 =	sshll.u32 s1, $0xD;
	s1 =	sshrl.u32 s1, $0x2  }
0xc7: {  	s4 =	sand.u32 $0x4000, s31;
	s1 =	sadd.s32 s1, s30  }
0xc8: {  	s0 =	sor.u32 s4, s0;
	s1 =	sshll.u32 s1, $0x11  }
0xc9: {  	s0 =	sor.u32 s1, s0  }
0xca: {  	s0 =	sadd.s32 $0x8F2B, s0  }
0xcb: {  	[sflag:s0] =	ssyncadd.remote.s32 $0x1  }
0xcc: {  	_ =	sfence.sel $0xFFFF  }
0xcd: {  	[dreg:$0x0] =	wrdreg $0xFFFFFFFF;
	(pc) =	sbr.abs _section_cstart, $3  }
0xce: {  	[dreg:$0x1] =	wrdreg $0xFFFFFFFF  }
0xcf: {  	_ =	task.clear_ibuf [dreg:s22], $0x2FFFF;
	_ =	strace $0x9FFFFFFF  }
0xd0: {  	(tm) =	ssettm $0x7FFFFFFF  }
0xd1: {  	_ =	shalt  }
tec
execute0_lowered:
.L_overlay_start_1:
0x0: {  	(tag) =	ssettag $0x1  }
0x1: {  	s8 =	rddreg [dreg:$0x0];
	s1 =	stileid.u32  }
0x2: {  	s2 =	srdreg.scid;
	s0 =	rddreg [dreg:$0x1]  }
0x3: {  	_ =	strace $0x8000004A;
	s5 =	simm.s32 $0x1;
	s9 =	simm.s32 $0x1  }
0x4: {  	s10 =	simm.s32 $0x3;
	s2 =	sand.u32 $0x1, s2;
	s3 =	sshll.u32 s1, $0x1  }
0x5: {  	s13 =	simm.s32 $0x0;
	s12 =	simm.s32 $0x0;
	s6 =	sor.u32 s3, s2  }
0x6: {  	[sflag:s5] =	ssyncpa.u1 $0x0;
	s2 =	sadd.s32 $0xAE00, s8;
	s4 =	smul.u32 $0x2300, s6  }
0x7: {  	s3 =	sadd.s32 $0x1EE00, s8;
	p0 =	slt.u32 s6, $0x5;
	s6 =	simm.s32 $0x46000  }
.Ltmp0:
0x8: {  	s6 =	simm.s32 @!p0 $0x0;
	s7 =	ssub.s32 $0x4EC00, s4;
	(pc) =	sbr.rel .LBB2_1-.Ltmp0, $4  }
0x9: {  	s9 =	simm.s32 @!p0 $0x0;
	p0 =	sne.s32 s7, s6;
	s7 =	simm.s32 $0x1  }
0xa: {  	s8 =	sadd.s32 $0xAAA00, s8;
	s6 =	simm.s32 $0x2;
	s7 =	simm.s32 @!p0 $0x0  }
0xb: {  	s11 =	smov.u32 s4;
	[sflag:s6] =	ssyncpa.u1 $0x0;
	s7 =	sadd.s32 s9, s7  }
0xc: {  	vm0 =	vmmov $0xffff;
	[sflag:s10] =	ssyncpa.u1 $0x0;
	s10 =	simm.s32 $0x0;
	s9 =	sadd.s32 $0x1, s7  }
.LBB2_4:
0xd: {  	v2 =	vnsel vm1, $0x0, v2  }
0xe: {  	vm1 =	vgt.s32 v0, $0x0;
	v2 =	vmin.u32 v2, $0x4E1FF  }
0xf: {  	v0 =	vnsel vm1, $0x0, v0  }
0x10: {  	v0 =	vmin.u32 v0, $0x4E1FF  }
0x11: {  	[tilespmem:s18], [sflag:$0x1] =	stream.indirect_vreg.gather [hbm4b:s2+s10], $0x1, v1, vm0, $0x4038;
	[tilespmem:$0x8C00] =	vst v63  }
0x12: {  	(ifvalue) =	ssetifvalue $0x7FFFFFFF  }
0x13: {  	[tilespmem:s15], [sflag:$0x1] =	stream.indirect_vreg.gather [hbm4b:s2+s10], $0x1, v2, vm0, $0x4038;
	[tilespmem:$0x8C00] =	vst v63  }
0x14: {  	s29 =	sadd.s32 $0x10, s15;
	(ifvalue) =	ssetifvalue $0x7FFFFFFF  }
0x15: {  	[tilespmem:s29], [sflag:$0x1] =	stream.indirect_vreg.gather [hbm4b:s2+s10], $0x1, v0, vm0, $0x4038;
	[tilespmem:$0x8C00] =	vst v63  }
0x16: {  	_ =	swait.ge [sflag:s5], $0x2300  }
0x17: {  	s30 =	sshrl.u32 s13, $0x3;
	[sflag:s5] =	ssyncset.done $0x0  }
0x18: {  	s31 =	sand.u32 $0x7, s13;
	s15 =	sadd.s32 s8, s30;
	[sflag:s5] =	ssyncadd.s32 $0xFFFFDD00  }
0x19: {  	[hbm4b:s15+s31] =	stream.linear.scatter [tilespmem:s14], [sflag:$0x3], $0x2300, $0x38;
	[tilespmem:$0x8C00] =	vst v63  }
.LBB2_5:
0x1a: {  	s15 =	sadd.s32 $0x46000, s11  }
0x1b: {  	p1 =	sgt.s32 s15, $0x4EBFF  }
0x1c: {  	s15 =	smov.u32 @p1 s4;
	p1 =	sne.s32 s12, s9  }
.Ltmp1:
0x1d: {  	p0 =	slt.u32 s12, $0x2;
	(pc) =	sbr.rel @!p1 .LBB2_6-.Ltmp1, $4  }
0x1e: {  	s14 =	simm.s32 @!p0 $0x3  }
0x1f: {  	_ =	swait.ge @!p0 [sflag:s14], $0x2300  }
0x20: {  	s16 =	sadd.s32 $0x1, s12;
	s13 =	smov.u32 s11;
	[sflag:s14] =	ssyncset.done @!p0 $0x0  }
0x21: {  	s12 =	smov.u32 s16;
	s11 =	smov.u32 s15;
	[sflag:s14] =	ssyncadd.s32 @!p0 $0xFFFFDD00  }
.LBB2_1:
0x22: {  	p0 =	sge.u32 s12, s7  }
0x23: {  	s14 =	sxor.u32 @!p0 $0x1, s12  }
0x24: {  	s14 =	smul.u32 @!p0 $0x8C00, s14  }
0x25: {  	s31 =	sadd.s32 $0xFFFFFFFF, s12;
	s15 =	sshrl.u32 @!p0 s11, $0x3  }
0x26: {  	s16 =	sand.u32 @!p0 $0x7, s11;
	s15 =	sadd.s32 @!p0 s3, s15;
	s14 =	sshra.s32 @!p0 s14, $0x2  }
0x27: {  	[tilespmem:s14], [sflag:$0x2] =	stream.linear.gather @!p0 [hbm4b:s15+s16], $0x2300, $0x38;
	[tilespmem:$0x8C00] =	vst v63  }
0x28: {  	p0 =	sge.u32 s31, s7  }
.Ltmp2:
0x29: {  	_ = 	snop;
	(pc) =	sbr.rel @p0 .LBB2_5-.Ltmp2, $1  }
0x2a: {  	_ =	sdelay $0x3  }
0x2b: {  	s14 =	sand.u32 $0x1, s12  }
0x2c: {  	_ =	swait.ge [sflag:s6], $0x2300;
	p0 =	seq.s32 s14, $0x1;
	s14 =	simm.s32 $0x2300  }
0x2d: {  	[sflag:s6] =	ssyncset.done $0x0;
	s14 =	simm.s32 @!p0 $0x0  }
0x2e: {  	[sflag:s6] =	ssyncadd.s32 $0xFFFFDD00;
	(ifvalue) =	ssetifvalue $0x7FFFFFFF;
	v0 =	vld.msk [tilespmem:s14+$0x0 ss:$0x1], $0xffff;
	_ =	sdelay $0x4  }
0x2f: {  	s15 =	sadd.s32 $0x10, s14;
	vm1 =	vgt.s32 v0, $0x0  }
0x30: {  	v2 =	vld.msk [tilespmem:s15+$0x0 ss:$0x1], $0xffff;
	v1 =	vnsel vm1, $0x0, v0  }
0x31: {  	v1 =	vmin.u32 v1, $0x4E1FF;
	_ =	sdelay $0x2  }
0x32: {  	s17 =	simm.s32 $0x20;
	s14 =	sadd.s32 $0x4600, s14;
	s16 =	sadd.s32 $0x10, s15  }
0x33: {  	s15 =	sadd.s32 $0x10, s14;
	s18 =	smov.u32 s14;
	v0 =	vld.msk [tilespmem:s16+$0x0 ss:$0x1], $0xffff;
	vm1 =	vgt.s32 v2, $0x0;
	(ifvalue) =	ssetifvalue $0x7FFFFFFF  }
.LBB2_3:
0x34: {  	[tilespmem:s18], [sflag:$0x1] =	stream.indirect_vreg.gather [hbm4b:s2+s10], $0x1, v1, vm0, $0x4038;
	[tilespmem:$0x8C00] =	vst v63  }
0x35: {  	s17 =	sadd.s32 $0x10, s17  }
0x36: {  	v2 =	vnsel vm1, $0x0, v2;
	p0 =	slt.u32 s17, $0x22F0  }
.Ltmp3:
0x37: {  	s18 =	smov.u32 s15;
	v1 =	vmin.u32 v2, $0x4E1FF;
	(pc) =	sbr.rel @p0 .LBB2_3-.Ltmp3, $3  }
0x38: {  	_ =	sdelay $0x1  }
0x39: {  	s16 =	sadd.s32 $0x10, s16  }
0x3a: {  	vm1 =	vgt.s32 v0, $0x0;
	s15 =	sadd.s32 $0x10, s15;
	v2 =	vmov v0;
	(ifvalue) =	ssetifvalue $0x7FFFFFFF;
	v0 =	vld.msk [tilespmem:s16+$0x0 ss:$0x1], $0xffff  }
.Ltmp4:
0x3b: {  	_ = 	snop;
	(pc) =	sbr.rel .LBB2_4-.Ltmp4, $1  }
0x3c: {  	_ =	sdelay $0x3  }
.LBB2_6:
0x3d: {  	_ =	sfence.sel $0x180000  }
0x3e: {  	s2 =	simm.s32 $0x2;
	[bflag:$0x0] =	sbarrier.arrive $0xFFFF  }
0x3f: {  	s30 =	simm.s32 $0x3;
	[sflag:s2] =	ssyncpa.u1 $0x1  }
0x40: {  	s31 =	simm.s32 $0x1;
	[sflag:s30] =	ssyncpa.u1 $0x1  }
0x41: {  	[sflag:s31] =	ssyncpa.u1 $0x1  }
0x42: {  	p0 =	sne.s32 s1, $0x0;
	_ =	strace $0x9000004A  }
0x43: {  	s0 =	sadd.s32 @!p0 $0x100000, s0;
	[bflag:$0x2] =	sbarrier.arrive $0xFFFF  }
0x44: {  	[sflag:s0] =	ssyncadd.tile.s32 @!p0 $0x1;
	_ =	shalt  }
.Lfunc_end2:
_tile_overlayer_lowered:
.L_overlay_start_2:
0x45: {  	(tag) =	ssettag $0x2  }
0x46: {  	s0 =	rddreg [dreg:$0x0];
	s2 =	stileid.u32  }
0x47: {  	s1 =	rddreg [dreg:$0x1];
	p0 =	sne.s32 s2, $0x0  }
0x48: {  	s3 =	rddreg [dreg:$0x2];
	[bflag:$0x3] =	sbarrier.arrive $0xFFFF;
	s2 =	simm.s32 @!p0 $0x1C01  }
0x49: {  	[timem:s3], [sflag:s2] =	dma.local @!p0 [hbm:s0], s1  }
0x4a: {  	s0 =	simm.s32 @!p0 $0x1  }
0x4b: {  	_ =	swait.ge @!p0 [sflag:s0], s1  }
0x4c: {  	s1 =	ssub.s32 @!p0 $0x0, s1;
	[sflag:s0] =	ssyncset.done @!p0 $0x0  }
0x4d: {  	[sflag:s0] =	ssyncadd.s32 @!p0 s1  }
0x4e: {  	[bflag:$0x3] =	sbarrier.arrive $0xFFFF  }
0x4f: {  	_ =	shalt  }

// kernel: gather_offload_async_start.2
scs
__scs_entry_jumppad:
0x0: {  	(pc) =	sbr.rel $0x88, $3  }
0x1: {  	(tag) =	ssettag $0x0;
	lr =	simm.s32 $0x1  }
0x2: {  	[smem:$0x3F97] =	sst lr;
	_ =	strace $0xD0000000  }
0x3: {  	_ = 	snop  }
0x4: {  	_ = 	snop  }
0x5: {  	_ = 	snop  }
0x6: {  	_ = 	snop  }
0x7: {  	_ = 	snop  }
__scs_overlays_trampoline_lowered:
0x8: {  	[smem:$0x3FA6] =	sst s0  }
0x9: {  	[smem:$0x3FA7] =	sst s1  }
0xa: {  	[smem:$0x3FA8] =	sst s2  }
0xb: {  	[smem:$0x3FA9] =	sst s3  }
0xc: {  	[smem:$0x3FAA] =	sst s4  }
0xd: {  	[smem:$0x3FAB] =	sst s5  }
0xe: {  	[smem:$0x3FAC] =	sst s6  }
0xf: {  	[smem:$0x3FAD] =	sst s7  }
0x10: {  	[smem:$0x3FAE] =	sst s8  }
0x11: {  	[smem:$0x3FAF] =	sst s9;
	s0 =	simm.s32 @!p0 $0x0  }
0x12: {  	s1 =	sld [smem:$0x3F95];
	s0 =	simm.s32 @p0 $0x1  }
0x13: {  	[smem:$0x3FB0] =	sst s0;
	s0 =	simm.s32 @!p1 $0x0  }
0x14: {  	s2 =	sld [smem:$0x3F94];
	s0 =	simm.s32 @p1 $0x1  }
0x15: {  	[smem:$0x3FB1] =	sst s0;
	s0 =	simm.s32 @!p2 $0x0  }
0x16: {  	s3 =	sld [smem:$0x3FDB];
	s0 =	simm.s32 @p2 $0x1  }
0x17: {  	s4 =	simm.s32 $0x1BF5;
	[smem:$0x3FB3] =	sst s0  }
0x18: {  	s0 =	sld [smem:$0x3F96];
	_ =	swait.ge [sflag:s4], $0x0  }
0x19: {  	s7 =	sld [smem:$0x3F97]  }
0x1a: {  	s8 =	sadd.s32 $0xFFFFE003, lr  }
0x1b: {  	s9 =	sadd.s32 $0xFFFFFEF7, lr;
	s5 =	simm.s32 $0xFFFFFFFF;
	p2 =	slt.u32 s8, $0xFFFFF086  }
0x1c: {  	p1 =	slt.u32 s9, $0xF7A;
	s5 =	simm.s32 @!p2 $0x0  }
0x1d: {  	s5 =	simm.s32 @p1 $0x1;
	p0 =	seq.s32 s7, s2  }
0x1e: {  	s7 =	smul.u32 @!p0 $0xF7A, s2;
	p2 =	seq.s32 @!p0 s5, $0x0  }
0x1f: {  	s9 =	smul.u32 $0xF7A, s1;
	s8 =	simm.s32 @!p0 $0x1BF5;
	p2 =	por !p2, p0  }
0x20: {  	[sflag:s8] =	ssyncset.s32 @!p0 $0xFFFFF086;
	s6 =	sadd.s32 @!p0 s3, s7;
	s7 =	simm.s32 @!p0 $0x108  }
0x21: {  	s3 =	sadd.s32 s3, s9;
	s6 =	sadd.s32 @!p0 $0x88, s6;
	s7 =	simm.s32 @p2 $0x1082  }
0x22: {  	[simem:s7], [sflag:s8] =	dma.local @!p0 [hbm:s6], $0xF7A  }
0x23: {  	s9 =	sor.u32 $0xD0000000, s2;
	s6 =	simm.s32 $0x108;
	_ =	swait.ge @!p0 [sflag:s8], $0x0  }
0x24: {  	s3 =	sadd.s32 $0x88, s3;
	s6 =	simm.s32 @!p1 $0x1082;
	[sflag:s4] =	ssyncset.s32 $0xFFFFF086  }
0x25: {  	[simem:s6], [sflag:s4] =	dma.local [hbm:s3], $0xF7A  }
0x26: {  	[smem:$0x3F97] =	sst s1;
	(tag) =	ssettag s2;
	_ =	strace s9  }
0x27: {  	s1 =	sld [smem:$0x3FA7]  }
0x28: {  	s2 =	sld [smem:$0x3FA8]  }
0x29: {  	s4 =	sld [smem:$0x3FAA]  }
0x2a: {  	p0 =	seq.s32 s5, $0x0;
	s5 =	sld [smem:$0x3FAB]  }
0x2b: {  	s6 =	sld [smem:$0x3FAC]  }
0x2c: {  	s7 =	sld [smem:$0x3FAD]  }
0x2d: {  	s3 =	simm.s32 $0x108;
	s8 =	sld [smem:$0x3FAE]  }
0x2e: {  	s3 =	simm.s32 @!p0 $0x1082;
	s9 =	sld [smem:$0x3FAF]  }
0x2f: {  	lr =	sadd.s32 s0, s3;
	s0 =	sld [smem:$0x3FA6]  }
0x30: {  	s3 =	sld [smem:$0x3FA9]  }
0x31: {  	[smem:$0x3FB2] =	sst s10  }
0x32: {  	s10 =	sld [smem:$0x3FB0];
	_ =	sdelay $0x3  }
0x33: {  	p0 =	seq.s32 s10, $0x1;
	s10 =	sld [smem:$0x3FB2];
	_ =	sdelay $0x3  }
0x34: {  	[smem:$0x3FB2] =	sst s10  }
0x35: {  	s10 =	sld [smem:$0x3FB1];
	_ =	sdelay $0x3  }
0x36: {  	p1 =	seq.s32 s10, $0x1;
	s10 =	sld [smem:$0x3FB2];
	_ =	sdelay $0x3  }
0x37: {  	[smem:$0x3FB2] =	sst s10  }
0x38: {  	s10 =	sld [smem:$0x3FB3]  }
0x39: {  	_ = 	snop;
	(pc) =	sbr.ind lr, $3  }
0x3a: {  	_ = 	snop  }
0x3b: {  	_ = 	snop  }
0x3c: {  	p2 =	seq.s32 s10, $0x1;
	s10 =	sld [smem:$0x3FB2]  }
0x3d: {  	_ =	shalt  }
0x3e: {  	_ =	shalt  }
0x3f: {  	_ =	shalt  }
0x40: {  	_ =	shalt  }
0x41: {  	_ =	shalt  }
0x42: {  	_ =	shalt  }
0x43: {  	_ =	shalt  }
0x44: {  	_ =	shalt  }
0x45: {  	_ =	shalt  }
0x46: {  	_ =	shalt  }
0x47: {  	_ =	shalt  }
0x48: {  	_ =	shalt  }
0x49: {  	_ =	shalt  }
0x4a: {  	_ =	shalt  }
0x4b: {  	_ =	shalt  }
0x4c: {  	_ =	shalt  }
0x4d: {  	_ =	shalt  }
0x4e: {  	_ =	shalt  }
0x4f: {  	_ =	shalt  }
0x50: {  	_ =	shalt  }
0x51: {  	_ =	shalt  }
0x52: {  	_ =	shalt  }
0x53: {  	_ =	shalt  }
0x54: {  	_ =	shalt  }
0x55: {  	_ =	shalt  }
0x56: {  	_ =	shalt  }
0x57: {  	_ =	shalt  }
0x58: {  	_ =	shalt  }
0x59: {  	_ =	shalt  }
0x5a: {  	_ =	shalt  }
0x5b: {  	_ =	shalt  }
0x5c: {  	_ =	shalt  }
0x5d: {  	_ =	shalt  }
0x5e: {  	_ =	shalt  }
0x5f: {  	_ =	shalt  }
0x60: {  	_ =	shalt  }
0x61: {  	_ =	shalt  }
0x62: {  	_ =	shalt  }
0x63: {  	_ =	shalt  }
0x64: {  	_ =	shalt  }
0x65: {  	_ =	shalt  }
0x66: {  	_ =	shalt  }
0x67: {  	_ =	shalt  }
0x68: {  	_ =	shalt  }
0x69: {  	_ =	shalt  }
0x6a: {  	_ =	shalt  }
0x6b: {  	_ =	shalt  }
0x6c: {  	_ =	shalt  }
0x6d: {  	_ =	shalt  }
0x6e: {  	_ =	shalt  }
0x6f: {  	_ =	shalt  }
0x70: {  	_ =	shalt  }
0x71: {  	_ =	shalt  }
0x72: {  	_ =	shalt  }
0x73: {  	_ =	shalt  }
0x74: {  	_ =	shalt  }
0x75: {  	_ =	shalt  }
0x76: {  	_ =	shalt  }
0x77: {  	_ =	shalt  }
0x78: {  	_ =	shalt  }
0x79: {  	_ =	shalt  }
0x7a: {  	_ =	shalt  }
0x7b: {  	_ =	shalt  }
0x7c: {  	_ =	shalt  }
0x7d: {  	_ =	shalt  }
0x7e: {  	_ =	shalt  }
0x7f: {  	_ =	shalt  }
0x80: {  	_ =	shalt  }
0x81: {  	_ =	shalt  }
0x82: {  	_ =	shalt  }
0x83: {  	_ =	shalt  }
0x84: {  	_ =	shalt  }
0x85: {  	_ =	shalt  }
0x86: {  	_ =	shalt  }
0x87: {  	_ =	shalt  }
.Lfunc_end0:
.L_simem_size_0:
called_computation.2_lowered:
.L_overlay_start_0:
0x88: {  	s2 =	sld [smem:$0x3FD9]  }
0x89: {  	s3 =	sld [smem:$0x3FFE];
	_ =	sdelay $0x1  }
0x8a: {  	s1 =	srdreg.scid  }
0x8b: {  	s0 =	sand.u32 $0x1, s1  }
0x8c: {  	s14 =	sshll.u32 s0, $0xA;
	s2 =	sadd.s32 s3, s2  }
0x8d: {  	s2 =	sadd.s32 s2, s14  }
0x8e: {  	[smem:$0x3FBE] =	sst s2  }
0x8f: {  	_ = 	snop  }
0x90: {  	s2 =	sld [smem:$0x3FD0];
	_ =	sdelay $0x2  }
0x91: {  	s15 =	simm.s32 $0xB;
	s4 =	simm.s32 $0x10  }
0x92: {  	[smem:s4], [sflag:s15] =	dma.local [hbm:s2], $0x1  }
0x93: {  	_ =	swait.eq [sflag:s15], $0x1  }
0x94: {  	[sflag:s15] =	ssyncset.done $0x0  }
0x95: {  	[sflag:s15] =	ssyncadd.s32 $0xFFFFFFFF  }
0x96: {  	s16 =	sld [smem:$0x10];
	(tm) =	ssettm $0x1  }
0x97: {  	s17 =	sld [smem:$0x3FFB];
	_ =	sdelay $0x3  }
0x98: {  	_ =	strace s17  }
0x99: {  	s3 =	sld [smem:$0x3FFC];
	_ =	sdelay $0x3  }
0x9a: {  	_ =	strace s3  }
0x9b: {  	s3 =	sld [smem:$0x3FFD];
	_ =	sdelay $0x3  }
0x9c: {  	_ =	strace s3  }
0x9d: {  	_ =	strace $0x8FFFFFFF  }
0x9e: {  	s18 =	sld [smem:$0x3FDB];
	_ =	sdelay $0x1  }
0x9f: {  	s19 =	simm.s32 $_scs_section_size  }
0xa0: {  	s5 =	simm.s32 $_size__tile_overlayer_lowered;
	s6 =	simm.s32 $_tile_overlayer_lowered  }
0xa1: {  	s22 =	simm.s32 $0x1BFF;
	s21 =	sshll.u32 s6, $0x1;
	s3 =	sadd.s32 s19, s18  }
0xa2: {  	s7 =	simm.s32 $0x0;
	s20 =	sshll.u32 s5, $0x1;
	s5 =	sadd.s32 s21, s3  }
0xa3: {  	[timem:s7], [sflag:s22] =	dma.local [hbm:s5], s20  }
0xa4: {  	_ =	swait.ge [sflag:s22], s20  }
0xa5: {  	s4 =	ssub.s32 $0x0, s20;
	[sflag:s22] =	ssyncset.done $0x0  }
0xa6: {  	[sflag:s22] =	ssyncadd.s32 s4;
	_ =	sdelay $0x1  }
0xa7: {  	s23 =	simm.s32 $0x1B8B  }
0xa8: {  	_ =	swait.ge [sflag:s23], $0x1  }
0xa9: {  	[sflag:s23] =	ssyncset.done $0x0  }
0xaa: {  	s25 =	simm.s32 $0x1B8E;
	s24 =	sld [smem:$0x3FFE];
	[sflag:s23] =	ssyncadd.s32 $0xFFFFFFFF  }
0xab: {  	s26 =	simm.s32 $execute0_lowered;
	[smem:$0x3FD2] =	sst s25  }
0xac: {  	s5 =	sshll.u32 s26, $0x1;
	_ =	strace $0x80000046;
	[dreg:$0x1] =	wrdreg $0xFFFFFFFF  }
0xad: {  	s28 =	simm.s32 $_size_execute0_lowered;
	s3 =	sadd.s32 s3, s5;
	[dreg:$0x0] =	wrdreg $0x0  }
0xae: {  	s5 =	sshll.u32 s28, $0x1;
	[dreg:$0x2] =	wrdreg s3  }
0xaf: {  	[dreg:$0x3] =	wrdreg s5  }
0xb0: {  	[dreg:$0x4] =	wrdreg $0xC0  }
0xb1: {  	_ =	task [dreg:s7], $0x5FFFF  }
0xb2: {  	[dreg:$0x1] =	wrdreg $0xFFFFFFFF  }
0xb3: {  	[dreg:$0x0] =	wrdreg $0x60  }
0xb4: {  	[dreg:$0x2] =	wrdreg s24  }
0xb5: {  	[dreg:$0x3] =	wrdreg s16  }
0xb6: {  	[dreg:$0x4] =	wrdreg $0xA  }
0xb7: {  	_ =	task.clear_ibuf [dreg:s7], $0x5FFFF;
	_ =	strace $0x90000046  }
0xb8: {  	s29 =	simm.s32 $0xA;
	_ =	strace $0x80000048  }
0xb9: {  	_ =	swait.ge [sflag:s29], $0x1  }
0xba: {  	[sflag:s29] =	ssyncadd.s32 $0xFFFFFFFF  }
0xbb: {  	_ =	strace $0x90000048  }
0xbc: {  	_ =	sfence  }
0xbd: {  	s30 =	sld [smem:$0x0];
	_ =	sdelay $0x2  }
0xbe: {  	s31 =	sshll.u32 s1, $0xD;
	s1 =	sshrl.u32 s1, $0x2  }
0xbf: {  	s3 =	sand.u32 $0x4000, s31;
	s1 =	sadd.s32 s1, s30  }
0xc0: {  	s0 =	sor.u32 s3, s0;
	s1 =	sshll.u32 s1, $0x11  }
0xc1: {  	s0 =	sor.u32 s1, s0  }
0xc2: {  	s0 =	sadd.s32 $0x8F2B, s0  }
0xc3: {  	[sflag:s0] =	ssyncadd.remote.s32 $0x1  }
0xc4: {  	_ =	sfence.sel $0xFFFF  }
0xc5: {  	[dreg:$0x0] =	wrdreg $0xFFFFFFFF;
	(pc) =	sbr.abs _section_cstart, $3  }
0xc6: {  	[dreg:$0x1] =	wrdreg $0xFFFFFFFF  }
0xc7: {  	_ =	task.clear_ibuf [dreg:s7], $0x2FFFF;
	_ =	strace $0x9FFFFFFF  }
0xc8: {  	(tm) =	ssettm $0x7FFFFFFF  }
0xc9: {  	_ =	shalt  }
tec
execute0_lowered:
.L_overlay_start_1:
0x0: {  	(tag) =	ssettag $0x1  }
0x1: {  	s8 =	rddreg [dreg:$0x0];
	s0 =	stileid.u32  }
0x2: {  	s1 =	srdreg.scid;
	s2 =	rddreg [dreg:$0x1]  }
0x3: {  	s5 =	simm.s32 $0x1;
	s9 =	simm.s32 $0x1;
	s10 =	simm.s32 $0x3  }
0x4: {  	s13 =	simm.s32 $0x0;
	s3 =	sand.u32 $0x1, s1;
	s4 =	sshll.u32 s0, $0x1  }
0x5: {  	s12 =	simm.s32 $0x0;
	s1 =	rddreg [dreg:$0x2];
	s6 =	sor.u32 s4, s3  }
0x6: {  	_ =	strace $0x80000047;
	s3 =	sadd.s32 $0x1000, s8;
	s4 =	smul.u32 $0x2300, s6  }
0x7: {  	[sflag:s5] =	ssyncpa.u1 $0x0;
	p0 =	slt.u32 s6, $0x5;
	s6 =	simm.s32 $0x46000  }
.Ltmp0:
0x8: {  	s6 =	simm.s32 @!p0 $0x0;
	s7 =	ssub.s32 $0x4EC00, s4;
	(pc) =	sbr.rel .LBB2_1-.Ltmp0, $4  }
0x9: {  	s9 =	simm.s32 @!p0 $0x0;
	p0 =	sne.s32 s7, s6;
	s7 =	simm.s32 $0x1  }
0xa: {  	s8 =	sadd.s32 $0x1EE00, s8;
	s6 =	simm.s32 $0x2;
	s7 =	simm.s32 @!p0 $0x0  }
0xb: {  	s11 =	smov.u32 s4;
	[sflag:s6] =	ssyncpa.u1 $0x0;
	s7 =	sadd.s32 s9, s7  }
0xc: {  	vm0 =	vmmov $0xffff;
	[sflag:s10] =	ssyncpa.u1 $0x0;
	s10 =	simm.s32 $0x0;
	s9 =	sadd.s32 $0x1, s7  }
.LBB2_4:
0xd: {  	v2 =	vnsel vm1, $0x0, v2  }
0xe: {  	vm1 =	vgt.s32 v0, $0x0;
	v2 =	vmin.u32 v2, $0x4E1FF  }
0xf: {  	v0 =	vnsel vm1, $0x0, v0  }
0x10: {  	v0 =	vmin.u32 v0, $0x4E1FF  }
0x11: {  	[tilespmem:s18], [sflag:$0x1] =	stream.indirect_vreg.gather [hbm4b:s3+s10], $0x1, v1, vm0, $0x4038;
	[tilespmem:$0x8C00] =	vst v63  }
0x12: {  	(ifvalue) =	ssetifvalue $0x7FFFFFFF  }
0x13: {  	[tilespmem:s15], [sflag:$0x1] =	stream.indirect_vreg.gather [hbm4b:s3+s10], $0x1, v2, vm0, $0x4038;
	[tilespmem:$0x8C00] =	vst v63  }
0x14: {  	s29 =	sadd.s32 $0x10, s15;
	(ifvalue) =	ssetifvalue $0x7FFFFFFF  }
0x15: {  	[tilespmem:s29], [sflag:$0x1] =	stream.indirect_vreg.gather [hbm4b:s3+s10], $0x1, v0, vm0, $0x4038;
	[tilespmem:$0x8C00] =	vst v63  }
0x16: {  	_ =	swait.ge [sflag:s5], $0x2300  }
0x17: {  	s30 =	sshrl.u32 s13, $0x3;
	[sflag:s5] =	ssyncset.done $0x0  }
0x18: {  	s31 =	sand.u32 $0x7, s13;
	s15 =	sadd.s32 s2, s30;
	[sflag:s5] =	ssyncadd.s32 $0xFFFFDD00  }
0x19: {  	[hbm4b:s15+s31] =	stream.linear.scatter [tilespmem:s14], [sflag:$0x3], $0x2300, $0x38;
	[tilespmem:$0x8C00] =	vst v63  }
.LBB2_5:
0x1a: {  	s15 =	sadd.s32 $0x46000, s11  }
0x1b: {  	p1 =	sgt.s32 s15, $0x4EBFF  }
0x1c: {  	s15 =	smov.u32 @p1 s4;
	p1 =	sne.s32 s12, s9  }
.Ltmp1:
0x1d: {  	p0 =	slt.u32 s12, $0x2;
	(pc) =	sbr.rel @!p1 .LBB2_6-.Ltmp1, $4  }
0x1e: {  	s14 =	simm.s32 @!p0 $0x3  }
0x1f: {  	_ =	swait.ge @!p0 [sflag:s14], $0x2300  }
0x20: {  	s16 =	sadd.s32 $0x1, s12;
	s13 =	smov.u32 s11;
	[sflag:s14] =	ssyncset.done @!p0 $0x0  }
0x21: {  	s12 =	smov.u32 s16;
	s11 =	smov.u32 s15;
	[sflag:s14] =	ssyncadd.s32 @!p0 $0xFFFFDD00  }
.LBB2_1:
0x22: {  	p0 =	sge.u32 s12, s7  }
0x23: {  	s14 =	sxor.u32 @!p0 $0x1, s12  }
0x24: {  	s14 =	smul.u32 @!p0 $0x8C00, s14  }
0x25: {  	s31 =	sadd.s32 $0xFFFFFFFF, s12;
	s15 =	sshrl.u32 @!p0 s11, $0x3  }
0x26: {  	s16 =	sand.u32 @!p0 $0x7, s11;
	s15 =	sadd.s32 @!p0 s8, s15;
	s14 =	sshra.s32 @!p0 s14, $0x2  }
0x27: {  	[tilespmem:s14], [sflag:$0x2] =	stream.linear.gather @!p0 [hbm4b:s15+s16], $0x2300, $0x38;
	[tilespmem:$0x8C00] =	vst v63  }
0x28: {  	p0 =	sge.u32 s31, s7  }
.Ltmp2:
0x29: {  	_ = 	snop;
	(pc) =	sbr.rel @p0 .LBB2_5-.Ltmp2, $1  }
0x2a: {  	_ =	sdelay $0x3  }
0x2b: {  	s14 =	sand.u32 $0x1, s12  }
0x2c: {  	_ =	swait.ge [sflag:s6], $0x2300;
	p0 =	seq.s32 s14, $0x1;
	s14 =	simm.s32 $0x2300  }
0x2d: {  	[sflag:s6] =	ssyncset.done $0x0;
	s14 =	simm.s32 @!p0 $0x0  }
0x2e: {  	[sflag:s6] =	ssyncadd.s32 $0xFFFFDD00;
	(ifvalue) =	ssetifvalue $0x7FFFFFFF;
	v0 =	vld.msk [tilespmem:s14+$0x0 ss:$0x1], $0xffff;
	_ =	sdelay $0x4  }
0x2f: {  	s15 =	sadd.s32 $0x10, s14;
	vm1 =	vgt.s32 v0, $0x0  }
0x30: {  	v2 =	vld.msk [tilespmem:s15+$0x0 ss:$0x1], $0xffff;
	v1 =	vnsel vm1, $0x0, v0  }
0x31: {  	v1 =	vmin.u32 v1, $0x4E1FF;
	_ =	sdelay $0x2  }
0x32: {  	s17 =	simm.s32 $0x20;
	s14 =	sadd.s32 $0x4600, s14;
	s16 =	sadd.s32 $0x10, s15  }
0x33: {  	s15 =	sadd.s32 $0x10, s14;
	s18 =	smov.u32 s14;
	v0 =	vld.msk [tilespmem:s16+$0x0 ss:$0x1], $0xffff;
	vm1 =	vgt.s32 v2, $0x0;
	(ifvalue) =	ssetifvalue $0x7FFFFFFF  }
.LBB2_3:
0x34: {  	[tilespmem:s18], [sflag:$0x1] =	stream.indirect_vreg.gather [hbm4b:s3+s10], $0x1, v1, vm0, $0x4038;
	[tilespmem:$0x8C00] =	vst v63  }
0x35: {  	s17 =	sadd.s32 $0x10, s17  }
0x36: {  	v2 =	vnsel vm1, $0x0, v2;
	p0 =	slt.u32 s17, $0x22F0  }
.Ltmp3:
0x37: {  	s18 =	smov.u32 s15;
	v1 =	vmin.u32 v2, $0x4E1FF;
	(pc) =	sbr.rel @p0 .LBB2_3-.Ltmp3, $3  }
0x38: {  	_ =	sdelay $0x1  }
0x39: {  	s16 =	sadd.s32 $0x10, s16  }
0x3a: {  	vm1 =	vgt.s32 v0, $0x0;
	s15 =	sadd.s32 $0x10, s15;
	v2 =	vmov v0;
	(ifvalue) =	ssetifvalue $0x7FFFFFFF;
	v0 =	vld.msk [tilespmem:s16+$0x0 ss:$0x1], $0xffff  }
.Ltmp4:
0x3b: {  	_ = 	snop;
	(pc) =	sbr.rel .LBB2_4-.Ltmp4, $1  }
0x3c: {  	_ =	sdelay $0x3  }
.LBB2_6:
0x3d: {  	_ =	sfence.sel $0x180000  }
0x3e: {  	s2 =	simm.s32 $0x2;
	[bflag:$0x0] =	sbarrier.arrive $0xFFFF  }
0x3f: {  	s30 =	simm.s32 $0x3;
	[sflag:s2] =	ssyncpa.u1 $0x1  }
0x40: {  	s31 =	simm.s32 $0x1;
	[sflag:s30] =	ssyncpa.u1 $0x1  }
0x41: {  	[sflag:s31] =	ssyncpa.u1 $0x1  }
0x42: {  	p0 =	sne.s32 s0, $0x0;
	_ =	strace $0x90000047  }
0x43: {  	s0 =	sadd.s32 @!p0 $0x100000, s1;
	[bflag:$0x2] =	sbarrier.arrive $0xFFFF  }
0x44: {  	[sflag:s0] =	ssyncadd.tile.s32 @!p0 $0x1;
	_ =	shalt  }
.Lfunc_end2:
_tile_overlayer_lowered:
.L_overlay_start_2:
0x45: {  	(tag) =	ssettag $0x2  }
0x46: {  	s0 =	rddreg [dreg:$0x0];
	s2 =	stileid.u32  }
0x47: {  	s1 =	rddreg [dreg:$0x1];
	p0 =	sne.s32 s2, $0x0  }
0x48: {  	s3 =	rddreg [dreg:$0x2];
	[bflag:$0x3] =	sbarrier.arrive $0xFFFF;
	s2 =	simm.s32 @!p0 $0x1C01  }
0x49: {  	[timem:s3], [sflag:s2] =	dma.local @!p0 [hbm:s0], s1  }
0x4a: {  	s0 =	simm.s32 @!p0 $0x1  }
0x4b: {  	_ =	swait.ge @!p0 [sflag:s0], s1  }
0x4c: {  	s1 =	ssub.s32 @!p0 $0x0, s1;
	[sflag:s0] =	ssyncset.done @!p0 $0x0  }
0x4d: {  	[sflag:s0] =	ssyncadd.s32 @!p0 s1  }
0x4e: {  	[bflag:$0x3] =	sbarrier.arrive $0xFFFF  }
0x4f: {  	_ =	shalt  }

// kernel: gather_offload_async_start.3
scs
__scs_entry_jumppad:
0x0: {  	(pc) =	sbr.rel $0x88, $3  }
0x1: {  	(tag) =	ssettag $0x0;
	lr =	simm.s32 $0x1  }
0x2: {  	[smem:$0x3F97] =	sst lr;
	_ =	strace $0xD0000000  }
0x3: {  	_ = 	snop  }
0x4: {  	_ = 	snop  }
0x5: {  	_ = 	snop  }
0x6: {  	_ = 	snop  }
0x7: {  	_ = 	snop  }
__scs_overlays_trampoline_lowered:
0x8: {  	[smem:$0x3FA6] =	sst s0  }
0x9: {  	[smem:$0x3FA7] =	sst s1  }
0xa: {  	[smem:$0x3FA8] =	sst s2  }
0xb: {  	[smem:$0x3FA9] =	sst s3  }
0xc: {  	[smem:$0x3FAA] =	sst s4  }
0xd: {  	[smem:$0x3FAB] =	sst s5  }
0xe: {  	[smem:$0x3FAC] =	sst s6  }
0xf: {  	[smem:$0x3FAD] =	sst s7  }
0x10: {  	[smem:$0x3FAE] =	sst s8  }
0x11: {  	[smem:$0x3FAF] =	sst s9;
	s0 =	simm.s32 @!p0 $0x0  }
0x12: {  	s1 =	sld [smem:$0x3F95];
	s0 =	simm.s32 @p0 $0x1  }
0x13: {  	[smem:$0x3FB0] =	sst s0;
	s0 =	simm.s32 @!p1 $0x0  }
0x14: {  	s2 =	sld [smem:$0x3F94];
	s0 =	simm.s32 @p1 $0x1  }
0x15: {  	[smem:$0x3FB1] =	sst s0;
	s0 =	simm.s32 @!p2 $0x0  }
0x16: {  	s3 =	sld [smem:$0x3FDB];
	s0 =	simm.s32 @p2 $0x1  }
0x17: {  	s4 =	simm.s32 $0x1BF5;
	[smem:$0x3FB3] =	sst s0  }
0x18: {  	s0 =	sld [smem:$0x3F96];
	_ =	swait.ge [sflag:s4], $0x0  }
0x19: {  	s7 =	sld [smem:$0x3F97]  }
0x1a: {  	s8 =	sadd.s32 $0xFFFFE003, lr  }
0x1b: {  	s9 =	sadd.s32 $0xFFFFFEF7, lr;
	s5 =	simm.s32 $0xFFFFFFFF;
	p2 =	slt.u32 s8, $0xFFFFF086  }
0x1c: {  	p1 =	slt.u32 s9, $0xF7A;
	s5 =	simm.s32 @!p2 $0x0  }
0x1d: {  	s5 =	simm.s32 @p1 $0x1;
	p0 =	seq.s32 s7, s2  }
0x1e: {  	s7 =	smul.u32 @!p0 $0xF7A, s2;
	p2 =	seq.s32 @!p0 s5, $0x0  }
0x1f: {  	s9 =	smul.u32 $0xF7A, s1;
	s8 =	simm.s32 @!p0 $0x1BF5;
	p2 =	por !p2, p0  }
0x20: {  	[sflag:s8] =	ssyncset.s32 @!p0 $0xFFFFF086;
	s6 =	sadd.s32 @!p0 s3, s7;
	s7 =	simm.s32 @!p0 $0x108  }
0x21: {  	s3 =	sadd.s32 s3, s9;
	s6 =	sadd.s32 @!p0 $0x88, s6;
	s7 =	simm.s32 @p2 $0x1082  }
0x22: {  	[simem:s7], [sflag:s8] =	dma.local @!p0 [hbm:s6], $0xF7A  }
0x23: {  	s9 =	sor.u32 $0xD0000000, s2;
	s6 =	simm.s32 $0x108;
	_ =	swait.ge @!p0 [sflag:s8], $0x0  }
0x24: {  	s3 =	sadd.s32 $0x88, s3;
	s6 =	simm.s32 @!p1 $0x1082;
	[sflag:s4] =	ssyncset.s32 $0xFFFFF086  }
0x25: {  	[simem:s6], [sflag:s4] =	dma.local [hbm:s3], $0xF7A  }
0x26: {  	[smem:$0x3F97] =	sst s1;
	(tag) =	ssettag s2;
	_ =	strace s9  }
0x27: {  	s1 =	sld [smem:$0x3FA7]  }
0x28: {  	s2 =	sld [smem:$0x3FA8]  }
0x29: {  	s4 =	sld [smem:$0x3FAA]  }
0x2a: {  	p0 =	seq.s32 s5, $0x0;
	s5 =	sld [smem:$0x3FAB]  }
0x2b: {  	s6 =	sld [smem:$0x3FAC]  }
0x2c: {  	s7 =	sld [smem:$0x3FAD]  }
0x2d: {  	s3 =	simm.s32 $0x108;
	s8 =	sld [smem:$0x3FAE]  }
0x2e: {  	s3 =	simm.s32 @!p0 $0x1082;
	s9 =	sld [smem:$0x3FAF]  }
0x2f: {  	lr =	sadd.s32 s0, s3;
	s0 =	sld [smem:$0x3FA6]  }
0x30: {  	s3 =	sld [smem:$0x3FA9]  }
0x31: {  	[smem:$0x3FB2] =	sst s10  }
0x32: {  	s10 =	sld [smem:$0x3FB0];
	_ =	sdelay $0x3  }
0x33: {  	p0 =	seq.s32 s10, $0x1;
	s10 =	sld [smem:$0x3FB2];
	_ =	sdelay $0x3  }
0x34: {  	[smem:$0x3FB2] =	sst s10  }
0x35: {  	s10 =	sld [smem:$0x3FB1];
	_ =	sdelay $0x3  }
0x36: {  	p1 =	seq.s32 s10, $0x1;
	s10 =	sld [smem:$0x3FB2];
	_ =	sdelay $0x3  }
0x37: {  	[smem:$0x3FB2] =	sst s10  }
0x38: {  	s10 =	sld [smem:$0x3FB3]  }
0x39: {  	_ = 	snop;
	(pc) =	sbr.ind lr, $3  }
0x3a: {  	_ = 	snop  }
0x3b: {  	_ = 	snop  }
0x3c: {  	p2 =	seq.s32 s10, $0x1;
	s10 =	sld [smem:$0x3FB2]  }
0x3d: {  	_ =	shalt  }
0x3e: {  	_ =	shalt  }
0x3f: {  	_ =	shalt  }
0x40: {  	_ =	shalt  }
0x41: {  	_ =	shalt  }
0x42: {  	_ =	shalt  }
0x43: {  	_ =	shalt  }
0x44: {  	_ =	shalt  }
0x45: {  	_ =	shalt  }
0x46: {  	_ =	shalt  }
0x47: {  	_ =	shalt  }
0x48: {  	_ =	shalt  }
0x49: {  	_ =	shalt  }
0x4a: {  	_ =	shalt  }
0x4b: {  	_ =	shalt  }
0x4c: {  	_ =	shalt  }
0x4d: {  	_ =	shalt  }
0x4e: {  	_ =	shalt  }
0x4f: {  	_ =	shalt  }
0x50: {  	_ =	shalt  }
0x51: {  	_ =	shalt  }
0x52: {  	_ =	shalt  }
0x53: {  	_ =	shalt  }
0x54: {  	_ =	shalt  }
0x55: {  	_ =	shalt  }
0x56: {  	_ =	shalt  }
0x57: {  	_ =	shalt  }
0x58: {  	_ =	shalt  }
0x59: {  	_ =	shalt  }
0x5a: {  	_ =	shalt  }
0x5b: {  	_ =	shalt  }
0x5c: {  	_ =	shalt  }
0x5d: {  	_ =	shalt  }
0x5e: {  	_ =	shalt  }
0x5f: {  	_ =	shalt  }
0x60: {  	_ =	shalt  }
0x61: {  	_ =	shalt  }
0x62: {  	_ =	shalt  }
0x63: {  	_ =	shalt  }
0x64: {  	_ =	shalt  }
0x65: {  	_ =	shalt  }
0x66: {  	_ =	shalt  }
0x67: {  	_ =	shalt  }
0x68: {  	_ =	shalt  }
0x69: {  	_ =	shalt  }
0x6a: {  	_ =	shalt  }
0x6b: {  	_ =	shalt  }
0x6c: {  	_ =	shalt  }
0x6d: {  	_ =	shalt  }
0x6e: {  	_ =	shalt  }
0x6f: {  	_ =	shalt  }
0x70: {  	_ =	shalt  }
0x71: {  	_ =	shalt  }
0x72: {  	_ =	shalt  }
0x73: {  	_ =	shalt  }
0x74: {  	_ =	shalt  }
0x75: {  	_ =	shalt  }
0x76: {  	_ =	shalt  }
0x77: {  	_ =	shalt  }
0x78: {  	_ =	shalt  }
0x79: {  	_ =	shalt  }
0x7a: {  	_ =	shalt  }
0x7b: {  	_ =	shalt  }
0x7c: {  	_ =	shalt  }
0x7d: {  	_ =	shalt  }
0x7e: {  	_ =	shalt  }
0x7f: {  	_ =	shalt  }
0x80: {  	_ =	shalt  }
0x81: {  	_ =	shalt  }
0x82: {  	_ =	shalt  }
0x83: {  	_ =	shalt  }
0x84: {  	_ =	shalt  }
0x85: {  	_ =	shalt  }
0x86: {  	_ =	shalt  }
0x87: {  	_ =	shalt  }
.Lfunc_end0:
.L_simem_size_0:
called_computation.3_lowered:
.L_overlay_start_0:
0x88: {  	s2 =	sld [smem:$0x3FD9]  }
0x89: {  	s3 =	sld [smem:$0x3FFE];
	_ =	sdelay $0x1  }
0x8a: {  	s1 =	srdreg.scid  }
0x8b: {  	s0 =	sand.u32 $0x1, s1  }
0x8c: {  	s17 =	sshll.u32 s0, $0xA;
	s2 =	sadd.s32 s3, s2  }
0x8d: {  	s2 =	sadd.s32 s2, s17  }
0x8e: {  	[smem:$0x3FBE] =	sst s2  }
0x8f: {  	_ = 	snop  }
0x90: {  	(tm) =	ssettm $0x1  }
0x91: {  	s18 =	sld [smem:$0x3FFB];
	_ =	sdelay $0x3  }
0x92: {  	_ =	strace s18  }
0x93: {  	s2 =	sld [smem:$0x3FFC];
	_ =	sdelay $0x3  }
0x94: {  	_ =	strace s2  }
0x95: {  	s2 =	sld [smem:$0x3FFD];
	_ =	sdelay $0x3  }
0x96: {  	_ =	strace s2  }
0x97: {  	_ =	strace $0x8FFFFFFF  }
0x98: {  	s19 =	sld [smem:$0x3FDB];
	_ =	sdelay $0x1  }
0x99: {  	s20 =	simm.s32 $_scs_section_size  }
0x9a: {  	s4 =	simm.s32 $_size__tile_overlayer_lowered;
	s5 =	simm.s32 $_tile_overlayer_lowered  }
0x9b: {  	s6 =	simm.s32 $0x1BFF;
	s21 =	sshll.u32 s5, $0x1;
	s3 =	sadd.s32 s20, s19  }
0x9c: {  	s22 =	simm.s32 $0x0;
	s4 =	sshll.u32 s4, $0x1;
	s5 =	sadd.s32 s21, s3  }
0x9d: {  	[timem:s22], [sflag:s6] =	dma.local [hbm:s5], s4  }
0x9e: {  	_ =	swait.ge [sflag:s6], s4  }
0x9f: {  	s4 =	ssub.s32 $0x0, s4;
	[sflag:s6] =	ssyncset.done $0x0  }
0xa0: {  	[sflag:s6] =	ssyncadd.s32 s4;
	_ =	sdelay $0x1  }
0xa1: {  	s23 =	simm.s32 $0x1B8B  }
0xa2: {  	_ =	swait.ge [sflag:s23], $0x1  }
0xa3: {  	[sflag:s23] =	ssyncset.done $0x0  }
0xa4: {  	[sflag:s23] =	ssyncadd.s32 $0xFFFFFFFF  }
0xa5: {  	s4 =	sld [smem:$0x0]  }
0xa6: {  	s5 =	sand.u32 $0xFFFFFFFE, s1  }
0xa7: {  	p0 =	sne.s32 s1, s5  }
0xa8: {  	s5 =	sshll.u32 @p0 s5, $0xE  }
0xa9: {  	s5 =	sadd.s32 @p0 $0x11B8D, s5;
	s6 =	sshll.u32 @p0 s4, $0x11  }
0xaa: {  	s5 =	sor.u32 @p0 s6, s5  }
0xab: {  	[sflag:s5] =	ssyncadd.remote.s32 @p0 $0x1;
	_ =	sdelay $0x1  }
0xac: {  	s5 =	simm.s32 @p0 $0x1B8D  }
0xad: {  	_ =	swait.eq @p0 [sflag:s5], $0x1  }
0xae: {  	[sflag:s5] =	ssyncadd.s32 @p0 $0xFFFFFFFF  }
0xaf: {  	s6 =	sshll.u32 @!p0 s1, $0xE  }
0xb0: {  	s6 =	sor.u32 @!p0 $0x4000, s6;
	s5 =	simm.s32 @!p0 $0x1B8D  }
0xb1: {  	s4 =	sshll.u32 @!p0 s4, $0x11;
	s6 =	sadd.s32 @!p0 $0x11B8D, s6;
	_ =	swait.eq @!p0 [sflag:s5], $0x1  }
0xb2: {  	s4 =	sor.u32 @!p0 s4, s6;
	[sflag:s5] =	ssyncadd.s32 @!p0 $0xFFFFFFFF  }
0xb3: {  	s25 =	simm.s32 $0x1B8E;
	s24 =	sld [smem:$0x3FFE];
	[sflag:s4] =	ssyncadd.remote.s32 @!p0 $0x1  }
0xb4: {  	s26 =	simm.s32 $execute0_lowered;
	[smem:$0x3FD2] =	sst s25  }
0xb5: {  	s5 =	sshll.u32 s26, $0x1;
	_ =	strace $0x80000055;
	[dreg:$0x1] =	wrdreg $0xFFFFFFFF  }
0xb6: {  	s28 =	simm.s32 $_size_execute0_lowered;
	s3 =	sadd.s32 s3, s5;
	[dreg:$0x0] =	wrdreg $0x0  }
0xb7: {  	s5 =	sshll.u32 s28, $0x1;
	[dreg:$0x2] =	wrdreg s3  }
0xb8: {  	[dreg:$0x3] =	wrdreg s5  }
0xb9: {  	[dreg:$0x4] =	wrdreg $0xC0  }
0xba: {  	_ =	task [dreg:s22], $0x5FFFF  }
0xbb: {  	[dreg:$0x1] =	wrdreg $0xFFFFFFFF  }
0xbc: {  	[dreg:$0x0] =	wrdreg $0x60  }
0xbd: {  	[dreg:$0x2] =	wrdreg s24  }
0xbe: {  	[dreg:$0x3] =	wrdreg $0xA  }
0xbf: {  	_ =	task.clear_ibuf [dreg:s22], $0x4FFFF;
	_ =	strace $0x90000055  }
0xc0: {  	s29 =	simm.s32 $0xA;
	_ =	strace $0x80000057  }
0xc1: {  	_ =	swait.ge [sflag:s29], $0x1  }
0xc2: {  	[sflag:s29] =	ssyncadd.s32 $0xFFFFFFFF  }
0xc3: {  	_ =	strace $0x90000057  }
0xc4: {  	_ =	sfence  }
0xc5: {  	s30 =	sld [smem:$0x0];
	_ =	sdelay $0x2  }
0xc6: {  	s31 =	sshll.u32 s1, $0xD;
	s1 =	sshrl.u32 s1, $0x2  }
0xc7: {  	s4 =	sand.u32 $0x4000, s31;
	s1 =	sadd.s32 s1, s30  }
0xc8: {  	s0 =	sor.u32 s4, s0;
	s1 =	sshll.u32 s1, $0x11  }
0xc9: {  	s0 =	sor.u32 s1, s0  }
0xca: {  	s0 =	sadd.s32 $0x8F2B, s0  }
0xcb: {  	[sflag:s0] =	ssyncadd.remote.s32 $0x1  }
0xcc: {  	_ =	sfence.sel $0xFFFF  }
0xcd: {  	[dreg:$0x0] =	wrdreg $0xFFFFFFFF;
	(pc) =	sbr.abs _section_cstart, $3  }
0xce: {  	[dreg:$0x1] =	wrdreg $0xFFFFFFFF  }
0xcf: {  	_ =	task.clear_ibuf [dreg:s22], $0x2FFFF;
	_ =	strace $0x9FFFFFFF  }
0xd0: {  	(tm) =	ssettm $0x7FFFFFFF  }
0xd1: {  	_ =	shalt  }
tec
execute0_lowered:
.L_overlay_start_1:
0x0: {  	(tag) =	ssettag $0x1  }
0x1: {  	s8 =	rddreg [dreg:$0x0];
	s1 =	stileid.u32  }
0x2: {  	s2 =	srdreg.scid;
	s0 =	rddreg [dreg:$0x1]  }
0x3: {  	_ =	strace $0x80000056;
	s5 =	simm.s32 $0x1;
	s9 =	simm.s32 $0x1  }
0x4: {  	s10 =	simm.s32 $0x3;
	s2 =	sand.u32 $0x1, s2;
	s3 =	sshll.u32 s1, $0x1  }
0x5: {  	s13 =	simm.s32 $0x0;
	s12 =	simm.s32 $0x0;
	s6 =	sor.u32 s3, s2  }
0x6: {  	[sflag:s5] =	ssyncpa.u1 $0x0;
	s2 =	sadd.s32 $0x14C00, s8;
	s4 =	smul.u32 $0x2300, s6  }
0x7: {  	s3 =	sadd.s32 $0x28C00, s8;
	p0 =	slt.u32 s6, $0x5;
	s6 =	simm.s32 $0x46000  }
.Ltmp0:
0x8: {  	s6 =	simm.s32 @!p0 $0x0;
	s7 =	ssub.s32 $0x4EC00, s4;
	(pc) =	sbr.rel .LBB2_1-.Ltmp0, $4  }
0x9: {  	s9 =	simm.s32 @!p0 $0x0;
	p0 =	sne.s32 s7, s6;
	s7 =	simm.s32 $0x1  }
0xa: {  	s8 =	sadd.s32 $0x1EC00, s8;
	s6 =	simm.s32 $0x2;
	s7 =	simm.s32 @!p0 $0x0  }
0xb: {  	s11 =	smov.u32 s4;
	[sflag:s6] =	ssyncpa.u1 $0x0;
	s7 =	sadd.s32 s9, s7  }
0xc: {  	vm0 =	vmmov $0xffff;
	[sflag:s10] =	ssyncpa.u1 $0x0;
	s10 =	simm.s32 $0x0;
	s9 =	sadd.s32 $0x1, s7  }
.LBB2_4:
0xd: {  	v2 =	vnsel vm1, $0x0, v2  }
0xe: {  	vm1 =	vgt.s32 v0, $0x0;
	v2 =	vmin.u32 v2, $0x4E1FF  }
0xf: {  	v0 =	vnsel vm1, $0x0, v0  }
0x10: {  	v0 =	vmin.u32 v0, $0x4E1FF  }
0x11: {  	[tilespmem:s18], [sflag:$0x1] =	stream.indirect_vreg.gather [hbm4b:s2+s10], $0x1, v1, vm0, $0x4038;
	[tilespmem:$0x8C00] =	vst v63  }
0x12: {  	(ifvalue) =	ssetifvalue $0x7FFFFFFF  }
0x13: {  	[tilespmem:s15], [sflag:$0x1] =	stream.indirect_vreg.gather [hbm4b:s2+s10], $0x1, v2, vm0, $0x4038;
	[tilespmem:$0x8C00] =	vst v63  }
0x14: {  	s29 =	sadd.s32 $0x10, s15;
	(ifvalue) =	ssetifvalue $0x7FFFFFFF  }
0x15: {  	[tilespmem:s29], [sflag:$0x1] =	stream.indirect_vreg.gather [hbm4b:s2+s10], $0x1, v0, vm0, $0x4038;
	[tilespmem:$0x8C00] =	vst v63  }
0x16: {  	_ =	swait.ge [sflag:s5], $0x2300  }
0x17: {  	s30 =	sshrl.u32 s13, $0x3;
	[sflag:s5] =	ssyncset.done $0x0  }
0x18: {  	s31 =	sand.u32 $0x7, s13;
	s15 =	sadd.s32 s8, s30;
	[sflag:s5] =	ssyncadd.s32 $0xFFFFDD00  }
0x19: {  	[hbm4b:s15+s31] =	stream.linear.scatter [tilespmem:s14], [sflag:$0x3], $0x2300, $0x38;
	[tilespmem:$0x8C00] =	vst v63  }
.LBB2_5:
0x1a: {  	s15 =	sadd.s32 $0x46000, s11  }
0x1b: {  	p1 =	sgt.s32 s15, $0x4EBFF  }
0x1c: {  	s15 =	smov.u32 @p1 s4;
	p1 =	sne.s32 s12, s9  }
.Ltmp1:
0x1d: {  	p0 =	slt.u32 s12, $0x2;
	(pc) =	sbr.rel @!p1 .LBB2_6-.Ltmp1, $4  }
0x1e: {  	s14 =	simm.s32 @!p0 $0x3  }
0x1f: {  	_ =	swait.ge @!p0 [sflag:s14], $0x2300  }
0x20: {  	s16 =	sadd.s32 $0x1, s12;
	s13 =	smov.u32 s11;
	[sflag:s14] =	ssyncset.done @!p0 $0x0  }
0x21: {  	s12 =	smov.u32 s16;
	s11 =	smov.u32 s15;
	[sflag:s14] =	ssyncadd.s32 @!p0 $0xFFFFDD00  }
.LBB2_1:
0x22: {  	p0 =	sge.u32 s12, s7  }
0x23: {  	s14 =	sxor.u32 @!p0 $0x1, s12  }
0x24: {  	s14 =	smul.u32 @!p0 $0x8C00, s14  }
0x25: {  	s31 =	sadd.s32 $0xFFFFFFFF, s12;
	s15 =	sshrl.u32 @!p0 s11, $0x3  }
0x26: {  	s16 =	sand.u32 @!p0 $0x7, s11;
	s15 =	sadd.s32 @!p0 s3, s15;
	s14 =	sshra.s32 @!p0 s14, $0x2  }
0x27: {  	[tilespmem:s14], [sflag:$0x2] =	stream.linear.gather @!p0 [hbm4b:s15+s16], $0x2300, $0x38;
	[tilespmem:$0x8C00] =	vst v63  }
0x28: {  	p0 =	sge.u32 s31, s7  }
.Ltmp2:
0x29: {  	_ = 	snop;
	(pc) =	sbr.rel @p0 .LBB2_5-.Ltmp2, $1  }
0x2a: {  	_ =	sdelay $0x3  }
0x2b: {  	s14 =	sand.u32 $0x1, s12  }
0x2c: {  	_ =	swait.ge [sflag:s6], $0x2300;
	p0 =	seq.s32 s14, $0x1;
	s14 =	simm.s32 $0x2300  }
0x2d: {  	[sflag:s6] =	ssyncset.done $0x0;
	s14 =	simm.s32 @!p0 $0x0  }
0x2e: {  	[sflag:s6] =	ssyncadd.s32 $0xFFFFDD00;
	(ifvalue) =	ssetifvalue $0x7FFFFFFF;
	v0 =	vld.msk [tilespmem:s14+$0x0 ss:$0x1], $0xffff;
	_ =	sdelay $0x4  }
0x2f: {  	s15 =	sadd.s32 $0x10, s14;
	vm1 =	vgt.s32 v0, $0x0  }
0x30: {  	v2 =	vld.msk [tilespmem:s15+$0x0 ss:$0x1], $0xffff;
	v1 =	vnsel vm1, $0x0, v0  }
0x31: {  	v1 =	vmin.u32 v1, $0x4E1FF;
	_ =	sdelay $0x2  }
0x32: {  	s17 =	simm.s32 $0x20;
	s14 =	sadd.s32 $0x4600, s14;
	s16 =	sadd.s32 $0x10, s15  }
0x33: {  	s15 =	sadd.s32 $0x10, s14;
	s18 =	smov.u32 s14;
	v0 =	vld.msk [tilespmem:s16+$0x0 ss:$0x1], $0xffff;
	vm1 =	vgt.s32 v2, $0x0;
	(ifvalue) =	ssetifvalue $0x7FFFFFFF  }
.LBB2_3:
0x34: {  	[tilespmem:s18], [sflag:$0x1] =	stream.indirect_vreg.gather [hbm4b:s2+s10], $0x1, v1, vm0, $0x4038;
	[tilespmem:$0x8C00] =	vst v63  }
0x35: {  	s17 =	sadd.s32 $0x10, s17  }
0x36: {  	v2 =	vnsel vm1, $0x0, v2;
	p0 =	slt.u32 s17, $0x22F0  }
.Ltmp3:
0x37: {  	s18 =	smov.u32 s15;
	v1 =	vmin.u32 v2, $0x4E1FF;
	(pc) =	sbr.rel @p0 .LBB2_3-.Ltmp3, $3  }
0x38: {  	_ =	sdelay $0x1  }
0x39: {  	s16 =	sadd.s32 $0x10, s16  }
0x3a: {  	vm1 =	vgt.s32 v0, $0x0;
	s15 =	sadd.s32 $0x10, s15;
	v2 =	vmov v0;
	(ifvalue) =	ssetifvalue $0x7FFFFFFF;
	v0 =	vld.msk [tilespmem:s16+$0x0 ss:$0x1], $0xffff  }
.Ltmp4:
0x3b: {  	_ = 	snop;
	(pc) =	sbr.rel .LBB2_4-.Ltmp4, $1  }
0x3c: {  	_ =	sdelay $0x3  }
.LBB2_6:
0x3d: {  	_ =	sfence.sel $0x180000  }
0x3e: {  	s2 =	simm.s32 $0x2;
	[bflag:$0x0] =	sbarrier.arrive $0xFFFF  }
0x3f: {  	s30 =	simm.s32 $0x3;
	[sflag:s2] =	ssyncpa.u1 $0x1  }
0x40: {  	s31 =	simm.s32 $0x1;
	[sflag:s30] =	ssyncpa.u1 $0x1  }
0x41: {  	[sflag:s31] =	ssyncpa.u1 $0x1  }
0x42: {  	p0 =	sne.s32 s1, $0x0;
	_ =	strace $0x90000056  }
0x43: {  	s0 =	sadd.s32 @!p0 $0x100000, s0;
	[bflag:$0x2] =	sbarrier.arrive $0xFFFF  }
0x44: {  	[sflag:s0] =	ssyncadd.tile.s32 @!p0 $0x1;
	_ =	shalt  }
.Lfunc_end2:
_tile_overlayer_lowered:
.L_overlay_start_2:
0x45: {  	(tag) =	ssettag $0x2  }
0x46: {  	s0 =	rddreg [dreg:$0x0];
	s2 =	stileid.u32  }
0x47: {  	s1 =	rddreg [dreg:$0x1];
	p0 =	sne.s32 s2, $0x0  }
0x48: {  	s3 =	rddreg [dreg:$0x2];
	[bflag:$0x3] =	sbarrier.arrive $0xFFFF;
	s2 =	simm.s32 @!p0 $0x1C01  }
0x49: {  	[timem:s3], [sflag:s2] =	dma.local @!p0 [hbm:s0], s1  }
0x4a: {  	s0 =	simm.s32 @!p0 $0x1  }
0x4b: {  	_ =	swait.ge @!p0 [sflag:s0], s1  }
0x4c: {  	s1 =	ssub.s32 @!p0 $0x0, s1;
	[sflag:s0] =	ssyncset.done @!p0 $0x0  }
0x4d: {  	[sflag:s0] =	ssyncadd.s32 @!p0 s1  }
0x4e: {  	[bflag:$0x3] =	sbarrier.arrive $0xFFFF  }
0x4f: {  	_ =	shalt  }

// kernel: gather_offload_async_start.4
scs
__scs_entry_jumppad:
0x0: {  	(pc) =	sbr.rel $0x88, $3  }
0x1: {  	(tag) =	ssettag $0x0;
	lr =	simm.s32 $0x1  }
0x2: {  	[smem:$0x3F97] =	sst lr;
	_ =	strace $0xD0000000  }
0x3: {  	_ = 	snop  }
0x4: {  	_ = 	snop  }
0x5: {  	_ = 	snop  }
0x6: {  	_ = 	snop  }
0x7: {  	_ = 	snop  }
__scs_overlays_trampoline_lowered:
0x8: {  	[smem:$0x3FA6] =	sst s0  }
0x9: {  	[smem:$0x3FA7] =	sst s1  }
0xa: {  	[smem:$0x3FA8] =	sst s2  }
0xb: {  	[smem:$0x3FA9] =	sst s3  }
0xc: {  	[smem:$0x3FAA] =	sst s4  }
0xd: {  	[smem:$0x3FAB] =	sst s5  }
0xe: {  	[smem:$0x3FAC] =	sst s6  }
0xf: {  	[smem:$0x3FAD] =	sst s7  }
0x10: {  	[smem:$0x3FAE] =	sst s8  }
0x11: {  	[smem:$0x3FAF] =	sst s9;
	s0 =	simm.s32 @!p0 $0x0  }
0x12: {  	s1 =	sld [smem:$0x3F95];
	s0 =	simm.s32 @p0 $0x1  }
0x13: {  	[smem:$0x3FB0] =	sst s0;
	s0 =	simm.s32 @!p1 $0x0  }
0x14: {  	s2 =	sld [smem:$0x3F94];
	s0 =	simm.s32 @p1 $0x1  }
0x15: {  	[smem:$0x3FB1] =	sst s0;
	s0 =	simm.s32 @!p2 $0x0  }
0x16: {  	s3 =	sld [smem:$0x3FDB];
	s0 =	simm.s32 @p2 $0x1  }
0x17: {  	s4 =	simm.s32 $0x1BF5;
	[smem:$0x3FB3] =	sst s0  }
0x18: {  	s0 =	sld [smem:$0x3F96];
	_ =	swait.ge [sflag:s4], $0x0  }
0x19: {  	s7 =	sld [smem:$0x3F97]  }
0x1a: {  	s8 =	sadd.s32 $0xFFFFE003, lr  }
0x1b: {  	s9 =	sadd.s32 $0xFFFFFEF7, lr;
	s5 =	simm.s32 $0xFFFFFFFF;
	p2 =	slt.u32 s8, $0xFFFFF086  }
0x1c: {  	p1 =	slt.u32 s9, $0xF7A;
	s5 =	simm.s32 @!p2 $0x0  }
0x1d: {  	s5 =	simm.s32 @p1 $0x1;
	p0 =	seq.s32 s7, s2  }
0x1e: {  	s7 =	smul.u32 @!p0 $0xF7A, s2;
	p2 =	seq.s32 @!p0 s5, $0x0  }
0x1f: {  	s9 =	smul.u32 $0xF7A, s1;
	s8 =	simm.s32 @!p0 $0x1BF5;
	p2 =	por !p2, p0  }
0x20: {  	[sflag:s8] =	ssyncset.s32 @!p0 $0xFFFFF086;
	s6 =	sadd.s32 @!p0 s3, s7;
	s7 =	simm.s32 @!p0 $0x108  }
0x21: {  	s3 =	sadd.s32 s3, s9;
	s6 =	sadd.s32 @!p0 $0x88, s6;
	s7 =	simm.s32 @p2 $0x1082  }
0x22: {  	[simem:s7], [sflag:s8] =	dma.local @!p0 [hbm:s6], $0xF7A  }
0x23: {  	s9 =	sor.u32 $0xD0000000, s2;
	s6 =	simm.s32 $0x108;
	_ =	swait.ge @!p0 [sflag:s8], $0x0  }
0x24: {  	s3 =	sadd.s32 $0x88, s3;
	s6 =	simm.s32 @!p1 $0x1082;
	[sflag:s4] =	ssyncset.s32 $0xFFFFF086  }
0x25: {  	[simem:s6], [sflag:s4] =	dma.local [hbm:s3], $0xF7A  }
0x26: {  	[smem:$0x3F97] =	sst s1;
	(tag) =	ssettag s2;
	_ =	strace s9  }
0x27: {  	s1 =	sld [smem:$0x3FA7]  }
0x28: {  	s2 =	sld [smem:$0x3FA8]  }
0x29: {  	s4 =	sld [smem:$0x3FAA]  }
0x2a: {  	p0 =	seq.s32 s5, $0x0;
	s5 =	sld [smem:$0x3FAB]  }
0x2b: {  	s6 =	sld [smem:$0x3FAC]  }
0x2c: {  	s7 =	sld [smem:$0x3FAD]  }
0x2d: {  	s3 =	simm.s32 $0x108;
	s8 =	sld [smem:$0x3FAE]  }
0x2e: {  	s3 =	simm.s32 @!p0 $0x1082;
	s9 =	sld [smem:$0x3FAF]  }
0x2f: {  	lr =	sadd.s32 s0, s3;
	s0 =	sld [smem:$0x3FA6]  }
0x30: {  	s3 =	sld [smem:$0x3FA9]  }
0x31: {  	[smem:$0x3FB2] =	sst s10  }
0x32: {  	s10 =	sld [smem:$0x3FB0];
	_ =	sdelay $0x3  }
0x33: {  	p0 =	seq.s32 s10, $0x1;
	s10 =	sld [smem:$0x3FB2];
	_ =	sdelay $0x3  }
0x34: {  	[smem:$0x3FB2] =	sst s10  }
0x35: {  	s10 =	sld [smem:$0x3FB1];
	_ =	sdelay $0x3  }
0x36: {  	p1 =	seq.s32 s10, $0x1;
	s10 =	sld [smem:$0x3FB2];
	_ =	sdelay $0x3  }
0x37: {  	[smem:$0x3FB2] =	sst s10  }
0x38: {  	s10 =	sld [smem:$0x3FB3]  }
0x39: {  	_ = 	snop;
	(pc) =	sbr.ind lr, $3  }
0x3a: {  	_ = 	snop  }
0x3b: {  	_ = 	snop  }
0x3c: {  	p2 =	seq.s32 s10, $0x1;
	s10 =	sld [smem:$0x3FB2]  }
0x3d: {  	_ =	shalt  }
0x3e: {  	_ =	shalt  }
0x3f: {  	_ =	shalt  }
0x40: {  	_ =	shalt  }
0x41: {  	_ =	shalt  }
0x42: {  	_ =	shalt  }
0x43: {  	_ =	shalt  }
0x44: {  	_ =	shalt  }
0x45: {  	_ =	shalt  }
0x46: {  	_ =	shalt  }
0x47: {  	_ =	shalt  }
0x48: {  	_ =	shalt  }
0x49: {  	_ =	shalt  }
0x4a: {  	_ =	shalt  }
0x4b: {  	_ =	shalt  }
0x4c: {  	_ =	shalt  }
0x4d: {  	_ =	shalt  }
0x4e: {  	_ =	shalt  }
0x4f: {  	_ =	shalt  }
0x50: {  	_ =	shalt  }
0x51: {  	_ =	shalt  }
0x52: {  	_ =	shalt  }
0x53: {  	_ =	shalt  }
0x54: {  	_ =	shalt  }
0x55: {  	_ =	shalt  }
0x56: {  	_ =	shalt  }
0x57: {  	_ =	shalt  }
0x58: {  	_ =	shalt  }
0x59: {  	_ =	shalt  }
0x5a: {  	_ =	shalt  }
0x5b: {  	_ =	shalt  }
0x5c: {  	_ =	shalt  }
0x5d: {  	_ =	shalt  }
0x5e: {  	_ =	shalt  }
0x5f: {  	_ =	shalt  }
0x60: {  	_ =	shalt  }
0x61: {  	_ =	shalt  }
0x62: {  	_ =	shalt  }
0x63: {  	_ =	shalt  }
0x64: {  	_ =	shalt  }
0x65: {  	_ =	shalt  }
0x66: {  	_ =	shalt  }
0x67: {  	_ =	shalt  }
0x68: {  	_ =	shalt  }
0x69: {  	_ =	shalt  }
0x6a: {  	_ =	shalt  }
0x6b: {  	_ =	shalt  }
0x6c: {  	_ =	shalt  }
0x6d: {  	_ =	shalt  }
0x6e: {  	_ =	shalt  }
0x6f: {  	_ =	shalt  }
0x70: {  	_ =	shalt  }
0x71: {  	_ =	shalt  }
0x72: {  	_ =	shalt  }
0x73: {  	_ =	shalt  }
0x74: {  	_ =	shalt  }
0x75: {  	_ =	shalt  }
0x76: {  	_ =	shalt  }
0x77: {  	_ =	shalt  }
0x78: {  	_ =	shalt  }
0x79: {  	_ =	shalt  }
0x7a: {  	_ =	shalt  }
0x7b: {  	_ =	shalt  }
0x7c: {  	_ =	shalt  }
0x7d: {  	_ =	shalt  }
0x7e: {  	_ =	shalt  }
0x7f: {  	_ =	shalt  }
0x80: {  	_ =	shalt  }
0x81: {  	_ =	shalt  }
0x82: {  	_ =	shalt  }
0x83: {  	_ =	shalt  }
0x84: {  	_ =	shalt  }
0x85: {  	_ =	shalt  }
0x86: {  	_ =	shalt  }
0x87: {  	_ =	shalt  }
.Lfunc_end0:
.L_simem_size_0:
called_computation.4_lowered:
.L_overlay_start_0:
0x88: {  	s2 =	sld [smem:$0x3FD9]  }
0x89: {  	s3 =	sld [smem:$0x3FFE];
	_ =	sdelay $0x1  }
0x8a: {  	s1 =	srdreg.scid  }
0x8b: {  	s0 =	sand.u32 $0x1, s1  }
0x8c: {  	s17 =	sshll.u32 s0, $0xA;
	s2 =	sadd.s32 s3, s2  }
0x8d: {  	s2 =	sadd.s32 s2, s17  }
0x8e: {  	[smem:$0x3FBE] =	sst s2  }
0x8f: {  	_ = 	snop  }
0x90: {  	(tm) =	ssettm $0x1  }
0x91: {  	s18 =	sld [smem:$0x3FFB];
	_ =	sdelay $0x3  }
0x92: {  	_ =	strace s18  }
0x93: {  	s2 =	sld [smem:$0x3FFC];
	_ =	sdelay $0x3  }
0x94: {  	_ =	strace s2  }
0x95: {  	s2 =	sld [smem:$0x3FFD];
	_ =	sdelay $0x3  }
0x96: {  	_ =	strace s2  }
0x97: {  	_ =	strace $0x8FFFFFFF  }
0x98: {  	s19 =	sld [smem:$0x3FDB];
	_ =	sdelay $0x1  }
0x99: {  	s20 =	simm.s32 $_scs_section_size  }
0x9a: {  	s4 =	simm.s32 $_size__tile_overlayer_lowered;
	s5 =	simm.s32 $_tile_overlayer_lowered  }
0x9b: {  	s6 =	simm.s32 $0x1BFF;
	s21 =	sshll.u32 s5, $0x1;
	s3 =	sadd.s32 s20, s19  }
0x9c: {  	s22 =	simm.s32 $0x0;
	s4 =	sshll.u32 s4, $0x1;
	s5 =	sadd.s32 s21, s3  }
0x9d: {  	[timem:s22], [sflag:s6] =	dma.local [hbm:s5], s4  }
0x9e: {  	_ =	swait.ge [sflag:s6], s4  }
0x9f: {  	s4 =	ssub.s32 $0x0, s4;
	[sflag:s6] =	ssyncset.done $0x0  }
0xa0: {  	[sflag:s6] =	ssyncadd.s32 s4;
	_ =	sdelay $0x1  }
0xa1: {  	s23 =	simm.s32 $0x1B8B  }
0xa2: {  	_ =	swait.ge [sflag:s23], $0x1  }
0xa3: {  	[sflag:s23] =	ssyncset.done $0x0  }
0xa4: {  	[sflag:s23] =	ssyncadd.s32 $0xFFFFFFFF  }
0xa5: {  	s4 =	sld [smem:$0x0]  }
0xa6: {  	s5 =	sand.u32 $0xFFFFFFFE, s1  }
0xa7: {  	p0 =	sne.s32 s1, s5  }
0xa8: {  	s5 =	sshll.u32 @p0 s5, $0xE  }
0xa9: {  	s5 =	sadd.s32 @p0 $0x11B8D, s5;
	s6 =	sshll.u32 @p0 s4, $0x11  }
0xaa: {  	s5 =	sor.u32 @p0 s6, s5  }
0xab: {  	[sflag:s5] =	ssyncadd.remote.s32 @p0 $0x1;
	_ =	sdelay $0x1  }
0xac: {  	s5 =	simm.s32 @p0 $0x1B8D  }
0xad: {  	_ =	swait.eq @p0 [sflag:s5], $0x1  }
0xae: {  	[sflag:s5] =	ssyncadd.s32 @p0 $0xFFFFFFFF  }
0xaf: {  	s6 =	sshll.u32 @!p0 s1, $0xE  }
0xb0: {  	s6 =	sor.u32 @!p0 $0x4000, s6;
	s5 =	simm.s32 @!p0 $0x1B8D  }
0xb1: {  	s4 =	sshll.u32 @!p0 s4, $0x11;
	s6 =	sadd.s32 @!p0 $0x11B8D, s6;
	_ =	swait.eq @!p0 [sflag:s5], $0x1  }
0xb2: {  	s4 =	sor.u32 @!p0 s4, s6;
	[sflag:s5] =	ssyncadd.s32 @!p0 $0xFFFFFFFF  }
0xb3: {  	s25 =	simm.s32 $0x1B8E;
	s24 =	sld [smem:$0x3FFE];
	[sflag:s4] =	ssyncadd.remote.s32 @!p0 $0x1  }
0xb4: {  	s26 =	simm.s32 $execute0_lowered;
	[smem:$0x3FD2] =	sst s25  }
0xb5: {  	s5 =	sshll.u32 s26, $0x1;
	_ =	strace $0x80000052;
	[dreg:$0x1] =	wrdreg $0xFFFFFFFF  }
0xb6: {  	s28 =	simm.s32 $_size_execute0_lowered;
	s3 =	sadd.s32 s3, s5;
	[dreg:$0x0] =	wrdreg $0x0  }
0xb7: {  	s5 =	sshll.u32 s28, $0x1;
	[dreg:$0x2] =	wrdreg s3  }
0xb8: {  	[dreg:$0x3] =	wrdreg s5  }
0xb9: {  	[dreg:$0x4] =	wrdreg $0xC0  }
0xba: {  	_ =	task [dreg:s22], $0x5FFFF  }
0xbb: {  	[dreg:$0x1] =	wrdreg $0xFFFFFFFF  }
0xbc: {  	[dreg:$0x0] =	wrdreg $0x60  }
0xbd: {  	[dreg:$0x2] =	wrdreg s24  }
0xbe: {  	[dreg:$0x3] =	wrdreg $0x9  }
0xbf: {  	_ =	task.clear_ibuf [dreg:s22], $0x4FFFF;
	_ =	strace $0x90000052  }
0xc0: {  	s29 =	simm.s32 $0x9;
	_ =	strace $0x80000054  }
0xc1: {  	_ =	swait.ge [sflag:s29], $0x1  }
0xc2: {  	[sflag:s29] =	ssyncadd.s32 $0xFFFFFFFF  }
0xc3: {  	_ =	strace $0x90000054  }
0xc4: {  	_ =	sfence  }
0xc5: {  	s30 =	sld [smem:$0x0];
	_ =	sdelay $0x2  }
0xc6: {  	s31 =	sshll.u32 s1, $0xD;
	s1 =	sshrl.u32 s1, $0x2  }
0xc7: {  	s4 =	sand.u32 $0x4000, s31;
	s1 =	sadd.s32 s1, s30  }
0xc8: {  	s0 =	sor.u32 s4, s0;
	s1 =	sshll.u32 s1, $0x11  }
0xc9: {  	s0 =	sor.u32 s1, s0  }
0xca: {  	s0 =	sadd.s32 $0x8F2B, s0  }
0xcb: {  	[sflag:s0] =	ssyncadd.remote.s32 $0x1  }
0xcc: {  	_ =	sfence.sel $0xFFFF  }
0xcd: {  	[dreg:$0x0] =	wrdreg $0xFFFFFFFF;
	(pc) =	sbr.abs _section_cstart, $3  }
0xce: {  	[dreg:$0x1] =	wrdreg $0xFFFFFFFF  }
0xcf: {  	_ =	task.clear_ibuf [dreg:s22], $0x2FFFF;
	_ =	strace $0x9FFFFFFF  }
0xd0: {  	(tm) =	ssettm $0x7FFFFFFF  }
0xd1: {  	_ =	shalt  }
tec
execute0_lowered:
.L_overlay_start_1:
0x0: {  	(tag) =	ssettag $0x1  }
0x1: {  	s8 =	rddreg [dreg:$0x0];
	s1 =	stileid.u32  }
0x2: {  	s2 =	srdreg.scid;
	s0 =	rddreg [dreg:$0x1]  }
0x3: {  	_ =	strace $0x80000053;
	s5 =	simm.s32 $0x1;
	s9 =	simm.s32 $0x1  }
0x4: {  	s10 =	simm.s32 $0x3;
	s2 =	sand.u32 $0x1, s2;
	s3 =	sshll.u32 s1, $0x1  }
0x5: {  	s13 =	simm.s32 $0x0;
	s12 =	simm.s32 $0x0;
	s6 =	sor.u32 s3, s2  }
0x6: {  	[sflag:s5] =	ssyncpa.u1 $0x0;
	s2 =	sadd.s32 $0xAE00, s8;
	s4 =	smul.u32 $0x2300, s6  }
0x7: {  	s3 =	sadd.s32 $0x28C00, s8;
	p0 =	slt.u32 s6, $0x5;
	s6 =	simm.s32 $0x46000  }
.Ltmp0:
0x8: {  	s6 =	simm.s32 @!p0 $0x0;
	s7 =	ssub.s32 $0x4EC00, s4;
	(pc) =	sbr.rel .LBB2_1-.Ltmp0, $4  }
0x9: {  	s9 =	simm.s32 @!p0 $0x0;
	p0 =	sne.s32 s7, s6;
	s7 =	simm.s32 $0x1  }
0xa: {  	s8 =	sadd.s32 $0xBFA00, s8;
	s6 =	simm.s32 $0x2;
	s7 =	simm.s32 @!p0 $0x0  }
0xb: {  	s11 =	smov.u32 s4;
	[sflag:s6] =	ssyncpa.u1 $0x0;
	s7 =	sadd.s32 s9, s7  }
0xc: {  	vm0 =	vmmov $0xffff;
	[sflag:s10] =	ssyncpa.u1 $0x0;
	s10 =	simm.s32 $0x0;
	s9 =	sadd.s32 $0x1, s7  }
.LBB2_4:
0xd: {  	v2 =	vnsel vm1, $0x0, v2  }
0xe: {  	vm1 =	vgt.s32 v0, $0x0;
	v2 =	vmin.u32 v2, $0x4E1FF  }
0xf: {  	v0 =	vnsel vm1, $0x0, v0  }
0x10: {  	v0 =	vmin.u32 v0, $0x4E1FF  }
0x11: {  	[tilespmem:s18], [sflag:$0x1] =	stream.indirect_vreg.gather [hbm4b:s2+s10], $0x1, v1, vm0, $0x4038;
	[tilespmem:$0x8C00] =	vst v63  }
0x12: {  	(ifvalue) =	ssetifvalue $0x7FFFFFFF  }
0x13: {  	[tilespmem:s15], [sflag:$0x1] =	stream.indirect_vreg.gather [hbm4b:s2+s10], $0x1, v2, vm0, $0x4038;
	[tilespmem:$0x8C00] =	vst v63  }
0x14: {  	s29 =	sadd.s32 $0x10, s15;
	(ifvalue) =	ssetifvalue $0x7FFFFFFF  }
0x15: {  	[tilespmem:s29], [sflag:$0x1] =	stream.indirect_vreg.gather [hbm4b:s2+s10], $0x1, v0, vm0, $0x4038;
	[tilespmem:$0x8C00] =	vst v63  }
0x16: {  	_ =	swait.ge [sflag:s5], $0x2300  }
0x17: {  	s30 =	sshrl.u32 s13, $0x3;
	[sflag:s5] =	ssyncset.done $0x0  }
0x18: {  	s31 =	sand.u32 $0x7, s13;
	s15 =	sadd.s32 s8, s30;
	[sflag:s5] =	ssyncadd.s32 $0xFFFFDD00  }
0x19: {  	[hbm4b:s15+s31] =	stream.linear.scatter [tilespmem:s14], [sflag:$0x3], $0x2300, $0x38;
	[tilespmem:$0x8C00] =	vst v63  }
.LBB2_5:
0x1a: {  	s15 =	sadd.s32 $0x46000, s11  }
0x1b: {  	p1 =	sgt.s32 s15, $0x4EBFF  }
0x1c: {  	s15 =	smov.u32 @p1 s4;
	p1 =	sne.s32 s12, s9  }
.Ltmp1:
0x1d: {  	p0 =	slt.u32 s12, $0x2;
	(pc) =	sbr.rel @!p1 .LBB2_6-.Ltmp1, $4  }
0x1e: {  	s14 =	simm.s32 @!p0 $0x3  }
0x1f: {  	_ =	swait.ge @!p0 [sflag:s14], $0x2300  }
0x20: {  	s16 =	sadd.s32 $0x1, s12;
	s13 =	smov.u32 s11;
	[sflag:s14] =	ssyncset.done @!p0 $0x0  }
0x21: {  	s12 =	smov.u32 s16;
	s11 =	smov.u32 s15;
	[sflag:s14] =	ssyncadd.s32 @!p0 $0xFFFFDD00  }
.LBB2_1:
0x22: {  	p0 =	sge.u32 s12, s7  }
0x23: {  	s14 =	sxor.u32 @!p0 $0x1, s12  }
0x24: {  	s14 =	smul.u32 @!p0 $0x8C00, s14  }
0x25: {  	s31 =	sadd.s32 $0xFFFFFFFF, s12;
	s15 =	sshrl.u32 @!p0 s11, $0x3  }
0x26: {  	s16 =	sand.u32 @!p0 $0x7, s11;
	s15 =	sadd.s32 @!p0 s3, s15;
	s14 =	sshra.s32 @!p0 s14, $0x2  }
0x27: {  	[tilespmem:s14], [sflag:$0x2] =	stream.linear.gather @!p0 [hbm4b:s15+s16], $0x2300, $0x38;
	[tilespmem:$0x8C00] =	vst v63  }
0x28: {  	p0 =	sge.u32 s31, s7  }
.Ltmp2:
0x29: {  	_ = 	snop;
	(pc) =	sbr.rel @p0 .LBB2_5-.Ltmp2, $1  }
0x2a: {  	_ =	sdelay $0x3  }
0x2b: {  	s14 =	sand.u32 $0x1, s12  }
0x2c: {  	_ =	swait.ge [sflag:s6], $0x2300;
	p0 =	seq.s32 s14, $0x1;
	s14 =	simm.s32 $0x2300  }
0x2d: {  	[sflag:s6] =	ssyncset.done $0x0;
	s14 =	simm.s32 @!p0 $0x0  }
0x2e: {  	[sflag:s6] =	ssyncadd.s32 $0xFFFFDD00;
	(ifvalue) =	ssetifvalue $0x7FFFFFFF;
	v0 =	vld.msk [tilespmem:s14+$0x0 ss:$0x1], $0xffff;
	_ =	sdelay $0x4  }
0x2f: {  	s15 =	sadd.s32 $0x10, s14;
	vm1 =	vgt.s32 v0, $0x0  }
0x30: {  	v2 =	vld.msk [tilespmem:s15+$0x0 ss:$0x1], $0xffff;
	v1 =	vnsel vm1, $0x0, v0  }
0x31: {  	v1 =	vmin.u32 v1, $0x4E1FF;
	_ =	sdelay $0x2  }
0x32: {  	s17 =	simm.s32 $0x20;
	s14 =	sadd.s32 $0x4600, s14;
	s16 =	sadd.s32 $0x10, s15  }
0x33: {  	s15 =	sadd.s32 $0x10, s14;
	s18 =	smov.u32 s14;
	v0 =	vld.msk [tilespmem:s16+$0x0 ss:$0x1], $0xffff;
	vm1 =	vgt.s32 v2, $0x0;
	(ifvalue) =	ssetifvalue $0x7FFFFFFF  }
.LBB2_3:
0x34: {  	[tilespmem:s18], [sflag:$0x1] =	stream.indirect_vreg.gather [hbm4b:s2+s10], $0x1, v1, vm0, $0x4038;
	[tilespmem:$0x8C00] =	vst v63  }
0x35: {  	s17 =	sadd.s32 $0x10, s17  }
0x36: {  	v2 =	vnsel vm1, $0x0, v2;
	p0 =	slt.u32 s17, $0x22F0  }
.Ltmp3:
0x37: {  	s18 =	smov.u32 s15;
	v1 =	vmin.u32 v2, $0x4E1FF;
	(pc) =	sbr.rel @p0 .LBB2_3-.Ltmp3, $3  }
0x38: {  	_ =	sdelay $0x1  }
0x39: {  	s16 =	sadd.s32 $0x10, s16  }
0x3a: {  	vm1 =	vgt.s32 v0, $0x0;
	s15 =	sadd.s32 $0x10, s15;
	v2 =	vmov v0;
	(ifvalue) =	ssetifvalue $0x7FFFFFFF;
	v0 =	vld.msk [tilespmem:s16+$0x0 ss:$0x1], $0xffff  }
.Ltmp4:
0x3b: {  	_ = 	snop;
	(pc) =	sbr.rel .LBB2_4-.Ltmp4, $1  }
0x3c: {  	_ =	sdelay $0x3  }
.LBB2_6:
0x3d: {  	_ =	sfence.sel $0x180000  }
0x3e: {  	s2 =	simm.s32 $0x2;
	[bflag:$0x0] =	sbarrier.arrive $0xFFFF  }
0x3f: {  	s30 =	simm.s32 $0x3;
	[sflag:s2] =	ssyncpa.u1 $0x1  }
0x40: {  	s31 =	simm.s32 $0x1;
	[sflag:s30] =	ssyncpa.u1 $0x1  }
0x41: {  	[sflag:s31] =	ssyncpa.u1 $0x1  }
0x42: {  	p0 =	sne.s32 s1, $0x0;
	_ =	strace $0x90000053  }
0x43: {  	s0 =	sadd.s32 @!p0 $0x100000, s0;
	[bflag:$0x2] =	sbarrier.arrive $0xFFFF  }
0x44: {  	[sflag:s0] =	ssyncadd.tile.s32 @!p0 $0x1;
	_ =	shalt  }
.Lfunc_end2:
_tile_overlayer_lowered:
.L_overlay_start_2:
0x45: {  	(tag) =	ssettag $0x2  }
0x46: {  	s0 =	rddreg [dreg:$0x0];
	s2 =	stileid.u32  }
0x47: {  	s1 =	rddreg [dreg:$0x1];
	p0 =	sne.s32 s2, $0x0  }
0x48: {  	s3 =	rddreg [dreg:$0x2];
	[bflag:$0x3] =	sbarrier.arrive $0xFFFF;
	s2 =	simm.s32 @!p0 $0x1C01  }
0x49: {  	[timem:s3], [sflag:s2] =	dma.local @!p0 [hbm:s0], s1  }
0x4a: {  	s0 =	simm.s32 @!p0 $0x1  }
0x4b: {  	_ =	swait.ge @!p0 [sflag:s0], s1  }
0x4c: {  	s1 =	ssub.s32 @!p0 $0x0, s1;
	[sflag:s0] =	ssyncset.done @!p0 $0x0  }
0x4d: {  	[sflag:s0] =	ssyncadd.s32 @!p0 s1  }
0x4e: {  	[bflag:$0x3] =	sbarrier.arrive $0xFFFF  }
0x4f: {  	_ =	shalt  }

// kernel: gather_offload_async_start.5
scs
__scs_entry_jumppad:
0x0: {  	(pc) =	sbr.rel $0x88, $3  }
0x1: {  	(tag) =	ssettag $0x0;
	lr =	simm.s32 $0x1  }
0x2: {  	[smem:$0x3F97] =	sst lr;
	_ =	strace $0xD0000000  }
0x3: {  	_ = 	snop  }
0x4: {  	_ = 	snop  }
0x5: {  	_ = 	snop  }
0x6: {  	_ = 	snop  }
0x7: {  	_ = 	snop  }
__scs_overlays_trampoline_lowered:
0x8: {  	[smem:$0x3FA6] =	sst s0  }
0x9: {  	[smem:$0x3FA7] =	sst s1  }
0xa: {  	[smem:$0x3FA8] =	sst s2  }
0xb: {  	[smem:$0x3FA9] =	sst s3  }
0xc: {  	[smem:$0x3FAA] =	sst s4  }
0xd: {  	[smem:$0x3FAB] =	sst s5  }
0xe: {  	[smem:$0x3FAC] =	sst s6  }
0xf: {  	[smem:$0x3FAD] =	sst s7  }
0x10: {  	[smem:$0x3FAE] =	sst s8  }
0x11: {  	[smem:$0x3FAF] =	sst s9;
	s0 =	simm.s32 @!p0 $0x0  }
0x12: {  	s1 =	sld [smem:$0x3F95];
	s0 =	simm.s32 @p0 $0x1  }
0x13: {  	[smem:$0x3FB0] =	sst s0;
	s0 =	simm.s32 @!p1 $0x0  }
0x14: {  	s2 =	sld [smem:$0x3F94];
	s0 =	simm.s32 @p1 $0x1  }
0x15: {  	[smem:$0x3FB1] =	sst s0;
	s0 =	simm.s32 @!p2 $0x0  }
0x16: {  	s3 =	sld [smem:$0x3FDB];
	s0 =	simm.s32 @p2 $0x1  }
0x17: {  	s4 =	simm.s32 $0x1BF5;
	[smem:$0x3FB3] =	sst s0  }
0x18: {  	s0 =	sld [smem:$0x3F96];
	_ =	swait.ge [sflag:s4], $0x0  }
0x19: {  	s7 =	sld [smem:$0x3F97]  }
0x1a: {  	s8 =	sadd.s32 $0xFFFFE003, lr  }
0x1b: {  	s9 =	sadd.s32 $0xFFFFFEF7, lr;
	s5 =	simm.s32 $0xFFFFFFFF;
	p2 =	slt.u32 s8, $0xFFFFF086  }
0x1c: {  	p1 =	slt.u32 s9, $0xF7A;
	s5 =	simm.s32 @!p2 $0x0  }
0x1d: {  	s5 =	simm.s32 @p1 $0x1;
	p0 =	seq.s32 s7, s2  }
0x1e: {  	s7 =	smul.u32 @!p0 $0xF7A, s2;
	p2 =	seq.s32 @!p0 s5, $0x0  }
0x1f: {  	s9 =	smul.u32 $0xF7A, s1;
	s8 =	simm.s32 @!p0 $0x1BF5;
	p2 =	por !p2, p0  }
0x20: {  	[sflag:s8] =	ssyncset.s32 @!p0 $0xFFFFF086;
	s6 =	sadd.s32 @!p0 s3, s7;
	s7 =	simm.s32 @!p0 $0x108  }
0x21: {  	s3 =	sadd.s32 s3, s9;
	s6 =	sadd.s32 @!p0 $0x88, s6;
	s7 =	simm.s32 @p2 $0x1082  }
0x22: {  	[simem:s7], [sflag:s8] =	dma.local @!p0 [hbm:s6], $0xF7A  }
0x23: {  	s9 =	sor.u32 $0xD0000000, s2;
	s6 =	simm.s32 $0x108;
	_ =	swait.ge @!p0 [sflag:s8], $0x0  }
0x24: {  	s3 =	sadd.s32 $0x88, s3;
	s6 =	simm.s32 @!p1 $0x1082;
	[sflag:s4] =	ssyncset.s32 $0xFFFFF086  }
0x25: {  	[simem:s6], [sflag:s4] =	dma.local [hbm:s3], $0xF7A  }
0x26: {  	[smem:$0x3F97] =	sst s1;
	(tag) =	ssettag s2;
	_ =	strace s9  }
0x27: {  	s1 =	sld [smem:$0x3FA7]  }
0x28: {  	s2 =	sld [smem:$0x3FA8]  }
0x29: {  	s4 =	sld [smem:$0x3FAA]  }
0x2a: {  	p0 =	seq.s32 s5, $0x0;
	s5 =	sld [smem:$0x3FAB]  }
0x2b: {  	s6 =	sld [smem:$0x3FAC]  }
0x2c: {  	s7 =	sld [smem:$0x3FAD]  }
0x2d: {  	s3 =	simm.s32 $0x108;
	s8 =	sld [smem:$0x3FAE]  }
0x2e: {  	s3 =	simm.s32 @!p0 $0x1082;
	s9 =	sld [smem:$0x3FAF]  }
0x2f: {  	lr =	sadd.s32 s0, s3;
	s0 =	sld [smem:$0x3FA6]  }
0x30: {  	s3 =	sld [smem:$0x3FA9]  }
0x31: {  	[smem:$0x3FB2] =	sst s10  }
0x32: {  	s10 =	sld [smem:$0x3FB0];
	_ =	sdelay $0x3  }
0x33: {  	p0 =	seq.s32 s10, $0x1;
	s10 =	sld [smem:$0x3FB2];
	_ =	sdelay $0x3  }
0x34: {  	[smem:$0x3FB2] =	sst s10  }
0x35: {  	s10 =	sld [smem:$0x3FB1];
	_ =	sdelay $0x3  }
0x36: {  	p1 =	seq.s32 s10, $0x1;
	s10 =	sld [smem:$0x3FB2];
	_ =	sdelay $0x3  }
0x37: {  	[smem:$0x3FB2] =	sst s10  }
0x38: {  	s10 =	sld [smem:$0x3FB3]  }
0x39: {  	_ = 	snop;
	(pc) =	sbr.ind lr, $3  }
0x3a: {  	_ = 	snop  }
0x3b: {  	_ = 	snop  }
0x3c: {  	p2 =	seq.s32 s10, $0x1;
	s10 =	sld [smem:$0x3FB2]  }
0x3d: {  	_ =	shalt  }
0x3e: {  	_ =	shalt  }
0x3f: {  	_ =	shalt  }
0x40: {  	_ =	shalt  }
0x41: {  	_ =	shalt  }
0x42: {  	_ =	shalt  }
0x43: {  	_ =	shalt  }
0x44: {  	_ =	shalt  }
0x45: {  	_ =	shalt  }
0x46: {  	_ =	shalt  }
0x47: {  	_ =	shalt  }
0x48: {  	_ =	shalt  }
0x49: {  	_ =	shalt  }
0x4a: {  	_ =	shalt  }
0x4b: {  	_ =	shalt  }
0x4c: {  	_ =	shalt  }
0x4d: {  	_ =	shalt  }
0x4e: {  	_ =	shalt  }
0x4f: {  	_ =	shalt  }
0x50: {  	_ =	shalt  }
0x51: {  	_ =	shalt  }
0x52: {  	_ =	shalt  }
0x53: {  	_ =	shalt  }
0x54: {  	_ =	shalt  }
0x55: {  	_ =	shalt  }
0x56: {  	_ =	shalt  }
0x57: {  	_ =	shalt  }
0x58: {  	_ =	shalt  }
0x59: {  	_ =	shalt  }
0x5a: {  	_ =	shalt  }
0x5b: {  	_ =	shalt  }
0x5c: {  	_ =	shalt  }
0x5d: {  	_ =	shalt  }
0x5e: {  	_ =	shalt  }
0x5f: {  	_ =	shalt  }
0x60: {  	_ =	shalt  }
0x61: {  	_ =	shalt  }
0x62: {  	_ =	shalt  }
0x63: {  	_ =	shalt  }
0x64: {  	_ =	shalt  }
0x65: {  	_ =	shalt  }
0x66: {  	_ =	shalt  }
0x67: {  	_ =	shalt  }
0x68: {  	_ =	shalt  }
0x69: {  	_ =	shalt  }
0x6a: {  	_ =	shalt  }
0x6b: {  	_ =	shalt  }
0x6c: {  	_ =	shalt  }
0x6d: {  	_ =	shalt  }
0x6e: {  	_ =	shalt  }
0x6f: {  	_ =	shalt  }
0x70: {  	_ =	shalt  }
0x71: {  	_ =	shalt  }
0x72: {  	_ =	shalt  }
0x73: {  	_ =	shalt  }
0x74: {  	_ =	shalt  }
0x75: {  	_ =	shalt  }
0x76: {  	_ =	shalt  }
0x77: {  	_ =	shalt  }
0x78: {  	_ =	shalt  }
0x79: {  	_ =	shalt  }
0x7a: {  	_ =	shalt  }
0x7b: {  	_ =	shalt  }
0x7c: {  	_ =	shalt  }
0x7d: {  	_ =	shalt  }
0x7e: {  	_ =	shalt  }
0x7f: {  	_ =	shalt  }
0x80: {  	_ =	shalt  }
0x81: {  	_ =	shalt  }
0x82: {  	_ =	shalt  }
0x83: {  	_ =	shalt  }
0x84: {  	_ =	shalt  }
0x85: {  	_ =	shalt  }
0x86: {  	_ =	shalt  }
0x87: {  	_ =	shalt  }
.Lfunc_end0:
.L_simem_size_0:
called_computation.5_lowered:
.L_overlay_start_0:
0x88: {  	s2 =	sld [smem:$0x3FD9]  }
0x89: {  	s3 =	sld [smem:$0x3FFE];
	_ =	sdelay $0x1  }
0x8a: {  	s1 =	srdreg.scid  }
0x8b: {  	s0 =	sand.u32 $0x1, s1  }
0x8c: {  	s16 =	sshll.u32 s0, $0xA;
	s2 =	sadd.s32 s3, s2  }
0x8d: {  	s2 =	sadd.s32 s2, s16  }
0x8e: {  	[smem:$0x3FBE] =	sst s2  }
0x8f: {  	_ = 	snop  }
0x90: {  	(tm) =	ssettm $0x1  }
0x91: {  	s17 =	sld [smem:$0x3FFB];
	_ =	sdelay $0x3  }
0x92: {  	_ =	strace s17  }
0x93: {  	s2 =	sld [smem:$0x3FFC];
	_ =	sdelay $0x3  }
0x94: {  	_ =	strace s2  }
0x95: {  	s2 =	sld [smem:$0x3FFD];
	_ =	sdelay $0x3  }
0x96: {  	_ =	strace s2  }
0x97: {  	_ =	strace $0x8FFFFFFF  }
0x98: {  	s18 =	sld [smem:$0x3FDB];
	_ =	sdelay $0x1  }
0x99: {  	s19 =	simm.s32 $_scs_section_size  }
0x9a: {  	s4 =	simm.s32 $_size__tile_overlayer_lowered;
	s5 =	simm.s32 $_tile_overlayer_lowered  }
0x9b: {  	s22 =	simm.s32 $0x1BFF;
	s21 =	sshll.u32 s5, $0x1;
	s2 =	sadd.s32 s19, s18  }
0x9c: {  	s6 =	simm.s32 $0x0;
	s20 =	sshll.u32 s4, $0x1;
	s4 =	sadd.s32 s21, s2  }
0x9d: {  	[timem:s6], [sflag:s22] =	dma.local [hbm:s4], s20  }
0x9e: {  	_ =	swait.ge [sflag:s22], s20  }
0x9f: {  	s3 =	ssub.s32 $0x0, s20;
	[sflag:s22] =	ssyncset.done $0x0  }
0xa0: {  	[sflag:s22] =	ssyncadd.s32 s3;
	_ =	sdelay $0x1  }
0xa1: {  	s23 =	simm.s32 $0x1B8B  }
0xa2: {  	_ =	swait.ge [sflag:s23], $0x1  }
0xa3: {  	[sflag:s23] =	ssyncset.done $0x0  }
0xa4: {  	s25 =	simm.s32 $0x1B8E;
	s24 =	sld [smem:$0x3FFE];
	[sflag:s23] =	ssyncadd.s32 $0xFFFFFFFF  }
0xa5: {  	s26 =	simm.s32 $execute0_lowered;
	[smem:$0x3FD2] =	sst s25  }
0xa6: {  	s4 =	sshll.u32 s26, $0x1;
	_ =	strace $0x8000004F;
	[dreg:$0x1] =	wrdreg $0xFFFFFFFF  }
0xa7: {  	s28 =	simm.s32 $_size_execute0_lowered;
	s2 =	sadd.s32 s2, s4;
	[dreg:$0x0] =	wrdreg $0x0  }
0xa8: {  	s4 =	sshll.u32 s28, $0x1;
	[dreg:$0x2] =	wrdreg s2  }
0xa9: {  	[dreg:$0x3] =	wrdreg s4  }
0xaa: {  	[dreg:$0x4] =	wrdreg $0xC0  }
0xab: {  	_ =	task [dreg:s6], $0x5FFFF  }
0xac: {  	[dreg:$0x1] =	wrdreg $0xFFFFFFFF  }
0xad: {  	[dreg:$0x0] =	wrdreg $0x60  }
0xae: {  	[dreg:$0x2] =	wrdreg s24  }
0xaf: {  	[dreg:$0x3] =	wrdreg $0xA  }
0xb0: {  	_ =	task.clear_ibuf [dreg:s6], $0x4FFFF;
	_ =	strace $0x9000004F  }
0xb1: {  	s29 =	simm.s32 $0xA;
	_ =	strace $0x80000051  }
0xb2: {  	_ =	swait.ge [sflag:s29], $0x1  }
0xb3: {  	[sflag:s29] =	ssyncadd.s32 $0xFFFFFFFF  }
0xb4: {  	_ =	strace $0x90000051  }
0xb5: {  	_ =	sfence  }
0xb6: {  	s30 =	sld [smem:$0x0];
	_ =	sdelay $0x2  }
0xb7: {  	s31 =	sshll.u32 s1, $0xD;
	s1 =	sshrl.u32 s1, $0x2  }
0xb8: {  	s3 =	sand.u32 $0x4000, s31;
	s1 =	sadd.s32 s1, s30  }
0xb9: {  	s0 =	sor.u32 s3, s0;
	s1 =	sshll.u32 s1, $0x11  }
0xba: {  	s0 =	sor.u32 s1, s0  }
0xbb: {  	s0 =	sadd.s32 $0x8F2B, s0  }
0xbc: {  	[sflag:s0] =	ssyncadd.remote.s32 $0x1  }
0xbd: {  	_ =	sfence.sel $0xFFFF  }
0xbe: {  	[dreg:$0x0] =	wrdreg $0xFFFFFFFF;
	(pc) =	sbr.abs _section_cstart, $3  }
0xbf: {  	[dreg:$0x1] =	wrdreg $0xFFFFFFFF  }
0xc0: {  	_ =	task.clear_ibuf [dreg:s6], $0x2FFFF;
	_ =	strace $0x9FFFFFFF  }
0xc1: {  	(tm) =	ssettm $0x7FFFFFFF  }
tec
execute0_lowered:
.L_overlay_start_1:
0x0: {  	(tag) =	ssettag $0x1  }
0x1: {  	s8 =	rddreg [dreg:$0x0];
	s1 =	stileid.u32  }
0x2: {  	s2 =	srdreg.scid;
	s0 =	rddreg [dreg:$0x1]  }
0x3: {  	_ =	strace $0x80000050;
	s5 =	simm.s32 $0x1;
	s9 =	simm.s32 $0x1  }
0x4: {  	s10 =	simm.s32 $0x3;
	s2 =	sand.u32 $0x1, s2;
	s3 =	sshll.u32 s1, $0x1  }
0x5: {  	s13 =	simm.s32 $0x0;
	s12 =	simm.s32 $0x0;
	s6 =	sor.u32 s3, s2  }
0x6: {  	[sflag:s5] =	ssyncpa.u1 $0x0;
	s2 =	sadd.s32 $0x1000, s8;
	s4 =	smul.u32 $0x2300, s6  }
0x7: {  	s3 =	sadd.s32 $0x28C00, s8;
	p0 =	slt.u32 s6, $0x5;
	s6 =	simm.s32 $0x46000  }
.Ltmp0:
0x8: {  	s6 =	simm.s32 @!p0 $0x0;
	s7 =	ssub.s32 $0x4EC00, s4;
	(pc) =	sbr.rel .LBB2_1-.Ltmp0, $4  }
0x9: {  	s9 =	simm.s32 @!p0 $0x0;
	p0 =	sne.s32 s7, s6;
	s7 =	simm.s32 $0x1  }
0xa: {  	s8 =	sadd.s32 $0x1EE00, s8;
	s6 =	simm.s32 $0x2;
	s7 =	simm.s32 @!p0 $0x0  }
0xb: {  	s11 =	smov.u32 s4;
	[sflag:s6] =	ssyncpa.u1 $0x0;
	s7 =	sadd.s32 s9, s7  }
0xc: {  	vm0 =	vmmov $0xffff;
	[sflag:s10] =	ssyncpa.u1 $0x0;
	s10 =	simm.s32 $0x0;
	s9 =	sadd.s32 $0x1, s7  }
.LBB2_4:
0xd: {  	v2 =	vnsel vm1, $0x0, v2  }
0xe: {  	vm1 =	vgt.s32 v0, $0x0;
	v2 =	vmin.u32 v2, $0x4E1FF  }
0xf: {  	v0 =	vnsel vm1, $0x0, v0  }
0x10: {  	v0 =	vmin.u32 v0, $0x4E1FF  }
0x11: {  	[tilespmem:s18], [sflag:$0x1] =	stream.indirect_vreg.gather [hbm4b:s2+s10], $0x1, v1, vm0, $0x4038;
	[tilespmem:$0x8C00] =	vst v63  }
0x12: {  	(ifvalue) =	ssetifvalue $0x7FFFFFFF  }
0x13: {  	[tilespmem:s15], [sflag:$0x1] =	stream.indirect_vreg.gather [hbm4b:s2+s10], $0x1, v2, vm0, $0x4038;
	[tilespmem:$0x8C00] =	vst v63  }
0x14: {  	s29 =	sadd.s32 $0x10, s15;
	(ifvalue) =	ssetifvalue $0x7FFFFFFF  }
0x15: {  	[tilespmem:s29], [sflag:$0x1] =	stream.indirect_vreg.gather [hbm4b:s2+s10], $0x1, v0, vm0, $0x4038;
	[tilespmem:$0x8C00] =	vst v63  }
0x16: {  	_ =	swait.ge [sflag:s5], $0x2300  }
0x17: {  	s30 =	sshrl.u32 s13, $0x3;
	[sflag:s5] =	ssyncset.done $0x0  }
0x18: {  	s31 =	sand.u32 $0x7, s13;
	s15 =	sadd.s32 s8, s30;
	[sflag:s5] =	ssyncadd.s32 $0xFFFFDD00  }
0x19: {  	[hbm4b:s15+s31] =	stream.linear.scatter [tilespmem:s14], [sflag:$0x3], $0x2300, $0x38;
	[tilespmem:$0x8C00] =	vst v63  }
.LBB2_5:
0x1a: {  	s15 =	sadd.s32 $0x46000, s11  }
0x1b: {  	p1 =	sgt.s32 s15, $0x4EBFF  }
0x1c: {  	s15 =	smov.u32 @p1 s4;
	p1 =	sne.s32 s12, s9  }
.Ltmp1:
0x1d: {  	p0 =	slt.u32 s12, $0x2;
	(pc) =	sbr.rel @!p1 .LBB2_6-.Ltmp1, $4  }
0x1e: {  	s14 =	simm.s32 @!p0 $0x3  }
0x1f: {  	_ =	swait.ge @!p0 [sflag:s14], $0x2300  }
0x20: {  	s16 =	sadd.s32 $0x1, s12;
	s13 =	smov.u32 s11;
	[sflag:s14] =	ssyncset.done @!p0 $0x0  }
0x21: {  	s12 =	smov.u32 s16;
	s11 =	smov.u32 s15;
	[sflag:s14] =	ssyncadd.s32 @!p0 $0xFFFFDD00  }
.LBB2_1:
0x22: {  	p0 =	sge.u32 s12, s7  }
0x23: {  	s14 =	sxor.u32 @!p0 $0x1, s12  }
0x24: {  	s14 =	smul.u32 @!p0 $0x8C00, s14  }
0x25: {  	s31 =	sadd.s32 $0xFFFFFFFF, s12;
	s15 =	sshrl.u32 @!p0 s11, $0x3  }
0x26: {  	s16 =	sand.u32 @!p0 $0x7, s11;
	s15 =	sadd.s32 @!p0 s3, s15;
	s14 =	sshra.s32 @!p0 s14, $0x2  }
0x27: {  	[tilespmem:s14], [sflag:$0x2] =	stream.linear.gather @!p0 [hbm4b:s15+s16], $0x2300, $0x38;
	[tilespmem:$0x8C00] =	vst v63  }
0x28: {  	p0 =	sge.u32 s31, s7  }
.Ltmp2:
0x29: {  	_ = 	snop;
	(pc) =	sbr.rel @p0 .LBB2_5-.Ltmp2, $1  }
0x2a: {  	_ =	sdelay $0x3  }
0x2b: {  	s14 =	sand.u32 $0x1, s12  }
0x2c: {  	_ =	swait.ge [sflag:s6], $0x2300;
	p0 =	seq.s32 s14, $0x1;
	s14 =	simm.s32 $0x2300  }
0x2d: {  	[sflag:s6] =	ssyncset.done $0x0;
	s14 =	simm.s32 @!p0 $0x0  }
0x2e: {  	[sflag:s6] =	ssyncadd.s32 $0xFFFFDD00;
	(ifvalue) =	ssetifvalue $0x7FFFFFFF;
	v0 =	vld.msk [tilespmem:s14+$0x0 ss:$0x1], $0xffff;
	_ =	sdelay $0x4  }
0x2f: {  	s15 =	sadd.s32 $0x10, s14;
	vm1 =	vgt.s32 v0, $0x0  }
0x30: {  	v2 =	vld.msk [tilespmem:s15+$0x0 ss:$0x1], $0xffff;
	v1 =	vnsel vm1, $0x0, v0  }
0x31: {  	v1 =	vmin.u32 v1, $0x4E1FF;
	_ =	sdelay $0x2  }
0x32: {  	s17 =	simm.s32 $0x20;
	s14 =	sadd.s32 $0x4600, s14;
	s16 =	sadd.s32 $0x10, s15  }
0x33: {  	s15 =	sadd.s32 $0x10, s14;
	s18 =	smov.u32 s14;
	v0 =	vld.msk [tilespmem:s16+$0x0 ss:$0x1], $0xffff;
	vm1 =	vgt.s32 v2, $0x0;
	(ifvalue) =	ssetifvalue $0x7FFFFFFF  }
.LBB2_3:
0x34: {  	[tilespmem:s18], [sflag:$0x1] =	stream.indirect_vreg.gather [hbm4b:s2+s10], $0x1, v1, vm0, $0x4038;
	[tilespmem:$0x8C00] =	vst v63  }
0x35: {  	s17 =	sadd.s32 $0x10, s17  }
0x36: {  	v2 =	vnsel vm1, $0x0, v2;
	p0 =	slt.u32 s17, $0x22F0  }
.Ltmp3:
0x37: {  	s18 =	smov.u32 s15;
	v1 =	vmin.u32 v2, $0x4E1FF;
	(pc) =	sbr.rel @p0 .LBB2_3-.Ltmp3, $3  }
0x38: {  	_ =	sdelay $0x1  }
0x39: {  	s16 =	sadd.s32 $0x10, s16  }
0x3a: {  	vm1 =	vgt.s32 v0, $0x0;
	s15 =	sadd.s32 $0x10, s15;
	v2 =	vmov v0;
	(ifvalue) =	ssetifvalue $0x7FFFFFFF;
	v0 =	vld.msk [tilespmem:s16+$0x0 ss:$0x1], $0xffff  }
.Ltmp4:
0x3b: {  	_ = 	snop;
	(pc) =	sbr.rel .LBB2_4-.Ltmp4, $1  }
0x3c: {  	_ =	sdelay $0x3  }
.LBB2_6:
0x3d: {  	_ =	sfence.sel $0x180000  }
0x3e: {  	s2 =	simm.s32 $0x2;
	[bflag:$0x0] =	sbarrier.arrive $0xFFFF  }
0x3f: {  	s30 =	simm.s32 $0x3;
	[sflag:s2] =	ssyncpa.u1 $0x1  }
0x40: {  	s31 =	simm.s32 $0x1;
	[sflag:s30] =	ssyncpa.u1 $0x1  }
0x41: {  	[sflag:s31] =	ssyncpa.u1 $0x1  }
0x42: {  	p0 =	sne.s32 s1, $0x0;
	_ =	strace $0x90000050  }
0x43: {  	s0 =	sadd.s32 @!p0 $0x100000, s0;
	[bflag:$0x2] =	sbarrier.arrive $0xFFFF  }
0x44: {  	[sflag:s0] =	ssyncadd.tile.s32 @!p0 $0x1;
	_ =	shalt  }
.Lfunc_end2:
_tile_overlayer_lowered:
.L_overlay_start_2:
0x45: {  	(tag) =	ssettag $0x2  }
0x46: {  	s0 =	rddreg [dreg:$0x0];
	s2 =	stileid.u32  }
0x47: {  	s1 =	rddreg [dreg:$0x1];
	p0 =	sne.s32 s2, $0x0  }
0x48: {  	s3 =	rddreg [dreg:$0x2];
	[bflag:$0x3] =	sbarrier.arrive $0xFFFF;
	s2 =	simm.s32 @!p0 $0x1C01  }
0x49: {  	[timem:s3], [sflag:s2] =	dma.local @!p0 [hbm:s0], s1  }
0x4a: {  	s0 =	simm.s32 @!p0 $0x1  }
0x4b: {  	_ =	swait.ge @!p0 [sflag:s0], s1  }
0x4c: {  	s1 =	ssub.s32 @!p0 $0x0, s1;
	[sflag:s0] =	ssyncset.done @!p0 $0x0  }
0x4d: {  	[sflag:s0] =	ssyncadd.s32 @!p0 s1  }
0x4e: {  	[bflag:$0x3] =	sbarrier.arrive $0xFFFF  }
0x4f: {  	_ =	shalt  }

// kernel: gather_offload_async_start
scs
__scs_entry_jumppad:
0x0: {  	(pc) =	sbr.rel $0x88, $3  }
0x1: {  	(tag) =	ssettag $0x0;
	lr =	simm.s32 $0x1  }
0x2: {  	[smem:$0x3F97] =	sst lr;
	_ =	strace $0xD0000000  }
0x3: {  	_ = 	snop  }
0x4: {  	_ = 	snop  }
0x5: {  	_ = 	snop  }
0x6: {  	_ = 	snop  }
0x7: {  	_ = 	snop  }
__scs_overlays_trampoline_lowered:
0x8: {  	[smem:$0x3FA6] =	sst s0  }
0x9: {  	[smem:$0x3FA7] =	sst s1  }
0xa: {  	[smem:$0x3FA8] =	sst s2  }
0xb: {  	[smem:$0x3FA9] =	sst s3  }
0xc: {  	[smem:$0x3FAA] =	sst s4  }
0xd: {  	[smem:$0x3FAB] =	sst s5  }
0xe: {  	[smem:$0x3FAC] =	sst s6  }
0xf: {  	[smem:$0x3FAD] =	sst s7  }
0x10: {  	[smem:$0x3FAE] =	sst s8  }
0x11: {  	[smem:$0x3FAF] =	sst s9;
	s0 =	simm.s32 @!p0 $0x0  }
0x12: {  	s1 =	sld [smem:$0x3F95];
	s0 =	simm.s32 @p0 $0x1  }
0x13: {  	[smem:$0x3FB0] =	sst s0;
	s0 =	simm.s32 @!p1 $0x0  }
0x14: {  	s2 =	sld [smem:$0x3F94];
	s0 =	simm.s32 @p1 $0x1  }
0x15: {  	[smem:$0x3FB1] =	sst s0;
	s0 =	simm.s32 @!p2 $0x0  }
0x16: {  	s3 =	sld [smem:$0x3FDB];
	s0 =	simm.s32 @p2 $0x1  }
0x17: {  	s4 =	simm.s32 $0x1BF5;
	[smem:$0x3FB3] =	sst s0  }
0x18: {  	s0 =	sld [smem:$0x3F96];
	_ =	swait.ge [sflag:s4], $0x0  }
0x19: {  	s7 =	sld [smem:$0x3F97]  }
0x1a: {  	s8 =	sadd.s32 $0xFFFFE003, lr  }
0x1b: {  	s9 =	sadd.s32 $0xFFFFFEF7, lr;
	s5 =	simm.s32 $0xFFFFFFFF;
	p2 =	slt.u32 s8, $0xFFFFF086  }
0x1c: {  	p1 =	slt.u32 s9, $0xF7A;
	s5 =	simm.s32 @!p2 $0x0  }
0x1d: {  	s5 =	simm.s32 @p1 $0x1;
	p0 =	seq.s32 s7, s2  }
0x1e: {  	s7 =	smul.u32 @!p0 $0xF7A, s2;
	p2 =	seq.s32 @!p0 s5, $0x0  }
0x1f: {  	s9 =	smul.u32 $0xF7A, s1;
	s8 =	simm.s32 @!p0 $0x1BF5;
	p2 =	por !p2, p0  }
0x20: {  	[sflag:s8] =	ssyncset.s32 @!p0 $0xFFFFF086;
	s6 =	sadd.s32 @!p0 s3, s7;
	s7 =	simm.s32 @!p0 $0x108  }
0x21: {  	s3 =	sadd.s32 s3, s9;
	s6 =	sadd.s32 @!p0 $0x88, s6;
	s7 =	simm.s32 @p2 $0x1082  }
0x22: {  	[simem:s7], [sflag:s8] =	dma.local @!p0 [hbm:s6], $0xF7A  }
0x23: {  	s9 =	sor.u32 $0xD0000000, s2;
	s6 =	simm.s32 $0x108;
	_ =	swait.ge @!p0 [sflag:s8], $0x0  }
0x24: {  	s3 =	sadd.s32 $0x88, s3;
	s6 =	simm.s32 @!p1 $0x1082;
	[sflag:s4] =	ssyncset.s32 $0xFFFFF086  }
0x25: {  	[simem:s6], [sflag:s4] =	dma.local [hbm:s3], $0xF7A  }
0x26: {  	[smem:$0x3F97] =	sst s1;
	(tag) =	ssettag s2;
	_ =	strace s9  }
0x27: {  	s1 =	sld [smem:$0x3FA7]  }
0x28: {  	s2 =	sld [smem:$0x3FA8]  }
0x29: {  	s4 =	sld [smem:$0x3FAA]  }
0x2a: {  	p0 =	seq.s32 s5, $0x0;
	s5 =	sld [smem:$0x3FAB]  }
0x2b: {  	s6 =	sld [smem:$0x3FAC]  }
0x2c: {  	s7 =	sld [smem:$0x3FAD]  }
0x2d: {  	s3 =	simm.s32 $0x108;
	s8 =	sld [smem:$0x3FAE]  }
0x2e: {  	s3 =	simm.s32 @!p0 $0x1082;
	s9 =	sld [smem:$0x3FAF]  }
0x2f: {  	lr =	sadd.s32 s0, s3;
	s0 =	sld [smem:$0x3FA6]  }
0x30: {  	s3 =	sld [smem:$0x3FA9]  }
0x31: {  	[smem:$0x3FB2] =	sst s10  }
0x32: {  	s10 =	sld [smem:$0x3FB0];
	_ =	sdelay $0x3  }
0x33: {  	p0 =	seq.s32 s10, $0x1;
	s10 =	sld [smem:$0x3FB2];
	_ =	sdelay $0x3  }
0x34: {  	[smem:$0x3FB2] =	sst s10  }
0x35: {  	s10 =	sld [smem:$0x3FB1];
	_ =	sdelay $0x3  }
0x36: {  	p1 =	seq.s32 s10, $0x1;
	s10 =	sld [smem:$0x3FB2];
	_ =	sdelay $0x3  }
0x37: {  	[smem:$0x3FB2] =	sst s10  }
0x38: {  	s10 =	sld [smem:$0x3FB3]  }
0x39: {  	_ = 	snop;
	(pc) =	sbr.ind lr, $3  }
0x3a: {  	_ = 	snop  }
0x3b: {  	_ = 	snop  }
0x3c: {  	p2 =	seq.s32 s10, $0x1;
	s10 =	sld [smem:$0x3FB2]  }
0x3d: {  	_ =	shalt  }
0x3e: {  	_ =	shalt  }
0x3f: {  	_ =	shalt  }
0x40: {  	_ =	shalt  }
0x41: {  	_ =	shalt  }
0x42: {  	_ =	shalt  }
0x43: {  	_ =	shalt  }
0x44: {  	_ =	shalt  }
0x45: {  	_ =	shalt  }
0x46: {  	_ =	shalt  }
0x47: {  	_ =	shalt  }
0x48: {  	_ =	shalt  }
0x49: {  	_ =	shalt  }
0x4a: {  	_ =	shalt  }
0x4b: {  	_ =	shalt  }
0x4c: {  	_ =	shalt  }
0x4d: {  	_ =	shalt  }
0x4e: {  	_ =	shalt  }
0x4f: {  	_ =	shalt  }
0x50: {  	_ =	shalt  }
0x51: {  	_ =	shalt  }
0x52: {  	_ =	shalt  }
0x53: {  	_ =	shalt  }
0x54: {  	_ =	shalt  }
0x55: {  	_ =	shalt  }
0x56: {  	_ =	shalt  }
0x57: {  	_ =	shalt  }
0x58: {  	_ =	shalt  }
0x59: {  	_ =	shalt  }
0x5a: {  	_ =	shalt  }
0x5b: {  	_ =	shalt  }
0x5c: {  	_ =	shalt  }
0x5d: {  	_ =	shalt  }
0x5e: {  	_ =	shalt  }
0x5f: {  	_ =	shalt  }
0x60: {  	_ =	shalt  }
0x61: {  	_ =	shalt  }
0x62: {  	_ =	shalt  }
0x63: {  	_ =	shalt  }
0x64: {  	_ =	shalt  }
0x65: {  	_ =	shalt  }
0x66: {  	_ =	shalt  }
0x67: {  	_ =	shalt  }
0x68: {  	_ =	shalt  }
0x69: {  	_ =	shalt  }
0x6a: {  	_ =	shalt  }
0x6b: {  	_ =	shalt  }
0x6c: {  	_ =	shalt  }
0x6d: {  	_ =	shalt  }
0x6e: {  	_ =	shalt  }
0x6f: {  	_ =	shalt  }
0x70: {  	_ =	shalt  }
0x71: {  	_ =	shalt  }
0x72: {  	_ =	shalt  }
0x73: {  	_ =	shalt  }
0x74: {  	_ =	shalt  }
0x75: {  	_ =	shalt  }
0x76: {  	_ =	shalt  }
0x77: {  	_ =	shalt  }
0x78: {  	_ =	shalt  }
0x79: {  	_ =	shalt  }
0x7a: {  	_ =	shalt  }
0x7b: {  	_ =	shalt  }
0x7c: {  	_ =	shalt  }
0x7d: {  	_ =	shalt  }
0x7e: {  	_ =	shalt  }
0x7f: {  	_ =	shalt  }
0x80: {  	_ =	shalt  }
0x81: {  	_ =	shalt  }
0x82: {  	_ =	shalt  }
0x83: {  	_ =	shalt  }
0x84: {  	_ =	shalt  }
0x85: {  	_ =	shalt  }
0x86: {  	_ =	shalt  }
0x87: {  	_ =	shalt  }
.Lfunc_end0:
.L_simem_size_0:
called_computation_lowered:
.L_overlay_start_0:
0x88: {  	s2 =	sld [smem:$0x3FD9]  }
0x89: {  	s3 =	sld [smem:$0x3FFE];
	_ =	sdelay $0x1  }
0x8a: {  	s1 =	srdreg.scid  }
0x8b: {  	s0 =	sand.u32 $0x1, s1  }
0x8c: {  	s17 =	sshll.u32 s0, $0xA;
	s2 =	sadd.s32 s3, s2  }
0x8d: {  	s2 =	sadd.s32 s2, s17  }
0x8e: {  	[smem:$0x3FBE] =	sst s2  }
0x8f: {  	_ = 	snop  }
0x90: {  	(tm) =	ssettm $0x1  }
0x91: {  	s18 =	sld [smem:$0x3FFB];
	_ =	sdelay $0x3  }
0x92: {  	_ =	strace s18  }
0x93: {  	s2 =	sld [smem:$0x3FFC];
	_ =	sdelay $0x3  }
0x94: {  	_ =	strace s2  }
0x95: {  	s2 =	sld [smem:$0x3FFD];
	_ =	sdelay $0x3  }
0x96: {  	_ =	strace s2  }
0x97: {  	_ =	strace $0x8FFFFFFF  }
0x98: {  	s19 =	sld [smem:$0x3FDB];
	_ =	sdelay $0x1  }
0x99: {  	s20 =	simm.s32 $_scs_section_size  }
0x9a: {  	s4 =	simm.s32 $_size__tile_overlayer_lowered;
	s5 =	simm.s32 $_tile_overlayer_lowered  }
0x9b: {  	s6 =	simm.s32 $0x1BFF;
	s21 =	sshll.u32 s5, $0x1;
	s3 =	sadd.s32 s20, s19  }
0x9c: {  	s22 =	simm.s32 $0x0;
	s4 =	sshll.u32 s4, $0x1;
	s5 =	sadd.s32 s21, s3  }
0x9d: {  	[timem:s22], [sflag:s6] =	dma.local [hbm:s5], s4  }
0x9e: {  	_ =	swait.ge [sflag:s6], s4  }
0x9f: {  	s4 =	ssub.s32 $0x0, s4;
	[sflag:s6] =	ssyncset.done $0x0  }
0xa0: {  	[sflag:s6] =	ssyncadd.s32 s4;
	_ =	sdelay $0x1  }
0xa1: {  	s23 =	simm.s32 $0x1B8B  }
0xa2: {  	_ =	swait.ge [sflag:s23], $0x1  }
0xa3: {  	[sflag:s23] =	ssyncset.done $0x0  }
0xa4: {  	[sflag:s23] =	ssyncadd.s32 $0xFFFFFFFF  }
0xa5: {  	s4 =	sld [smem:$0x0]  }
0xa6: {  	s5 =	sand.u32 $0xFFFFFFFE, s1  }
0xa7: {  	p0 =	sne.s32 s1, s5  }
0xa8: {  	s5 =	sshll.u32 @p0 s5, $0xE  }
0xa9: {  	s5 =	sadd.s32 @p0 $0x11B8D, s5;
	s6 =	sshll.u32 @p0 s4, $0x11  }
0xaa: {  	s5 =	sor.u32 @p0 s6, s5  }
0xab: {  	[sflag:s5] =	ssyncadd.remote.s32 @p0 $0x1;
	_ =	sdelay $0x1  }
0xac: {  	s5 =	simm.s32 @p0 $0x1B8D  }
0xad: {  	_ =	swait.eq @p0 [sflag:s5], $0x1  }
0xae: {  	[sflag:s5] =	ssyncadd.s32 @p0 $0xFFFFFFFF  }
0xaf: {  	s6 =	sshll.u32 @!p0 s1, $0xE  }
0xb0: {  	s6 =	sor.u32 @!p0 $0x4000, s6;
	s5 =	simm.s32 @!p0 $0x1B8D  }
0xb1: {  	s4 =	sshll.u32 @!p0 s4, $0x11;
	s6 =	sadd.s32 @!p0 $0x11B8D, s6;
	_ =	swait.eq @!p0 [sflag:s5], $0x1  }
0xb2: {  	s4 =	sor.u32 @!p0 s4, s6;
	[sflag:s5] =	ssyncadd.s32 @!p0 $0xFFFFFFFF  }
0xb3: {  	s25 =	simm.s32 $0x1B8E;
	s24 =	sld [smem:$0x3FFE];
	[sflag:s4] =	ssyncadd.remote.s32 @!p0 $0x1  }
0xb4: {  	s26 =	simm.s32 $execute0_lowered;
	[smem:$0x3FD2] =	sst s25  }
0xb5: {  	s5 =	sshll.u32 s26, $0x1;
	_ =	strace $0x8000004C;
	[dreg:$0x1] =	wrdreg $0xFFFFFFFF  }
0xb6: {  	s28 =	simm.s32 $_size_execute0_lowered;
	s3 =	sadd.s32 s3, s5;
	[dreg:$0x0] =	wrdreg $0x0  }
0xb7: {  	s5 =	sshll.u32 s28, $0x1;
	[dreg:$0x2] =	wrdreg s3  }
0xb8: {  	[dreg:$0x3] =	wrdreg s5  }
0xb9: {  	[dreg:$0x4] =	wrdreg $0xC0  }
0xba: {  	_ =	task [dreg:s22], $0x5FFFF  }
0xbb: {  	[dreg:$0x1] =	wrdreg $0xFFFFFFFF  }
0xbc: {  	[dreg:$0x0] =	wrdreg $0x60  }
0xbd: {  	[dreg:$0x2] =	wrdreg s24  }
0xbe: {  	[dreg:$0x3] =	wrdreg $0xA  }
0xbf: {  	_ =	task.clear_ibuf [dreg:s22], $0x4FFFF;
	_ =	strace $0x9000004C  }
0xc0: {  	s29 =	simm.s32 $0xA;
	_ =	strace $0x8000004E  }
0xc1: {  	_ =	swait.ge [sflag:s29], $0x1  }
0xc2: {  	[sflag:s29] =	ssyncadd.s32 $0xFFFFFFFF  }
0xc3: {  	_ =	strace $0x9000004E  }
0xc4: {  	_ =	sfence  }
0xc5: {  	s30 =	sld [smem:$0x0];
	_ =	sdelay $0x2  }
0xc6: {  	s31 =	sshll.u32 s1, $0xD;
	s1 =	sshrl.u32 s1, $0x2  }
0xc7: {  	s4 =	sand.u32 $0x4000, s31;
	s1 =	sadd.s32 s1, s30  }
0xc8: {  	s0 =	sor.u32 s4, s0;
	s1 =	sshll.u32 s1, $0x11  }
0xc9: {  	s0 =	sor.u32 s1, s0  }
0xca: {  	s0 =	sadd.s32 $0x8F2B, s0  }
0xcb: {  	[sflag:s0] =	ssyncadd.remote.s32 $0x1  }
0xcc: {  	_ =	sfence.sel $0xFFFF  }
0xcd: {  	[dreg:$0x0] =	wrdreg $0xFFFFFFFF;
	(pc) =	sbr.abs _section_cstart, $3  }
0xce: {  	[dreg:$0x1] =	wrdreg $0xFFFFFFFF  }
0xcf: {  	_ =	task.clear_ibuf [dreg:s22], $0x2FFFF;
	_ =	strace $0x9FFFFFFF  }
0xd0: {  	(tm) =	ssettm $0x7FFFFFFF  }
0xd1: {  	_ =	shalt  }
tec
execute0_lowered:
.L_overlay_start_1:
0x0: {  	(tag) =	ssettag $0x1  }
0x1: {  	s8 =	rddreg [dreg:$0x0];
	s1 =	stileid.u32  }
0x2: {  	s2 =	srdreg.scid;
	s0 =	rddreg [dreg:$0x1]  }
0x3: {  	_ =	strace $0x8000004D;
	s5 =	simm.s32 $0x1;
	s9 =	simm.s32 $0x1  }
0x4: {  	s10 =	simm.s32 $0x3;
	s2 =	sand.u32 $0x1, s2;
	s3 =	sshll.u32 s1, $0x1  }
0x5: {  	s13 =	simm.s32 $0x0;
	s12 =	simm.s32 $0x0;
	s6 =	sor.u32 s3, s2  }
0x6: {  	[sflag:s5] =	ssyncpa.u1 $0x0;
	s2 =	sadd.s32 $0x14C00, s8;
	s4 =	smul.u32 $0x2300, s6  }
0x7: {  	s3 =	sadd.s32 $0x1EE00, s8;
	p0 =	slt.u32 s6, $0x5;
	s6 =	simm.s32 $0x46000  }
.Ltmp0:
0x8: {  	s6 =	simm.s32 @!p0 $0x0;
	s7 =	ssub.s32 $0x4EC00, s4;
	(pc) =	sbr.rel .LBB2_1-.Ltmp0, $4  }
0x9: {  	s9 =	simm.s32 @!p0 $0x0;
	p0 =	sne.s32 s7, s6;
	s7 =	simm.s32 $0x1  }
0xa: {  	s8 =	sadd.s32 $0xB4800, s8;
	s6 =	simm.s32 $0x2;
	s7 =	simm.s32 @!p0 $0x0  }
0xb: {  	s11 =	smov.u32 s4;
	[sflag:s6] =	ssyncpa.u1 $0x0;
	s7 =	sadd.s32 s9, s7  }
0xc: {  	vm0 =	vmmov $0xffff;
	[sflag:s10] =	ssyncpa.u1 $0x0;
	s10 =	simm.s32 $0x0;
	s9 =	sadd.s32 $0x1, s7  }
.LBB2_4:
0xd: {  	v2 =	vnsel vm1, $0x0, v2  }
0xe: {  	vm1 =	vgt.s32 v0, $0x0;
	v2 =	vmin.u32 v2, $0x4E1FF  }
0xf: {  	v0 =	vnsel vm1, $0x0, v0  }
0x10: {  	v0 =	vmin.u32 v0, $0x4E1FF  }
0x11: {  	[tilespmem:s18], [sflag:$0x1] =	stream.indirect_vreg.gather [hbm4b:s2+s10], $0x1, v1, vm0, $0x4038;
	[tilespmem:$0x8C00] =	vst v63  }
0x12: {  	(ifvalue) =	ssetifvalue $0x7FFFFFFF  }
0x13: {  	[tilespmem:s15], [sflag:$0x1] =	stream.indirect_vreg.gather [hbm4b:s2+s10], $0x1, v2, vm0, $0x4038;
	[tilespmem:$0x8C00] =	vst v63  }
0x14: {  	s29 =	sadd.s32 $0x10, s15;
	(ifvalue) =	ssetifvalue $0x7FFFFFFF  }
0x15: {  	[tilespmem:s29], [sflag:$0x1] =	stream.indirect_vreg.gather [hbm4b:s2+s10], $0x1, v0, vm0, $0x4038;
	[tilespmem:$0x8C00] =	vst v63  }
0x16: {  	_ =	swait.ge [sflag:s5], $0x2300  }
0x17: {  	s30 =	sshrl.u32 s13, $0x3;
	[sflag:s5] =	ssyncset.done $0x0  }
0x18: {  	s31 =	sand.u32 $0x7, s13;
	s15 =	sadd.s32 s8, s30;
	[sflag:s5] =	ssyncadd.s32 $0xFFFFDD00  }
0x19: {  	[hbm4b:s15+s31] =	stream.linear.scatter [tilespmem:s14], [sflag:$0x3], $0x2300, $0x38;
	[tilespmem:$0x8C00] =	vst v63  }
.LBB2_5:
0x1a: {  	s15 =	sadd.s32 $0x46000, s11  }
0x1b: {  	p1 =	sgt.s32 s15, $0x4EBFF  }
0x1c: {  	s15 =	smov.u32 @p1 s4;
	p1 =	sne.s32 s12, s9  }
.Ltmp1:
0x1d: {  	p0 =	slt.u32 s12, $0x2;
	(pc) =	sbr.rel @!p1 .LBB2_6-.Ltmp1, $4  }
0x1e: {  	s14 =	simm.s32 @!p0 $0x3  }
0x1f: {  	_ =	swait.ge @!p0 [sflag:s14], $0x2300  }
0x20: {  	s16 =	sadd.s32 $0x1, s12;
	s13 =	smov.u32 s11;
	[sflag:s14] =	ssyncset.done @!p0 $0x0  }
0x21: {  	s12 =	smov.u32 s16;
	s11 =	smov.u32 s15;
	[sflag:s14] =	ssyncadd.s32 @!p0 $0xFFFFDD00  }
.LBB2_1:
0x22: {  	p0 =	sge.u32 s12, s7  }
0x23: {  	s14 =	sxor.u32 @!p0 $0x1, s12  }
0x24: {  	s14 =	smul.u32 @!p0 $0x8C00, s14  }
0x25: {  	s31 =	sadd.s32 $0xFFFFFFFF, s12;
	s15 =	sshrl.u32 @!p0 s11, $0x3  }
0x26: {  	s16 =	sand.u32 @!p0 $0x7, s11;
	s15 =	sadd.s32 @!p0 s3, s15;
	s14 =	sshra.s32 @!p0 s14, $0x2  }
0x27: {  	[tilespmem:s14], [sflag:$0x2] =	stream.linear.gather @!p0 [hbm4b:s15+s16], $0x2300, $0x38;
	[tilespmem:$0x8C00] =	vst v63  }
0x28: {  	p0 =	sge.u32 s31, s7  }
.Ltmp2:
0x29: {  	_ = 	snop;
	(pc) =	sbr.rel @p0 .LBB2_5-.Ltmp2, $1  }
0x2a: {  	_ =	sdelay $0x3  }
0x2b: {  	s14 =	sand.u32 $0x1, s12  }
0x2c: {  	_ =	swait.ge [sflag:s6], $0x2300;
	p0 =	seq.s32 s14, $0x1;
	s14 =	simm.s32 $0x2300  }
0x2d: {  	[sflag:s6] =	ssyncset.done $0x0;
	s14 =	simm.s32 @!p0 $0x0  }
0x2e: {  	[sflag:s6] =	ssyncadd.s32 $0xFFFFDD00;
	(ifvalue) =	ssetifvalue $0x7FFFFFFF;
	v0 =	vld.msk [tilespmem:s14+$0x0 ss:$0x1], $0xffff;
	_ =	sdelay $0x4  }
0x2f: {  	s15 =	sadd.s32 $0x10, s14;
	vm1 =	vgt.s32 v0, $0x0  }
0x30: {  	v2 =	vld.msk [tilespmem:s15+$0x0 ss:$0x1], $0xffff;
	v1 =	vnsel vm1, $0x0, v0  }
0x31: {  	v1 =	vmin.u32 v1, $0x4E1FF;
	_ =	sdelay $0x2  }
0x32: {  	s17 =	simm.s32 $0x20;
	s14 =	sadd.s32 $0x4600, s14;
	s16 =	sadd.s32 $0x10, s15  }
0x33: {  	s15 =	sadd.s32 $0x10, s14;
	s18 =	smov.u32 s14;
	v0 =	vld.msk [tilespmem:s16+$0x0 ss:$0x1], $0xffff;
	vm1 =	vgt.s32 v2, $0x0;
	(ifvalue) =	ssetifvalue $0x7FFFFFFF  }
.LBB2_3:
0x34: {  	[tilespmem:s18], [sflag:$0x1] =	stream.indirect_vreg.gather [hbm4b:s2+s10], $0x1, v1, vm0, $0x4038;
	[tilespmem:$0x8C00] =	vst v63  }
0x35: {  	s17 =	sadd.s32 $0x10, s17  }
0x36: {  	v2 =	vnsel vm1, $0x0, v2;
	p0 =	slt.u32 s17, $0x22F0  }
.Ltmp3:
0x37: {  	s18 =	smov.u32 s15;
	v1 =	vmin.u32 v2, $0x4E1FF;
	(pc) =	sbr.rel @p0 .LBB2_3-.Ltmp3, $3  }
0x38: {  	_ =	sdelay $0x1  }
0x39: {  	s16 =	sadd.s32 $0x10, s16  }
0x3a: {  	vm1 =	vgt.s32 v0, $0x0;
	s15 =	sadd.s32 $0x10, s15;
	v2 =	vmov v0;
	(ifvalue) =	ssetifvalue $0x7FFFFFFF;
	v0 =	vld.msk [tilespmem:s16+$0x0 ss:$0x1], $0xffff  }
.Ltmp4:
0x3b: {  	_ = 	snop;
	(pc) =	sbr.rel .LBB2_4-.Ltmp4, $1  }
0x3c: {  	_ =	sdelay $0x3  }
.LBB2_6:
0x3d: {  	_ =	sfence.sel $0x180000  }
0x3e: {  	s2 =	simm.s32 $0x2;
	[bflag:$0x0] =	sbarrier.arrive $0xFFFF  }
0x3f: {  	s30 =	simm.s32 $0x3;
	[sflag:s2] =	ssyncpa.u1 $0x1  }
0x40: {  	s31 =	simm.s32 $0x1;
	[sflag:s30] =	ssyncpa.u1 $0x1  }
0x41: {  	[sflag:s31] =	ssyncpa.u1 $0x1  }
0x42: {  	p0 =	sne.s32 s1, $0x0;
	_ =	strace $0x9000004D  }
0x43: {  	s0 =	sadd.s32 @!p0 $0x100000, s0;
	[bflag:$0x2] =	sbarrier.arrive $0xFFFF  }
0x44: {  	[sflag:s0] =	ssyncadd.tile.s32 @!p0 $0x1;
	_ =	shalt  }
.Lfunc_end2:
_tile_overlayer_lowered:
.L_overlay_start_2:
0x45: {  	(tag) =	ssettag $0x2  }
0x46: {  	s0 =	rddreg [dreg:$0x0];
	s2 =	stileid.u32  }
0x47: {  	s1 =	rddreg [dreg:$0x1];
	p0 =	sne.s32 s2, $0x0  }
0x48: {  	s3 =	rddreg [dreg:$0x2];
	[bflag:$0x3] =	sbarrier.arrive $0xFFFF;
	s2 =	simm.s32 @!p0 $0x1C01  }
0x49: {  	[timem:s3], [sflag:s2] =	dma.local @!p0 [hbm:s0], s1  }
0x4a: {  	s0 =	simm.s32 @!p0 $0x1  }
0x4b: {  	_ =	swait.ge @!p0 [sflag:s0], s1  }
0x4c: {  	s1 =	ssub.s32 @!p0 $0x0, s1;
	[sflag:s0] =	ssyncset.done @!p0 $0x0  }
0x4d: {  	[sflag:s0] =	ssyncadd.s32 @!p0 s1  }
0x4e: {  	[bflag:$0x3] =	sbarrier.arrive $0xFFFF  }
0x4f: {  	_ =	shalt  }

// kernel: kernel.10.cloned.1.call-start
scs
__scs_entry_jumppad:
0x0: {  	(pc) =	sbr.rel $0x88, $3  }
0x1: {  	(tag) =	ssettag $0x0;
	lr =	simm.s32 $0x1  }
0x2: {  	[smem:$0x3F97] =	sst lr;
	_ =	strace $0xD0000000  }
0x3: {  	_ = 	snop  }
0x4: {  	_ = 	snop  }
0x5: {  	_ = 	snop  }
0x6: {  	_ = 	snop  }
0x7: {  	_ = 	snop  }
__scs_overlays_trampoline_lowered:
0x8: {  	[smem:$0x3FA6] =	sst s0  }
0x9: {  	[smem:$0x3FA7] =	sst s1  }
0xa: {  	[smem:$0x3FA8] =	sst s2  }
0xb: {  	[smem:$0x3FA9] =	sst s3  }
0xc: {  	[smem:$0x3FAA] =	sst s4  }
0xd: {  	[smem:$0x3FAB] =	sst s5  }
0xe: {  	[smem:$0x3FAC] =	sst s6  }
0xf: {  	[smem:$0x3FAD] =	sst s7  }
0x10: {  	[smem:$0x3FAE] =	sst s8  }
0x11: {  	[smem:$0x3FAF] =	sst s9;
	s0 =	simm.s32 @!p0 $0x0  }
0x12: {  	s1 =	sld [smem:$0x3F95];
	s0 =	simm.s32 @p0 $0x1  }
0x13: {  	[smem:$0x3FB0] =	sst s0;
	s0 =	simm.s32 @!p1 $0x0  }
0x14: {  	s2 =	sld [smem:$0x3F94];
	s0 =	simm.s32 @p1 $0x1  }
0x15: {  	[smem:$0x3FB1] =	sst s0;
	s0 =	simm.s32 @!p2 $0x0  }
0x16: {  	s3 =	sld [smem:$0x3FDB];
	s0 =	simm.s32 @p2 $0x1  }
0x17: {  	s4 =	simm.s32 $0x1BF5;
	[smem:$0x3FB3] =	sst s0  }
0x18: {  	s0 =	sld [smem:$0x3F96];
	_ =	swait.ge [sflag:s4], $0x0  }
0x19: {  	s7 =	sld [smem:$0x3F97]  }
0x1a: {  	s8 =	sadd.s32 $0xFFFFE003, lr  }
0x1b: {  	s9 =	sadd.s32 $0xFFFFFEF7, lr;
	s5 =	simm.s32 $0xFFFFFFFF;
	p2 =	slt.u32 s8, $0xFFFFF086  }
0x1c: {  	p1 =	slt.u32 s9, $0xF7A;
	s5 =	simm.s32 @!p2 $0x0  }
0x1d: {  	s5 =	simm.s32 @p1 $0x1;
	p0 =	seq.s32 s7, s2  }
0x1e: {  	s7 =	smul.u32 @!p0 $0xF7A, s2;
	p2 =	seq.s32 @!p0 s5, $0x0  }
0x1f: {  	s9 =	smul.u32 $0xF7A, s1;
	s8 =	simm.s32 @!p0 $0x1BF5;
	p2 =	por !p2, p0  }
0x20: {  	[sflag:s8] =	ssyncset.s32 @!p0 $0xFFFFF086;
	s6 =	sadd.s32 @!p0 s3, s7;
	s7 =	simm.s32 @!p0 $0x108  }
0x21: {  	s3 =	sadd.s32 s3, s9;
	s6 =	sadd.s32 @!p0 $0x88, s6;
	s7 =	simm.s32 @p2 $0x1082  }
0x22: {  	[simem:s7], [sflag:s8] =	dma.local @!p0 [hbm:s6], $0xF7A  }
0x23: {  	s9 =	sor.u32 $0xD0000000, s2;
	s6 =	simm.s32 $0x108;
	_ =	swait.ge @!p0 [sflag:s8], $0x0  }
0x24: {  	s3 =	sadd.s32 $0x88, s3;
	s6 =	simm.s32 @!p1 $0x1082;
	[sflag:s4] =	ssyncset.s32 $0xFFFFF086  }
0x25: {  	[simem:s6], [sflag:s4] =	dma.local [hbm:s3], $0xF7A  }
0x26: {  	[smem:$0x3F97] =	sst s1;
	(tag) =	ssettag s2;
	_ =	strace s9  }
0x27: {  	s1 =	sld [smem:$0x3FA7]  }
0x28: {  	s2 =	sld [smem:$0x3FA8]  }
0x29: {  	s4 =	sld [smem:$0x3FAA]  }
0x2a: {  	p0 =	seq.s32 s5, $0x0;
	s5 =	sld [smem:$0x3FAB]  }
0x2b: {  	s6 =	sld [smem:$0x3FAC]  }
0x2c: {  	s7 =	sld [smem:$0x3FAD]  }
0x2d: {  	s3 =	simm.s32 $0x108;
	s8 =	sld [smem:$0x3FAE]  }
0x2e: {  	s3 =	simm.s32 @!p0 $0x1082;
	s9 =	sld [smem:$0x3FAF]  }
0x2f: {  	lr =	sadd.s32 s0, s3;
	s0 =	sld [smem:$0x3FA6]  }
0x30: {  	s3 =	sld [smem:$0x3FA9]  }
0x31: {  	[smem:$0x3FB2] =	sst s10  }
0x32: {  	s10 =	sld [smem:$0x3FB0];
	_ =	sdelay $0x3  }
0x33: {  	p0 =	seq.s32 s10, $0x1;
	s10 =	sld [smem:$0x3FB2];
	_ =	sdelay $0x3  }
0x34: {  	[smem:$0x3FB2] =	sst s10  }
0x35: {  	s10 =	sld [smem:$0x3FB1];
	_ =	sdelay $0x3  }
0x36: {  	p1 =	seq.s32 s10, $0x1;
	s10 =	sld [smem:$0x3FB2];
	_ =	sdelay $0x3  }
0x37: {  	[smem:$0x3FB2] =	sst s10  }
0x38: {  	s10 =	sld [smem:$0x3FB3]  }
0x39: {  	_ = 	snop;
	(pc) =	sbr.ind lr, $3  }
0x3a: {  	_ = 	snop  }
0x3b: {  	_ = 	snop  }
0x3c: {  	p2 =	seq.s32 s10, $0x1;
	s10 =	sld [smem:$0x3FB2]  }
0x3d: {  	_ =	shalt  }
0x3e: {  	_ =	shalt  }
0x3f: {  	_ =	shalt  }
0x40: {  	_ =	shalt  }
0x41: {  	_ =	shalt  }
0x42: {  	_ =	shalt  }
0x43: {  	_ =	shalt  }
0x44: {  	_ =	shalt  }
0x45: {  	_ =	shalt  }
0x46: {  	_ =	shalt  }
0x47: {  	_ =	shalt  }
0x48: {  	_ =	shalt  }
0x49: {  	_ =	shalt  }
0x4a: {  	_ =	shalt  }
0x4b: {  	_ =	shalt  }
0x4c: {  	_ =	shalt  }
0x4d: {  	_ =	shalt  }
0x4e: {  	_ =	shalt  }
0x4f: {  	_ =	shalt  }
0x50: {  	_ =	shalt  }
0x51: {  	_ =	shalt  }
0x52: {  	_ =	shalt  }
0x53: {  	_ =	shalt  }
0x54: {  	_ =	shalt  }
0x55: {  	_ =	shalt  }
0x56: {  	_ =	shalt  }
0x57: {  	_ =	shalt  }
0x58: {  	_ =	shalt  }
0x59: {  	_ =	shalt  }
0x5a: {  	_ =	shalt  }
0x5b: {  	_ =	shalt  }
0x5c: {  	_ =	shalt  }
0x5d: {  	_ =	shalt  }
0x5e: {  	_ =	shalt  }
0x5f: {  	_ =	shalt  }
0x60: {  	_ =	shalt  }
0x61: {  	_ =	shalt  }
0x62: {  	_ =	shalt  }
0x63: {  	_ =	shalt  }
0x64: {  	_ =	shalt  }
0x65: {  	_ =	shalt  }
0x66: {  	_ =	shalt  }
0x67: {  	_ =	shalt  }
0x68: {  	_ =	shalt  }
0x69: {  	_ =	shalt  }
0x6a: {  	_ =	shalt  }
0x6b: {  	_ =	shalt  }
0x6c: {  	_ =	shalt  }
0x6d: {  	_ =	shalt  }
0x6e: {  	_ =	shalt  }
0x6f: {  	_ =	shalt  }
0x70: {  	_ =	shalt  }
0x71: {  	_ =	shalt  }
0x72: {  	_ =	shalt  }
0x73: {  	_ =	shalt  }
0x74: {  	_ =	shalt  }
0x75: {  	_ =	shalt  }
0x76: {  	_ =	shalt  }
0x77: {  	_ =	shalt  }
0x78: {  	_ =	shalt  }
0x79: {  	_ =	shalt  }
0x7a: {  	_ =	shalt  }
0x7b: {  	_ =	shalt  }
0x7c: {  	_ =	shalt  }
0x7d: {  	_ =	shalt  }
0x7e: {  	_ =	shalt  }
0x7f: {  	_ =	shalt  }
0x80: {  	_ =	shalt  }
0x81: {  	_ =	shalt  }
0x82: {  	_ =	shalt  }
0x83: {  	_ =	shalt  }
0x84: {  	_ =	shalt  }
0x85: {  	_ =	shalt  }
0x86: {  	_ =	shalt  }
0x87: {  	_ =	shalt  }
.Lfunc_end0:
.L_simem_size_0:
called_computation.7_lowered:
.L_overlay_start_0:
0x88: {  	s2 =	sld [smem:$0x3FD9]  }
0x89: {  	s3 =	sld [smem:$0x3FFE];
	_ =	sdelay $0x1  }
0x8a: {  	s1 =	srdreg.scid  }
0x8b: {  	s0 =	sand.u32 $0x1, s1  }
0x8c: {  	s14 =	sshll.u32 s0, $0xA;
	s2 =	sadd.s32 s3, s2  }
0x8d: {  	s2 =	sadd.s32 s2, s14  }
0x8e: {  	[smem:$0x3FBE] =	sst s2  }
0x8f: {  	_ = 	snop  }
0x90: {  	s2 =	sld [smem:$0x3FD0];
	_ =	sdelay $0x2  }
0x91: {  	s15 =	simm.s32 $0xB;
	s4 =	simm.s32 $0x10  }
0x92: {  	[smem:s4], [sflag:s15] =	dma.local [hbm:s2], $0x1  }
0x93: {  	_ =	swait.eq [sflag:s15], $0x1  }
0x94: {  	[sflag:s15] =	ssyncset.done $0x0  }
0x95: {  	[sflag:s15] =	ssyncadd.s32 $0xFFFFFFFF  }
0x96: {  	s16 =	sld [smem:$0x11];
	(tm) =	ssettm $0x1  }
0x97: {  	s17 =	sld [smem:$0x3FFB];
	_ =	sdelay $0x3  }
0x98: {  	_ =	strace s17  }
0x99: {  	s3 =	sld [smem:$0x3FFC];
	_ =	sdelay $0x3  }
0x9a: {  	_ =	strace s3  }
0x9b: {  	s3 =	sld [smem:$0x3FFD];
	_ =	sdelay $0x3  }
0x9c: {  	_ =	strace s3  }
0x9d: {  	_ =	strace $0x8FFFFFFF  }
0x9e: {  	s18 =	sld [smem:$0x3FDB];
	_ =	sdelay $0x1  }
0x9f: {  	s19 =	simm.s32 $_scs_section_size  }
0xa0: {  	s5 =	simm.s32 $_size__tile_overlayer_lowered;
	s6 =	simm.s32 $_tile_overlayer_lowered  }
0xa1: {  	s22 =	simm.s32 $0x1BFF;
	s21 =	sshll.u32 s6, $0x1;
	s3 =	sadd.s32 s19, s18  }
0xa2: {  	s7 =	simm.s32 $0x0;
	s20 =	sshll.u32 s5, $0x1;
	s5 =	sadd.s32 s21, s3  }
0xa3: {  	[timem:s7], [sflag:s22] =	dma.local [hbm:s5], s20  }
0xa4: {  	_ =	swait.ge [sflag:s22], s20  }
0xa5: {  	s4 =	ssub.s32 $0x0, s20;
	[sflag:s22] =	ssyncset.done $0x0  }
0xa6: {  	[sflag:s22] =	ssyncadd.s32 s4;
	_ =	sdelay $0x1  }
0xa7: {  	s23 =	simm.s32 $0x1B8B  }
0xa8: {  	_ =	swait.ge [sflag:s23], $0x1  }
0xa9: {  	[sflag:s23] =	ssyncset.done $0x0  }
0xaa: {  	s25 =	simm.s32 $0x1B8E;
	s24 =	sld [smem:$0x3FFE];
	[sflag:s23] =	ssyncadd.s32 $0xFFFFFFFF  }
0xab: {  	s26 =	simm.s32 $execute0_lowered;
	[smem:$0x3FD2] =	sst s25  }
0xac: {  	s5 =	sshll.u32 s26, $0x1;
	_ =	strace $0x8000005B;
	[dreg:$0x1] =	wrdreg $0xFFFFFFFF  }
0xad: {  	s28 =	simm.s32 $_size_execute0_lowered;
	s3 =	sadd.s32 s3, s5;
	[dreg:$0x0] =	wrdreg $0x0  }
0xae: {  	s5 =	sshll.u32 s28, $0x1;
	[dreg:$0x2] =	wrdreg s3  }
0xaf: {  	[dreg:$0x3] =	wrdreg s5  }
0xb0: {  	[dreg:$0x4] =	wrdreg $0xC0  }
0xb1: {  	_ =	task [dreg:s7], $0x5FFFF  }
0xb2: {  	[dreg:$0x1] =	wrdreg $0xFFFFFFFF  }
0xb3: {  	[dreg:$0x0] =	wrdreg $0x60  }
0xb4: {  	[dreg:$0x2] =	wrdreg s24  }
0xb5: {  	[dreg:$0x3] =	wrdreg s16  }
0xb6: {  	[dreg:$0x4] =	wrdreg $0x15C800  }
0xb7: {  	[dreg:$0x5] =	wrdreg $0x9  }
0xb8: {  	_ =	task.clear_ibuf [dreg:s7], $0x6FFFF;
	_ =	strace $0x9000005B  }
0xb9: {  	s29 =	simm.s32 $0x9;
	_ =	strace $0x8000005D  }
0xba: {  	_ =	swait.ge [sflag:s29], $0x1  }
0xbb: {  	[sflag:s29] =	ssyncadd.s32 $0xFFFFFFFF  }
0xbc: {  	_ =	strace $0x9000005D  }
0xbd: {  	_ =	sfence  }
0xbe: {  	s30 =	sld [smem:$0x0];
	_ =	sdelay $0x2  }
0xbf: {  	s31 =	sshll.u32 s1, $0xD;
	s1 =	sshrl.u32 s1, $0x2  }
0xc0: {  	s3 =	sand.u32 $0x4000, s31;
	s1 =	sadd.s32 s1, s30  }
0xc1: {  	s0 =	sor.u32 s3, s0;
	s1 =	sshll.u32 s1, $0x11  }
0xc2: {  	s0 =	sor.u32 s1, s0  }
0xc3: {  	s0 =	sadd.s32 $0x8F2B, s0  }
0xc4: {  	[sflag:s0] =	ssyncadd.remote.s32 $0x1  }
0xc5: {  	_ =	sfence.sel $0xFFFF  }
0xc6: {  	[dreg:$0x0] =	wrdreg $0xFFFFFFFF;
	(pc) =	sbr.abs _section_cstart, $3  }
0xc7: {  	[dreg:$0x1] =	wrdreg $0xFFFFFFFF  }
0xc8: {  	_ =	task.clear_ibuf [dreg:s7], $0x2FFFF;
	_ =	strace $0x9FFFFFFF  }
0xc9: {  	(tm) =	ssettm $0x7FFFFFFF  }
tec
execute0_lowered:
.L_overlay_start_1:
0x0: {  	(tag) =	ssettag $0x1  }
0x1: {  	s0 =	rddreg [dreg:$0x0]  }
0x2: {  	s1 =	srdreg.scid;
	s13 =	stileid.u32  }
0x3: {  	s5 =	rddreg [dreg:$0x1];
	s6 =	smul.u32 $0x5400, s13  }
0x4: {  	s2 =	rddreg [dreg:$0x2];
	s3 =	simm.s32 $0x0;
	s9 =	smul.u32 $0xA000, s13  }
0x5: {  	s14 =	simm.s32 $0x7;
	s16 =	simm.s32 $0x80;
	s12 =	smul.u32 $0x140, s13  }
0x6: {  	s28 =	simm.s32 $0x3;
	s1 =	sand.u32 $0x1, s1;
	s20 =	smul.u32 $0x28000, s13  }
0x7: {  	s29 =	simm.s32 $0x4;
	s30 =	simm.s32 $0x6;
	s4 =	smul.u32 $0xA8000, s1  }
0x8: {  	s31 =	simm.s32 $0x5;
	[smem:$0x7FF] =	sst s3;
	s7 =	smul.u32 $0xA0000, s1  }
0x9: {  	s26 =	sshll.u32 s13, $0x6;
	_ =	strace $0x8000005C;
	s18 =	smul.u32 $0x54000, s1  }
0xa: {  	s17 =	sshll.u32 s1, $0x4;
	s11 =	ssub.s32 $0x2, s1;
	s1 =	smul.u32 $0x1400, s1  }
0xb: {  	s19 =	sshrl.u32 s11, $0x1;
	s21 =	sshrl.u32 s20, $0x2;
	s4 =	sadd.s32 s6, s4  }
0xc: {  	s7 =	sadd.s32 s9, s7;
	s6 =	sadd.s32 s6, s18;
	s1 =	sadd.s32 s12, s1  }
0xd: {  	s8 =	sshrl.u32 s4, $0x3;
	s4 =	sadd.s32 $0x2B000, s0;
	s6 =	sshrl.u32 s6, $0x3  }
0xe: {  	s1 =	sshll.u32 s1, $0x4;
	s10 =	sadd.s32 s8, s0;
	s5 =	sadd.s32 s5, s6  }
0xf: {  	s8 =	sadd.s32 s17, s0;
	s1 =	sadd.s32 s4, s1;
	[dreg:$0x5] =	wrdreg s5  }
0x10: {  	s7 =	sshrl.u32 s7, $0x3;
	s8 =	sadd.s32 $0xE00, s8;
	[dreg:$0x7] =	wrdreg s1  }
0x11: {  	s0 =	sadd.s32 s7, s0;
	s22 =	sadd.s32 $0x1000, s10;
	[dreg:$0x4] =	wrdreg s8  }
0x12: {  	s20 =	simm.s32 $0xA880;
	s23 =	sadd.s32 $0xA3000, s0;
	[dreg:$0x6] =	wrdreg s22  }
0x13: {  	s7 =	ssub.s32 s11, s19;
	s24 =	sadd.s32 $0xB800, s10;
	[dreg:$0x8] =	wrdreg s23  }
0x14: {  	s17 =	sor.u32 $0x1C07, s26;
	s1 =	sadd.s32 $0x50000, s1;
	[dreg:$0x9] =	wrdreg s24  }
.Ltmp0:
0x15: {  	s0 =	sadd.s32 $0xCB000, s0;
	[dreg:$0xa] =	wrdreg s1;
	(pc) =	sbr.rel .LBB2_1-.Ltmp0, $4  }
0x16: {  	s19 =	simm.s32 $0x78;
	s25 =	smax.u32 s7, $0x1;
	[dreg:$0xb] =	wrdreg s0  }
0x17: {  	s26 =	simm.s32 $0x2;
	s5 =	sadd.s32 s21, s2;
	[dreg:$0xc] =	wrdreg s25  }
0x18: {  	s18 =	sshrl.u32 s5, $0x3;
	s23 =	simm.s32 $0x100;
	s22 =	simm.s32 $0xE480  }
0x19: {  	s24 =	simm.s32 $0x12080;
	s25 =	simm.s32 $0x1;
	s1 =	simm.s32 $0x0  }
.LBB2_8:
0x1a: {  	[sflag:s9] =	ssyncset.done @!p1 $0x0  }
0x1b: {  	s0 =	sadd.s32 @!p1 $0x300, s11;
	s5 =	simm.s32 @!p1 $0x78;
	[sflag:s9] =	ssyncadd.s32 @!p1 $0xFFFFC400  }
0x1c: {  	[tilespmem:s10], [sflag:$0x3] =	stream.indirect.gather @!p1 [hbm4b:s4+s5], $0x80, s0, s5, $0xb8;
	[tilespmem:$0x1FC80] =	vst v63  }
.LBB2_9:
0x1d: {  	_ =	swait.ge [sflag:s29], $0x3C00  }
0x1e: {  	[sflag:s29] =	ssyncset.done $0x0  }
0x1f: {  	[sflag:s29] =	ssyncadd.s32 $0xFFFFC400  }
0x20: {  	_ =	swait.ge [sflag:s31], $0x3C00  }
0x21: {  	[sflag:s31] =	ssyncset.done $0x0  }
0x22: {  	[sflag:s31] =	ssyncadd.s32 $0xFFFFC400  }
0x23: {  	_ =	swait.ge [sflag:s30], $0x3C00  }
0x24: {  	[sflag:s30] =	ssyncset.done $0x0  }
0x25: {  	[sflag:s30] =	ssyncadd.s32 $0xFFFFC400  }
0x26: {  	[bflag:$0x0] =	sbarrier.arrive $0xFFFF  }
0x27: {  	s0 =	rddreg [dreg:$0xb]  }
0x28: {  	[hbm:s0], [sflag:s17] =	dma.local [spmem:s18], $0x1400  }
0x29: {  	_ =	swait.ge [sflag:s14], $0x1400  }
0x2a: {  	s1 =	sadd.s32 $0x1, s1;
	s21 =	rddreg [dreg:$0xc]  }
0x2b: {  	p0 =	sne.s32 s1, s21  }
.Ltmp1:
0x2c: {  	_ = 	snop;
	(pc) =	sbr.rel @!p0 .LBB2_10-.Ltmp1, $3  }
0x2d: {  	_ =	sdelay $0x1  }
0x2e: {  	[sflag:s14] =	ssyncset.done $0x0  }
0x2f: {  	[sflag:s14] =	ssyncadd.s32 $0xFFFFEC00  }
.LBB2_1:
0x30: {  	s0 =	rddreg [dreg:$0x4]  }
0x31: {  	[tilespmem:s3], [sflag:$0x7] =	stream.linear.gather [hbm4b:s0+s3], $0x80, $0x38;
	[tilespmem:$0x1FC80] =	vst v63  }
0x32: {  	_ =	swait.ge [sflag:s14], $0x80  }
0x33: {  	[sflag:s14] =	ssyncset.done $0x0  }
0x34: {  	s5 =	simm.s32 $0x5480;
	s11 =	rddreg [dreg:$0x5];
	[sflag:s14] =	ssyncadd.s32 $0xFFFFFF80  }
0x35: {  	[tilespmem:s5], [sflag:$0x7] =	stream.linear.gather [hbm4b:s11+s3], $0x5400, $0x38;
	[tilespmem:$0x1FC80] =	vst v63  }
0x36: {  	_ =	swait.ge [sflag:s14], $0x5400  }
0x37: {  	[sflag:s14] =	ssyncset.done $0x0  }
0x38: {  	[sflag:s14] =	ssyncadd.s32 $0xFFFFAC00  }
0x39: {  	v0 =	vld [tilespmem:$0x0];
	_ =	sdelay $0x4  }
0x3a: {  	(v2sf) =	vpush v0, $0x0;
	_ =	sdelay $0xc  }
0x3b: {  	s12 =	rddreg [dreg:$0x6]  }
0x3c: {  	[tilespmem:s16], [sflag:$0x7] =	stream.linear.gather [hbm4b:s12+s3], $0x5400, $0x38;
	[tilespmem:$0x1FC80] =	vst v63  }
0x3d: {  	s15 =	spop (v2sf)  }
0x3e: {  	_ =	swait.ge [sflag:s14], $0x5400  }
0x3f: {  	[sflag:s14] =	ssyncset.done $0x0  }
0x40: {  	s13 =	rddreg [dreg:$0x7];
	[sflag:s14] =	ssyncadd.s32 $0xFFFFAC00  }
0x41: {  	[spmem:s18], [sflag:s17] =	dma.local [hbm:s13], $0x1400  }
0x42: {  	_ =	swait.ge [sflag:s14], $0x1400  }
0x43: {  	[sflag:s14] =	ssyncset.done $0x0  }
0x44: {  	[sflag:s14] =	ssyncadd.s32 $0xFFFFEC00  }
0x45: {  	[tilespmem:s20], [sflag:$0x1] =	stream.indirect.gather [hbm4b:s4+s19], $0x80, s16, s19, $0xb8;
	[tilespmem:$0x1FC80] =	vst v63  }
0x46: {  	p0 =	slt.s32 s15, $0x1  }
0x47: {  	[tilespmem:s22], [sflag:$0x2] =	stream.indirect.gather [hbm4b:s4+s19], $0x80, s23, s19, $0xb8;
	[tilespmem:$0x1FC80] =	vst v63  }
.Ltmp2:
0x48: {  	_ = 	snop;
	(pc) =	sbr.rel @p0 .LBB2_5-.Ltmp2, $4  }
0x49: {  	s21 =	simm.s32 $0x180  }
0x4a: {  	[tilespmem:s24], [sflag:$0x3] =	stream.indirect.gather [hbm4b:s4+s19], $0x80, s21, s19, $0xb8;
	[tilespmem:$0x1FC80] =	vst v63  }
0x4b: {  	[bflag:$0x0] =	sbarrier.arrive $0xFFFF  }
0x4c: {  	s0 =	smul.u32 $0x3, s15  }
0x4d: {  	_ =	swait.ge [sflag:s25], $0x3C00  }
0x4e: {  	[sflag:s25] =	ssyncset.done $0x0  }
0x4f: {  	s5 =	simm.s32 $0x5480;
	[sflag:s25] =	ssyncadd.s32 $0xFFFFC400  }
0x50: {  	[spmem:s2] =	stream.indirect.scatter.add.f32 [tilespmem:s20], [sflag:$0x4], $0x80, s5, s19, $0xb8;
	[tilespmem:$0x1FC80] =	vst v63  }
0x51: {  	_ =	swait.ge [sflag:s26], $0x3C00  }
0x52: {  	[sflag:s26] =	ssyncset.done $0x0  }
0x53: {  	s21 =	simm.s32 $0x5500;
	[sflag:s26] =	ssyncadd.s32 $0xFFFFC400  }
0x54: {  	[spmem:s2] =	stream.indirect.scatter.add.f32 [tilespmem:s22], [sflag:$0x5], $0x80, s21, s19, $0xb8;
	[tilespmem:$0x1FC80] =	vst v63  }
0x55: {  	_ =	swait.ge [sflag:s28], $0x3C00  }
0x56: {  	p1 =	sle.s32 s0, $0x3;
	[sflag:s28] =	ssyncset.done $0x0  }
0x57: {  	s23 =	simm.s32 $0x5580;
	s6 =	simm.s32 @!p1 $0x4;
	[sflag:s28] =	ssyncadd.s32 $0xFFFFC400  }
0x58: {  	[spmem:s2] =	stream.indirect.scatter.add.f32 [tilespmem:s24], [sflag:$0x6], $0x80, s23, s19, $0xb8;
	[tilespmem:$0x1FC80] =	vst v63  }
0x59: {  	p3 =	sle.s32 s0, $0x4;
	s7 =	simm.s32 @!p1 $0x200;
	_ =	swait.ge @!p1 [sflag:s6], $0x3C00  }
0x5a: {  	s9 =	simm.s32 @!p1 $0xA880;
	s10 =	simm.s32 @!p1 $0x78;
	[sflag:s6] =	ssyncset.done @!p1 $0x0  }
0x5b: {  	s11 =	simm.s32 @!p3 $0x5;
	s5 =	sadd.s32 $0xFFFFFFFF, s15;
	[sflag:s6] =	ssyncadd.s32 @!p1 $0xFFFFC400  }
0x5c: {  	[tilespmem:s9], [sflag:$0x1] =	stream.indirect.gather @!p1 [hbm4b:s4+s10], $0x80, s7, s10, $0xb8;
	[tilespmem:$0x1FC80] =	vst v63  }
0x5d: {  	p2 =	sle.s32 s0, $0x5;
	p1 =	sne.s32 s5, $0x0;
	_ =	swait.ge @!p3 [sflag:s11], $0x3C00  }
.Ltmp3:
0x5e: {  	s6 =	simm.s32 @!p3 $0x280;
	[sflag:s11] =	ssyncset.done @!p3 $0x0;
	(pc) =	sbr.rel @!p1 .LBB2_4-.Ltmp3, $4  }
0x5f: {  	s7 =	simm.s32 @!p3 $0x78;
	s9 =	simm.s32 @!p3 $0xE480;
	[sflag:s11] =	ssyncadd.s32 @!p3 $0xFFFFC400  }
0x60: {  	[tilespmem:s9], [sflag:$0x2] =	stream.indirect.gather @!p3 [hbm4b:s4+s7], $0x80, s6, s7, $0xb8;
	[tilespmem:$0x1FC80] =	vst v63  }
0x61: {  	s10 =	simm.s32 @!p2 $0x12080;
	s11 =	simm.s32 @!p2 $0x0;
	s9 =	simm.s32 @!p2 $0x6  }
0x62: {  	s6 =	simm.s32 $0x8;
	s7 =	simm.s32 $0x600;
	_ =	swait.ge @!p2 [sflag:s9], $0x3C00  }
.LBB2_3:
0x63: {  	s5 =	sadd.s32 $0xFFFFFFFF, s5;
	[sflag:s9] =	ssyncset.done @!p2 $0x0;
	s11 =	sadd.s32 @!p2 $0x300, s11  }
0x64: {  	s12 =	sshra.s32 s7, $0x2;
	[sflag:s9] =	ssyncadd.s32 @!p2 $0xFFFFC400;
	s9 =	simm.s32 @!p2 $0x78  }
0x65: {  	[tilespmem:s10], [sflag:$0x3] =	stream.indirect.gather @!p2 [hbm4b:s4+s9], $0x80, s11, s9, $0xb8;
	[tilespmem:$0x1FC80] =	vst v63  }
0x66: {  	p1 =	sne.s32 s5, $0x0;
	s9 =	sadd.s32 $0x5480, s12;
	_ =	swait.ge [sflag:s25], $0x3C00  }
0x67: {  	s10 =	smov.u32 s6;
	s11 =	smov.u32 s7;
	[sflag:s25] =	ssyncset.done $0x0  }
0x68: {  	[sflag:s25] =	ssyncadd.s32 $0xFFFFC400  }
0x69: {  	[spmem:s2] =	stream.indirect.scatter.add.f32 [tilespmem:s20], [sflag:$0x4], $0x80, s9, s19, $0xb8;
	[tilespmem:$0x1FC80] =	vst v63  }
0x6a: {  	s9 =	sadd.s32 $0x5500, s12;
	_ =	swait.ge [sflag:s26], $0x3C00  }
0x6b: {  	[sflag:s26] =	ssyncset.done $0x0  }
0x6c: {  	s13 =	sadd.s32 $0xFFFFFFFE, s6;
	s21 =	sadd.s32 $0xFFFFFFFF, s6;
	[sflag:s26] =	ssyncadd.s32 $0xFFFFC400  }
0x6d: {  	[spmem:s2] =	stream.indirect.scatter.add.f32 [tilespmem:s22], [sflag:$0x5], $0x80, s9, s19, $0xb8;
	[tilespmem:$0x1FC80] =	vst v63  }
0x6e: {  	p2 =	sge.s32 s13, s0;
	s9 =	sadd.s32 $0x5580, s12;
	_ =	swait.ge [sflag:s28], $0x3C00  }
0x6f: {  	s13 =	sshra.s32 @!p2 s7, $0x2;
	s12 =	simm.s32 @!p2 $0x4;
	[sflag:s28] =	ssyncset.done $0x0  }
0x70: {  	s23 =	simm.s32 @!p2 $0xA880;
	s13 =	sadd.s32 @!p2 $0x200, s13;
	[sflag:s28] =	ssyncadd.s32 $0xFFFFC400  }
0x71: {  	[spmem:s2] =	stream.indirect.scatter.add.f32 [tilespmem:s24], [sflag:$0x6], $0x80, s9, s19, $0xb8;
	[tilespmem:$0x1FC80] =	vst v63  }
0x72: {  	p3 =	sge.s32 s21, s0;
	s9 =	simm.s32 @!p2 $0x78;
	_ =	swait.ge @!p2 [sflag:s12], $0x3C00  }
0x73: {  	s21 =	simm.s32 @!p3 $0x5;
	s8 =	sshra.s32 @!p3 s7, $0x2;
	[sflag:s12] =	ssyncset.done @!p2 $0x0  }
0x74: {  	s6 =	sadd.s32 $0x3, s6;
	s8 =	sadd.s32 @!p3 $0x280, s8;
	[sflag:s12] =	ssyncadd.s32 @!p2 $0xFFFFC400  }
0x75: {  	[tilespmem:s23], [sflag:$0x1] =	stream.indirect.gather @!p2 [hbm4b:s4+s9], $0x80, s13, s9, $0xb8;
	[tilespmem:$0x1FC80] =	vst v63  }
.Ltmp4:
0x76: {  	s12 =	simm.s32 @!p3 $0x78;
	_ =	swait.ge @!p3 [sflag:s21], $0x3C00;
	(pc) =	sbr.rel @p1 .LBB2_3-.Ltmp4, $4  }
0x77: {  	s7 =	sadd.s32 $0x600, s7;
	p2 =	sge.s32 s10, s0;
	[sflag:s21] =	ssyncset.done @!p3 $0x0  }
0x78: {  	s10 =	simm.s32 @!p3 $0xE480;
	s9 =	simm.s32 @!p2 $0x6;
	[sflag:s21] =	ssyncadd.s32 @!p3 $0xFFFFC400  }
0x79: {  	[tilespmem:s10], [sflag:$0x2] =	stream.indirect.gather @!p3 [hbm4b:s4+s12], $0x80, s8, s12, $0xb8;
	[tilespmem:$0x1FC80] =	vst v63  }
0x7a: {  	s11 =	sshra.s32 @!p2 s11, $0x2;
	s10 =	simm.s32 @!p2 $0x12080;
	_ =	swait.ge @!p2 [sflag:s9], $0x3C00  }
.LBB2_4:
0x7b: {  	[sflag:s9] =	ssyncset.done @!p2 $0x0;
	s5 =	sadd.s32 @!p2 $0x300, s11  }
0x7c: {  	s6 =	simm.s32 @!p2 $0x78;
	s23 =	simm.s32 $0x100;
	[sflag:s9] =	ssyncadd.s32 @!p2 $0xFFFFC400  }
0x7d: {  	[tilespmem:s10], [sflag:$0x3] =	stream.indirect.gather @!p2 [hbm4b:s4+s6], $0x80, s5, s6, $0xb8;
	[tilespmem:$0x1FC80] =	vst v63  }
.LBB2_5:
0x7e: {  	_ =	swait.ge [sflag:s29], $0x3C00  }
0x7f: {  	[sflag:s29] =	ssyncset.done $0x0  }
0x80: {  	s5 =	simm.s32 $0x5;
	[sflag:s29] =	ssyncadd.s32 $0xFFFFC400  }
0x81: {  	_ =	swait.ge [sflag:s5], $0x3C00  }
0x82: {  	[sflag:s5] =	ssyncset.done $0x0  }
0x83: {  	[sflag:s5] =	ssyncadd.s32 $0xFFFFC400  }
0x84: {  	_ =	swait.ge [sflag:s30], $0x3C00  }
0x85: {  	[sflag:s30] =	ssyncset.done $0x0  }
0x86: {  	[sflag:s30] =	ssyncadd.s32 $0xFFFFC400  }
0x87: {  	[bflag:$0x0] =	sbarrier.arrive $0xFFFF  }
0x88: {  	s11 =	rddreg [dreg:$0x8]  }
0x89: {  	[hbm:s11], [sflag:s17] =	dma.local [spmem:s18], $0x1400  }
0x8a: {  	_ =	swait.ge [sflag:s14], $0x1400  }
0x8b: {  	[sflag:s14] =	ssyncset.done $0x0  }
0x8c: {  	s12 =	simm.s32 $0x0;
	s6 =	rddreg [dreg:$0x9];
	[sflag:s14] =	ssyncadd.s32 $0xFFFFEC00  }
0x8d: {  	[tilespmem:s16], [sflag:$0x7] =	stream.linear.gather [hbm4b:s6+s12], $0x5400, $0x38;
	[tilespmem:$0x1FC80] =	vst v63  }
0x8e: {  	_ =	swait.ge [sflag:s14], $0x5400  }
0x8f: {  	[sflag:s14] =	ssyncset.done $0x0  }
0x90: {  	s13 =	rddreg [dreg:$0xa];
	[sflag:s14] =	ssyncadd.s32 $0xFFFFAC00  }
0x91: {  	[spmem:s18], [sflag:s17] =	dma.local [hbm:s13], $0x1400  }
0x92: {  	_ =	swait.ge [sflag:s14], $0x1400  }
0x93: {  	[sflag:s14] =	ssyncset.done $0x0  }
0x94: {  	[sflag:s14] =	ssyncadd.s32 $0xFFFFEC00  }
0x95: {  	[tilespmem:s20], [sflag:$0x1] =	stream.indirect.gather [hbm4b:s4+s19], $0x80, s16, s19, $0xb8;
	[tilespmem:$0x1FC80] =	vst v63  }
0x96: {  	_ = 	snop  }
0x97: {  	[tilespmem:s22], [sflag:$0x2] =	stream.indirect.gather [hbm4b:s4+s19], $0x80, s23, s19, $0xb8;
	[tilespmem:$0x1FC80] =	vst v63  }
.Ltmp5:
0x98: {  	_ = 	snop;
	(pc) =	sbr.rel @p0 .LBB2_9-.Ltmp5, $3  }
0x99: {  	s21 =	simm.s32 $0x180  }
0x9a: {  	[tilespmem:s24], [sflag:$0x3] =	stream.indirect.gather [hbm4b:s4+s19], $0x80, s21, s19, $0xb8;
	[tilespmem:$0x1FC80] =	vst v63  }
0x9b: {  	[bflag:$0x0] =	sbarrier.arrive $0xFFFF;
	_ =	sdelay $0x1  }
0x9c: {  	_ =	swait.ge [sflag:s25], $0x3C00  }
0x9d: {  	[sflag:s25] =	ssyncset.done $0x0  }
0x9e: {  	s5 =	simm.s32 $0x5480;
	[sflag:s25] =	ssyncadd.s32 $0xFFFFC400  }
0x9f: {  	[spmem:s2] =	stream.indirect.scatter.add.f32 [tilespmem:s20], [sflag:$0x4], $0x80, s5, s19, $0xb8;
	[tilespmem:$0x1FC80] =	vst v63  }
0xa0: {  	_ =	swait.ge [sflag:s26], $0x3C00  }
0xa1: {  	[sflag:s26] =	ssyncset.done $0x0  }
0xa2: {  	s13 =	simm.s32 $0x5500;
	[sflag:s26] =	ssyncadd.s32 $0xFFFFC400  }
0xa3: {  	[spmem:s2] =	stream.indirect.scatter.add.f32 [tilespmem:s22], [sflag:$0x5], $0x80, s13, s19, $0xb8;
	[tilespmem:$0x1FC80] =	vst v63  }
0xa4: {  	_ =	swait.ge [sflag:s28], $0x3C00  }
0xa5: {  	p0 =	sle.s32 s0, $0x3;
	[sflag:s28] =	ssyncset.done $0x0  }
0xa6: {  	s21 =	simm.s32 $0x5580;
	s6 =	simm.s32 @!p0 $0x4;
	[sflag:s28] =	ssyncadd.s32 $0xFFFFC400  }
0xa7: {  	[spmem:s2] =	stream.indirect.scatter.add.f32 [tilespmem:s24], [sflag:$0x6], $0x80, s21, s19, $0xb8;
	[tilespmem:$0x1FC80] =	vst v63  }
0xa8: {  	p2 =	sle.s32 s0, $0x4;
	p1 =	sle.s32 s0, $0x5;
	_ =	swait.ge @!p0 [sflag:s6], $0x3C00  }
0xa9: {  	s7 =	simm.s32 @!p0 $0x200;
	s8 =	simm.s32 @!p0 $0xA880;
	[sflag:s6] =	ssyncset.done @!p0 $0x0  }
0xaa: {  	s9 =	simm.s32 @!p0 $0x78;
	s5 =	sadd.s32 $0xFFFFFFFF, s15;
	[sflag:s6] =	ssyncadd.s32 @!p0 $0xFFFFC400  }
0xab: {  	[tilespmem:s8], [sflag:$0x1] =	stream.indirect.gather @!p0 [hbm4b:s4+s9], $0x80, s7, s9, $0xb8;
	[tilespmem:$0x1FC80] =	vst v63  }
0xac: {  	s10 =	simm.s32 @!p2 $0x5;
	s11 =	simm.s32 @!p1 $0x0;
	p0 =	sne.s32 s5, $0x0  }
.Ltmp6:
0xad: {  	s6 =	simm.s32 @!p2 $0x280;
	_ =	swait.ge @!p2 [sflag:s10], $0x3C00;
	(pc) =	sbr.rel @!p0 .LBB2_8-.Ltmp6, $4  }
0xae: {  	s7 =	simm.s32 @!p2 $0x78;
	s8 =	simm.s32 @!p2 $0xE480;
	[sflag:s10] =	ssyncset.done @!p2 $0x0  }
0xaf: {  	s9 =	simm.s32 @!p1 $0x6;
	[sflag:s10] =	ssyncadd.s32 @!p2 $0xFFFFC400;
	s10 =	simm.s32 @!p1 $0x12080  }
0xb0: {  	[tilespmem:s8], [sflag:$0x2] =	stream.indirect.gather @!p2 [hbm4b:s4+s7], $0x80, s6, s7, $0xb8;
	[tilespmem:$0x1FC80] =	vst v63  }
0xb1: {  	s6 =	simm.s32 $0x8;
	s7 =	simm.s32 $0x600;
	_ =	swait.ge @!p1 [sflag:s9], $0x3C00  }
.LBB2_7:
0xb2: {  	s5 =	sadd.s32 $0xFFFFFFFF, s5;
	[sflag:s9] =	ssyncset.done @!p1 $0x0;
	s8 =	sadd.s32 @!p1 $0x300, s11  }
0xb3: {  	s11 =	sshra.s32 s7, $0x2;
	[sflag:s9] =	ssyncadd.s32 @!p1 $0xFFFFC400;
	s9 =	simm.s32 @!p1 $0x78  }
0xb4: {  	[tilespmem:s10], [sflag:$0x3] =	stream.indirect.gather @!p1 [hbm4b:s4+s9], $0x80, s8, s9, $0xb8;
	[tilespmem:$0x1FC80] =	vst v63  }
0xb5: {  	p0 =	sne.s32 s5, $0x0;
	s8 =	sadd.s32 $0x5480, s11;
	_ =	swait.ge [sflag:s25], $0x3C00  }
0xb6: {  	s9 =	smov.u32 s6;
	s10 =	smov.u32 s7;
	[sflag:s25] =	ssyncset.done $0x0  }
0xb7: {  	[sflag:s25] =	ssyncadd.s32 $0xFFFFC400  }
0xb8: {  	[spmem:s2] =	stream.indirect.scatter.add.f32 [tilespmem:s20], [sflag:$0x4], $0x80, s8, s19, $0xb8;
	[tilespmem:$0x1FC80] =	vst v63  }
0xb9: {  	s8 =	sadd.s32 $0x5500, s11;
	_ =	swait.ge [sflag:s26], $0x3C00  }
0xba: {  	[sflag:s26] =	ssyncset.done $0x0  }
0xbb: {  	s12 =	sadd.s32 $0xFFFFFFFE, s6;
	s13 =	sadd.s32 $0xFFFFFFFF, s6;
	[sflag:s26] =	ssyncadd.s32 $0xFFFFC400  }
0xbc: {  	[spmem:s2] =	stream.indirect.scatter.add.f32 [tilespmem:s22], [sflag:$0x5], $0x80, s8, s19, $0xb8;
	[tilespmem:$0x1FC80] =	vst v63  }
0xbd: {  	p1 =	sge.s32 s12, s0;
	s8 =	sadd.s32 $0x5580, s11;
	_ =	swait.ge [sflag:s28], $0x3C00  }
0xbe: {  	s12 =	sshra.s32 @!p1 s7, $0x2;
	s11 =	simm.s32 @!p1 $0x4;
	[sflag:s28] =	ssyncset.done $0x0  }
0xbf: {  	s15 =	simm.s32 @!p1 $0xA880;
	s12 =	sadd.s32 @!p1 $0x200, s12;
	[sflag:s28] =	ssyncadd.s32 $0xFFFFC400  }
0xc0: {  	[spmem:s2] =	stream.indirect.scatter.add.f32 [tilespmem:s24], [sflag:$0x6], $0x80, s8, s19, $0xb8;
	[tilespmem:$0x1FC80] =	vst v63  }
0xc1: {  	p2 =	sge.s32 s13, s0;
	s8 =	simm.s32 @!p1 $0x78;
	_ =	swait.ge @!p1 [sflag:s11], $0x3C00  }
0xc2: {  	s13 =	simm.s32 @!p2 $0x5;
	s21 =	sshra.s32 @!p2 s7, $0x2;
	[sflag:s11] =	ssyncset.done @!p1 $0x0  }
0xc3: {  	s6 =	sadd.s32 $0x3, s6;
	[sflag:s11] =	ssyncadd.s32 @!p1 $0xFFFFC400;
	s11 =	sadd.s32 @!p2 $0x280, s21  }
0xc4: {  	[tilespmem:s15], [sflag:$0x1] =	stream.indirect.gather @!p1 [hbm4b:s4+s8], $0x80, s12, s8, $0xb8;
	[tilespmem:$0x1FC80] =	vst v63  }
.Ltmp7:
0xc5: {  	s8 =	simm.s32 @!p2 $0x78;
	_ =	swait.ge @!p2 [sflag:s13], $0x3C00;
	(pc) =	sbr.rel @p0 .LBB2_7-.Ltmp7, $4  }
0xc6: {  	s7 =	sadd.s32 $0x600, s7;
	p1 =	sge.s32 s9, s0;
	[sflag:s13] =	ssyncset.done @!p2 $0x0  }
0xc7: {  	s12 =	simm.s32 @!p2 $0xE480;
	s9 =	simm.s32 @!p1 $0x6;
	[sflag:s13] =	ssyncadd.s32 @!p2 $0xFFFFC400  }
0xc8: {  	[tilespmem:s12], [sflag:$0x2] =	stream.indirect.gather @!p2 [hbm4b:s4+s8], $0x80, s11, s8, $0xb8;
	[tilespmem:$0x1FC80] =	vst v63  }
0xc9: {  	s11 =	sshra.s32 @!p1 s10, $0x2;
	s10 =	simm.s32 @!p1 $0x12080;
	_ =	swait.ge @!p1 [sflag:s9], $0x3C00  }
.Ltmp8:
0xca: {  	_ = 	snop;
	(pc) =	sbr.rel .LBB2_8-.Ltmp8, $1  }
0xcb: {  	_ =	sdelay $0x3  }
.LBB2_10:
0xcc: {  	_ =	sfence.sel $0x180000  }
0xcd: {  	[bflag:$0x0] =	sbarrier.arrive $0xFFFF  }
0xce: {  	_ =	strace $0x9000005C  }
0xcf: {  	s0 =	stileid.u32;
	[bflag:$0x2] =	sbarrier.arrive $0xFFFF  }
0xd0: {  	p0 =	sne.s32 s0, $0x0;
	s0 =	rddreg [dreg:$0x3]  }
0xd1: {  	s0 =	sadd.s32 @!p0 $0x100000, s0  }
0xd2: {  	[sflag:s0] =	ssyncadd.tile.s32 @!p0 $0x1;
	_ =	shalt  }
.Lfunc_end2:
_tile_overlayer_lowered:
.L_overlay_start_2:
0xd3: {  	(tag) =	ssettag $0x2  }
0xd4: {  	s0 =	rddreg [dreg:$0x0];
	s2 =	stileid.u32  }
0xd5: {  	s1 =	rddreg [dreg:$0x1];
	p0 =	sne.s32 s2, $0x0  }
0xd6: {  	s3 =	rddreg [dreg:$0x2];
	[bflag:$0x3] =	sbarrier.arrive $0xFFFF;
	s2 =	simm.s32 @!p0 $0x1C07  }
0xd7: {  	[timem:s3], [sflag:s2] =	dma.local @!p0 [hbm:s0], s1  }
0xd8: {  	s0 =	simm.s32 @!p0 $0x7  }
0xd9: {  	_ =	swait.ge @!p0 [sflag:s0], s1  }
0xda: {  	s1 =	ssub.s32 @!p0 $0x0, s1;
	[sflag:s0] =	ssyncset.done @!p0 $0x0  }
0xdb: {  	[sflag:s0] =	ssyncadd.s32 @!p0 s1  }
0xdc: {  	[bflag:$0x3] =	sbarrier.arrive $0xFFFF  }
0xdd: {  	_ =	shalt  }

// kernel: kernel.7.cloned.1.call-start
scs
__scs_entry_jumppad:
0x0: {  	(pc) =	sbr.rel $0x88, $3  }
0x1: {  	(tag) =	ssettag $0x0;
	lr =	simm.s32 $0x1  }
0x2: {  	[smem:$0x3F97] =	sst lr;
	_ =	strace $0xD0000000  }
0x3: {  	_ = 	snop  }
0x4: {  	_ = 	snop  }
0x5: {  	_ = 	snop  }
0x6: {  	_ = 	snop  }
0x7: {  	_ = 	snop  }
__scs_overlays_trampoline_lowered:
0x8: {  	[smem:$0x3FA6] =	sst s0  }
0x9: {  	[smem:$0x3FA7] =	sst s1  }
0xa: {  	[smem:$0x3FA8] =	sst s2  }
0xb: {  	[smem:$0x3FA9] =	sst s3  }
0xc: {  	[smem:$0x3FAA] =	sst s4  }
0xd: {  	[smem:$0x3FAB] =	sst s5  }
0xe: {  	[smem:$0x3FAC] =	sst s6  }
0xf: {  	[smem:$0x3FAD] =	sst s7  }
0x10: {  	[smem:$0x3FAE] =	sst s8  }
0x11: {  	[smem:$0x3FAF] =	sst s9;
	s0 =	simm.s32 @!p0 $0x0  }
0x12: {  	s1 =	sld [smem:$0x3F95];
	s0 =	simm.s32 @p0 $0x1  }
0x13: {  	[smem:$0x3FB0] =	sst s0;
	s0 =	simm.s32 @!p1 $0x0  }
0x14: {  	s2 =	sld [smem:$0x3F94];
	s0 =	simm.s32 @p1 $0x1  }
0x15: {  	[smem:$0x3FB1] =	sst s0;
	s0 =	simm.s32 @!p2 $0x0  }
0x16: {  	s3 =	sld [smem:$0x3FDB];
	s0 =	simm.s32 @p2 $0x1  }
0x17: {  	s4 =	simm.s32 $0x1BF5;
	[smem:$0x3FB3] =	sst s0  }
0x18: {  	s0 =	sld [smem:$0x3F96];
	_ =	swait.ge [sflag:s4], $0x0  }
0x19: {  	s7 =	sld [smem:$0x3F97]  }
0x1a: {  	s8 =	sadd.s32 $0xFFFFE003, lr  }
0x1b: {  	s9 =	sadd.s32 $0xFFFFFEF7, lr;
	s5 =	simm.s32 $0xFFFFFFFF;
	p2 =	slt.u32 s8, $0xFFFFF086  }
0x1c: {  	p1 =	slt.u32 s9, $0xF7A;
	s5 =	simm.s32 @!p2 $0x0  }
0x1d: {  	s5 =	simm.s32 @p1 $0x1;
	p0 =	seq.s32 s7, s2  }
0x1e: {  	s7 =	smul.u32 @!p0 $0xF7A, s2;
	p2 =	seq.s32 @!p0 s5, $0x0  }
0x1f: {  	s9 =	smul.u32 $0xF7A, s1;
	s8 =	simm.s32 @!p0 $0x1BF5;
	p2 =	por !p2, p0  }
0x20: {  	[sflag:s8] =	ssyncset.s32 @!p0 $0xFFFFF086;
	s6 =	sadd.s32 @!p0 s3, s7;
	s7 =	simm.s32 @!p0 $0x108  }
0x21: {  	s3 =	sadd.s32 s3, s9;
	s6 =	sadd.s32 @!p0 $0x88, s6;
	s7 =	simm.s32 @p2 $0x1082  }
0x22: {  	[simem:s7], [sflag:s8] =	dma.local @!p0 [hbm:s6], $0xF7A  }
0x23: {  	s9 =	sor.u32 $0xD0000000, s2;
	s6 =	simm.s32 $0x108;
	_ =	swait.ge @!p0 [sflag:s8], $0x0  }
0x24: {  	s3 =	sadd.s32 $0x88, s3;
	s6 =	simm.s32 @!p1 $0x1082;
	[sflag:s4] =	ssyncset.s32 $0xFFFFF086  }
0x25: {  	[simem:s6], [sflag:s4] =	dma.local [hbm:s3], $0xF7A  }
0x26: {  	[smem:$0x3F97] =	sst s1;
	(tag) =	ssettag s2;
	_ =	strace s9  }
0x27: {  	s1 =	sld [smem:$0x3FA7]  }
0x28: {  	s2 =	sld [smem:$0x3FA8]  }
0x29: {  	s4 =	sld [smem:$0x3FAA]  }
0x2a: {  	p0 =	seq.s32 s5, $0x0;
	s5 =	sld [smem:$0x3FAB]  }
0x2b: {  	s6 =	sld [smem:$0x3FAC]  }
0x2c: {  	s7 =	sld [smem:$0x3FAD]  }
0x2d: {  	s3 =	simm.s32 $0x108;
	s8 =	sld [smem:$0x3FAE]  }
0x2e: {  	s3 =	simm.s32 @!p0 $0x1082;
	s9 =	sld [smem:$0x3FAF]  }
0x2f: {  	lr =	sadd.s32 s0, s3;
	s0 =	sld [smem:$0x3FA6]  }
0x30: {  	s3 =	sld [smem:$0x3FA9]  }
0x31: {  	[smem:$0x3FB2] =	sst s10  }
0x32: {  	s10 =	sld [smem:$0x3FB0];
	_ =	sdelay $0x3  }
0x33: {  	p0 =	seq.s32 s10, $0x1;
	s10 =	sld [smem:$0x3FB2];
	_ =	sdelay $0x3  }
0x34: {  	[smem:$0x3FB2] =	sst s10  }
0x35: {  	s10 =	sld [smem:$0x3FB1];
	_ =	sdelay $0x3  }
0x36: {  	p1 =	seq.s32 s10, $0x1;
	s10 =	sld [smem:$0x3FB2];
	_ =	sdelay $0x3  }
0x37: {  	[smem:$0x3FB2] =	sst s10  }
0x38: {  	s10 =	sld [smem:$0x3FB3]  }
0x39: {  	_ = 	snop;
	(pc) =	sbr.ind lr, $3  }
0x3a: {  	_ = 	snop  }
0x3b: {  	_ = 	snop  }
0x3c: {  	p2 =	seq.s32 s10, $0x1;
	s10 =	sld [smem:$0x3FB2]  }
0x3d: {  	_ =	shalt  }
0x3e: {  	_ =	shalt  }
0x3f: {  	_ =	shalt  }
0x40: {  	_ =	shalt  }
0x41: {  	_ =	shalt  }
0x42: {  	_ =	shalt  }
0x43: {  	_ =	shalt  }
0x44: {  	_ =	shalt  }
0x45: {  	_ =	shalt  }
0x46: {  	_ =	shalt  }
0x47: {  	_ =	shalt  }
0x48: {  	_ =	shalt  }
0x49: {  	_ =	shalt  }
0x4a: {  	_ =	shalt  }
0x4b: {  	_ =	shalt  }
0x4c: {  	_ =	shalt  }
0x4d: {  	_ =	shalt  }
0x4e: {  	_ =	shalt  }
0x4f: {  	_ =	shalt  }
0x50: {  	_ =	shalt  }
0x51: {  	_ =	shalt  }
0x52: {  	_ =	shalt  }
0x53: {  	_ =	shalt  }
0x54: {  	_ =	shalt  }
0x55: {  	_ =	shalt  }
0x56: {  	_ =	shalt  }
0x57: {  	_ =	shalt  }
0x58: {  	_ =	shalt  }
0x59: {  	_ =	shalt  }
0x5a: {  	_ =	shalt  }
0x5b: {  	_ =	shalt  }
0x5c: {  	_ =	shalt  }
0x5d: {  	_ =	shalt  }
0x5e: {  	_ =	shalt  }
0x5f: {  	_ =	shalt  }
0x60: {  	_ =	shalt  }
0x61: {  	_ =	shalt  }
0x62: {  	_ =	shalt  }
0x63: {  	_ =	shalt  }
0x64: {  	_ =	shalt  }
0x65: {  	_ =	shalt  }
0x66: {  	_ =	shalt  }
0x67: {  	_ =	shalt  }
0x68: {  	_ =	shalt  }
0x69: {  	_ =	shalt  }
0x6a: {  	_ =	shalt  }
0x6b: {  	_ =	shalt  }
0x6c: {  	_ =	shalt  }
0x6d: {  	_ =	shalt  }
0x6e: {  	_ =	shalt  }
0x6f: {  	_ =	shalt  }
0x70: {  	_ =	shalt  }
0x71: {  	_ =	shalt  }
0x72: {  	_ =	shalt  }
0x73: {  	_ =	shalt  }
0x74: {  	_ =	shalt  }
0x75: {  	_ =	shalt  }
0x76: {  	_ =	shalt  }
0x77: {  	_ =	shalt  }
0x78: {  	_ =	shalt  }
0x79: {  	_ =	shalt  }
0x7a: {  	_ =	shalt  }
0x7b: {  	_ =	shalt  }
0x7c: {  	_ =	shalt  }
0x7d: {  	_ =	shalt  }
0x7e: {  	_ =	shalt  }
0x7f: {  	_ =	shalt  }
0x80: {  	_ =	shalt  }
0x81: {  	_ =	shalt  }
0x82: {  	_ =	shalt  }
0x83: {  	_ =	shalt  }
0x84: {  	_ =	shalt  }
0x85: {  	_ =	shalt  }
0x86: {  	_ =	shalt  }
0x87: {  	_ =	shalt  }
.Lfunc_end0:
.L_simem_size_0:
called_computation.6_lowered:
.L_overlay_start_0:
0x88: {  	s2 =	sld [smem:$0x3FD9]  }
0x89: {  	s3 =	sld [smem:$0x3FFE];
	_ =	sdelay $0x1  }
0x8a: {  	s1 =	srdreg.scid  }
0x8b: {  	s0 =	sand.u32 $0x1, s1  }
0x8c: {  	s14 =	sshll.u32 s0, $0xA;
	s2 =	sadd.s32 s3, s2  }
0x8d: {  	s2 =	sadd.s32 s2, s14  }
0x8e: {  	[smem:$0x3FBE] =	sst s2  }
0x8f: {  	_ = 	snop  }
0x90: {  	s2 =	sld [smem:$0x3FD0];
	_ =	sdelay $0x2  }
0x91: {  	s15 =	simm.s32 $0xB;
	s4 =	simm.s32 $0x10  }
0x92: {  	[smem:s4], [sflag:s15] =	dma.local [hbm:s2], $0x1  }
0x93: {  	_ =	swait.eq [sflag:s15], $0x1  }
0x94: {  	[sflag:s15] =	ssyncset.done $0x0  }
0x95: {  	[sflag:s15] =	ssyncadd.s32 $0xFFFFFFFF  }
0x96: {  	s16 =	sld [smem:$0x11];
	(tm) =	ssettm $0x1  }
0x97: {  	s17 =	sld [smem:$0x3FFB];
	_ =	sdelay $0x3  }
0x98: {  	_ =	strace s17  }
0x99: {  	s3 =	sld [smem:$0x3FFC];
	_ =	sdelay $0x3  }
0x9a: {  	_ =	strace s3  }
0x9b: {  	s3 =	sld [smem:$0x3FFD];
	_ =	sdelay $0x3  }
0x9c: {  	_ =	strace s3  }
0x9d: {  	_ =	strace $0x8FFFFFFF  }
0x9e: {  	s18 =	sld [smem:$0x3FDB];
	_ =	sdelay $0x1  }
0x9f: {  	s19 =	simm.s32 $_scs_section_size  }
0xa0: {  	s5 =	simm.s32 $_size__tile_overlayer_lowered;
	s6 =	simm.s32 $_tile_overlayer_lowered  }
0xa1: {  	s22 =	simm.s32 $0x1BFF;
	s21 =	sshll.u32 s6, $0x1;
	s3 =	sadd.s32 s19, s18  }
0xa2: {  	s7 =	simm.s32 $0x0;
	s20 =	sshll.u32 s5, $0x1;
	s5 =	sadd.s32 s21, s3  }
0xa3: {  	[timem:s7], [sflag:s22] =	dma.local [hbm:s5], s20  }
0xa4: {  	_ =	swait.ge [sflag:s22], s20  }
0xa5: {  	s4 =	ssub.s32 $0x0, s20;
	[sflag:s22] =	ssyncset.done $0x0  }
0xa6: {  	[sflag:s22] =	ssyncadd.s32 s4;
	_ =	sdelay $0x1  }
0xa7: {  	s23 =	simm.s32 $0x1B8B  }
0xa8: {  	_ =	swait.ge [sflag:s23], $0x1  }
0xa9: {  	[sflag:s23] =	ssyncset.done $0x0  }
0xaa: {  	s25 =	simm.s32 $0x1B8E;
	s24 =	sld [smem:$0x3FFE];
	[sflag:s23] =	ssyncadd.s32 $0xFFFFFFFF  }
0xab: {  	s26 =	simm.s32 $execute0_lowered;
	[smem:$0x3FD2] =	sst s25  }
0xac: {  	s5 =	sshll.u32 s26, $0x1;
	_ =	strace $0x80000058;
	[dreg:$0x1] =	wrdreg $0xFFFFFFFF  }
0xad: {  	s28 =	simm.s32 $_size_execute0_lowered;
	s3 =	sadd.s32 s3, s5;
	[dreg:$0x0] =	wrdreg $0x0  }
0xae: {  	s5 =	sshll.u32 s28, $0x1;
	[dreg:$0x2] =	wrdreg s3  }
0xaf: {  	[dreg:$0x3] =	wrdreg s5  }
0xb0: {  	[dreg:$0x4] =	wrdreg $0xC0  }
0xb1: {  	_ =	task [dreg:s7], $0x5FFFF  }
0xb2: {  	[dreg:$0x1] =	wrdreg $0xFFFFFFFF  }
0xb3: {  	[dreg:$0x0] =	wrdreg $0x60  }
0xb4: {  	[dreg:$0x2] =	wrdreg s24  }
0xb5: {  	[dreg:$0x3] =	wrdreg s16  }
0xb6: {  	[dreg:$0x4] =	wrdreg $0x15C800  }
0xb7: {  	[dreg:$0x5] =	wrdreg $0x9  }
0xb8: {  	_ =	task.clear_ibuf [dreg:s7], $0x6FFFF;
	_ =	strace $0x90000058  }
0xb9: {  	s29 =	simm.s32 $0x9;
	_ =	strace $0x8000005A  }
0xba: {  	_ =	swait.ge [sflag:s29], $0x1  }
0xbb: {  	[sflag:s29] =	ssyncadd.s32 $0xFFFFFFFF  }
0xbc: {  	_ =	strace $0x9000005A  }
0xbd: {  	_ =	sfence  }
0xbe: {  	s30 =	sld [smem:$0x0];
	_ =	sdelay $0x2  }
0xbf: {  	s31 =	sshll.u32 s1, $0xD;
	s1 =	sshrl.u32 s1, $0x2  }
0xc0: {  	s3 =	sand.u32 $0x4000, s31;
	s1 =	sadd.s32 s1, s30  }
0xc1: {  	s0 =	sor.u32 s3, s0;
	s1 =	sshll.u32 s1, $0x11  }
0xc2: {  	s0 =	sor.u32 s1, s0  }
0xc3: {  	s0 =	sadd.s32 $0x8F2B, s0  }
0xc4: {  	[sflag:s0] =	ssyncadd.remote.s32 $0x1  }
0xc5: {  	_ =	sfence.sel $0xFFFF  }
0xc6: {  	[dreg:$0x0] =	wrdreg $0xFFFFFFFF;
	(pc) =	sbr.abs _section_cstart, $3  }
0xc7: {  	[dreg:$0x1] =	wrdreg $0xFFFFFFFF  }
0xc8: {  	_ =	task.clear_ibuf [dreg:s7], $0x2FFFF;
	_ =	strace $0x9FFFFFFF  }
0xc9: {  	(tm) =	ssettm $0x7FFFFFFF  }
tec
execute0_lowered:
.L_overlay_start_1:
0x0: {  	(tag) =	ssettag $0x1  }
0x1: {  	s0 =	rddreg [dreg:$0x0]  }
0x2: {  	s1 =	srdreg.scid;
	s13 =	stileid.u32  }
0x3: {  	s5 =	rddreg [dreg:$0x1];
	s6 =	smul.u32 $0x5400, s13  }
0x4: {  	s2 =	rddreg [dreg:$0x2];
	s3 =	simm.s32 $0x0;
	s9 =	smul.u32 $0xA000, s13  }
0x5: {  	s14 =	simm.s32 $0x7;
	s16 =	simm.s32 $0x80;
	s12 =	smul.u32 $0x140, s13  }
0x6: {  	s28 =	simm.s32 $0x3;
	s1 =	sand.u32 $0x1, s1;
	s20 =	smul.u32 $0x28000, s13  }
0x7: {  	s29 =	simm.s32 $0x4;
	s30 =	simm.s32 $0x6;
	s4 =	smul.u32 $0xA8000, s1  }
0x8: {  	s31 =	simm.s32 $0x5;
	[smem:$0x7FF] =	sst s3;
	s7 =	smul.u32 $0xA0000, s1  }
0x9: {  	s26 =	sshll.u32 s13, $0x6;
	_ =	strace $0x80000059;
	s18 =	smul.u32 $0x54000, s1  }
0xa: {  	s17 =	sshll.u32 s1, $0x4;
	s11 =	ssub.s32 $0x2, s1;
	s1 =	smul.u32 $0x1400, s1  }
0xb: {  	s19 =	sshrl.u32 s11, $0x1;
	s21 =	sshrl.u32 s20, $0x2;
	s4 =	sadd.s32 s6, s4  }
0xc: {  	s7 =	sadd.s32 s9, s7;
	s6 =	sadd.s32 s6, s18;
	s1 =	sadd.s32 s12, s1  }
0xd: {  	s8 =	sshrl.u32 s4, $0x3;
	s4 =	sadd.s32 $0x32A00, s0;
	s6 =	sshrl.u32 s6, $0x3  }
0xe: {  	s1 =	sshll.u32 s1, $0x4;
	s10 =	sadd.s32 s8, s0;
	s5 =	sadd.s32 s5, s6  }
0xf: {  	s8 =	sadd.s32 s17, s0;
	s1 =	sadd.s32 s4, s1;
	[dreg:$0x5] =	wrdreg s5  }
0x10: {  	s7 =	sshrl.u32 s7, $0x3;
	s8 =	sadd.s32 $0xE00, s8;
	[dreg:$0x7] =	wrdreg s1  }
0x11: {  	s0 =	sadd.s32 s7, s0;
	s22 =	sadd.s32 $0x1000, s10;
	[dreg:$0x4] =	wrdreg s8  }
0x12: {  	s20 =	simm.s32 $0xA880;
	s23 =	sadd.s32 $0xAAA00, s0;
	[dreg:$0x6] =	wrdreg s22  }
0x13: {  	s7 =	ssub.s32 s11, s19;
	s24 =	sadd.s32 $0xB800, s10;
	[dreg:$0x8] =	wrdreg s23  }
0x14: {  	s17 =	sor.u32 $0x1C07, s26;
	s1 =	sadd.s32 $0x50000, s1;
	[dreg:$0x9] =	wrdreg s24  }
.Ltmp0:
0x15: {  	s0 =	sadd.s32 $0xD2A00, s0;
	[dreg:$0xa] =	wrdreg s1;
	(pc) =	sbr.rel .LBB2_1-.Ltmp0, $4  }
0x16: {  	s19 =	simm.s32 $0x78;
	s25 =	smax.u32 s7, $0x1;
	[dreg:$0xb] =	wrdreg s0  }
0x17: {  	s26 =	simm.s32 $0x2;
	s5 =	sadd.s32 s21, s2;
	[dreg:$0xc] =	wrdreg s25  }
0x18: {  	s18 =	sshrl.u32 s5, $0x3;
	s23 =	simm.s32 $0x100;
	s22 =	simm.s32 $0xE480  }
0x19: {  	s24 =	simm.s32 $0x12080;
	s25 =	simm.s32 $0x1;
	s1 =	simm.s32 $0x0  }
.LBB2_8:
0x1a: {  	[sflag:s9] =	ssyncset.done @!p1 $0x0  }
0x1b: {  	s0 =	sadd.s32 @!p1 $0x300, s11;
	s5 =	simm.s32 @!p1 $0x78;
	[sflag:s9] =	ssyncadd.s32 @!p1 $0xFFFFC400  }
0x1c: {  	[tilespmem:s10], [sflag:$0x3] =	stream.indirect.gather @!p1 [hbm4b:s4+s5], $0x80, s0, s5, $0xb8;
	[tilespmem:$0x1FC80] =	vst v63  }
.LBB2_9:
0x1d: {  	_ =	swait.ge [sflag:s29], $0x3C00  }
0x1e: {  	[sflag:s29] =	ssyncset.done $0x0  }
0x1f: {  	[sflag:s29] =	ssyncadd.s32 $0xFFFFC400  }
0x20: {  	_ =	swait.ge [sflag:s31], $0x3C00  }
0x21: {  	[sflag:s31] =	ssyncset.done $0x0  }
0x22: {  	[sflag:s31] =	ssyncadd.s32 $0xFFFFC400  }
0x23: {  	_ =	swait.ge [sflag:s30], $0x3C00  }
0x24: {  	[sflag:s30] =	ssyncset.done $0x0  }
0x25: {  	[sflag:s30] =	ssyncadd.s32 $0xFFFFC400  }
0x26: {  	[bflag:$0x0] =	sbarrier.arrive $0xFFFF  }
0x27: {  	s0 =	rddreg [dreg:$0xb]  }
0x28: {  	[hbm:s0], [sflag:s17] =	dma.local [spmem:s18], $0x1400  }
0x29: {  	_ =	swait.ge [sflag:s14], $0x1400  }
0x2a: {  	s1 =	sadd.s32 $0x1, s1;
	s21 =	rddreg [dreg:$0xc]  }
0x2b: {  	p0 =	sne.s32 s1, s21  }
.Ltmp1:
0x2c: {  	_ = 	snop;
	(pc) =	sbr.rel @!p0 .LBB2_10-.Ltmp1, $3  }
0x2d: {  	_ =	sdelay $0x1  }
0x2e: {  	[sflag:s14] =	ssyncset.done $0x0  }
0x2f: {  	[sflag:s14] =	ssyncadd.s32 $0xFFFFEC00  }
.LBB2_1:
0x30: {  	s0 =	rddreg [dreg:$0x4]  }
0x31: {  	[tilespmem:s3], [sflag:$0x7] =	stream.linear.gather [hbm4b:s0+s3], $0x80, $0x38;
	[tilespmem:$0x1FC80] =	vst v63  }
0x32: {  	_ =	swait.ge [sflag:s14], $0x80  }
0x33: {  	[sflag:s14] =	ssyncset.done $0x0  }
0x34: {  	s5 =	simm.s32 $0x5480;
	s11 =	rddreg [dreg:$0x5];
	[sflag:s14] =	ssyncadd.s32 $0xFFFFFF80  }
0x35: {  	[tilespmem:s5], [sflag:$0x7] =	stream.linear.gather [hbm4b:s11+s3], $0x5400, $0x38;
	[tilespmem:$0x1FC80] =	vst v63  }
0x36: {  	_ =	swait.ge [sflag:s14], $0x5400  }
0x37: {  	[sflag:s14] =	ssyncset.done $0x0  }
0x38: {  	[sflag:s14] =	ssyncadd.s32 $0xFFFFAC00  }
0x39: {  	v0 =	vld [tilespmem:$0x0];
	_ =	sdelay $0x4  }
0x3a: {  	(v2sf) =	vpush v0, $0x0;
	_ =	sdelay $0xc  }
0x3b: {  	s12 =	rddreg [dreg:$0x6]  }
0x3c: {  	[tilespmem:s16], [sflag:$0x7] =	stream.linear.gather [hbm4b:s12+s3], $0x5400, $0x38;
	[tilespmem:$0x1FC80] =	vst v63  }
0x3d: {  	s15 =	spop (v2sf)  }
0x3e: {  	_ =	swait.ge [sflag:s14], $0x5400  }
0x3f: {  	[sflag:s14] =	ssyncset.done $0x0  }
0x40: {  	s13 =	rddreg [dreg:$0x7];
	[sflag:s14] =	ssyncadd.s32 $0xFFFFAC00  }
0x41: {  	[spmem:s18], [sflag:s17] =	dma.local [hbm:s13], $0x1400  }
0x42: {  	_ =	swait.ge [sflag:s14], $0x1400  }
0x43: {  	[sflag:s14] =	ssyncset.done $0x0  }
0x44: {  	[sflag:s14] =	ssyncadd.s32 $0xFFFFEC00  }
0x45: {  	[tilespmem:s20], [sflag:$0x1] =	stream.indirect.gather [hbm4b:s4+s19], $0x80, s16, s19, $0xb8;
	[tilespmem:$0x1FC80] =	vst v63  }
0x46: {  	p0 =	slt.s32 s15, $0x1  }
0x47: {  	[tilespmem:s22], [sflag:$0x2] =	stream.indirect.gather [hbm4b:s4+s19], $0x80, s23, s19, $0xb8;
	[tilespmem:$0x1FC80] =	vst v63  }
.Ltmp2:
0x48: {  	_ = 	snop;
	(pc) =	sbr.rel @p0 .LBB2_5-.Ltmp2, $4  }
0x49: {  	s21 =	simm.s32 $0x180  }
0x4a: {  	[tilespmem:s24], [sflag:$0x3] =	stream.indirect.gather [hbm4b:s4+s19], $0x80, s21, s19, $0xb8;
	[tilespmem:$0x1FC80] =	vst v63  }
0x4b: {  	[bflag:$0x0] =	sbarrier.arrive $0xFFFF  }
0x4c: {  	s0 =	smul.u32 $0x3, s15  }
0x4d: {  	_ =	swait.ge [sflag:s25], $0x3C00  }
0x4e: {  	[sflag:s25] =	ssyncset.done $0x0  }
0x4f: {  	s5 =	simm.s32 $0x5480;
	[sflag:s25] =	ssyncadd.s32 $0xFFFFC400  }
0x50: {  	[spmem:s2] =	stream.indirect.scatter.add.f32 [tilespmem:s20], [sflag:$0x4], $0x80, s5, s19, $0xb8;
	[tilespmem:$0x1FC80] =	vst v63  }
0x51: {  	_ =	swait.ge [sflag:s26], $0x3C00  }
0x52: {  	[sflag:s26] =	ssyncset.done $0x0  }
0x53: {  	s21 =	simm.s32 $0x5500;
	[sflag:s26] =	ssyncadd.s32 $0xFFFFC400  }
0x54: {  	[spmem:s2] =	stream.indirect.scatter.add.f32 [tilespmem:s22], [sflag:$0x5], $0x80, s21, s19, $0xb8;
	[tilespmem:$0x1FC80] =	vst v63  }
0x55: {  	_ =	swait.ge [sflag:s28], $0x3C00  }
0x56: {  	p1 =	sle.s32 s0, $0x3;
	[sflag:s28] =	ssyncset.done $0x0  }
0x57: {  	s23 =	simm.s32 $0x5580;
	s6 =	simm.s32 @!p1 $0x4;
	[sflag:s28] =	ssyncadd.s32 $0xFFFFC400  }
0x58: {  	[spmem:s2] =	stream.indirect.scatter.add.f32 [tilespmem:s24], [sflag:$0x6], $0x80, s23, s19, $0xb8;
	[tilespmem:$0x1FC80] =	vst v63  }
0x59: {  	p3 =	sle.s32 s0, $0x4;
	s7 =	simm.s32 @!p1 $0x200;
	_ =	swait.ge @!p1 [sflag:s6], $0x3C00  }
0x5a: {  	s9 =	simm.s32 @!p1 $0xA880;
	s10 =	simm.s32 @!p1 $0x78;
	[sflag:s6] =	ssyncset.done @!p1 $0x0  }
0x5b: {  	s11 =	simm.s32 @!p3 $0x5;
	s5 =	sadd.s32 $0xFFFFFFFF, s15;
	[sflag:s6] =	ssyncadd.s32 @!p1 $0xFFFFC400  }
0x5c: {  	[tilespmem:s9], [sflag:$0x1] =	stream.indirect.gather @!p1 [hbm4b:s4+s10], $0x80, s7, s10, $0xb8;
	[tilespmem:$0x1FC80] =	vst v63  }
0x5d: {  	p2 =	sle.s32 s0, $0x5;
	p1 =	sne.s32 s5, $0x0;
	_ =	swait.ge @!p3 [sflag:s11], $0x3C00  }
.Ltmp3:
0x5e: {  	s6 =	simm.s32 @!p3 $0x280;
	[sflag:s11] =	ssyncset.done @!p3 $0x0;
	(pc) =	sbr.rel @!p1 .LBB2_4-.Ltmp3, $4  }
0x5f: {  	s7 =	simm.s32 @!p3 $0x78;
	s9 =	simm.s32 @!p3 $0xE480;
	[sflag:s11] =	ssyncadd.s32 @!p3 $0xFFFFC400  }
0x60: {  	[tilespmem:s9], [sflag:$0x2] =	stream.indirect.gather @!p3 [hbm4b:s4+s7], $0x80, s6, s7, $0xb8;
	[tilespmem:$0x1FC80] =	vst v63  }
0x61: {  	s10 =	simm.s32 @!p2 $0x12080;
	s11 =	simm.s32 @!p2 $0x0;
	s9 =	simm.s32 @!p2 $0x6  }
0x62: {  	s6 =	simm.s32 $0x8;
	s7 =	simm.s32 $0x600;
	_ =	swait.ge @!p2 [sflag:s9], $0x3C00  }
.LBB2_3:
0x63: {  	s5 =	sadd.s32 $0xFFFFFFFF, s5;
	[sflag:s9] =	ssyncset.done @!p2 $0x0;
	s11 =	sadd.s32 @!p2 $0x300, s11  }
0x64: {  	s12 =	sshra.s32 s7, $0x2;
	[sflag:s9] =	ssyncadd.s32 @!p2 $0xFFFFC400;
	s9 =	simm.s32 @!p2 $0x78  }
0x65: {  	[tilespmem:s10], [sflag:$0x3] =	stream.indirect.gather @!p2 [hbm4b:s4+s9], $0x80, s11, s9, $0xb8;
	[tilespmem:$0x1FC80] =	vst v63  }
0x66: {  	p1 =	sne.s32 s5, $0x0;
	s9 =	sadd.s32 $0x5480, s12;
	_ =	swait.ge [sflag:s25], $0x3C00  }
0x67: {  	s10 =	smov.u32 s6;
	s11 =	smov.u32 s7;
	[sflag:s25] =	ssyncset.done $0x0  }
0x68: {  	[sflag:s25] =	ssyncadd.s32 $0xFFFFC400  }
0x69: {  	[spmem:s2] =	stream.indirect.scatter.add.f32 [tilespmem:s20], [sflag:$0x4], $0x80, s9, s19, $0xb8;
	[tilespmem:$0x1FC80] =	vst v63  }
0x6a: {  	s9 =	sadd.s32 $0x5500, s12;
	_ =	swait.ge [sflag:s26], $0x3C00  }
0x6b: {  	[sflag:s26] =	ssyncset.done $0x0  }
0x6c: {  	s13 =	sadd.s32 $0xFFFFFFFE, s6;
	s21 =	sadd.s32 $0xFFFFFFFF, s6;
	[sflag:s26] =	ssyncadd.s32 $0xFFFFC400  }
0x6d: {  	[spmem:s2] =	stream.indirect.scatter.add.f32 [tilespmem:s22], [sflag:$0x5], $0x80, s9, s19, $0xb8;
	[tilespmem:$0x1FC80] =	vst v63  }
0x6e: {  	p2 =	sge.s32 s13, s0;
	s9 =	sadd.s32 $0x5580, s12;
	_ =	swait.ge [sflag:s28], $0x3C00  }
0x6f: {  	s13 =	sshra.s32 @!p2 s7, $0x2;
	s12 =	simm.s32 @!p2 $0x4;
	[sflag:s28] =	ssyncset.done $0x0  }
0x70: {  	s23 =	simm.s32 @!p2 $0xA880;
	s13 =	sadd.s32 @!p2 $0x200, s13;
	[sflag:s28] =	ssyncadd.s32 $0xFFFFC400  }
0x71: {  	[spmem:s2] =	stream.indirect.scatter.add.f32 [tilespmem:s24], [sflag:$0x6], $0x80, s9, s19, $0xb8;
	[tilespmem:$0x1FC80] =	vst v63  }
0x72: {  	p3 =	sge.s32 s21, s0;
	s9 =	simm.s32 @!p2 $0x78;
	_ =	swait.ge @!p2 [sflag:s12], $0x3C00  }
0x73: {  	s21 =	simm.s32 @!p3 $0x5;
	s8 =	sshra.s32 @!p3 s7, $0x2;
	[sflag:s12] =	ssyncset.done @!p2 $0x0  }
0x74: {  	s6 =	sadd.s32 $0x3, s6;
	s8 =	sadd.s32 @!p3 $0x280, s8;
	[sflag:s12] =	ssyncadd.s32 @!p2 $0xFFFFC400  }
0x75: {  	[tilespmem:s23], [sflag:$0x1] =	stream.indirect.gather @!p2 [hbm4b:s4+s9], $0x80, s13, s9, $0xb8;
	[tilespmem:$0x1FC80] =	vst v63  }
.Ltmp4:
0x76: {  	s12 =	simm.s32 @!p3 $0x78;
	_ =	swait.ge @!p3 [sflag:s21], $0x3C00;
	(pc) =	sbr.rel @p1 .LBB2_3-.Ltmp4, $4  }
0x77: {  	s7 =	sadd.s32 $0x600, s7;
	p2 =	sge.s32 s10, s0;
	[sflag:s21] =	ssyncset.done @!p3 $0x0  }
0x78: {  	s10 =	simm.s32 @!p3 $0xE480;
	s9 =	simm.s32 @!p2 $0x6;
	[sflag:s21] =	ssyncadd.s32 @!p3 $0xFFFFC400  }
0x79: {  	[tilespmem:s10], [sflag:$0x2] =	stream.indirect.gather @!p3 [hbm4b:s4+s12], $0x80, s8, s12, $0xb8;
	[tilespmem:$0x1FC80] =	vst v63  }
0x7a: {  	s11 =	sshra.s32 @!p2 s11, $0x2;
	s10 =	simm.s32 @!p2 $0x12080;
	_ =	swait.ge @!p2 [sflag:s9], $0x3C00  }
.LBB2_4:
0x7b: {  	[sflag:s9] =	ssyncset.done @!p2 $0x0;
	s5 =	sadd.s32 @!p2 $0x300, s11  }
0x7c: {  	s6 =	simm.s32 @!p2 $0x78;
	s23 =	simm.s32 $0x100;
	[sflag:s9] =	ssyncadd.s32 @!p2 $0xFFFFC400  }
0x7d: {  	[tilespmem:s10], [sflag:$0x3] =	stream.indirect.gather @!p2 [hbm4b:s4+s6], $0x80, s5, s6, $0xb8;
	[tilespmem:$0x1FC80] =	vst v63  }
.LBB2_5:
0x7e: {  	_ =	swait.ge [sflag:s29], $0x3C00  }
0x7f: {  	[sflag:s29] =	ssyncset.done $0x0  }
0x80: {  	s5 =	simm.s32 $0x5;
	[sflag:s29] =	ssyncadd.s32 $0xFFFFC400  }
0x81: {  	_ =	swait.ge [sflag:s5], $0x3C00  }
0x82: {  	[sflag:s5] =	ssyncset.done $0x0  }
0x83: {  	[sflag:s5] =	ssyncadd.s32 $0xFFFFC400  }
0x84: {  	_ =	swait.ge [sflag:s30], $0x3C00  }
0x85: {  	[sflag:s30] =	ssyncset.done $0x0  }
0x86: {  	[sflag:s30] =	ssyncadd.s32 $0xFFFFC400  }
0x87: {  	[bflag:$0x0] =	sbarrier.arrive $0xFFFF  }
0x88: {  	s11 =	rddreg [dreg:$0x8]  }
0x89: {  	[hbm:s11], [sflag:s17] =	dma.local [spmem:s18], $0x1400  }
0x8a: {  	_ =	swait.ge [sflag:s14], $0x1400  }
0x8b: {  	[sflag:s14] =	ssyncset.done $0x0  }
0x8c: {  	s12 =	simm.s32 $0x0;
	s6 =	rddreg [dreg:$0x9];
	[sflag:s14] =	ssyncadd.s32 $0xFFFFEC00  }
0x8d: {  	[tilespmem:s16], [sflag:$0x7] =	stream.linear.gather [hbm4b:s6+s12], $0x5400, $0x38;
	[tilespmem:$0x1FC80] =	vst v63  }
0x8e: {  	_ =	swait.ge [sflag:s14], $0x5400  }
0x8f: {  	[sflag:s14] =	ssyncset.done $0x0  }
0x90: {  	s13 =	rddreg [dreg:$0xa];
	[sflag:s14] =	ssyncadd.s32 $0xFFFFAC00  }
0x91: {  	[spmem:s18], [sflag:s17] =	dma.local [hbm:s13], $0x1400  }
0x92: {  	_ =	swait.ge [sflag:s14], $0x1400  }
0x93: {  	[sflag:s14] =	ssyncset.done $0x0  }
0x94: {  	[sflag:s14] =	ssyncadd.s32 $0xFFFFEC00  }
0x95: {  	[tilespmem:s20], [sflag:$0x1] =	stream.indirect.gather [hbm4b:s4+s19], $0x80, s16, s19, $0xb8;
	[tilespmem:$0x1FC80] =	vst v63  }
0x96: {  	_ = 	snop  }
0x97: {  	[tilespmem:s22], [sflag:$0x2] =	stream.indirect.gather [hbm4b:s4+s19], $0x80, s23, s19, $0xb8;
	[tilespmem:$0x1FC80] =	vst v63  }
.Ltmp5:
0x98: {  	_ = 	snop;
	(pc) =	sbr.rel @p0 .LBB2_9-.Ltmp5, $3  }
0x99: {  	s21 =	simm.s32 $0x180  }
0x9a: {  	[tilespmem:s24], [sflag:$0x3] =	stream.indirect.gather [hbm4b:s4+s19], $0x80, s21, s19, $0xb8;
	[tilespmem:$0x1FC80] =	vst v63  }
0x9b: {  	[bflag:$0x0] =	sbarrier.arrive $0xFFFF;
	_ =	sdelay $0x1  }
0x9c: {  	_ =	swait.ge [sflag:s25], $0x3C00  }
0x9d: {  	[sflag:s25] =	ssyncset.done $0x0  }
0x9e: {  	s5 =	simm.s32 $0x5480;
	[sflag:s25] =	ssyncadd.s32 $0xFFFFC400  }
0x9f: {  	[spmem:s2] =	stream.indirect.scatter.add.f32 [tilespmem:s20], [sflag:$0x4], $0x80, s5, s19, $0xb8;
	[tilespmem:$0x1FC80] =	vst v63  }
0xa0: {  	_ =	swait.ge [sflag:s26], $0x3C00  }
0xa1: {  	[sflag:s26] =	ssyncset.done $0x0  }
0xa2: {  	s13 =	simm.s32 $0x5500;
	[sflag:s26] =	ssyncadd.s32 $0xFFFFC400  }
0xa3: {  	[spmem:s2] =	stream.indirect.scatter.add.f32 [tilespmem:s22], [sflag:$0x5], $0x80, s13, s19, $0xb8;
	[tilespmem:$0x1FC80] =	vst v63  }
0xa4: {  	_ =	swait.ge [sflag:s28], $0x3C00  }
0xa5: {  	p0 =	sle.s32 s0, $0x3;
	[sflag:s28] =	ssyncset.done $0x0  }
0xa6: {  	s21 =	simm.s32 $0x5580;
	s6 =	simm.s32 @!p0 $0x4;
	[sflag:s28] =	ssyncadd.s32 $0xFFFFC400  }
0xa7: {  	[spmem:s2] =	stream.indirect.scatter.add.f32 [tilespmem:s24], [sflag:$0x6], $0x80, s21, s19, $0xb8;
	[tilespmem:$0x1FC80] =	vst v63  }
0xa8: {  	p2 =	sle.s32 s0, $0x4;
	p1 =	sle.s32 s0, $0x5;
	_ =	swait.ge @!p0 [sflag:s6], $0x3C00  }
0xa9: {  	s7 =	simm.s32 @!p0 $0x200;
	s8 =	simm.s32 @!p0 $0xA880;
	[sflag:s6] =	ssyncset.done @!p0 $0x0  }
0xaa: {  	s9 =	simm.s32 @!p0 $0x78;
	s5 =	sadd.s32 $0xFFFFFFFF, s15;
	[sflag:s6] =	ssyncadd.s32 @!p0 $0xFFFFC400  }
0xab: {  	[tilespmem:s8], [sflag:$0x1] =	stream.indirect.gather @!p0 [hbm4b:s4+s9], $0x80, s7, s9, $0xb8;
	[tilespmem:$0x1FC80] =	vst v63  }
0xac: {  	s10 =	simm.s32 @!p2 $0x5;
	s11 =	simm.s32 @!p1 $0x0;
	p0 =	sne.s32 s5, $0x0  }
.Ltmp6:
0xad: {  	s6 =	simm.s32 @!p2 $0x280;
	_ =	swait.ge @!p2 [sflag:s10], $0x3C00;
	(pc) =	sbr.rel @!p0 .LBB2_8-.Ltmp6, $4  }
0xae: {  	s7 =	simm.s32 @!p2 $0x78;
	s8 =	simm.s32 @!p2 $0xE480;
	[sflag:s10] =	ssyncset.done @!p2 $0x0  }
0xaf: {  	s9 =	simm.s32 @!p1 $0x6;
	[sflag:s10] =	ssyncadd.s32 @!p2 $0xFFFFC400;
	s10 =	simm.s32 @!p1 $0x12080  }
0xb0: {  	[tilespmem:s8], [sflag:$0x2] =	stream.indirect.gather @!p2 [hbm4b:s4+s7], $0x80, s6, s7, $0xb8;
	[tilespmem:$0x1FC80] =	vst v63  }
0xb1: {  	s6 =	simm.s32 $0x8;
	s7 =	simm.s32 $0x600;
	_ =	swait.ge @!p1 [sflag:s9], $0x3C00  }
.LBB2_7:
0xb2: {  	s5 =	sadd.s32 $0xFFFFFFFF, s5;
	[sflag:s9] =	ssyncset.done @!p1 $0x0;
	s8 =	sadd.s32 @!p1 $0x300, s11  }
0xb3: {  	s11 =	sshra.s32 s7, $0x2;
	[sflag:s9] =	ssyncadd.s32 @!p1 $0xFFFFC400;
	s9 =	simm.s32 @!p1 $0x78  }
0xb4: {  	[tilespmem:s10], [sflag:$0x3] =	stream.indirect.gather @!p1 [hbm4b:s4+s9], $0x80, s8, s9, $0xb8;
	[tilespmem:$0x1FC80] =	vst v63  }
0xb5: {  	p0 =	sne.s32 s5, $0x0;
	s8 =	sadd.s32 $0x5480, s11;
	_ =	swait.ge [sflag:s25], $0x3C00  }
0xb6: {  	s9 =	smov.u32 s6;
	s10 =	smov.u32 s7;
	[sflag:s25] =	ssyncset.done $0x0  }
0xb7: {  	[sflag:s25] =	ssyncadd.s32 $0xFFFFC400  }
0xb8: {  	[spmem:s2] =	stream.indirect.scatter.add.f32 [tilespmem:s20], [sflag:$0x4], $0x80, s8, s19, $0xb8;
	[tilespmem:$0x1FC80] =	vst v63  }
0xb9: {  	s8 =	sadd.s32 $0x5500, s11;
	_ =	swait.ge [sflag:s26], $0x3C00  }
0xba: {  	[sflag:s26] =	ssyncset.done $0x0  }
0xbb: {  	s12 =	sadd.s32 $0xFFFFFFFE, s6;
	s13 =	sadd.s32 $0xFFFFFFFF, s6;
	[sflag:s26] =	ssyncadd.s32 $0xFFFFC400  }
0xbc: {  	[spmem:s2] =	stream.indirect.scatter.add.f32 [tilespmem:s22], [sflag:$0x5], $0x80, s8, s19, $0xb8;
	[tilespmem:$0x1FC80] =	vst v63  }
0xbd: {  	p1 =	sge.s32 s12, s0;
	s8 =	sadd.s32 $0x5580, s11;
	_ =	swait.ge [sflag:s28], $0x3C00  }
0xbe: {  	s12 =	sshra.s32 @!p1 s7, $0x2;
	s11 =	simm.s32 @!p1 $0x4;
	[sflag:s28] =	ssyncset.done $0x0  }
0xbf: {  	s15 =	simm.s32 @!p1 $0xA880;
	s12 =	sadd.s32 @!p1 $0x200, s12;
	[sflag:s28] =	ssyncadd.s32 $0xFFFFC400  }
0xc0: {  	[spmem:s2] =	stream.indirect.scatter.add.f32 [tilespmem:s24], [sflag:$0x6], $0x80, s8, s19, $0xb8;
	[tilespmem:$0x1FC80] =	vst v63  }
0xc1: {  	p2 =	sge.s32 s13, s0;
	s8 =	simm.s32 @!p1 $0x78;
	_ =	swait.ge @!p1 [sflag:s11], $0x3C00  }
0xc2: {  	s13 =	simm.s32 @!p2 $0x5;
	s21 =	sshra.s32 @!p2 s7, $0x2;
	[sflag:s11] =	ssyncset.done @!p1 $0x0  }
0xc3: {  	s6 =	sadd.s32 $0x3, s6;
	[sflag:s11] =	ssyncadd.s32 @!p1 $0xFFFFC400;
	s11 =	sadd.s32 @!p2 $0x280, s21  }
0xc4: {  	[tilespmem:s15], [sflag:$0x1] =	stream.indirect.gather @!p1 [hbm4b:s4+s8], $0x80, s12, s8, $0xb8;
	[tilespmem:$0x1FC80] =	vst v63  }
.Ltmp7:
0xc5: {  	s8 =	simm.s32 @!p2 $0x78;
	_ =	swait.ge @!p2 [sflag:s13], $0x3C00;
	(pc) =	sbr.rel @p0 .LBB2_7-.Ltmp7, $4  }
0xc6: {  	s7 =	sadd.s32 $0x600, s7;
	p1 =	sge.s32 s9, s0;
	[sflag:s13] =	ssyncset.done @!p2 $0x0  }
0xc7: {  	s12 =	simm.s32 @!p2 $0xE480;
	s9 =	simm.s32 @!p1 $0x6;
	[sflag:s13] =	ssyncadd.s32 @!p2 $0xFFFFC400  }
0xc8: {  	[tilespmem:s12], [sflag:$0x2] =	stream.indirect.gather @!p2 [hbm4b:s4+s8], $0x80, s11, s8, $0xb8;
	[tilespmem:$0x1FC80] =	vst v63  }
0xc9: {  	s11 =	sshra.s32 @!p1 s10, $0x2;
	s10 =	simm.s32 @!p1 $0x12080;
	_ =	swait.ge @!p1 [sflag:s9], $0x3C00  }
.Ltmp8:
0xca: {  	_ = 	snop;
	(pc) =	sbr.rel .LBB2_8-.Ltmp8, $1  }
0xcb: {  	_ =	sdelay $0x3  }
.LBB2_10:
0xcc: {  	_ =	sfence.sel $0x180000  }
0xcd: {  	[bflag:$0x0] =	sbarrier.arrive $0xFFFF  }
0xce: {  	_ =	strace $0x90000059  }
0xcf: {  	s0 =	stileid.u32;
	[bflag:$0x2] =	sbarrier.arrive $0xFFFF  }
0xd0: {  	p0 =	sne.s32 s0, $0x0;
	s0 =	rddreg [dreg:$0x3]  }
0xd1: {  	s0 =	sadd.s32 @!p0 $0x100000, s0  }
0xd2: {  	[sflag:s0] =	ssyncadd.tile.s32 @!p0 $0x1;
	_ =	shalt  }
.Lfunc_end2:
_tile_overlayer_lowered:
.L_overlay_start_2:
0xd3: {  	(tag) =	ssettag $0x2  }
0xd4: {  	s0 =	rddreg [dreg:$0x0];
	s2 =	stileid.u32  }
0xd5: {  	s1 =	rddreg [dreg:$0x1];
	p0 =	sne.s32 s2, $0x0  }
0xd6: {  	s3 =	rddreg [dreg:$0x2];
	[bflag:$0x3] =	sbarrier.arrive $0xFFFF;
	s2 =	simm.s32 @!p0 $0x1C07  }
0xd7: {  	[timem:s3], [sflag:s2] =	dma.local @!p0 [hbm:s0], s1  }
0xd8: {  	s0 =	simm.s32 @!p0 $0x7  }
0xd9: {  	_ =	swait.ge @!p0 [sflag:s0], s1  }
0xda: {  	s1 =	ssub.s32 @!p0 $0x0, s1;
	[sflag:s0] =	ssyncset.done @!p0 $0x0  }
0xdb: {  	[sflag:s0] =	ssyncadd.s32 @!p0 s1  }
0xdc: {  	[bflag:$0x3] =	sbarrier.arrive $0xFFFF  }
0xdd: {  	_ =	shalt  }

</sc_bundles>
